<compile_context>
chip_gen: v7x
topology: tpu7x:2x2x1
jax: 0.10.2.dev20260603
libtpu: 0.0.44.dev20260713+nightly
codegen_flags: <defaults>
</compile_context>

<pallas_src>
import functools

import jax
import jax.numpy as jnp
from jax import lax
from jax.experimental import pallas as pl
from jax.experimental.pallas import tpu as pltpu
from jax.experimental.pallas import tpu_sc as plsc

N = 10000
E = 320000
D = 128
L = 3
G = 128
NP = 10240
CH = 80
NC = 2
NS = 16
NW = NC * NS
EPW = E // NW
NCHUNK = EPW // CH
RPT = NP // NS
B = 2000
NB = N // B

_F32 = jnp.float32
_HI = jax.lax.Precision.HIGHEST


def _invsqrt(v):
    r = jax.lax.rsqrt(v)
    return r * (1.5 - 0.5 * v * r * r)



def _p0_body(x_ref, atom_ref, vne_ref, hin_ref):
    h = jnp.broadcast_to(vne_ref[...], (B, D))
    for f in range(9):
        oh = (x_ref[:, f:f + 1]
              == lax.broadcasted_iota(jnp.int32, (B, 64), 1)).astype(_F32)
        h = h + jnp.dot(oh, atom_ref[f * 64:(f + 1) * 64, :],
                        preferred_element_type=_F32, precision=_HI)
    hin_ref[...] = h


def _etab_body(bond_ref, m_ref, etab_ref):
    etab_ref[...] = jnp.dot(m_ref[...], bond_ref[...],
                            preferred_element_type=_F32, precision=_HI)


def _eidx_body(attr_ref, eidx_ref):
    a = attr_ref[...]
    eidx_ref[...] = a[0] * 64 + a[1] * 8 + a[2]


def _p1_body(hin_ref, a0_ref, a1_ref, brow_ref, eps_ref, w1_ref, b1_ref,
             z1_ref, m0_ref, s1_ref, q1_ref, vns_ref):
    i = pl.program_id(0)
    hin = hin_ref[...]
    z = (1.0 + eps_ref[...]) * hin + a0_ref[...] + a1_ref[...]
    z1 = jnp.dot(z, w1_ref[...], preferred_element_type=_F32) + b1_ref[...]
    z1_ref[...] = z1
    oht = (brow_ref[0]
           == lax.broadcasted_iota(jnp.int32, (G, B), 0)).astype(_F32)
    part = jnp.dot(oht, hin, preferred_element_type=_F32, precision=_HI)

    @pl.when(i == 0)
    def _():
        m0_ref[...] = jnp.sum(z1, axis=0, keepdims=True) * (1.0 / B)
        s1_ref[...] = jnp.zeros_like(s1_ref)
        q1_ref[...] = jnp.zeros_like(q1_ref)
        vns_ref[...] = jnp.zeros_like(vns_ref)

    z1c = z1 - m0_ref[...]
    s1_ref[...] += jnp.sum(z1c, axis=0, keepdims=True)
    q1_ref[...] += jnp.sum(z1c * z1c, axis=0, keepdims=True)
    vns_ref[...] += part


def _p2_body(vns_ref, vn_ref, ng_ref, vw1_ref, vb1_ref, vg1_ref, vbe1_ref,
             vw2_ref, vb2_ref, vg2_ref, vbe2_ref, bond_ref, m_ref,
             vno_ref, etab_ref):
    mask = (lax.broadcasted_iota(jnp.int32, (G, 1), 0)
            < ng_ref[...]).astype(_F32)
    cnt = ng_ref[...].astype(_F32)

    def bnm(z, g, b):
        m = jnp.sum(z * mask, axis=0, keepdims=True) / cnt
        zc = z - m
        v = jnp.sum(zc * zc * mask, axis=0, keepdims=True) / cnt
        return zc * _invsqrt(v + 1e-5) * g + b

    tmp = vns_ref[...] + vn_ref[...]
    t = jnp.dot(tmp, vw1_ref[...], preferred_element_type=_F32) + vb1_ref[...]
    t = jnp.maximum(bnm(t, vg1_ref[...], vbe1_ref[...]), 0.0)
    t = jnp.dot(t, vw2_ref[...], preferred_element_type=_F32) + vb2_ref[...]
    vno_ref[...] = jnp.maximum(bnm(t, vg2_ref[...], vbe2_ref[...]), 0.0)
    etab_ref[...] = jnp.dot(m_ref[...], bond_ref[...],
                            preferred_element_type=_F32, precision=_HI)


def _p3_body(z1_ref, m0_ref, s1_ref, q1_ref, g1_ref, be1_ref, w2_ref, b2_ref,
             z2_ref, m0b_ref, s2_ref, q2_ref):
    i = pl.program_id(0)
    md = s1_ref[...] * (1.0 / N)
    m = m0_ref[...] + md
    v = q1_ref[...] * (1.0 / N) - md * md
    z1n = jnp.maximum((z1_ref[...] - m) * _invsqrt(v + 1e-5)
                      * g1_ref[...] + be1_ref[...], 0.0)
    z2 = jnp.dot(z1n, w2_ref[...], preferred_element_type=_F32) + b2_ref[...]
    z2_ref[...] = z2

    @pl.when(i == 0)
    def _():
        m0b_ref[...] = jnp.sum(z2, axis=0, keepdims=True) * (1.0 / B)
        s2_ref[...] = jnp.zeros_like(s2_ref)
        q2_ref[...] = jnp.zeros_like(q2_ref)

    z2c = z2 - m0b_ref[...]
    s2_ref[...] += jnp.sum(z2c, axis=0, keepdims=True)
    q2_ref[...] += jnp.sum(z2c * z2c, axis=0, keepdims=True)


def _p4_body(z2_ref, m0b_ref, s2_ref, q2_ref, go_ref, bo_ref, b2d_ref,
             vno_ref, hout_ref):
    md = s2_ref[...] * (1.0 / N)
    m = m0b_ref[...] + md
    v = q2_ref[...] * (1.0 / N) - md * md
    h = jnp.maximum((z2_ref[...] - m) * _invsqrt(v + 1e-5)
                    * go_ref[...] + bo_ref[...], 0.0)
    oh = (b2d_ref[...]
          == lax.broadcasted_iota(jnp.int32, (B, G), 1)).astype(_F32)
    hout_ref[...] = h + jnp.dot(oh, vno_ref[...],
                                preferred_element_type=_F32, precision=_HI)


def _p4f_body(z2_ref, m0b_ref, s2_ref, q2_ref, go_ref, bo_ref, out_ref):
    md = s2_ref[...] * (1.0 / N)
    m = m0b_ref[...] + md
    v = q2_ref[...] * (1.0 / N) - md * md
    out_ref[...] = ((z2_ref[...] - m) * _invsqrt(v + 1e-5)
                    * go_ref[...] + bo_ref[...])


def _edge_body(hin, etab, src, dst, eidx, out,
               acc, sA, dA, eA, sB, dB, eB, ra0, rb0, ra1, rb1, semA, semB):
    c = lax.axis_index("c")
    s = lax.axis_index("s")
    wid = s * NC + c

    def _zr(r, carry):
        for k in range(D // 16):
            ra0[r, pl.ds(k * 16, 16)] = jnp.zeros((16,), _F32)
        return carry
    lax.fori_loop(0, CH, _zr, 0)
    for k in range(RPT // CH):
        pltpu.sync_copy(ra0, acc.at[pl.ds(s * RPT + k * CH, CH)])

    def _fetch_start(i, ixs, ixd, ixe, ra, rb, sem):
        base = wid * EPW + i * CH
        pltpu.sync_copy(src.at[pl.ds(base, CH)], ixs)
        pltpu.sync_copy(dst.at[pl.ds(base, CH)], ixd)
        pltpu.sync_copy(eidx.at[pl.ds(base, CH)], ixe)
        pltpu.async_copy(hin.at[ixs], ra, sem)
        pltpu.async_copy(etab.at[ixe], rb, sem)

    def _process(ixs, ixd, ixe, ra, rb, sem):
        pltpu.make_async_copy(hin.at[ixs], ra, sem).wait()
        pltpu.make_async_copy(etab.at[ixe], rb, sem).wait()

        def _row(r, cc):
            for k in range(D // 16):
                sl = pl.ds(k * 16, 16)
                ra[r, sl] = jnp.maximum(ra[r, sl] + rb[r, sl], 0.0)
            return cc
        lax.fori_loop(0, CH, _row, 0)
        pltpu.sync_copy(ra, acc.at[ixd], add=True)

    _fetch_start(0, sA, dA, eA, ra0, rb0, semA)
    plsc.subcore_barrier()

    def _pair(j, carry):
        i1 = 2 * j + 1
        i2 = 2 * j + 2

        @pl.when(i1 < NCHUNK)
        def _():
            _fetch_start(i1, sB, dB, eB, ra1, rb1, semB)
        _process(sA, dA, eA, ra0, rb0, semA)

        @pl.when(i2 < NCHUNK)
        def _():
            _fetch_start(i2, sA, dA, eA, ra0, rb0, semA)

        @pl.when(i1 < NCHUNK)
        def _():
            _process(sB, dB, eB, ra1, rb1, semB)
        return carry
    lax.fori_loop(0, (NCHUNK + 1) // 2, _pair, 0)
    plsc.subcore_barrier()
    for k in range(RPT // CH):
        r0 = s * RPT + k * CH
        pltpu.sync_copy(acc.at[pl.ds(r0, CH)], out.at[c, pl.ds(r0, CH)])


@functools.lru_cache(maxsize=1)
def _make_edge_call():
    return pl.kernel(
        _edge_body,
        out_type=jax.ShapeDtypeStruct((NC, NP, D), _F32),
        mesh=plsc.VectorSubcoreMesh(core_axis_name="c",
                                    subcore_axis_name="s"),
        scratch_types=[
            pltpu.VMEM_SHARED((NP, D), _F32),
            pltpu.VMEM((CH,), jnp.int32),
            pltpu.VMEM((CH,), jnp.int32),
            pltpu.VMEM((CH,), jnp.int32),
            pltpu.VMEM((CH,), jnp.int32),
            pltpu.VMEM((CH,), jnp.int32),
            pltpu.VMEM((CH,), jnp.int32),
            pltpu.VMEM((CH, D), _F32),
            pltpu.VMEM((CH, D), _F32),
            pltpu.VMEM((CH, D), _F32),
            pltpu.VMEM((CH, D), _F32),
            pltpu.SemaphoreType.DMA,
            pltpu.SemaphoreType.DMA,
        ],
    )


def _full(shape):
    nd = len(shape)
    return pl.BlockSpec(shape, lambda i, _nd=nd: (0,) * _nd)


def _rows(shape):
    nd = len(shape)
    return pl.BlockSpec(shape, lambda i, _nd=nd: (i,) + (0,) * (_nd - 1))


def kernel(x, edge_index, edge_attr, batch, atom_tab, vn_emb, eps, W1, b1,
           bn1_g, bn1_b, W2, b2, bond_tab, bn_g, bn_b, vW1, vb1, vbn1_g,
           vbn1_b, vW2, vb2, vbn2_g, vbn2_b):
    x = x.astype(jnp.int32)
    src = edge_index[0].astype(jnp.int32)
    dst = edge_index[1].astype(jnp.int32)
    batch = batch.astype(jnp.int32)
    atom2 = atom_tab.reshape(9 * 64, D)
    attr3 = edge_attr.astype(jnp.int32).T.reshape(3, E // 128, 128)
    b2d = batch[:, None]
    brow = batch.reshape(NB, 1, B)
    ng = (batch[-1] + 1).reshape(1, 1)
    ii = jnp.arange(512)
    m_sel = jnp.concatenate([
        (ii[:, None] // 64 == jnp.arange(8)[None, :]).astype(_F32),
        ((ii[:, None] // 8) % 8 == jnp.arange(8)[None, :]).astype(_F32),
        (ii[:, None] % 8 == jnp.arange(8)[None, :]).astype(_F32)], axis=1)

    hin = pl.pallas_call(
        _p0_body,
        grid=(NB,),
        in_specs=[_rows((B, 9)), _full((9 * 64, D)), _full((1, D))],
        out_specs=_rows((B, D)),
        out_shape=jax.ShapeDtypeStruct((N, D), _F32),
    )(x, atom2, vn_emb)

    etab_call = pl.pallas_call(
        _etab_body,
        out_shape=jax.ShapeDtypeStruct((512, D), _F32))
    etab = etab_call(bond_tab[0].reshape(24, D), m_sel)
    eidx = pl.pallas_call(
        _eidx_body,
        out_shape=jax.ShapeDtypeStruct((E // 128, 128), jnp.int32),
    )(attr3).reshape(E)

    vn = jnp.broadcast_to(vn_emb[0], (G, D))

    p1_call = pl.pallas_call(
        _p1_body,
        grid=(NB,),
        in_specs=[_rows((B, D)), _rows((B, D)), _rows((B, D)),
                  pl.BlockSpec((1, 1, B), lambda i: (i, 0, 0)),
                  _full((1, 1)),
                  _full((D, 2 * D)), _full((1, 2 * D))],
        out_specs=[_rows((B, 2 * D)), _full((1, 2 * D)), _full((1, 2 * D)),
                   _full((1, 2 * D)), _full((G, D))],
        out_shape=[jax.ShapeDtypeStruct((N, 2 * D), _F32),
                   jax.ShapeDtypeStruct((1, 2 * D), _F32),
                   jax.ShapeDtypeStruct((1, 2 * D), _F32),
                   jax.ShapeDtypeStruct((1, 2 * D), _F32),
                   jax.ShapeDtypeStruct((G, D), _F32)],
    )

    p2_call = pl.pallas_call(
        _p2_body,
        out_shape=[jax.ShapeDtypeStruct((G, D), _F32),
                   jax.ShapeDtypeStruct((512, D), _F32)])

    p3_call = pl.pallas_call(
        _p3_body,
        grid=(NB,),
        in_specs=[_rows((B, 2 * D)), _full((1, 2 * D)), _full((1, 2 * D)),
                  _full((1, 2 * D)), _full((1, 2 * D)), _full((1, 2 * D)),
                  _full((2 * D, D)), _full((1, D))],
        out_specs=[_rows((B, D)), _full((1, D)), _full((1, D)),
                   _full((1, D))],
        out_shape=[jax.ShapeDtypeStruct((N, D), _F32),
                   jax.ShapeDtypeStruct((1, D), _F32),
                   jax.ShapeDtypeStruct((1, D), _F32),
                   jax.ShapeDtypeStruct((1, D), _F32)],
    )

    p4_call = pl.pallas_call(
        _p4_body,
        grid=(NB,),
        in_specs=[_rows((B, D)), _full((1, D)), _full((1, D)),
                  _full((1, D)), _full((1, D)), _full((1, D)),
                  _rows((B, 1)), _full((G, D))],
        out_specs=_rows((B, D)),
        out_shape=jax.ShapeDtypeStruct((N, D), _F32),
    )

    p4f_call = pl.pallas_call(
        _p4f_body,
        grid=(NB,),
        in_specs=[_rows((B, D)), _full((1, D)), _full((1, D)),
                  _full((1, D)), _full((1, D)), _full((1, D))],
        out_specs=_rows((B, D)),
        out_shape=jax.ShapeDtypeStruct((N, D), _F32),
    )

    out = None
    for l in range(L):
        hin_p = jnp.pad(hin, ((0, NP - N), (0, 0)))
        aggp = _make_edge_call()(hin_p, etab, src, dst, eidx)
        z1, m0, s1, q1, vns = p1_call(
            hin, aggp[0, :N], aggp[1, :N], brow, eps[l].reshape(1, 1),
            W1[l], b1[l][None, :])
        z2, m0b, s2, q2 = p3_call(z1, m0, s1, q1, bn1_g[l][None, :],
                                  bn1_b[l][None, :], W2[l], b2[l][None, :])
        if l < L - 1:
            vn, etab = p2_call(
                vns, vn, ng, vW1[l], vb1[l][None, :], vbn1_g[l][None, :],
                vbn1_b[l][None, :], vW2[l], vb2[l][None, :],
                vbn2_g[l][None, :], vbn2_b[l][None, :],
                bond_tab[l + 1].reshape(24, D), m_sel)
            hin = p4_call(z2, m0b, s2, q2, bn_g[l][None, :],
                          bn_b[l][None, :], b2d, vn)
        else:
            out = p4f_call(z2, m0b, s2, q2, bn_g[l][None, :],
                           bn_b[l][None, :])
    return out

# --- scband reference (transcript-rebuilt; emitter-appended) ---
"""Pipeline reference for scband-gnn-node-virtualnode-14482629722243 (READ-ONLY COPY).

The authoritative reference and input builder live on the scoring server;
editing this copy changes nothing except your own understanding.
"""

import jax, jax.numpy as jnp
import numpy as np

N = 10000
E = 320000
D = 128
L = 3
G = 128


def setup_inputs(seed: int = 0) -> dict:
    key = jax.random.key(seed)
    ks = jax.random.split(key, 16)

    def nrm(k, shape, scale):
        return jax.random.normal(k, shape, dtype=jnp.float32) * scale

    inp = {}
    inp["x"] = jax.random.randint(ks[0], (N, 9), 0, 64)
    inp["edge_index"] = jax.random.randint(ks[1], (2, E), 0, N)
    inp["edge_attr"] = jax.random.randint(ks[2], (E, 3), 0, 8)
    inp["batch"] = jnp.sort(jax.random.randint(ks[3], (N,), 0, G))
    # AtomEncoder: 9 categorical features, vocab 64 each
    inp["atom_tab"] = nrm(ks[4], (9, 64, D), 0.05)
    # virtual node embedding, initialized to zeros (as in the torch module)
    inp["vn_emb"] = jnp.zeros((1, D), dtype=jnp.float32)
    # GINConv params (stacked over L layers)
    inp["eps"] = jnp.zeros((L,), dtype=jnp.float32)
    inp["W1"] = nrm(ks[5], (L, D, 2 * D), (2.0 / D) ** 0.5)
    inp["b1"] = jnp.zeros((L, 2 * D), dtype=jnp.float32)
    inp["bn1_g"] = jnp.ones((L, 2 * D), dtype=jnp.float32)
    inp["bn1_b"] = jnp.zeros((L, 2 * D), dtype=jnp.float32)
    inp["W2"] = nrm(ks[6], (L, 2 * D, D), (2.0 / (2 * D)) ** 0.5)
    inp["b2"] = jnp.zeros((L, D), dtype=jnp.float32)
    # BondEncoder: 3 categorical edge features, vocab 8 each, per layer
    inp["bond_tab"] = nrm(ks[7], (L, 3, 8, D), 0.05)
    # per-layer output BatchNorm
    inp["bn_g"] = jnp.ones((L, D), dtype=jnp.float32)
    inp["bn_b"] = jnp.zeros((L, D), dtype=jnp.float32)
    # virtual-node MLPs (L-1 of them): Lin(D,2D)-BN-ReLU-Lin(2D,D)-BN-ReLU
    inp["vW1"] = nrm(ks[8], (L - 1, D, 2 * D), (2.0 / D) ** 0.5)
    inp["vb1"] = jnp.zeros((L - 1, 2 * D), dtype=jnp.float32)
    inp["vbn1_g"] = jnp.ones((L - 1, 2 * D), dtype=jnp.float32)
    inp["vbn1_b"] = jnp.zeros((L - 1, 2 * D), dtype=jnp.float32)
    inp["vW2"] = nrm(ks[9], (L - 1, 2 * D, D), (2.0 / (2 * D)) ** 0.5)
    inp["vb2"] = jnp.zeros((L - 1, D), dtype=jnp.float32)
    inp["vbn2_g"] = jnp.ones((L - 1, D), dtype=jnp.float32)
    inp["vbn2_b"] = jnp.zeros((L - 1, D), dtype=jnp.float32)
    return inp


def _bn(z, g, b):
    m = jnp.mean(z, axis=0)
    v = jnp.var(z, axis=0)
    return (z - m) / jnp.sqrt(v + 1e-5) * g + b


def _bn_masked(z, g, b, mask, cnt):
    m = jnp.sum(z * mask[:, None], axis=0) / cnt
    v = jnp.sum(((z - m) ** 2) * mask[:, None], axis=0) / cnt
    return (z - m) / jnp.sqrt(v + 1e-5) * g + b


def _forward(atom_tab, vn_emb, eps, W1, b1, bn1_g, bn1_b, W2, b2, bond_tab,
             bn_g, bn_b, vW1, vb1, vbn1_g, vbn1_b, vW2, vb2, vbn2_g, vbn2_b,
             x, edge_index, edge_attr, batch, ng):
    n = x.shape[0]
    d = atom_tab.shape[-1]
    src = edge_index[0]
    dst = edge_index[1]
    # AtomEncoder: sum of 9 embedding lookups
    h = jnp.zeros((n, d), dtype=jnp.float32)
    for f in range(9):
        h = h + atom_tab[f][x[:, f]]
    vn = jnp.broadcast_to(vn_emb[0], (G, d))
    g_mask = (jnp.arange(G) < ng).astype(jnp.float32)
    g_cnt = ng.astype(jnp.float32)
    h_list = [h]
    num_layer = W1.shape[0]
    for l in range(num_layer):
        h_in = h_list[l] + vn[batch]
        h_list[l] = h_in
        # BondEncoder: sum of 3 embedding lookups
        e = jnp.zeros((edge_attr.shape[0], d), dtype=jnp.float32)
        for f in range(3):
            e = e + bond_tab[l, f][edge_attr[:, f]]
        # GIN message passing: relu(x_j + e) scatter-added at dst
        msg = jax.nn.relu(h_in[src] + e)
        agg = jax.ops.segment_sum(msg, dst, num_segments=n)
        z = (1.0 + eps[l]) * h_in + agg
        # GIN MLP: Lin-BN-ReLU-Lin
        z = jax.nn.relu(_bn(z @ W1[l] + b1[l], bn1_g[l], bn1_b[l]))
        z = z @ W2[l] + b2[l]
        # outer per-layer BatchNorm
        z = _bn(z, bn_g[l], bn_b[l])
        if l < num_layer - 1:
            z = jax.nn.relu(z)
        # dropout omitted (deterministic reference)
        h_list.append(z)
        if l < num_layer - 1:
            tmp = jax.ops.segment_sum(h_in, batch, num_segments=G) + vn
            t = jax.nn.relu(_bn_masked(tmp @ vW1[l] + vb1[l], vbn1_g[l],
                                       vbn1_b[l], g_mask, g_cnt))
            t = t @ vW2[l] + vb2[l]
            vn = jax.nn.relu(_bn_masked(t, vbn2_g[l], vbn2_b[l], g_mask,
                                        g_cnt))
    return h_list[-1]


def reference(x, edge_index, edge_attr, batch, atom_tab, vn_emb, eps, W1, b1,
              bn1_g, bn1_b, W2, b2, bond_tab, bn_g, bn_b, vW1, vb1, vbn1_g,
              vbn1_b, vW2, vb2, vbn2_g, vbn2_b):
    ng = batch[-1] + 1
    return _forward(atom_tab, vn_emb, eps, W1, b1, bn1_g, bn1_b, W2, b2,
                    bond_tab, bn_g, bn_b, vW1, vb1, vbn1_g, vbn1_b, vW2, vb2,
                    vbn2_g, vbn2_b, x, edge_index, edge_attr, batch, ng)

if __name__ == "__main__":
    import jax
    _d = setup_inputs()
    print(jax.jit(kernel)(*tuple(_d.values())))

</pallas_src>

<mosaic_0001>
#map = affine_map<(d0, d1) -> (0, 0)>
#map1 = affine_map<(d0, d1) -> (0)>
#map2 = affine_map<(d0, d1) -> (0, 0, 0)>
module attributes {stable_mosaic.version = 14 : i64} {
  func.func @_edge_body(%arg0: i32, %arg1: i32, %arg2: memref<10240x128xf32, #tpu.memory_space<hbm>>, %arg3: memref<512x128xf32, #tpu.memory_space<hbm>>, %arg4: memref<320000xi32, #tpu.memory_space<hbm>>, %arg5: memref<320000xi32, #tpu.memory_space<hbm>>, %arg6: memref<320000xi32, #tpu.memory_space<hbm>>, %arg7: memref<2x10240x128xf32, #tpu.memory_space<hbm>>, %arg8: memref<10240x128xf32, #tpu.memory_space<vmem_shared>>, %arg9: memref<80xi32, #tpu.memory_space<vmem>>, %arg10: memref<80xi32, #tpu.memory_space<vmem>>, %arg11: memref<80xi32, #tpu.memory_space<vmem>>, %arg12: memref<80xi32, #tpu.memory_space<vmem>>, %arg13: memref<80xi32, #tpu.memory_space<vmem>>, %arg14: memref<80xi32, #tpu.memory_space<vmem>>, %arg15: memref<80x128xf32, #tpu.memory_space<vmem>>, %arg16: memref<80x128xf32, #tpu.memory_space<vmem>>, %arg17: memref<80x128xf32, #tpu.memory_space<vmem>>, %arg18: memref<80x128xf32, #tpu.memory_space<vmem>>, %arg19: memref<!tpu.dma_semaphore, #tpu.memory_space<semaphore_mem>>, %arg20: memref<!tpu.dma_semaphore, #tpu.memory_space<semaphore_mem>>) attributes {dimension_semantics = [#tpu.dimension_semantics<core_parallel>, #tpu.dimension_semantics<subcore_parallel>], iteration_bounds = array<i64: 2, 16>, scalar_prefetch = 0 : i64, scratch_operands = 13 : i64, tpu.core_type = #tpu.core_type<sc_vector_subcore>, window_params = [{transform_indices = #map}, {transform_indices = #map}, {transform_indices = #map1}, {transform_indices = #map1}, {transform_indices = #map1}, {transform_indices = #map2}]} {
    %mul3A = arith.constant 2 : i32
    %mul3A_0 = arith.muli %arg1, %mul3A : i32
    %add3A = arith.addi %mul3A_0, %arg0 : i32
    %scan3A = arith.constant 0 : i32
    %scan3A_1 = arith.constant 0 : i32
    %scan3A_2 = arith.constant 80 : i32
    %scan3A_3 = arith.addi %scan3A_1, %scan3A_2 : i32
    %scan3A_4 = arith.constant 1 : i32
    scf.for %scan3A_86 = %scan3A_1 to %scan3A_3 step %scan3A_4  : i32 {
      %broadcast_in_dim3A = arith.constant 0.000000e+00 : f32
      %broadcast_in_dim3A_87 = vector.broadcast %broadcast_in_dim3A : f32 to vector<16xf32>
      %swap3A = arith.index_cast %scan3A_86 : i32 to index
      %swap3A_88 = arith.constant 0 : index
      %swap3A_89 = tpu.vector_load %arg15[%swap3A, %swap3A_88] {strides = array<i32>} : memref<80x128xf32, #tpu.memory_space<vmem>>, vector<1x16xf32>,
      %swap3A_90 = vector.shape_cast %swap3A_89 : vector<1x16xf32> to vector<16xf32>
      %swap3A_91 = vector.shape_cast %broadcast_in_dim3A_87 : vector<16xf32> to vector<1x16xf32>
      tpu.vector_store %arg15[%swap3A, %swap3A_88], %swap3A_91 {strides = array<i32>} : memref<80x128xf32, #tpu.memory_space<vmem>>, vector<1x16xf32>,
      %broadcast_in_dim3A_92 = arith.constant 0.000000e+00 : f32
      %broadcast_in_dim3A_93 = vector.broadcast %broadcast_in_dim3A_92 : f32 to vector<16xf32>
      %swap3A_94 = arith.index_cast %scan3A_86 : i32 to index
      %swap3A_95 = arith.constant 16 : index
      %swap3A_96 = tpu.vector_load %arg15[%swap3A_94, %swap3A_95] {strides = array<i32>} : memref<80x128xf32, #tpu.memory_space<vmem>>, vector<1x16xf32>,
      %swap3A_97 = vector.shape_cast %swap3A_96 : vector<1x16xf32> to vector<16xf32>
      %swap3A_98 = vector.shape_cast %broadcast_in_dim3A_93 : vector<16xf32> to vector<1x16xf32>
      tpu.vector_store %arg15[%swap3A_94, %swap3A_95], %swap3A_98 {strides = array<i32>} : memref<80x128xf32, #tpu.memory_space<vmem>>, vector<1x16xf32>,
      %broadcast_in_dim3A_99 = arith.constant 0.000000e+00 : f32
      %broadcast_in_dim3A_100 = vector.broadcast %broadcast_in_dim3A_99 : f32 to vector<16xf32>
      %swap3A_101 = arith.index_cast %scan3A_86 : i32 to index
      %swap3A_102 = arith.constant 32 : index
      %swap3A_103 = tpu.vector_load %arg15[%swap3A_101, %swap3A_102] {strides = array<i32>} : memref<80x128xf32, #tpu.memory_space<vmem>>, vector<1x16xf32>,
      %swap3A_104 = vector.shape_cast %swap3A_103 : vector<1x16xf32> to vector<16xf32>
      %swap3A_105 = vector.shape_cast %broadcast_in_dim3A_100 : vector<16xf32> to vector<1x16xf32>
      tpu.vector_store %arg15[%swap3A_101, %swap3A_102], %swap3A_105 {strides = array<i32>} : memref<80x128xf32, #tpu.memory_space<vmem>>, vector<1x16xf32>,
      %broadcast_in_dim3A_106 = arith.constant 0.000000e+00 : f32
      %broadcast_in_dim3A_107 = vector.broadcast %broadcast_in_dim3A_106 : f32 to vector<16xf32>
      %swap3A_108 = arith.index_cast %scan3A_86 : i32 to index
      %swap3A_109 = arith.constant 48 : index
      %swap3A_110 = tpu.vector_load %arg15[%swap3A_108, %swap3A_109] {strides = array<i32>} : memref<80x128xf32, #tpu.memory_space<vmem>>, vector<1x16xf32>,
      %swap3A_111 = vector.shape_cast %swap3A_110 : vector<1x16xf32> to vector<16xf32>
      %swap3A_112 = vector.shape_cast %broadcast_in_dim3A_107 : vector<16xf32> to vector<1x16xf32>
      tpu.vector_store %arg15[%swap3A_108, %swap3A_109], %swap3A_112 {strides = array<i32>} : memref<80x128xf32, #tpu.memory_space<vmem>>, vector<1x16xf32>,
      %broadcast_in_dim3A_113 = arith.constant 0.000000e+00 : f32
      %broadcast_in_dim3A_114 = vector.broadcast %broadcast_in_dim3A_113 : f32 to vector<16xf32>
      %swap3A_115 = arith.index_cast %scan3A_86 : i32 to index
      %swap3A_116 = arith.constant 64 : index
      %swap3A_117 = tpu.vector_load %arg15[%swap3A_115, %swap3A_116] {strides = array<i32>} : memref<80x128xf32, #tpu.memory_space<vmem>>, vector<1x16xf32>,
      %swap3A_118 = vector.shape_cast %swap3A_117 : vector<1x16xf32> to vector<16xf32>
      %swap3A_119 = vector.shape_cast %broadcast_in_dim3A_114 : vector<16xf32> to vector<1x16xf32>
      tpu.vector_store %arg15[%swap3A_115, %swap3A_116], %swap3A_119 {strides = array<i32>} : memref<80x128xf32, #tpu.memory_space<vmem>>, vector<1x16xf32>,
      %broadcast_in_dim3A_120 = arith.constant 0.000000e+00 : f32
      %broadcast_in_dim3A_121 = vector.broadcast %broadcast_in_dim3A_120 : f32 to vector<16xf32>
      %swap3A_122 = arith.index_cast %scan3A_86 : i32 to index
      %swap3A_123 = arith.constant 80 : index
      %swap3A_124 = tpu.vector_load %arg15[%swap3A_122, %swap3A_123] {strides = array<i32>} : memref<80x128xf32, #tpu.memory_space<vmem>>, vector<1x16xf32>,
      %swap3A_125 = vector.shape_cast %swap3A_124 : vector<1x16xf32> to vector<16xf32>
      %swap3A_126 = vector.shape_cast %broadcast_in_dim3A_121 : vector<16xf32> to vector<1x16xf32>
      tpu.vector_store %arg15[%swap3A_122, %swap3A_123], %swap3A_126 {strides = array<i32>} : memref<80x128xf32, #tpu.memory_space<vmem>>, vector<1x16xf32>,
      %broadcast_in_dim3A_127 = arith.constant 0.000000e+00 : f32
      %broadcast_in_dim3A_128 = vector.broadcast %broadcast_in_dim3A_127 : f32 to vector<16xf32>
      %swap3A_129 = arith.index_cast %scan3A_86 : i32 to index
      %swap3A_130 = arith.constant 96 : index
      %swap3A_131 = tpu.vector_load %arg15[%swap3A_129, %swap3A_130] {strides = array<i32>} : memref<80x128xf32, #tpu.memory_space<vmem>>, vector<1x16xf32>,
      %swap3A_132 = vector.shape_cast %swap3A_131 : vector<1x16xf32> to vector<16xf32>
      %swap3A_133 = vector.shape_cast %broadcast_in_dim3A_128 : vector<16xf32> to vector<1x16xf32>
      tpu.vector_store %arg15[%swap3A_129, %swap3A_130], %swap3A_133 {strides = array<i32>} : memref<80x128xf32, #tpu.memory_space<vmem>>, vector<1x16xf32>,
      %broadcast_in_dim3A_134 = arith.constant 0.000000e+00 : f32
      %broadcast_in_dim3A_135 = vector.broadcast %broadcast_in_dim3A_134 : f32 to vector<16xf32>
      %swap3A_136 = arith.index_cast %scan3A_86 : i32 to index
      %swap3A_137 = arith.constant 112 : index
      %swap3A_138 = tpu.vector_load %arg15[%swap3A_136, %swap3A_137] {strides = array<i32>} : memref<80x128xf32, #tpu.memory_space<vmem>>, vector<1x16xf32>,
      %swap3A_139 = vector.shape_cast %swap3A_138 : vector<1x16xf32> to vector<16xf32>
      %swap3A_140 = vector.shape_cast %broadcast_in_dim3A_135 : vector<16xf32> to vector<1x16xf32>
      tpu.vector_store %arg15[%swap3A_136, %swap3A_137], %swap3A_140 {strides = array<i32>} : memref<80x128xf32, #tpu.memory_space<vmem>>, vector<1x16xf32>,
    }
    %scan3A_5 = arith.constant 80 : i32
    %mul3A_6 = arith.constant 640 : i32
    %mul3A_7 = arith.muli %arg1, %mul3A_6 : i32
    %add3A_8 = arith.constant 0 : i32
    %add3A_9 = arith.addi %mul3A_7, %add3A_8 : i32
    "tpu.region"() ({
      %run_scoped3A = tpu.sem_alloc : memref<!tpu.dma_semaphore, #tpu.memory_space<semaphore_mem>>
      %dma_start3A_86 = arith.constant 0 : i32
      %dma_start3A_87 = tpu.memref_slice %arg8[%add3A_9, %dma_start3A_86] : memref<10240x128xf32, #tpu.memory_space<vmem_shared>> -> memref<80x128xf32, #tpu.memory_space<vmem_shared>>
      %dma_start3A_88 = arith.constant 0 : i32
      %dma_start3A_89 = tpu.memref_slice %arg8[%add3A_9, %dma_start3A_88] : memref<10240x128xf32, #tpu.memory_space<vmem_shared>> -> memref<80x128xf32, #tpu.memory_space<vmem_shared>>
      tpu.enqueue_dma source(%arg15 : memref<80x128xf32, #tpu.memory_space<vmem>>) target(%dma_start3A_89 : memref<80x128xf32, #tpu.memory_space<vmem_shared>>) target_semaphore(%run_scoped3A : memref<!tpu.dma_semaphore, #tpu.memory_space<semaphore_mem>>)
      %dma_wait3A = arith.constant 0 : i32
      %dma_wait3A_90 = tpu.memref_slice %arg8[%add3A_9, %dma_wait3A] : memref<10240x128xf32, #tpu.memory_space<vmem_shared>> -> memref<80x128xf32, #tpu.memory_space<vmem_shared>>
      %dma_wait3A_91 = arith.constant 0 : i32
      %dma_wait3A_92 = tpu.memref_slice %arg8[%add3A_9, %dma_wait3A_91] : memref<10240x128xf32, #tpu.memory_space<vmem_shared>> -> memref<80x128xf32, #tpu.memory_space<vmem_shared>>
      tpu.wait_dma2 semaphore(%run_scoped3A : memref<!tpu.dma_semaphore, #tpu.memory_space<semaphore_mem>>) src(%arg15 : memref<80x128xf32, #tpu.memory_space<vmem>>) dst(%dma_wait3A_92 : memref<80x128xf32, #tpu.memory_space<vmem_shared>>)
      tpu.yield
    }) : () -> ()
    %mul3A_10 = arith.constant 640 : i32
    %mul3A_11 = arith.muli %arg1, %mul3A_10 : i32
    %add3A_12 = arith.constant 80 : i32
    %add3A_13 = arith.addi %mul3A_11, %add3A_12 : i32
    "tpu.region"() ({
      %run_scoped3A = tpu.sem_alloc : memref<!tpu.dma_semaphore, #tpu.memory_space<semaphore_mem>>
      %dma_start3A_86 = arith.constant 0 : i32
      %dma_start3A_87 = tpu.memref_slice %arg8[%add3A_13, %dma_start3A_86] : memref<10240x128xf32, #tpu.memory_space<vmem_shared>> -> memref<80x128xf32, #tpu.memory_space<vmem_shared>>
      %dma_start3A_88 = arith.constant 0 : i32
      %dma_start3A_89 = tpu.memref_slice %arg8[%add3A_13, %dma_start3A_88] : memref<10240x128xf32, #tpu.memory_space<vmem_shared>> -> memref<80x128xf32, #tpu.memory_space<vmem_shared>>
      tpu.enqueue_dma source(%arg15 : memref<80x128xf32, #tpu.memory_space<vmem>>) target(%dma_start3A_89 : memref<80x128xf32, #tpu.memory_space<vmem_shared>>) target_semaphore(%run_scoped3A : memref<!tpu.dma_semaphore, #tpu.memory_space<semaphore_mem>>)
      %dma_wait3A = arith.constant 0 : i32
      %dma_wait3A_90 = tpu.memref_slice %arg8[%add3A_13, %dma_wait3A] : memref<10240x128xf32, #tpu.memory_space<vmem_shared>> -> memref<80x128xf32, #tpu.memory_space<vmem_shared>>
      %dma_wait3A_91 = arith.constant 0 : i32
      %dma_wait3A_92 = tpu.memref_slice %arg8[%add3A_13, %dma_wait3A_91] : memref<10240x128xf32, #tpu.memory_space<vmem_shared>> -> memref<80x128xf32, #tpu.memory_space<vmem_shared>>
      tpu.wait_dma2 semaphore(%run_scoped3A : memref<!tpu.dma_semaphore, #tpu.memory_space<semaphore_mem>>) src(%arg15 : memref<80x128xf32, #tpu.memory_space<vmem>>) dst(%dma_wait3A_92 : memref<80x128xf32, #tpu.memory_space<vmem_shared>>)
      tpu.yield
    }) : () -> ()
    %mul3A_14 = arith.constant 640 : i32
    %mul3A_15 = arith.muli %arg1, %mul3A_14 : i32
    %add3A_16 = arith.constant 160 : i32
    %add3A_17 = arith.addi %mul3A_15, %add3A_16 : i32
    "tpu.region"() ({
      %run_scoped3A = tpu.sem_alloc : memref<!tpu.dma_semaphore, #tpu.memory_space<semaphore_mem>>
      %dma_start3A_86 = arith.constant 0 : i32
      %dma_start3A_87 = tpu.memref_slice %arg8[%add3A_17, %dma_start3A_86] : memref<10240x128xf32, #tpu.memory_space<vmem_shared>> -> memref<80x128xf32, #tpu.memory_space<vmem_shared>>
      %dma_start3A_88 = arith.constant 0 : i32
      %dma_start3A_89 = tpu.memref_slice %arg8[%add3A_17, %dma_start3A_88] : memref<10240x128xf32, #tpu.memory_space<vmem_shared>> -> memref<80x128xf32, #tpu.memory_space<vmem_shared>>
      tpu.enqueue_dma source(%arg15 : memref<80x128xf32, #tpu.memory_space<vmem>>) target(%dma_start3A_89 : memref<80x128xf32, #tpu.memory_space<vmem_shared>>) target_semaphore(%run_scoped3A : memref<!tpu.dma_semaphore, #tpu.memory_space<semaphore_mem>>)
      %dma_wait3A = arith.constant 0 : i32
      %dma_wait3A_90 = tpu.memref_slice %arg8[%add3A_17, %dma_wait3A] : memref<10240x128xf32, #tpu.memory_space<vmem_shared>> -> memref<80x128xf32, #tpu.memory_space<vmem_shared>>
      %dma_wait3A_91 = arith.constant 0 : i32
      %dma_wait3A_92 = tpu.memref_slice %arg8[%add3A_17, %dma_wait3A_91] : memref<10240x128xf32, #tpu.memory_space<vmem_shared>> -> memref<80x128xf32, #tpu.memory_space<vmem_shared>>
      tpu.wait_dma2 semaphore(%run_scoped3A : memref<!tpu.dma_semaphore, #tpu.memory_space<semaphore_mem>>) src(%arg15 : memref<80x128xf32, #tpu.memory_space<vmem>>) dst(%dma_wait3A_92 : memref<80x128xf32, #tpu.memory_space<vmem_shared>>)
      tpu.yield
    }) : () -> ()
    %mul3A_18 = arith.constant 640 : i32
    %mul3A_19 = arith.muli %arg1, %mul3A_18 : i32
    %add3A_20 = arith.constant 240 : i32
    %add3A_21 = arith.addi %mul3A_19, %add3A_20 : i32
    "tpu.region"() ({
      %run_scoped3A = tpu.sem_alloc : memref<!tpu.dma_semaphore, #tpu.memory_space<semaphore_mem>>
      %dma_start3A_86 = arith.constant 0 : i32
      %dma_start3A_87 = tpu.memref_slice %arg8[%add3A_21, %dma_start3A_86] : memref<10240x128xf32, #tpu.memory_space<vmem_shared>> -> memref<80x128xf32, #tpu.memory_space<vmem_shared>>
      %dma_start3A_88 = arith.constant 0 : i32
      %dma_start3A_89 = tpu.memref_slice %arg8[%add3A_21, %dma_start3A_88] : memref<10240x128xf32, #tpu.memory_space<vmem_shared>> -> memref<80x128xf32, #tpu.memory_space<vmem_shared>>
      tpu.enqueue_dma source(%arg15 : memref<80x128xf32, #tpu.memory_space<vmem>>) target(%dma_start3A_89 : memref<80x128xf32, #tpu.memory_space<vmem_shared>>) target_semaphore(%run_scoped3A : memref<!tpu.dma_semaphore, #tpu.memory_space<semaphore_mem>>)
      %dma_wait3A = arith.constant 0 : i32
      %dma_wait3A_90 = tpu.memref_slice %arg8[%add3A_21, %dma_wait3A] : memref<10240x128xf32, #tpu.memory_space<vmem_shared>> -> memref<80x128xf32, #tpu.memory_space<vmem_shared>>
      %dma_wait3A_91 = arith.constant 0 : i32
      %dma_wait3A_92 = tpu.memref_slice %arg8[%add3A_21, %dma_wait3A_91] : memref<10240x128xf32, #tpu.memory_space<vmem_shared>> -> memref<80x128xf32, #tpu.memory_space<vmem_shared>>
      tpu.wait_dma2 semaphore(%run_scoped3A : memref<!tpu.dma_semaphore, #tpu.memory_space<semaphore_mem>>) src(%arg15 : memref<80x128xf32, #tpu.memory_space<vmem>>) dst(%dma_wait3A_92 : memref<80x128xf32, #tpu.memory_space<vmem_shared>>)
      tpu.yield
    }) : () -> ()
    %mul3A_22 = arith.constant 640 : i32
    %mul3A_23 = arith.muli %arg1, %mul3A_22 : i32
    %add3A_24 = arith.constant 320 : i32
    %add3A_25 = arith.addi %mul3A_23, %add3A_24 : i32
    "tpu.region"() ({
      %run_scoped3A = tpu.sem_alloc : memref<!tpu.dma_semaphore, #tpu.memory_space<semaphore_mem>>
      %dma_start3A_86 = arith.constant 0 : i32
      %dma_start3A_87 = tpu.memref_slice %arg8[%add3A_25, %dma_start3A_86] : memref<10240x128xf32, #tpu.memory_space<vmem_shared>> -> memref<80x128xf32, #tpu.memory_space<vmem_shared>>
      %dma_start3A_88 = arith.constant 0 : i32
      %dma_start3A_89 = tpu.memref_slice %arg8[%add3A_25, %dma_start3A_88] : memref<10240x128xf32, #tpu.memory_space<vmem_shared>> -> memref<80x128xf32, #tpu.memory_space<vmem_shared>>
      tpu.enqueue_dma source(%arg15 : memref<80x128xf32, #tpu.memory_space<vmem>>) target(%dma_start3A_89 : memref<80x128xf32, #tpu.memory_space<vmem_shared>>) target_semaphore(%run_scoped3A : memref<!tpu.dma_semaphore, #tpu.memory_space<semaphore_mem>>)
      %dma_wait3A = arith.constant 0 : i32
      %dma_wait3A_90 = tpu.memref_slice %arg8[%add3A_25, %dma_wait3A] : memref<10240x128xf32, #tpu.memory_space<vmem_shared>> -> memref<80x128xf32, #tpu.memory_space<vmem_shared>>
      %dma_wait3A_91 = arith.constant 0 : i32
      %dma_wait3A_92 = tpu.memref_slice %arg8[%add3A_25, %dma_wait3A_91] : memref<10240x128xf32, #tpu.memory_space<vmem_shared>> -> memref<80x128xf32, #tpu.memory_space<vmem_shared>>
      tpu.wait_dma2 semaphore(%run_scoped3A : memref<!tpu.dma_semaphore, #tpu.memory_space<semaphore_mem>>) src(%arg15 : memref<80x128xf32, #tpu.memory_space<vmem>>) dst(%dma_wait3A_92 : memref<80x128xf32, #tpu.memory_space<vmem_shared>>)
      tpu.yield
    }) : () -> ()
    %mul3A_26 = arith.constant 640 : i32
    %mul3A_27 = arith.muli %arg1, %mul3A_26 : i32
    %add3A_28 = arith.constant 400 : i32
    %add3A_29 = arith.addi %mul3A_27, %add3A_28 : i32
    "tpu.region"() ({
      %run_scoped3A = tpu.sem_alloc : memref<!tpu.dma_semaphore, #tpu.memory_space<semaphore_mem>>
      %dma_start3A_86 = arith.constant 0 : i32
      %dma_start3A_87 = tpu.memref_slice %arg8[%add3A_29, %dma_start3A_86] : memref<10240x128xf32, #tpu.memory_space<vmem_shared>> -> memref<80x128xf32, #tpu.memory_space<vmem_shared>>
      %dma_start3A_88 = arith.constant 0 : i32
      %dma_start3A_89 = tpu.memref_slice %arg8[%add3A_29, %dma_start3A_88] : memref<10240x128xf32, #tpu.memory_space<vmem_shared>> -> memref<80x128xf32, #tpu.memory_space<vmem_shared>>
      tpu.enqueue_dma source(%arg15 : memref<80x128xf32, #tpu.memory_space<vmem>>) target(%dma_start3A_89 : memref<80x128xf32, #tpu.memory_space<vmem_shared>>) target_semaphore(%run_scoped3A : memref<!tpu.dma_semaphore, #tpu.memory_space<semaphore_mem>>)
      %dma_wait3A = arith.constant 0 : i32
      %dma_wait3A_90 = tpu.memref_slice %arg8[%add3A_29, %dma_wait3A] : memref<10240x128xf32, #tpu.memory_space<vmem_shared>> -> memref<80x128xf32, #tpu.memory_space<vmem_shared>>
      %dma_wait3A_91 = arith.constant 0 : i32
      %dma_wait3A_92 = tpu.memref_slice %arg8[%add3A_29, %dma_wait3A_91] : memref<10240x128xf32, #tpu.memory_space<vmem_shared>> -> memref<80x128xf32, #tpu.memory_space<vmem_shared>>
      tpu.wait_dma2 semaphore(%run_scoped3A : memref<!tpu.dma_semaphore, #tpu.memory_space<semaphore_mem>>) src(%arg15 : memref<80x128xf32, #tpu.memory_space<vmem>>) dst(%dma_wait3A_92 : memref<80x128xf32, #tpu.memory_space<vmem_shared>>)
      tpu.yield
    }) : () -> ()
    %mul3A_30 = arith.constant 640 : i32
    %mul3A_31 = arith.muli %arg1, %mul3A_30 : i32
    %add3A_32 = arith.constant 480 : i32
    %add3A_33 = arith.addi %mul3A_31, %add3A_32 : i32
    "tpu.region"() ({
      %run_scoped3A = tpu.sem_alloc : memref<!tpu.dma_semaphore, #tpu.memory_space<semaphore_mem>>
      %dma_start3A_86 = arith.constant 0 : i32
      %dma_start3A_87 = tpu.memref_slice %arg8[%add3A_33, %dma_start3A_86] : memref<10240x128xf32, #tpu.memory_space<vmem_shared>> -> memref<80x128xf32, #tpu.memory_space<vmem_shared>>
      %dma_start3A_88 = arith.constant 0 : i32
      %dma_start3A_89 = tpu.memref_slice %arg8[%add3A_33, %dma_start3A_88] : memref<10240x128xf32, #tpu.memory_space<vmem_shared>> -> memref<80x128xf32, #tpu.memory_space<vmem_shared>>
      tpu.enqueue_dma source(%arg15 : memref<80x128xf32, #tpu.memory_space<vmem>>) target(%dma_start3A_89 : memref<80x128xf32, #tpu.memory_space<vmem_shared>>) target_semaphore(%run_scoped3A : memref<!tpu.dma_semaphore, #tpu.memory_space<semaphore_mem>>)
      %dma_wait3A = arith.constant 0 : i32
      %dma_wait3A_90 = tpu.memref_slice %arg8[%add3A_33, %dma_wait3A] : memref<10240x128xf32, #tpu.memory_space<vmem_shared>> -> memref<80x128xf32, #tpu.memory_space<vmem_shared>>
      %dma_wait3A_91 = arith.constant 0 : i32
      %dma_wait3A_92 = tpu.memref_slice %arg8[%add3A_33, %dma_wait3A_91] : memref<10240x128xf32, #tpu.memory_space<vmem_shared>> -> memref<80x128xf32, #tpu.memory_space<vmem_shared>>
      tpu.wait_dma2 semaphore(%run_scoped3A : memref<!tpu.dma_semaphore, #tpu.memory_space<semaphore_mem>>) src(%arg15 : memref<80x128xf32, #tpu.memory_space<vmem>>) dst(%dma_wait3A_92 : memref<80x128xf32, #tpu.memory_space<vmem_shared>>)
      tpu.yield
    }) : () -> ()
    %mul3A_34 = arith.constant 640 : i32
    %mul3A_35 = arith.muli %arg1, %mul3A_34 : i32
    %add3A_36 = arith.constant 560 : i32
    %add3A_37 = arith.addi %mul3A_35, %add3A_36 : i32
    "tpu.region"() ({
      %run_scoped3A = tpu.sem_alloc : memref<!tpu.dma_semaphore, #tpu.memory_space<semaphore_mem>>
      %dma_start3A_86 = arith.constant 0 : i32
      %dma_start3A_87 = tpu.memref_slice %arg8[%add3A_37, %dma_start3A_86] : memref<10240x128xf32, #tpu.memory_space<vmem_shared>> -> memref<80x128xf32, #tpu.memory_space<vmem_shared>>
      %dma_start3A_88 = arith.constant 0 : i32
      %dma_start3A_89 = tpu.memref_slice %arg8[%add3A_37, %dma_start3A_88] : memref<10240x128xf32, #tpu.memory_space<vmem_shared>> -> memref<80x128xf32, #tpu.memory_space<vmem_shared>>
      tpu.enqueue_dma source(%arg15 : memref<80x128xf32, #tpu.memory_space<vmem>>) target(%dma_start3A_89 : memref<80x128xf32, #tpu.memory_space<vmem_shared>>) target_semaphore(%run_scoped3A : memref<!tpu.dma_semaphore, #tpu.memory_space<semaphore_mem>>)
      %dma_wait3A = arith.constant 0 : i32
      %dma_wait3A_90 = tpu.memref_slice %arg8[%add3A_37, %dma_wait3A] : memref<10240x128xf32, #tpu.memory_space<vmem_shared>> -> memref<80x128xf32, #tpu.memory_space<vmem_shared>>
      %dma_wait3A_91 = arith.constant 0 : i32
      %dma_wait3A_92 = tpu.memref_slice %arg8[%add3A_37, %dma_wait3A_91] : memref<10240x128xf32, #tpu.memory_space<vmem_shared>> -> memref<80x128xf32, #tpu.memory_space<vmem_shared>>
      tpu.wait_dma2 semaphore(%run_scoped3A : memref<!tpu.dma_semaphore, #tpu.memory_space<semaphore_mem>>) src(%arg15 : memref<80x128xf32, #tpu.memory_space<vmem>>) dst(%dma_wait3A_92 : memref<80x128xf32, #tpu.memory_space<vmem_shared>>)
      tpu.yield
    }) : () -> ()
    %mul3A_38 = arith.constant 10000 : i32
    %mul3A_39 = arith.muli %add3A, %mul3A_38 : i32
    %add3A_40 = arith.constant 0 : i32
    %add3A_41 = arith.addi %mul3A_39, %add3A_40 : i32
    "tpu.region"() ({
      %run_scoped3A = tpu.sem_alloc : memref<!tpu.dma_semaphore, #tpu.memory_space<semaphore_mem>>
      %dma_start3A_86 = tpu.memref_slice %arg4[%add3A_41] : memref<320000xi32, #tpu.memory_space<hbm>> -> memref<80xi32, #tpu.memory_space<hbm>>
      %dma_start3A_87 = tpu.memref_slice %arg4[%add3A_41] : memref<320000xi32, #tpu.memory_space<hbm>> -> memref<80xi32, #tpu.memory_space<hbm>>
      tpu.enqueue_dma source(%dma_start3A_87 : memref<80xi32, #tpu.memory_space<hbm>>) target(%arg9 : memref<80xi32, #tpu.memory_space<vmem>>) target_semaphore(%run_scoped3A : memref<!tpu.dma_semaphore, #tpu.memory_space<semaphore_mem>>)
      %dma_wait3A = tpu.memref_slice %arg4[%add3A_41] : memref<320000xi32, #tpu.memory_space<hbm>> -> memref<80xi32, #tpu.memory_space<hbm>>
      %dma_wait3A_88 = tpu.memref_slice %arg4[%add3A_41] : memref<320000xi32, #tpu.memory_space<hbm>> -> memref<80xi32, #tpu.memory_space<hbm>>
      tpu.wait_dma2 semaphore(%run_scoped3A : memref<!tpu.dma_semaphore, #tpu.memory_space<semaphore_mem>>) src(%dma_wait3A_88 : memref<80xi32, #tpu.memory_space<hbm>>) dst(%arg9 : memref<80xi32, #tpu.memory_space<vmem>>)
      tpu.yield
    }) : () -> ()
    "tpu.region"() ({
      %run_scoped3A = tpu.sem_alloc : memref<!tpu.dma_semaphore, #tpu.memory_space<semaphore_mem>>
      %dma_start3A_86 = tpu.memref_slice %arg5[%add3A_41] : memref<320000xi32, #tpu.memory_space<hbm>> -> memref<80xi32, #tpu.memory_space<hbm>>
      %dma_start3A_87 = tpu.memref_slice %arg5[%add3A_41] : memref<320000xi32, #tpu.memory_space<hbm>> -> memref<80xi32, #tpu.memory_space<hbm>>
      tpu.enqueue_dma source(%dma_start3A_87 : memref<80xi32, #tpu.memory_space<hbm>>) target(%arg10 : memref<80xi32, #tpu.memory_space<vmem>>) target_semaphore(%run_scoped3A : memref<!tpu.dma_semaphore, #tpu.memory_space<semaphore_mem>>)
      %dma_wait3A = tpu.memref_slice %arg5[%add3A_41] : memref<320000xi32, #tpu.memory_space<hbm>> -> memref<80xi32, #tpu.memory_space<hbm>>
      %dma_wait3A_88 = tpu.memref_slice %arg5[%add3A_41] : memref<320000xi32, #tpu.memory_space<hbm>> -> memref<80xi32, #tpu.memory_space<hbm>>
      tpu.wait_dma2 semaphore(%run_scoped3A : memref<!tpu.dma_semaphore, #tpu.memory_space<semaphore_mem>>) src(%dma_wait3A_88 : memref<80xi32, #tpu.memory_space<hbm>>) dst(%arg10 : memref<80xi32, #tpu.memory_space<vmem>>)
      tpu.yield
    }) : () -> ()
    "tpu.region"() ({
      %run_scoped3A = tpu.sem_alloc : memref<!tpu.dma_semaphore, #tpu.memory_space<semaphore_mem>>
      %dma_start3A_86 = tpu.memref_slice %arg6[%add3A_41] : memref<320000xi32, #tpu.memory_space<hbm>> -> memref<80xi32, #tpu.memory_space<hbm>>
      %dma_start3A_87 = tpu.memref_slice %arg6[%add3A_41] : memref<320000xi32, #tpu.memory_space<hbm>> -> memref<80xi32, #tpu.memory_space<hbm>>
      tpu.enqueue_dma source(%dma_start3A_87 : memref<80xi32, #tpu.memory_space<hbm>>) target(%arg11 : memref<80xi32, #tpu.memory_space<vmem>>) target_semaphore(%run_scoped3A : memref<!tpu.dma_semaphore, #tpu.memory_space<semaphore_mem>>)
      %dma_wait3A = tpu.memref_slice %arg6[%add3A_41] : memref<320000xi32, #tpu.memory_space<hbm>> -> memref<80xi32, #tpu.memory_space<hbm>>
      %dma_wait3A_88 = tpu.memref_slice %arg6[%add3A_41] : memref<320000xi32, #tpu.memory_space<hbm>> -> memref<80xi32, #tpu.memory_space<hbm>>
      tpu.wait_dma2 semaphore(%run_scoped3A : memref<!tpu.dma_semaphore, #tpu.memory_space<semaphore_mem>>) src(%dma_wait3A_88 : memref<80xi32, #tpu.memory_space<hbm>>) dst(%arg11 : memref<80xi32, #tpu.memory_space<vmem>>)
      tpu.yield
    }) : () -> ()
    %dma_start3A = arith.constant 0 : i32
    %dma_start3A_42 = arith.constant 0 : i32
    %dma_start3A_43 = tpu.memref_slice %arg2[%dma_start3A, %dma_start3A_42] : memref<10240x128xf32, #tpu.memory_space<hbm>> -> memref<10240x128xf32, #tpu.memory_space<hbm>>
    tpu.enqueue_indirect_dma source(%dma_start3A_43 : memref<10240x128xf32, #tpu.memory_space<hbm>>) target(%arg15 : memref<80x128xf32, #tpu.memory_space<vmem>>) offsets(%arg9 : memref<80xi32, #tpu.memory_space<vmem>>) semaphore(%arg19 : memref<!tpu.dma_semaphore, #tpu.memory_space<semaphore_mem>>)
    %dma_start3A_44 = arith.constant 0 : i32
    %dma_start3A_45 = arith.constant 0 : i32
    %dma_start3A_46 = tpu.memref_slice %arg3[%dma_start3A_44, %dma_start3A_45] : memref<512x128xf32, #tpu.memory_space<hbm>> -> memref<512x128xf32, #tpu.memory_space<hbm>>
    tpu.enqueue_indirect_dma source(%dma_start3A_46 : memref<512x128xf32, #tpu.memory_space<hbm>>) target(%arg16 : memref<80x128xf32, #tpu.memory_space<vmem>>) offsets(%arg11 : memref<80xi32, #tpu.memory_space<vmem>>) semaphore(%arg19 : memref<!tpu.dma_semaphore, #tpu.memory_space<semaphore_mem>>)
    %barrier3A = arith.constant 0 : index
    tpu.barrier barrier_id(%barrier3A)
    %scan3A_47 = arith.constant 0 : i32
    %scan3A_48 = arith.constant 0 : i32
    %scan3A_49 = arith.constant 63 : i32
    %scan3A_50 = arith.addi %scan3A_48, %scan3A_49 : i32
    %scan3A_51 = arith.constant 1 : i32
    scf.for %scan3A_86 = %scan3A_48 to %scan3A_50 step %scan3A_51  : i32 {
      %mul3A_87 = arith.constant 2 : i32
      %mul3A_88 = arith.muli %mul3A_87, %scan3A_86 : i32
      %add3A_89 = arith.constant 1 : i32
      %add3A_90 = arith.addi %mul3A_88, %add3A_89 : i32
      %mul3A_91 = arith.constant 2 : i32
      %mul3A_92 = arith.muli %mul3A_91, %scan3A_86 : i32
      %add3A_93 = arith.constant 2 : i32
      %add3A_94 = arith.addi %mul3A_92, %add3A_93 : i32
      %lt3A = arith.constant 125 : i32
      %lt3A_95 = arith.cmpi slt, %add3A_90, %lt3A : i32
      %convert_element_type3A = arith.extui %lt3A_95 : i1 to i32
      %cond3A = arith.constant 0 : i32
      %cond3A_96 = arith.cmpi ne, %convert_element_type3A, %cond3A : i32
      scf.if %cond3A_96 {
        %mul3A_118 = arith.constant 10000 : i32
        %mul3A_119 = arith.muli %add3A, %mul3A_118 : i32
        %mul3A_120 = arith.constant 80 : i32
        %mul3A_121 = arith.muli %add3A_90, %mul3A_120 : i32
        %add3A_122 = arith.addi %mul3A_119, %mul3A_121 : i32
        "tpu.region"() ({
          %run_scoped3A = tpu.sem_alloc : memref<!tpu.dma_semaphore, #tpu.memory_space<semaphore_mem>>
          %dma_start3A_129 = tpu.memref_slice %arg4[%add3A_122] : memref<320000xi32, #tpu.memory_space<hbm>> -> memref<80xi32, #tpu.memory_space<hbm>>
          %dma_start3A_130 = tpu.memref_slice %arg4[%add3A_122] : memref<320000xi32, #tpu.memory_space<hbm>> -> memref<80xi32, #tpu.memory_space<hbm>>
          tpu.enqueue_dma source(%dma_start3A_130 : memref<80xi32, #tpu.memory_space<hbm>>) target(%arg12 : memref<80xi32, #tpu.memory_space<vmem>>) target_semaphore(%run_scoped3A : memref<!tpu.dma_semaphore, #tpu.memory_space<semaphore_mem>>)
          %dma_wait3A_131 = tpu.memref_slice %arg4[%add3A_122] : memref<320000xi32, #tpu.memory_space<hbm>> -> memref<80xi32, #tpu.memory_space<hbm>>
          %dma_wait3A_132 = tpu.memref_slice %arg4[%add3A_122] : memref<320000xi32, #tpu.memory_space<hbm>> -> memref<80xi32, #tpu.memory_space<hbm>>
          tpu.wait_dma2 semaphore(%run_scoped3A : memref<!tpu.dma_semaphore, #tpu.memory_space<semaphore_mem>>) src(%dma_wait3A_132 : memref<80xi32, #tpu.memory_space<hbm>>) dst(%arg12 : memref<80xi32, #tpu.memory_space<vmem>>)
          tpu.yield
        }) : () -> ()
        "tpu.region"() ({
          %run_scoped3A = tpu.sem_alloc : memref<!tpu.dma_semaphore, #tpu.memory_space<semaphore_mem>>
          %dma_start3A_129 = tpu.memref_slice %arg5[%add3A_122] : memref<320000xi32, #tpu.memory_space<hbm>> -> memref<80xi32, #tpu.memory_space<hbm>>
          %dma_start3A_130 = tpu.memref_slice %arg5[%add3A_122] : memref<320000xi32, #tpu.memory_space<hbm>> -> memref<80xi32, #tpu.memory_space<hbm>>
          tpu.enqueue_dma source(%dma_start3A_130 : memref<80xi32, #tpu.memory_space<hbm>>) target(%arg13 : memref<80xi32, #tpu.memory_space<vmem>>) target_semaphore(%run_scoped3A : memref<!tpu.dma_semaphore, #tpu.memory_space<semaphore_mem>>)
          %dma_wait3A_131 = tpu.memref_slice %arg5[%add3A_122] : memref<320000xi32, #tpu.memory_space<hbm>> -> memref<80xi32, #tpu.memory_space<hbm>>
          %dma_wait3A_132 = tpu.memref_slice %arg5[%add3A_122] : memref<320000xi32, #tpu.memory_space<hbm>> -> memref<80xi32, #tpu.memory_space<hbm>>
          tpu.wait_dma2 semaphore(%run_scoped3A : memref<!tpu.dma_semaphore, #tpu.memory_space<semaphore_mem>>) src(%dma_wait3A_132 : memref<80xi32, #tpu.memory_space<hbm>>) dst(%arg13 : memref<80xi32, #tpu.memory_space<vmem>>)
          tpu.yield
        }) : () -> ()
        "tpu.region"() ({
          %run_scoped3A = tpu.sem_alloc : memref<!tpu.dma_semaphore, #tpu.memory_space<semaphore_mem>>
          %dma_start3A_129 = tpu.memref_slice %arg6[%add3A_122] : memref<320000xi32, #tpu.memory_space<hbm>> -> memref<80xi32, #tpu.memory_space<hbm>>
          %dma_start3A_130 = tpu.memref_slice %arg6[%add3A_122] : memref<320000xi32, #tpu.memory_space<hbm>> -> memref<80xi32, #tpu.memory_space<hbm>>
          tpu.enqueue_dma source(%dma_start3A_130 : memref<80xi32, #tpu.memory_space<hbm>>) target(%arg14 : memref<80xi32, #tpu.memory_space<vmem>>) target_semaphore(%run_scoped3A : memref<!tpu.dma_semaphore, #tpu.memory_space<semaphore_mem>>)
          %dma_wait3A_131 = tpu.memref_slice %arg6[%add3A_122] : memref<320000xi32, #tpu.memory_space<hbm>> -> memref<80xi32, #tpu.memory_space<hbm>>
          %dma_wait3A_132 = tpu.memref_slice %arg6[%add3A_122] : memref<320000xi32, #tpu.memory_space<hbm>> -> memref<80xi32, #tpu.memory_space<hbm>>
          tpu.wait_dma2 semaphore(%run_scoped3A : memref<!tpu.dma_semaphore, #tpu.memory_space<semaphore_mem>>) src(%dma_wait3A_132 : memref<80xi32, #tpu.memory_space<hbm>>) dst(%arg14 : memref<80xi32, #tpu.memory_space<vmem>>)
          tpu.yield
        }) : () -> ()
        %dma_start3A_123 = arith.constant 0 : i32
        %dma_start3A_124 = arith.constant 0 : i32
        %dma_start3A_125 = tpu.memref_slice %arg2[%dma_start3A_123, %dma_start3A_124] : memref<10240x128xf32, #tpu.memory_space<hbm>> -> memref<10240x128xf32, #tpu.memory_space<hbm>>
        tpu.enqueue_indirect_dma source(%dma_start3A_125 : memref<10240x128xf32, #tpu.memory_space<hbm>>) target(%arg17 : memref<80x128xf32, #tpu.memory_space<vmem>>) offsets(%arg12 : memref<80xi32, #tpu.memory_space<vmem>>) semaphore(%arg20 : memref<!tpu.dma_semaphore, #tpu.memory_space<semaphore_mem>>)
        %dma_start3A_126 = arith.constant 0 : i32
        %dma_start3A_127 = arith.constant 0 : i32
        %dma_start3A_128 = tpu.memref_slice %arg3[%dma_start3A_126, %dma_start3A_127] : memref<512x128xf32, #tpu.memory_space<hbm>> -> memref<512x128xf32, #tpu.memory_space<hbm>>
        tpu.enqueue_indirect_dma source(%dma_start3A_128 : memref<512x128xf32, #tpu.memory_space<hbm>>) target(%arg18 : memref<80x128xf32, #tpu.memory_space<vmem>>) offsets(%arg14 : memref<80xi32, #tpu.memory_space<vmem>>) semaphore(%arg20 : memref<!tpu.dma_semaphore, #tpu.memory_space<semaphore_mem>>)
      } else {
      }
      %dma_wait3A = arith.constant 0 : i32
      %dma_wait3A_97 = arith.constant 0 : i32
      %dma_wait3A_98 = tpu.memref_slice %arg2[%dma_wait3A, %dma_wait3A_97] : memref<10240x128xf32, #tpu.memory_space<hbm>> -> memref<10240x128xf32, #tpu.memory_space<hbm>>
      tpu.wait_indirect_dma semaphore(%arg19 : memref<!tpu.dma_semaphore, #tpu.memory_space<semaphore_mem>>) src(%dma_wait3A_98 : memref<10240x128xf32, #tpu.memory_space<hbm>>) dst(%arg15 : memref<80x128xf32, #tpu.memory_space<vmem>>)
      %dma_wait3A_99 = arith.constant 0 : i32
      %dma_wait3A_100 = arith.constant 0 : i32
      %dma_wait3A_101 = tpu.memref_slice %arg3[%dma_wait3A_99, %dma_wait3A_100] : memref<512x128xf32, #tpu.memory_space<hbm>> -> memref<512x128xf32, #tpu.memory_space<hbm>>
      tpu.wait_indirect_dma semaphore(%arg19 : memref<!tpu.dma_semaphore, #tpu.memory_space<semaphore_mem>>) src(%dma_wait3A_101 : memref<512x128xf32, #tpu.memory_space<hbm>>) dst(%arg16 : memref<80x128xf32, #tpu.memory_space<vmem>>)
      %scan3A_102 = arith.constant 0 : i32
      %scan3A_103 = arith.constant 0 : i32
      %scan3A_104 = arith.constant 80 : i32
      %scan3A_105 = arith.addi %scan3A_103, %scan3A_104 : i32
      %scan3A_106 = arith.constant 1 : i32
      scf.for %scan3A_118 = %scan3A_103 to %scan3A_105 step %scan3A_106  : i32 {
        %get3A = arith.index_cast %scan3A_118 : i32 to index
        %get3A_119 = arith.constant 0 : index
        %get3A_120 = tpu.vector_load %arg15[%get3A, %get3A_119] {strides = array<i32>} : memref<80x128xf32, #tpu.memory_space<vmem>>, vector<1x16xf32>,
        %get3A_121 = vector.shape_cast %get3A_120 : vector<1x16xf32> to vector<16xf32>
        %get3A_122 = arith.index_cast %scan3A_118 : i32 to index
        %get3A_123 = arith.constant 0 : index
        %get3A_124 = tpu.vector_load %arg16[%get3A_122, %get3A_123] {strides = array<i32>} : memref<80x128xf32, #tpu.memory_space<vmem>>, vector<1x16xf32>,
        %get3A_125 = vector.shape_cast %get3A_124 : vector<1x16xf32> to vector<16xf32>
        %add3A_126 = arith.addf %get3A_121, %get3A_125 : vector<16xf32>
        %max3A = arith.constant 0.000000e+00 : f32
        %max3A_127 = vector.broadcast %max3A : f32 to vector<16xf32>
        %max3A_128 = arith.maximumf %add3A_126, %max3A_127 : vector<16xf32>
        %swap3A = arith.index_cast %scan3A_118 : i32 to index
        %swap3A_129 = arith.constant 0 : index
        %swap3A_130 = tpu.vector_load %arg15[%swap3A, %swap3A_129] {strides = array<i32>} : memref<80x128xf32, #tpu.memory_space<vmem>>, vector<1x16xf32>,
        %swap3A_131 = vector.shape_cast %swap3A_130 : vector<1x16xf32> to vector<16xf32>
        %swap3A_132 = vector.shape_cast %max3A_128 : vector<16xf32> to vector<1x16xf32>
        tpu.vector_store %arg15[%swap3A, %swap3A_129], %swap3A_132 {strides = array<i32>} : memref<80x128xf32, #tpu.memory_space<vmem>>, vector<1x16xf32>,
        %get3A_133 = arith.index_cast %scan3A_118 : i32 to index
        %get3A_134 = arith.constant 16 : index
        %get3A_135 = tpu.vector_load %arg15[%get3A_133, %get3A_134] {strides = array<i32>} : memref<80x128xf32, #tpu.memory_space<vmem>>, vector<1x16xf32>,
        %get3A_136 = vector.shape_cast %get3A_135 : vector<1x16xf32> to vector<16xf32>
        %get3A_137 = arith.index_cast %scan3A_118 : i32 to index
        %get3A_138 = arith.constant 16 : index
        %get3A_139 = tpu.vector_load %arg16[%get3A_137, %get3A_138] {strides = array<i32>} : memref<80x128xf32, #tpu.memory_space<vmem>>, vector<1x16xf32>,
        %get3A_140 = vector.shape_cast %get3A_139 : vector<1x16xf32> to vector<16xf32>
        %add3A_141 = arith.addf %get3A_136, %get3A_140 : vector<16xf32>
        %max3A_142 = arith.constant 0.000000e+00 : f32
        %max3A_143 = vector.broadcast %max3A_142 : f32 to vector<16xf32>
        %max3A_144 = arith.maximumf %add3A_141, %max3A_143 : vector<16xf32>
        %swap3A_145 = arith.index_cast %scan3A_118 : i32 to index
        %swap3A_146 = arith.constant 16 : index
        %swap3A_147 = tpu.vector_load %arg15[%swap3A_145, %swap3A_146] {strides = array<i32>} : memref<80x128xf32, #tpu.memory_space<vmem>>, vector<1x16xf32>,
        %swap3A_148 = vector.shape_cast %swap3A_147 : vector<1x16xf32> to vector<16xf32>
        %swap3A_149 = vector.shape_cast %max3A_144 : vector<16xf32> to vector<1x16xf32>
        tpu.vector_store %arg15[%swap3A_145, %swap3A_146], %swap3A_149 {strides = array<i32>} : memref<80x128xf32, #tpu.memory_space<vmem>>, vector<1x16xf32>,
        %get3A_150 = arith.index_cast %scan3A_118 : i32 to index
        %get3A_151 = arith.constant 32 : index
        %get3A_152 = tpu.vector_load %arg15[%get3A_150, %get3A_151] {strides = array<i32>} : memref<80x128xf32, #tpu.memory_space<vmem>>, vector<1x16xf32>,
        %get3A_153 = vector.shape_cast %get3A_152 : vector<1x16xf32> to vector<16xf32>
        %get3A_154 = arith.index_cast %scan3A_118 : i32 to index
        %get3A_155 = arith.constant 32 : index
        %get3A_156 = tpu.vector_load %arg16[%get3A_154, %get3A_155] {strides = array<i32>} : memref<80x128xf32, #tpu.memory_space<vmem>>, vector<1x16xf32>,
        %get3A_157 = vector.shape_cast %get3A_156 : vector<1x16xf32> to vector<16xf32>
        %add3A_158 = arith.addf %get3A_153, %get3A_157 : vector<16xf32>
        %max3A_159 = arith.constant 0.000000e+00 : f32
        %max3A_160 = vector.broadcast %max3A_159 : f32 to vector<16xf32>
        %max3A_161 = arith.maximumf %add3A_158, %max3A_160 : vector<16xf32>
        %swap3A_162 = arith.index_cast %scan3A_118 : i32 to index
        %swap3A_163 = arith.constant 32 : index
        %swap3A_164 = tpu.vector_load %arg15[%swap3A_162, %swap3A_163] {strides = array<i32>} : memref<80x128xf32, #tpu.memory_space<vmem>>, vector<1x16xf32>,
        %swap3A_165 = vector.shape_cast %swap3A_164 : vector<1x16xf32> to vector<16xf32>
        %swap3A_166 = vector.shape_cast %max3A_161 : vector<16xf32> to vector<1x16xf32>
        tpu.vector_store %arg15[%swap3A_162, %swap3A_163], %swap3A_166 {strides = array<i32>} : memref<80x128xf32, #tpu.memory_space<vmem>>, vector<1x16xf32>,
        %get3A_167 = arith.index_cast %scan3A_118 : i32 to index
        %get3A_168 = arith.constant 48 : index
        %get3A_169 = tpu.vector_load %arg15[%get3A_167, %get3A_168] {strides = array<i32>} : memref<80x128xf32, #tpu.memory_space<vmem>>, vector<1x16xf32>,
        %get3A_170 = vector.shape_cast %get3A_169 : vector<1x16xf32> to vector<16xf32>
        %get3A_171 = arith.index_cast %scan3A_118 : i32 to index
        %get3A_172 = arith.constant 48 : index
        %get3A_173 = tpu.vector_load %arg16[%get3A_171, %get3A_172] {strides = array<i32>} : memref<80x128xf32, #tpu.memory_space<vmem>>, vector<1x16xf32>,
        %get3A_174 = vector.shape_cast %get3A_173 : vector<1x16xf32> to vector<16xf32>
        %add3A_175 = arith.addf %get3A_170, %get3A_174 : vector<16xf32>
        %max3A_176 = arith.constant 0.000000e+00 : f32
        %max3A_177 = vector.broadcast %max3A_176 : f32 to vector<16xf32>
        %max3A_178 = arith.maximumf %add3A_175, %max3A_177 : vector<16xf32>
        %swap3A_179 = arith.index_cast %scan3A_118 : i32 to index
        %swap3A_180 = arith.constant 48 : index
        %swap3A_181 = tpu.vector_load %arg15[%swap3A_179, %swap3A_180] {strides = array<i32>} : memref<80x128xf32, #tpu.memory_space<vmem>>, vector<1x16xf32>,
        %swap3A_182 = vector.shape_cast %swap3A_181 : vector<1x16xf32> to vector<16xf32>
        %swap3A_183 = vector.shape_cast %max3A_178 : vector<16xf32> to vector<1x16xf32>
        tpu.vector_store %arg15[%swap3A_179, %swap3A_180], %swap3A_183 {strides = array<i32>} : memref<80x128xf32, #tpu.memory_space<vmem>>, vector<1x16xf32>,
        %get3A_184 = arith.index_cast %scan3A_118 : i32 to index
        %get3A_185 = arith.constant 64 : index
        %get3A_186 = tpu.vector_load %arg15[%get3A_184, %get3A_185] {strides = array<i32>} : memref<80x128xf32, #tpu.memory_space<vmem>>, vector<1x16xf32>,
        %get3A_187 = vector.shape_cast %get3A_186 : vector<1x16xf32> to vector<16xf32>
        %get3A_188 = arith.index_cast %scan3A_118 : i32 to index
        %get3A_189 = arith.constant 64 : index
        %get3A_190 = tpu.vector_load %arg16[%get3A_188, %get3A_189] {strides = array<i32>} : memref<80x128xf32, #tpu.memory_space<vmem>>, vector<1x16xf32>,
        %get3A_191 = vector.shape_cast %get3A_190 : vector<1x16xf32> to vector<16xf32>
        %add3A_192 = arith.addf %get3A_187, %get3A_191 : vector<16xf32>
        %max3A_193 = arith.constant 0.000000e+00 : f32
        %max3A_194 = vector.broadcast %max3A_193 : f32 to vector<16xf32>
        %max3A_195 = arith.maximumf %add3A_192, %max3A_194 : vector<16xf32>
        %swap3A_196 = arith.index_cast %scan3A_118 : i32 to index
        %swap3A_197 = arith.constant 64 : index
        %swap3A_198 = tpu.vector_load %arg15[%swap3A_196, %swap3A_197] {strides = array<i32>} : memref<80x128xf32, #tpu.memory_space<vmem>>, vector<1x16xf32>,
        %swap3A_199 = vector.shape_cast %swap3A_198 : vector<1x16xf32> to vector<16xf32>
        %swap3A_200 = vector.shape_cast %max3A_195 : vector<16xf32> to vector<1x16xf32>
        tpu.vector_store %arg15[%swap3A_196, %swap3A_197], %swap3A_200 {strides = array<i32>} : memref<80x128xf32, #tpu.memory_space<vmem>>, vector<1x16xf32>,
        %get3A_201 = arith.index_cast %scan3A_118 : i32 to index
        %get3A_202 = arith.constant 80 : index
        %get3A_203 = tpu.vector_load %arg15[%get3A_201, %get3A_202] {strides = array<i32>} : memref<80x128xf32, #tpu.memory_space<vmem>>, vector<1x16xf32>,
        %get3A_204 = vector.shape_cast %get3A_203 : vector<1x16xf32> to vector<16xf32>
        %get3A_205 = arith.index_cast %scan3A_118 : i32 to index
        %get3A_206 = arith.constant 80 : index
        %get3A_207 = tpu.vector_load %arg16[%get3A_205, %get3A_206] {strides = array<i32>} : memref<80x128xf32, #tpu.memory_space<vmem>>, vector<1x16xf32>,
        %get3A_208 = vector.shape_cast %get3A_207 : vector<1x16xf32> to vector<16xf32>
        %add3A_209 = arith.addf %get3A_204, %get3A_208 : vector<16xf32>
        %max3A_210 = arith.constant 0.000000e+00 : f32
        %max3A_211 = vector.broadcast %max3A_210 : f32 to vector<16xf32>
        %max3A_212 = arith.maximumf %add3A_209, %max3A_211 : vector<16xf32>
        %swap3A_213 = arith.index_cast %scan3A_118 : i32 to index
        %swap3A_214 = arith.constant 80 : index
        %swap3A_215 = tpu.vector_load %arg15[%swap3A_213, %swap3A_214] {strides = array<i32>} : memref<80x128xf32, #tpu.memory_space<vmem>>, vector<1x16xf32>,
        %swap3A_216 = vector.shape_cast %swap3A_215 : vector<1x16xf32> to vector<16xf32>
        %swap3A_217 = vector.shape_cast %max3A_212 : vector<16xf32> to vector<1x16xf32>
        tpu.vector_store %arg15[%swap3A_213, %swap3A_214], %swap3A_217 {strides = array<i32>} : memref<80x128xf32, #tpu.memory_space<vmem>>, vector<1x16xf32>,
        %get3A_218 = arith.index_cast %scan3A_118 : i32 to index
        %get3A_219 = arith.constant 96 : index
        %get3A_220 = tpu.vector_load %arg15[%get3A_218, %get3A_219] {strides = array<i32>} : memref<80x128xf32, #tpu.memory_space<vmem>>, vector<1x16xf32>,
        %get3A_221 = vector.shape_cast %get3A_220 : vector<1x16xf32> to vector<16xf32>
        %get3A_222 = arith.index_cast %scan3A_118 : i32 to index
        %get3A_223 = arith.constant 96 : index
        %get3A_224 = tpu.vector_load %arg16[%get3A_222, %get3A_223] {strides = array<i32>} : memref<80x128xf32, #tpu.memory_space<vmem>>, vector<1x16xf32>,
        %get3A_225 = vector.shape_cast %get3A_224 : vector<1x16xf32> to vector<16xf32>
        %add3A_226 = arith.addf %get3A_221, %get3A_225 : vector<16xf32>
        %max3A_227 = arith.constant 0.000000e+00 : f32
        %max3A_228 = vector.broadcast %max3A_227 : f32 to vector<16xf32>
        %max3A_229 = arith.maximumf %add3A_226, %max3A_228 : vector<16xf32>
        %swap3A_230 = arith.index_cast %scan3A_118 : i32 to index
        %swap3A_231 = arith.constant 96 : index
        %swap3A_232 = tpu.vector_load %arg15[%swap3A_230, %swap3A_231] {strides = array<i32>} : memref<80x128xf32, #tpu.memory_space<vmem>>, vector<1x16xf32>,
        %swap3A_233 = vector.shape_cast %swap3A_232 : vector<1x16xf32> to vector<16xf32>
        %swap3A_234 = vector.shape_cast %max3A_229 : vector<16xf32> to vector<1x16xf32>
        tpu.vector_store %arg15[%swap3A_230, %swap3A_231], %swap3A_234 {strides = array<i32>} : memref<80x128xf32, #tpu.memory_space<vmem>>, vector<1x16xf32>,
        %get3A_235 = arith.index_cast %scan3A_118 : i32 to index
        %get3A_236 = arith.constant 112 : index
        %get3A_237 = tpu.vector_load %arg15[%get3A_235, %get3A_236] {strides = array<i32>} : memref<80x128xf32, #tpu.memory_space<vmem>>, vector<1x16xf32>,
        %get3A_238 = vector.shape_cast %get3A_237 : vector<1x16xf32> to vector<16xf32>
        %get3A_239 = arith.index_cast %scan3A_118 : i32 to index
        %get3A_240 = arith.constant 112 : index
        %get3A_241 = tpu.vector_load %arg16[%get3A_239, %get3A_240] {strides = array<i32>} : memref<80x128xf32, #tpu.memory_space<vmem>>, vector<1x16xf32>,
        %get3A_242 = vector.shape_cast %get3A_241 : vector<1x16xf32> to vector<16xf32>
        %add3A_243 = arith.addf %get3A_238, %get3A_242 : vector<16xf32>
        %max3A_244 = arith.constant 0.000000e+00 : f32
        %max3A_245 = vector.broadcast %max3A_244 : f32 to vector<16xf32>
        %max3A_246 = arith.maximumf %add3A_243, %max3A_245 : vector<16xf32>
        %swap3A_247 = arith.index_cast %scan3A_118 : i32 to index
        %swap3A_248 = arith.constant 112 : index
        %swap3A_249 = tpu.vector_load %arg15[%swap3A_247, %swap3A_248] {strides = array<i32>} : memref<80x128xf32, #tpu.memory_space<vmem>>, vector<1x16xf32>,
        %swap3A_250 = vector.shape_cast %swap3A_249 : vector<1x16xf32> to vector<16xf32>
        %swap3A_251 = vector.shape_cast %max3A_246 : vector<16xf32> to vector<1x16xf32>
        tpu.vector_store %arg15[%swap3A_247, %swap3A_248], %swap3A_251 {strides = array<i32>} : memref<80x128xf32, #tpu.memory_space<vmem>>, vector<1x16xf32>,
      }
      %scan3A_107 = arith.constant 80 : i32
      "tpu.region"() ({
        %run_scoped3A = tpu.sem_alloc : memref<!tpu.dma_semaphore, #tpu.memory_space<semaphore_mem>>
        %dma_start3A_118 = arith.constant 0 : i32
        %dma_start3A_119 = arith.constant 0 : i32
        %dma_start3A_120 = tpu.memref_slice %arg8[%dma_start3A_118, %dma_start3A_119] : memref<10240x128xf32, #tpu.memory_space<vmem_shared>> -> memref<10240x128xf32, #tpu.memory_space<vmem_shared>>
        tpu.enqueue_indirect_dma source(%arg15 : memref<80x128xf32, #tpu.memory_space<vmem>>) target(%dma_start3A_120 : memref<10240x128xf32, #tpu.memory_space<vmem_shared>>) offsets(%arg10 : memref<80xi32, #tpu.memory_space<vmem>>) semaphore(%run_scoped3A : memref<!tpu.dma_semaphore, #tpu.memory_space<semaphore_mem>>) {add = true}
        %dma_wait3A_121 = arith.constant 0 : i32
        %dma_wait3A_122 = arith.constant 0 : i32
        %dma_wait3A_123 = tpu.memref_slice %arg8[%dma_wait3A_121, %dma_wait3A_122] : memref<10240x128xf32, #tpu.memory_space<vmem_shared>> -> memref<10240x128xf32, #tpu.memory_space<vmem_shared>>
        tpu.wait_indirect_dma semaphore(%run_scoped3A : memref<!tpu.dma_semaphore, #tpu.memory_space<semaphore_mem>>) src(%arg15 : memref<80x128xf32, #tpu.memory_space<vmem>>) dst(%dma_wait3A_123 : memref<10240x128xf32, #tpu.memory_space<vmem_shared>>)
        tpu.yield
      }) : () -> ()
      %lt3A_108 = arith.constant 125 : i32
      %lt3A_109 = arith.cmpi slt, %add3A_94, %lt3A_108 : i32
      %convert_element_type3A_110 = arith.extui %lt3A_109 : i1 to i32
      %cond3A_111 = arith.constant 0 : i32
      %cond3A_112 = arith.cmpi ne, %convert_element_type3A_110, %cond3A_111 : i32
      scf.if %cond3A_112 {
        %mul3A_118 = arith.constant 10000 : i32
        %mul3A_119 = arith.muli %add3A, %mul3A_118 : i32
        %mul3A_120 = arith.constant 80 : i32
        %mul3A_121 = arith.muli %add3A_94, %mul3A_120 : i32
        %add3A_122 = arith.addi %mul3A_119, %mul3A_121 : i32
        "tpu.region"() ({
          %run_scoped3A = tpu.sem_alloc : memref<!tpu.dma_semaphore, #tpu.memory_space<semaphore_mem>>
          %dma_start3A_129 = tpu.memref_slice %arg4[%add3A_122] : memref<320000xi32, #tpu.memory_space<hbm>> -> memref<80xi32, #tpu.memory_space<hbm>>
          %dma_start3A_130 = tpu.memref_slice %arg4[%add3A_122] : memref<320000xi32, #tpu.memory_space<hbm>> -> memref<80xi32, #tpu.memory_space<hbm>>
          tpu.enqueue_dma source(%dma_start3A_130 : memref<80xi32, #tpu.memory_space<hbm>>) target(%arg9 : memref<80xi32, #tpu.memory_space<vmem>>) target_semaphore(%run_scoped3A : memref<!tpu.dma_semaphore, #tpu.memory_space<semaphore_mem>>)
          %dma_wait3A_131 = tpu.memref_slice %arg4[%add3A_122] : memref<320000xi32, #tpu.memory_space<hbm>> -> memref<80xi32, #tpu.memory_space<hbm>>
          %dma_wait3A_132 = tpu.memref_slice %arg4[%add3A_122] : memref<320000xi32, #tpu.memory_space<hbm>> -> memref<80xi32, #tpu.memory_space<hbm>>
          tpu.wait_dma2 semaphore(%run_scoped3A : memref<!tpu.dma_semaphore, #tpu.memory_space<semaphore_mem>>) src(%dma_wait3A_132 : memref<80xi32, #tpu.memory_space<hbm>>) dst(%arg9 : memref<80xi32, #tpu.memory_space<vmem>>)
          tpu.yield
        }) : () -> ()
        "tpu.region"() ({
          %run_scoped3A = tpu.sem_alloc : memref<!tpu.dma_semaphore, #tpu.memory_space<semaphore_mem>>
          %dma_start3A_129 = tpu.memref_slice %arg5[%add3A_122] : memref<320000xi32, #tpu.memory_space<hbm>> -> memref<80xi32, #tpu.memory_space<hbm>>
          %dma_start3A_130 = tpu.memref_slice %arg5[%add3A_122] : memref<320000xi32, #tpu.memory_space<hbm>> -> memref<80xi32, #tpu.memory_space<hbm>>
          tpu.enqueue_dma source(%dma_start3A_130 : memref<80xi32, #tpu.memory_space<hbm>>) target(%arg10 : memref<80xi32, #tpu.memory_space<vmem>>) target_semaphore(%run_scoped3A : memref<!tpu.dma_semaphore, #tpu.memory_space<semaphore_mem>>)
          %dma_wait3A_131 = tpu.memref_slice %arg5[%add3A_122] : memref<320000xi32, #tpu.memory_space<hbm>> -> memref<80xi32, #tpu.memory_space<hbm>>
          %dma_wait3A_132 = tpu.memref_slice %arg5[%add3A_122] : memref<320000xi32, #tpu.memory_space<hbm>> -> memref<80xi32, #tpu.memory_space<hbm>>
          tpu.wait_dma2 semaphore(%run_scoped3A : memref<!tpu.dma_semaphore, #tpu.memory_space<semaphore_mem>>) src(%dma_wait3A_132 : memref<80xi32, #tpu.memory_space<hbm>>) dst(%arg10 : memref<80xi32, #tpu.memory_space<vmem>>)
          tpu.yield
        }) : () -> ()
        "tpu.region"() ({
          %run_scoped3A = tpu.sem_alloc : memref<!tpu.dma_semaphore, #tpu.memory_space<semaphore_mem>>
          %dma_start3A_129 = tpu.memref_slice %arg6[%add3A_122] : memref<320000xi32, #tpu.memory_space<hbm>> -> memref<80xi32, #tpu.memory_space<hbm>>
          %dma_start3A_130 = tpu.memref_slice %arg6[%add3A_122] : memref<320000xi32, #tpu.memory_space<hbm>> -> memref<80xi32, #tpu.memory_space<hbm>>
          tpu.enqueue_dma source(%dma_start3A_130 : memref<80xi32, #tpu.memory_space<hbm>>) target(%arg11 : memref<80xi32, #tpu.memory_space<vmem>>) target_semaphore(%run_scoped3A : memref<!tpu.dma_semaphore, #tpu.memory_space<semaphore_mem>>)
          %dma_wait3A_131 = tpu.memref_slice %arg6[%add3A_122] : memref<320000xi32, #tpu.memory_space<hbm>> -> memref<80xi32, #tpu.memory_space<hbm>>
          %dma_wait3A_132 = tpu.memref_slice %arg6[%add3A_122] : memref<320000xi32, #tpu.memory_space<hbm>> -> memref<80xi32, #tpu.memory_space<hbm>>
          tpu.wait_dma2 semaphore(%run_scoped3A : memref<!tpu.dma_semaphore, #tpu.memory_space<semaphore_mem>>) src(%dma_wait3A_132 : memref<80xi32, #tpu.memory_space<hbm>>) dst(%arg11 : memref<80xi32, #tpu.memory_space<vmem>>)
          tpu.yield
        }) : () -> ()
        %dma_start3A_123 = arith.constant 0 : i32
        %dma_start3A_124 = arith.constant 0 : i32
        %dma_start3A_125 = tpu.memref_slice %arg2[%dma_start3A_123, %dma_start3A_124] : memref<10240x128xf32, #tpu.memory_space<hbm>> -> memref<10240x128xf32, #tpu.memory_space<hbm>>
        tpu.enqueue_indirect_dma source(%dma_start3A_125 : memref<10240x128xf32, #tpu.memory_space<hbm>>) target(%arg15 : memref<80x128xf32, #tpu.memory_space<vmem>>) offsets(%arg9 : memref<80xi32, #tpu.memory_space<vmem>>) semaphore(%arg19 : memref<!tpu.dma_semaphore, #tpu.memory_space<semaphore_mem>>)
        %dma_start3A_126 = arith.constant 0 : i32
        %dma_start3A_127 = arith.constant 0 : i32
        %dma_start3A_128 = tpu.memref_slice %arg3[%dma_start3A_126, %dma_start3A_127] : memref<512x128xf32, #tpu.memory_space<hbm>> -> memref<512x128xf32, #tpu.memory_space<hbm>>
        tpu.enqueue_indirect_dma source(%dma_start3A_128 : memref<512x128xf32, #tpu.memory_space<hbm>>) target(%arg16 : memref<80x128xf32, #tpu.memory_space<vmem>>) offsets(%arg11 : memref<80xi32, #tpu.memory_space<vmem>>) semaphore(%arg19 : memref<!tpu.dma_semaphore, #tpu.memory_space<semaphore_mem>>)
      } else {
      }
      %lt3A_113 = arith.constant 125 : i32
      %lt3A_114 = arith.cmpi slt, %add3A_90, %lt3A_113 : i32
      %convert_element_type3A_115 = arith.extui %lt3A_114 : i1 to i32
      %cond3A_116 = arith.constant 0 : i32
      %cond3A_117 = arith.cmpi ne, %convert_element_type3A_115, %cond3A_116 : i32
      scf.if %cond3A_117 {
        %dma_wait3A_118 = arith.constant 0 : i32
        %dma_wait3A_119 = arith.constant 0 : i32
        %dma_wait3A_120 = tpu.memref_slice %arg2[%dma_wait3A_118, %dma_wait3A_119] : memref<10240x128xf32, #tpu.memory_space<hbm>> -> memref<10240x128xf32, #tpu.memory_space<hbm>>
        tpu.wait_indirect_dma semaphore(%arg20 : memref<!tpu.dma_semaphore, #tpu.memory_space<semaphore_mem>>) src(%dma_wait3A_120 : memref<10240x128xf32, #tpu.memory_space<hbm>>) dst(%arg17 : memref<80x128xf32, #tpu.memory_space<vmem>>)
        %dma_wait3A_121 = arith.constant 0 : i32
        %dma_wait3A_122 = arith.constant 0 : i32
        %dma_wait3A_123 = tpu.memref_slice %arg3[%dma_wait3A_121, %dma_wait3A_122] : memref<512x128xf32, #tpu.memory_space<hbm>> -> memref<512x128xf32, #tpu.memory_space<hbm>>
        tpu.wait_indirect_dma semaphore(%arg20 : memref<!tpu.dma_semaphore, #tpu.memory_space<semaphore_mem>>) src(%dma_wait3A_123 : memref<512x128xf32, #tpu.memory_space<hbm>>) dst(%arg18 : memref<80x128xf32, #tpu.memory_space<vmem>>)
        %scan3A_124 = arith.constant 0 : i32
        %scan3A_125 = arith.constant 0 : i32
        %scan3A_126 = arith.constant 80 : i32
        %scan3A_127 = arith.addi %scan3A_125, %scan3A_126 : i32
        %scan3A_128 = arith.constant 1 : i32
        scf.for %scan3A_130 = %scan3A_125 to %scan3A_127 step %scan3A_128  : i32 {
          %get3A = arith.index_cast %scan3A_130 : i32 to index
          %get3A_131 = arith.constant 0 : index
          %get3A_132 = tpu.vector_load %arg17[%get3A, %get3A_131] {strides = array<i32>} : memref<80x128xf32, #tpu.memory_space<vmem>>, vector<1x16xf32>,
          %get3A_133 = vector.shape_cast %get3A_132 : vector<1x16xf32> to vector<16xf32>
          %get3A_134 = arith.index_cast %scan3A_130 : i32 to index
          %get3A_135 = arith.constant 0 : index
          %get3A_136 = tpu.vector_load %arg18[%get3A_134, %get3A_135] {strides = array<i32>} : memref<80x128xf32, #tpu.memory_space<vmem>>, vector<1x16xf32>,
          %get3A_137 = vector.shape_cast %get3A_136 : vector<1x16xf32> to vector<16xf32>
          %add3A_138 = arith.addf %get3A_133, %get3A_137 : vector<16xf32>
          %max3A = arith.constant 0.000000e+00 : f32
          %max3A_139 = vector.broadcast %max3A : f32 to vector<16xf32>
          %max3A_140 = arith.maximumf %add3A_138, %max3A_139 : vector<16xf32>
          %swap3A = arith.index_cast %scan3A_130 : i32 to index
          %swap3A_141 = arith.constant 0 : index
          %swap3A_142 = tpu.vector_load %arg17[%swap3A, %swap3A_141] {strides = array<i32>} : memref<80x128xf32, #tpu.memory_space<vmem>>, vector<1x16xf32>,
          %swap3A_143 = vector.shape_cast %swap3A_142 : vector<1x16xf32> to vector<16xf32>
          %swap3A_144 = vector.shape_cast %max3A_140 : vector<16xf32> to vector<1x16xf32>
          tpu.vector_store %arg17[%swap3A, %swap3A_141], %swap3A_144 {strides = array<i32>} : memref<80x128xf32, #tpu.memory_space<vmem>>, vector<1x16xf32>,
          %get3A_145 = arith.index_cast %scan3A_130 : i32 to index
          %get3A_146 = arith.constant 16 : index
          %get3A_147 = tpu.vector_load %arg17[%get3A_145, %get3A_146] {strides = array<i32>} : memref<80x128xf32, #tpu.memory_space<vmem>>, vector<1x16xf32>,
          %get3A_148 = vector.shape_cast %get3A_147 : vector<1x16xf32> to vector<16xf32>
          %get3A_149 = arith.index_cast %scan3A_130 : i32 to index
          %get3A_150 = arith.constant 16 : index
          %get3A_151 = tpu.vector_load %arg18[%get3A_149, %get3A_150] {strides = array<i32>} : memref<80x128xf32, #tpu.memory_space<vmem>>, vector<1x16xf32>,
          %get3A_152 = vector.shape_cast %get3A_151 : vector<1x16xf32> to vector<16xf32>
          %add3A_153 = arith.addf %get3A_148, %get3A_152 : vector<16xf32>
          %max3A_154 = arith.constant 0.000000e+00 : f32
          %max3A_155 = vector.broadcast %max3A_154 : f32 to vector<16xf32>
          %max3A_156 = arith.maximumf %add3A_153, %max3A_155 : vector<16xf32>
          %swap3A_157 = arith.index_cast %scan3A_130 : i32 to index
          %swap3A_158 = arith.constant 16 : index
          %swap3A_159 = tpu.vector_load %arg17[%swap3A_157, %swap3A_158] {strides = array<i32>} : memref<80x128xf32, #tpu.memory_space<vmem>>, vector<1x16xf32>,
          %swap3A_160 = vector.shape_cast %swap3A_159 : vector<1x16xf32> to vector<16xf32>
          %swap3A_161 = vector.shape_cast %max3A_156 : vector<16xf32> to vector<1x16xf32>
          tpu.vector_store %arg17[%swap3A_157, %swap3A_158], %swap3A_161 {strides = array<i32>} : memref<80x128xf32, #tpu.memory_space<vmem>>, vector<1x16xf32>,
          %get3A_162 = arith.index_cast %scan3A_130 : i32 to index
          %get3A_163 = arith.constant 32 : index
          %get3A_164 = tpu.vector_load %arg17[%get3A_162, %get3A_163] {strides = array<i32>} : memref<80x128xf32, #tpu.memory_space<vmem>>, vector<1x16xf32>,
          %get3A_165 = vector.shape_cast %get3A_164 : vector<1x16xf32> to vector<16xf32>
          %get3A_166 = arith.index_cast %scan3A_130 : i32 to index
          %get3A_167 = arith.constant 32 : index
          %get3A_168 = tpu.vector_load %arg18[%get3A_166, %get3A_167] {strides = array<i32>} : memref<80x128xf32, #tpu.memory_space<vmem>>, vector<1x16xf32>,
          %get3A_169 = vector.shape_cast %get3A_168 : vector<1x16xf32> to vector<16xf32>
          %add3A_170 = arith.addf %get3A_165, %get3A_169 : vector<16xf32>
          %max3A_171 = arith.constant 0.000000e+00 : f32
          %max3A_172 = vector.broadcast %max3A_171 : f32 to vector<16xf32>
          %max3A_173 = arith.maximumf %add3A_170, %max3A_172 : vector<16xf32>
          %swap3A_174 = arith.index_cast %scan3A_130 : i32 to index
          %swap3A_175 = arith.constant 32 : index
          %swap3A_176 = tpu.vector_load %arg17[%swap3A_174, %swap3A_175] {strides = array<i32>} : memref<80x128xf32, #tpu.memory_space<vmem>>, vector<1x16xf32>,
          %swap3A_177 = vector.shape_cast %swap3A_176 : vector<1x16xf32> to vector<16xf32>
          %swap3A_178 = vector.shape_cast %max3A_173 : vector<16xf32> to vector<1x16xf32>
          tpu.vector_store %arg17[%swap3A_174, %swap3A_175], %swap3A_178 {strides = array<i32>} : memref<80x128xf32, #tpu.memory_space<vmem>>, vector<1x16xf32>,
          %get3A_179 = arith.index_cast %scan3A_130 : i32 to index
          %get3A_180 = arith.constant 48 : index
          %get3A_181 = tpu.vector_load %arg17[%get3A_179, %get3A_180] {strides = array<i32>} : memref<80x128xf32, #tpu.memory_space<vmem>>, vector<1x16xf32>,
          %get3A_182 = vector.shape_cast %get3A_181 : vector<1x16xf32> to vector<16xf32>
          %get3A_183 = arith.index_cast %scan3A_130 : i32 to index
          %get3A_184 = arith.constant 48 : index
          %get3A_185 = tpu.vector_load %arg18[%get3A_183, %get3A_184] {strides = array<i32>} : memref<80x128xf32, #tpu.memory_space<vmem>>, vector<1x16xf32>,
          %get3A_186 = vector.shape_cast %get3A_185 : vector<1x16xf32> to vector<16xf32>
          %add3A_187 = arith.addf %get3A_182, %get3A_186 : vector<16xf32>
          %max3A_188 = arith.constant 0.000000e+00 : f32
          %max3A_189 = vector.broadcast %max3A_188 : f32 to vector<16xf32>
          %max3A_190 = arith.maximumf %add3A_187, %max3A_189 : vector<16xf32>
          %swap3A_191 = arith.index_cast %scan3A_130 : i32 to index
          %swap3A_192 = arith.constant 48 : index
          %swap3A_193 = tpu.vector_load %arg17[%swap3A_191, %swap3A_192] {strides = array<i32>} : memref<80x128xf32, #tpu.memory_space<vmem>>, vector<1x16xf32>,
          %swap3A_194 = vector.shape_cast %swap3A_193 : vector<1x16xf32> to vector<16xf32>
          %swap3A_195 = vector.shape_cast %max3A_190 : vector<16xf32> to vector<1x16xf32>
          tpu.vector_store %arg17[%swap3A_191, %swap3A_192], %swap3A_195 {strides = array<i32>} : memref<80x128xf32, #tpu.memory_space<vmem>>, vector<1x16xf32>,
          %get3A_196 = arith.index_cast %scan3A_130 : i32 to index
          %get3A_197 = arith.constant 64 : index
          %get3A_198 = tpu.vector_load %arg17[%get3A_196, %get3A_197] {strides = array<i32>} : memref<80x128xf32, #tpu.memory_space<vmem>>, vector<1x16xf32>,
          %get3A_199 = vector.shape_cast %get3A_198 : vector<1x16xf32> to vector<16xf32>
          %get3A_200 = arith.index_cast %scan3A_130 : i32 to index
          %get3A_201 = arith.constant 64 : index
          %get3A_202 = tpu.vector_load %arg18[%get3A_200, %get3A_201] {strides = array<i32>} : memref<80x128xf32, #tpu.memory_space<vmem>>, vector<1x16xf32>,
          %get3A_203 = vector.shape_cast %get3A_202 : vector<1x16xf32> to vector<16xf32>
          %add3A_204 = arith.addf %get3A_199, %get3A_203 : vector<16xf32>
          %max3A_205 = arith.constant 0.000000e+00 : f32
          %max3A_206 = vector.broadcast %max3A_205 : f32 to vector<16xf32>
          %max3A_207 = arith.maximumf %add3A_204, %max3A_206 : vector<16xf32>
          %swap3A_208 = arith.index_cast %scan3A_130 : i32 to index
          %swap3A_209 = arith.constant 64 : index
          %swap3A_210 = tpu.vector_load %arg17[%swap3A_208, %swap3A_209] {strides = array<i32>} : memref<80x128xf32, #tpu.memory_space<vmem>>, vector<1x16xf32>,
          %swap3A_211 = vector.shape_cast %swap3A_210 : vector<1x16xf32> to vector<16xf32>
          %swap3A_212 = vector.shape_cast %max3A_207 : vector<16xf32> to vector<1x16xf32>
          tpu.vector_store %arg17[%swap3A_208, %swap3A_209], %swap3A_212 {strides = array<i32>} : memref<80x128xf32, #tpu.memory_space<vmem>>, vector<1x16xf32>,
          %get3A_213 = arith.index_cast %scan3A_130 : i32 to index
          %get3A_214 = arith.constant 80 : index
          %get3A_215 = tpu.vector_load %arg17[%get3A_213, %get3A_214] {strides = array<i32>} : memref<80x128xf32, #tpu.memory_space<vmem>>, vector<1x16xf32>,
          %get3A_216 = vector.shape_cast %get3A_215 : vector<1x16xf32> to vector<16xf32>
          %get3A_217 = arith.index_cast %scan3A_130 : i32 to index
          %get3A_218 = arith.constant 80 : index
          %get3A_219 = tpu.vector_load %arg18[%get3A_217, %get3A_218] {strides = array<i32>} : memref<80x128xf32, #tpu.memory_space<vmem>>, vector<1x16xf32>,
          %get3A_220 = vector.shape_cast %get3A_219 : vector<1x16xf32> to vector<16xf32>
          %add3A_221 = arith.addf %get3A_216, %get3A_220 : vector<16xf32>
          %max3A_222 = arith.constant 0.000000e+00 : f32
          %max3A_223 = vector.broadcast %max3A_222 : f32 to vector<16xf32>
          %max3A_224 = arith.maximumf %add3A_221, %max3A_223 : vector<16xf32>
          %swap3A_225 = arith.index_cast %scan3A_130 : i32 to index
          %swap3A_226 = arith.constant 80 : index
          %swap3A_227 = tpu.vector_load %arg17[%swap3A_225, %swap3A_226] {strides = array<i32>} : memref<80x128xf32, #tpu.memory_space<vmem>>, vector<1x16xf32>,
          %swap3A_228 = vector.shape_cast %swap3A_227 : vector<1x16xf32> to vector<16xf32>
          %swap3A_229 = vector.shape_cast %max3A_224 : vector<16xf32> to vector<1x16xf32>
          tpu.vector_store %arg17[%swap3A_225, %swap3A_226], %swap3A_229 {strides = array<i32>} : memref<80x128xf32, #tpu.memory_space<vmem>>, vector<1x16xf32>,
          %get3A_230 = arith.index_cast %scan3A_130 : i32 to index
          %get3A_231 = arith.constant 96 : index
          %get3A_232 = tpu.vector_load %arg17[%get3A_230, %get3A_231] {strides = array<i32>} : memref<80x128xf32, #tpu.memory_space<vmem>>, vector<1x16xf32>,
          %get3A_233 = vector.shape_cast %get3A_232 : vector<1x16xf32> to vector<16xf32>
          %get3A_234 = arith.index_cast %scan3A_130 : i32 to index
          %get3A_235 = arith.constant 96 : index
          %get3A_236 = tpu.vector_load %arg18[%get3A_234, %get3A_235] {strides = array<i32>} : memref<80x128xf32, #tpu.memory_space<vmem>>, vector<1x16xf32>,
          %get3A_237 = vector.shape_cast %get3A_236 : vector<1x16xf32> to vector<16xf32>
          %add3A_238 = arith.addf %get3A_233, %get3A_237 : vector<16xf32>
          %max3A_239 = arith.constant 0.000000e+00 : f32
          %max3A_240 = vector.broadcast %max3A_239 : f32 to vector<16xf32>
          %max3A_241 = arith.maximumf %add3A_238, %max3A_240 : vector<16xf32>
          %swap3A_242 = arith.index_cast %scan3A_130 : i32 to index
          %swap3A_243 = arith.constant 96 : index
          %swap3A_244 = tpu.vector_load %arg17[%swap3A_242, %swap3A_243] {strides = array<i32>} : memref<80x128xf32, #tpu.memory_space<vmem>>, vector<1x16xf32>,
          %swap3A_245 = vector.shape_cast %swap3A_244 : vector<1x16xf32> to vector<16xf32>
          %swap3A_246 = vector.shape_cast %max3A_241 : vector<16xf32> to vector<1x16xf32>
          tpu.vector_store %arg17[%swap3A_242, %swap3A_243], %swap3A_246 {strides = array<i32>} : memref<80x128xf32, #tpu.memory_space<vmem>>, vector<1x16xf32>,
          %get3A_247 = arith.index_cast %scan3A_130 : i32 to index
          %get3A_248 = arith.constant 112 : index
          %get3A_249 = tpu.vector_load %arg17[%get3A_247, %get3A_248] {strides = array<i32>} : memref<80x128xf32, #tpu.memory_space<vmem>>, vector<1x16xf32>,
          %get3A_250 = vector.shape_cast %get3A_249 : vector<1x16xf32> to vector<16xf32>
          %get3A_251 = arith.index_cast %scan3A_130 : i32 to index
          %get3A_252 = arith.constant 112 : index
          %get3A_253 = tpu.vector_load %arg18[%get3A_251, %get3A_252] {strides = array<i32>} : memref<80x128xf32, #tpu.memory_space<vmem>>, vector<1x16xf32>,
          %get3A_254 = vector.shape_cast %get3A_253 : vector<1x16xf32> to vector<16xf32>
          %add3A_255 = arith.addf %get3A_250, %get3A_254 : vector<16xf32>
          %max3A_256 = arith.constant 0.000000e+00 : f32
          %max3A_257 = vector.broadcast %max3A_256 : f32 to vector<16xf32>
          %max3A_258 = arith.maximumf %add3A_255, %max3A_257 : vector<16xf32>
          %swap3A_259 = arith.index_cast %scan3A_130 : i32 to index
          %swap3A_260 = arith.constant 112 : index
          %swap3A_261 = tpu.vector_load %arg17[%swap3A_259, %swap3A_260] {strides = array<i32>} : memref<80x128xf32, #tpu.memory_space<vmem>>, vector<1x16xf32>,
          %swap3A_262 = vector.shape_cast %swap3A_261 : vector<1x16xf32> to vector<16xf32>
          %swap3A_263 = vector.shape_cast %max3A_258 : vector<16xf32> to vector<1x16xf32>
          tpu.vector_store %arg17[%swap3A_259, %swap3A_260], %swap3A_263 {strides = array<i32>} : memref<80x128xf32, #tpu.memory_space<vmem>>, vector<1x16xf32>,
        }
        %scan3A_129 = arith.constant 80 : i32
        "tpu.region"() ({
          %run_scoped3A = tpu.sem_alloc : memref<!tpu.dma_semaphore, #tpu.memory_space<semaphore_mem>>
          %dma_start3A_130 = arith.constant 0 : i32
          %dma_start3A_131 = arith.constant 0 : i32
          %dma_start3A_132 = tpu.memref_slice %arg8[%dma_start3A_130, %dma_start3A_131] : memref<10240x128xf32, #tpu.memory_space<vmem_shared>> -> memref<10240x128xf32, #tpu.memory_space<vmem_shared>>
          tpu.enqueue_indirect_dma source(%arg17 : memref<80x128xf32, #tpu.memory_space<vmem>>) target(%dma_start3A_132 : memref<10240x128xf32, #tpu.memory_space<vmem_shared>>) offsets(%arg13 : memref<80xi32, #tpu.memory_space<vmem>>) semaphore(%run_scoped3A : memref<!tpu.dma_semaphore, #tpu.memory_space<semaphore_mem>>) {add = true}
          %dma_wait3A_133 = arith.constant 0 : i32
          %dma_wait3A_134 = arith.constant 0 : i32
          %dma_wait3A_135 = tpu.memref_slice %arg8[%dma_wait3A_133, %dma_wait3A_134] : memref<10240x128xf32, #tpu.memory_space<vmem_shared>> -> memref<10240x128xf32, #tpu.memory_space<vmem_shared>>
          tpu.wait_indirect_dma semaphore(%run_scoped3A : memref<!tpu.dma_semaphore, #tpu.memory_space<semaphore_mem>>) src(%arg17 : memref<80x128xf32, #tpu.memory_space<vmem>>) dst(%dma_wait3A_135 : memref<10240x128xf32, #tpu.memory_space<vmem_shared>>)
          tpu.yield
        }) : () -> ()
      } else {
      }
    }
    %scan3A_52 = arith.constant 63 : i32
    %barrier3A_53 = arith.constant 0 : index
    tpu.barrier barrier_id(%barrier3A_53)
    %mul3A_54 = arith.constant 640 : i32
    %mul3A_55 = arith.muli %arg1, %mul3A_54 : i32
    %add3A_56 = arith.constant 0 : i32
    %add3A_57 = arith.addi %mul3A_55, %add3A_56 : i32
    "tpu.region"() ({
      %run_scoped3A = tpu.sem_alloc : memref<!tpu.dma_semaphore, #tpu.memory_space<semaphore_mem>>
      %dma_start3A_86 = arith.constant 0 : i32
      %dma_start3A_87 = tpu.memref_slice %arg7[%arg0, %add3A_57, %dma_start3A_86] : memref<2x10240x128xf32, #tpu.memory_space<hbm>> -> memref<1x80x128xf32, #tpu.memory_space<hbm>>
      %dma_start3A_88 = tpu.memref_squeeze %dma_start3A_87 : memref<1x80x128xf32, #tpu.memory_space<hbm>> -> memref<80x128xf32, #tpu.memory_space<hbm>>
      %dma_start3A_89 = arith.constant 0 : i32
      %dma_start3A_90 = tpu.memref_slice %arg8[%add3A_57, %dma_start3A_89] : memref<10240x128xf32, #tpu.memory_space<vmem_shared>> -> memref<80x128xf32, #tpu.memory_space<vmem_shared>>
      tpu.enqueue_dma source(%dma_start3A_90 : memref<80x128xf32, #tpu.memory_space<vmem_shared>>) target(%dma_start3A_88 : memref<80x128xf32, #tpu.memory_space<hbm>>) target_semaphore(%run_scoped3A : memref<!tpu.dma_semaphore, #tpu.memory_space<semaphore_mem>>)
      %dma_wait3A = arith.constant 0 : i32
      %dma_wait3A_91 = tpu.memref_slice %arg7[%arg0, %add3A_57, %dma_wait3A] : memref<2x10240x128xf32, #tpu.memory_space<hbm>> -> memref<1x80x128xf32, #tpu.memory_space<hbm>>
      %dma_wait3A_92 = tpu.memref_squeeze %dma_wait3A_91 : memref<1x80x128xf32, #tpu.memory_space<hbm>> -> memref<80x128xf32, #tpu.memory_space<hbm>>
      %dma_wait3A_93 = arith.constant 0 : i32
      %dma_wait3A_94 = tpu.memref_slice %arg8[%add3A_57, %dma_wait3A_93] : memref<10240x128xf32, #tpu.memory_space<vmem_shared>> -> memref<80x128xf32, #tpu.memory_space<vmem_shared>>
      tpu.wait_dma2 semaphore(%run_scoped3A : memref<!tpu.dma_semaphore, #tpu.memory_space<semaphore_mem>>) src(%dma_wait3A_94 : memref<80x128xf32, #tpu.memory_space<vmem_shared>>) dst(%dma_wait3A_92 : memref<80x128xf32, #tpu.memory_space<hbm>>)
      tpu.yield
    }) : () -> ()
    %mul3A_58 = arith.constant 640 : i32
    %mul3A_59 = arith.muli %arg1, %mul3A_58 : i32
    %add3A_60 = arith.constant 80 : i32
    %add3A_61 = arith.addi %mul3A_59, %add3A_60 : i32
    "tpu.region"() ({
      %run_scoped3A = tpu.sem_alloc : memref<!tpu.dma_semaphore, #tpu.memory_space<semaphore_mem>>
      %dma_start3A_86 = arith.constant 0 : i32
      %dma_start3A_87 = tpu.memref_slice %arg7[%arg0, %add3A_61, %dma_start3A_86] : memref<2x10240x128xf32, #tpu.memory_space<hbm>> -> memref<1x80x128xf32, #tpu.memory_space<hbm>>
      %dma_start3A_88 = tpu.memref_squeeze %dma_start3A_87 : memref<1x80x128xf32, #tpu.memory_space<hbm>> -> memref<80x128xf32, #tpu.memory_space<hbm>>
      %dma_start3A_89 = arith.constant 0 : i32
      %dma_start3A_90 = tpu.memref_slice %arg8[%add3A_61, %dma_start3A_89] : memref<10240x128xf32, #tpu.memory_space<vmem_shared>> -> memref<80x128xf32, #tpu.memory_space<vmem_shared>>
      tpu.enqueue_dma source(%dma_start3A_90 : memref<80x128xf32, #tpu.memory_space<vmem_shared>>) target(%dma_start3A_88 : memref<80x128xf32, #tpu.memory_space<hbm>>) target_semaphore(%run_scoped3A : memref<!tpu.dma_semaphore, #tpu.memory_space<semaphore_mem>>)
      %dma_wait3A = arith.constant 0 : i32
      %dma_wait3A_91 = tpu.memref_slice %arg7[%arg0, %add3A_61, %dma_wait3A] : memref<2x10240x128xf32, #tpu.memory_space<hbm>> -> memref<1x80x128xf32, #tpu.memory_space<hbm>>
      %dma_wait3A_92 = tpu.memref_squeeze %dma_wait3A_91 : memref<1x80x128xf32, #tpu.memory_space<hbm>> -> memref<80x128xf32, #tpu.memory_space<hbm>>
      %dma_wait3A_93 = arith.constant 0 : i32
      %dma_wait3A_94 = tpu.memref_slice %arg8[%add3A_61, %dma_wait3A_93] : memref<10240x128xf32, #tpu.memory_space<vmem_shared>> -> memref<80x128xf32, #tpu.memory_space<vmem_shared>>
      tpu.wait_dma2 semaphore(%run_scoped3A : memref<!tpu.dma_semaphore, #tpu.memory_space<semaphore_mem>>) src(%dma_wait3A_94 : memref<80x128xf32, #tpu.memory_space<vmem_shared>>) dst(%dma_wait3A_92 : memref<80x128xf32, #tpu.memory_space<hbm>>)
      tpu.yield
    }) : () -> ()
    %mul3A_62 = arith.constant 640 : i32
    %mul3A_63 = arith.muli %arg1, %mul3A_62 : i32
    %add3A_64 = arith.constant 160 : i32
    %add3A_65 = arith.addi %mul3A_63, %add3A_64 : i32
    "tpu.region"() ({
      %run_scoped3A = tpu.sem_alloc : memref<!tpu.dma_semaphore, #tpu.memory_space<semaphore_mem>>
      %dma_start3A_86 = arith.constant 0 : i32
      %dma_start3A_87 = tpu.memref_slice %arg7[%arg0, %add3A_65, %dma_start3A_86] : memref<2x10240x128xf32, #tpu.memory_space<hbm>> -> memref<1x80x128xf32, #tpu.memory_space<hbm>>
      %dma_start3A_88 = tpu.memref_squeeze %dma_start3A_87 : memref<1x80x128xf32, #tpu.memory_space<hbm>> -> memref<80x128xf32, #tpu.memory_space<hbm>>
      %dma_start3A_89 = arith.constant 0 : i32
      %dma_start3A_90 = tpu.memref_slice %arg8[%add3A_65, %dma_start3A_89] : memref<10240x128xf32, #tpu.memory_space<vmem_shared>> -> memref<80x128xf32, #tpu.memory_space<vmem_shared>>
      tpu.enqueue_dma source(%dma_start3A_90 : memref<80x128xf32, #tpu.memory_space<vmem_shared>>) target(%dma_start3A_88 : memref<80x128xf32, #tpu.memory_space<hbm>>) target_semaphore(%run_scoped3A : memref<!tpu.dma_semaphore, #tpu.memory_space<semaphore_mem>>)
      %dma_wait3A = arith.constant 0 : i32
      %dma_wait3A_91 = tpu.memref_slice %arg7[%arg0, %add3A_65, %dma_wait3A] : memref<2x10240x128xf32, #tpu.memory_space<hbm>> -> memref<1x80x128xf32, #tpu.memory_space<hbm>>
      %dma_wait3A_92 = tpu.memref_squeeze %dma_wait3A_91 : memref<1x80x128xf32, #tpu.memory_space<hbm>> -> memref<80x128xf32, #tpu.memory_space<hbm>>
      %dma_wait3A_93 = arith.constant 0 : i32
      %dma_wait3A_94 = tpu.memref_slice %arg8[%add3A_65, %dma_wait3A_93] : memref<10240x128xf32, #tpu.memory_space<vmem_shared>> -> memref<80x128xf32, #tpu.memory_space<vmem_shared>>
      tpu.wait_dma2 semaphore(%run_scoped3A : memref<!tpu.dma_semaphore, #tpu.memory_space<semaphore_mem>>) src(%dma_wait3A_94 : memref<80x128xf32, #tpu.memory_space<vmem_shared>>) dst(%dma_wait3A_92 : memref<80x128xf32, #tpu.memory_space<hbm>>)
      tpu.yield
    }) : () -> ()
    %mul3A_66 = arith.constant 640 : i32
    %mul3A_67 = arith.muli %arg1, %mul3A_66 : i32
    %add3A_68 = arith.constant 240 : i32
    %add3A_69 = arith.addi %mul3A_67, %add3A_68 : i32
    "tpu.region"() ({
      %run_scoped3A = tpu.sem_alloc : memref<!tpu.dma_semaphore, #tpu.memory_space<semaphore_mem>>
      %dma_start3A_86 = arith.constant 0 : i32
      %dma_start3A_87 = tpu.memref_slice %arg7[%arg0, %add3A_69, %dma_start3A_86] : memref<2x10240x128xf32, #tpu.memory_space<hbm>> -> memref<1x80x128xf32, #tpu.memory_space<hbm>>
      %dma_start3A_88 = tpu.memref_squeeze %dma_start3A_87 : memref<1x80x128xf32, #tpu.memory_space<hbm>> -> memref<80x128xf32, #tpu.memory_space<hbm>>
      %dma_start3A_89 = arith.constant 0 : i32
      %dma_start3A_90 = tpu.memref_slice %arg8[%add3A_69, %dma_start3A_89] : memref<10240x128xf32, #tpu.memory_space<vmem_shared>> -> memref<80x128xf32, #tpu.memory_space<vmem_shared>>
      tpu.enqueue_dma source(%dma_start3A_90 : memref<80x128xf32, #tpu.memory_space<vmem_shared>>) target(%dma_start3A_88 : memref<80x128xf32, #tpu.memory_space<hbm>>) target_semaphore(%run_scoped3A : memref<!tpu.dma_semaphore, #tpu.memory_space<semaphore_mem>>)
      %dma_wait3A = arith.constant 0 : i32
      %dma_wait3A_91 = tpu.memref_slice %arg7[%arg0, %add3A_69, %dma_wait3A] : memref<2x10240x128xf32, #tpu.memory_space<hbm>> -> memref<1x80x128xf32, #tpu.memory_space<hbm>>
      %dma_wait3A_92 = tpu.memref_squeeze %dma_wait3A_91 : memref<1x80x128xf32, #tpu.memory_space<hbm>> -> memref<80x128xf32, #tpu.memory_space<hbm>>
      %dma_wait3A_93 = arith.constant 0 : i32
      %dma_wait3A_94 = tpu.memref_slice %arg8[%add3A_69, %dma_wait3A_93] : memref<10240x128xf32, #tpu.memory_space<vmem_shared>> -> memref<80x128xf32, #tpu.memory_space<vmem_shared>>
      tpu.wait_dma2 semaphore(%run_scoped3A : memref<!tpu.dma_semaphore, #tpu.memory_space<semaphore_mem>>) src(%dma_wait3A_94 : memref<80x128xf32, #tpu.memory_space<vmem_shared>>) dst(%dma_wait3A_92 : memref<80x128xf32, #tpu.memory_space<hbm>>)
      tpu.yield
    }) : () -> ()
    %mul3A_70 = arith.constant 640 : i32
    %mul3A_71 = arith.muli %arg1, %mul3A_70 : i32
    %add3A_72 = arith.constant 320 : i32
    %add3A_73 = arith.addi %mul3A_71, %add3A_72 : i32
    "tpu.region"() ({
      %run_scoped3A = tpu.sem_alloc : memref<!tpu.dma_semaphore, #tpu.memory_space<semaphore_mem>>
      %dma_start3A_86 = arith.constant 0 : i32
      %dma_start3A_87 = tpu.memref_slice %arg7[%arg0, %add3A_73, %dma_start3A_86] : memref<2x10240x128xf32, #tpu.memory_space<hbm>> -> memref<1x80x128xf32, #tpu.memory_space<hbm>>
      %dma_start3A_88 = tpu.memref_squeeze %dma_start3A_87 : memref<1x80x128xf32, #tpu.memory_space<hbm>> -> memref<80x128xf32, #tpu.memory_space<hbm>>
      %dma_start3A_89 = arith.constant 0 : i32
      %dma_start3A_90 = tpu.memref_slice %arg8[%add3A_73, %dma_start3A_89] : memref<10240x128xf32, #tpu.memory_space<vmem_shared>> -> memref<80x128xf32, #tpu.memory_space<vmem_shared>>
      tpu.enqueue_dma source(%dma_start3A_90 : memref<80x128xf32, #tpu.memory_space<vmem_shared>>) target(%dma_start3A_88 : memref<80x128xf32, #tpu.memory_space<hbm>>) target_semaphore(%run_scoped3A : memref<!tpu.dma_semaphore, #tpu.memory_space<semaphore_mem>>)
      %dma_wait3A = arith.constant 0 : i32
      %dma_wait3A_91 = tpu.memref_slice %arg7[%arg0, %add3A_73, %dma_wait3A] : memref<2x10240x128xf32, #tpu.memory_space<hbm>> -> memref<1x80x128xf32, #tpu.memory_space<hbm>>
      %dma_wait3A_92 = tpu.memref_squeeze %dma_wait3A_91 : memref<1x80x128xf32, #tpu.memory_space<hbm>> -> memref<80x128xf32, #tpu.memory_space<hbm>>
      %dma_wait3A_93 = arith.constant 0 : i32
      %dma_wait3A_94 = tpu.memref_slice %arg8[%add3A_73, %dma_wait3A_93] : memref<10240x128xf32, #tpu.memory_space<vmem_shared>> -> memref<80x128xf32, #tpu.memory_space<vmem_shared>>
      tpu.wait_dma2 semaphore(%run_scoped3A : memref<!tpu.dma_semaphore, #tpu.memory_space<semaphore_mem>>) src(%dma_wait3A_94 : memref<80x128xf32, #tpu.memory_space<vmem_shared>>) dst(%dma_wait3A_92 : memref<80x128xf32, #tpu.memory_space<hbm>>)
      tpu.yield
    }) : () -> ()
    %mul3A_74 = arith.constant 640 : i32
    %mul3A_75 = arith.muli %arg1, %mul3A_74 : i32
    %add3A_76 = arith.constant 400 : i32
    %add3A_77 = arith.addi %mul3A_75, %add3A_76 : i32
    "tpu.region"() ({
      %run_scoped3A = tpu.sem_alloc : memref<!tpu.dma_semaphore, #tpu.memory_space<semaphore_mem>>
      %dma_start3A_86 = arith.constant 0 : i32
      %dma_start3A_87 = tpu.memref_slice %arg7[%arg0, %add3A_77, %dma_start3A_86] : memref<2x10240x128xf32, #tpu.memory_space<hbm>> -> memref<1x80x128xf32, #tpu.memory_space<hbm>>
      %dma_start3A_88 = tpu.memref_squeeze %dma_start3A_87 : memref<1x80x128xf32, #tpu.memory_space<hbm>> -> memref<80x128xf32, #tpu.memory_space<hbm>>
      %dma_start3A_89 = arith.constant 0 : i32
      %dma_start3A_90 = tpu.memref_slice %arg8[%add3A_77, %dma_start3A_89] : memref<10240x128xf32, #tpu.memory_space<vmem_shared>> -> memref<80x128xf32, #tpu.memory_space<vmem_shared>>
      tpu.enqueue_dma source(%dma_start3A_90 : memref<80x128xf32, #tpu.memory_space<vmem_shared>>) target(%dma_start3A_88 : memref<80x128xf32, #tpu.memory_space<hbm>>) target_semaphore(%run_scoped3A : memref<!tpu.dma_semaphore, #tpu.memory_space<semaphore_mem>>)
      %dma_wait3A = arith.constant 0 : i32
      %dma_wait3A_91 = tpu.memref_slice %arg7[%arg0, %add3A_77, %dma_wait3A] : memref<2x10240x128xf32, #tpu.memory_space<hbm>> -> memref<1x80x128xf32, #tpu.memory_space<hbm>>
      %dma_wait3A_92 = tpu.memref_squeeze %dma_wait3A_91 : memref<1x80x128xf32, #tpu.memory_space<hbm>> -> memref<80x128xf32, #tpu.memory_space<hbm>>
      %dma_wait3A_93 = arith.constant 0 : i32
      %dma_wait3A_94 = tpu.memref_slice %arg8[%add3A_77, %dma_wait3A_93] : memref<10240x128xf32, #tpu.memory_space<vmem_shared>> -> memref<80x128xf32, #tpu.memory_space<vmem_shared>>
      tpu.wait_dma2 semaphore(%run_scoped3A : memref<!tpu.dma_semaphore, #tpu.memory_space<semaphore_mem>>) src(%dma_wait3A_94 : memref<80x128xf32, #tpu.memory_space<vmem_shared>>) dst(%dma_wait3A_92 : memref<80x128xf32, #tpu.memory_space<hbm>>)
      tpu.yield
    }) : () -> ()
    %mul3A_78 = arith.constant 640 : i32
    %mul3A_79 = arith.muli %arg1, %mul3A_78 : i32
    %add3A_80 = arith.constant 480 : i32
    %add3A_81 = arith.addi %mul3A_79, %add3A_80 : i32
    "tpu.region"() ({
      %run_scoped3A = tpu.sem_alloc : memref<!tpu.dma_semaphore, #tpu.memory_space<semaphore_mem>>
      %dma_start3A_86 = arith.constant 0 : i32
      %dma_start3A_87 = tpu.memref_slice %arg7[%arg0, %add3A_81, %dma_start3A_86] : memref<2x10240x128xf32, #tpu.memory_space<hbm>> -> memref<1x80x128xf32, #tpu.memory_space<hbm>>
      %dma_start3A_88 = tpu.memref_squeeze %dma_start3A_87 : memref<1x80x128xf32, #tpu.memory_space<hbm>> -> memref<80x128xf32, #tpu.memory_space<hbm>>
      %dma_start3A_89 = arith.constant 0 : i32
      %dma_start3A_90 = tpu.memref_slice %arg8[%add3A_81, %dma_start3A_89] : memref<10240x128xf32, #tpu.memory_space<vmem_shared>> -> memref<80x128xf32, #tpu.memory_space<vmem_shared>>
      tpu.enqueue_dma source(%dma_start3A_90 : memref<80x128xf32, #tpu.memory_space<vmem_shared>>) target(%dma_start3A_88 : memref<80x128xf32, #tpu.memory_space<hbm>>) target_semaphore(%run_scoped3A : memref<!tpu.dma_semaphore, #tpu.memory_space<semaphore_mem>>)
      %dma_wait3A = arith.constant 0 : i32
      %dma_wait3A_91 = tpu.memref_slice %arg7[%arg0, %add3A_81, %dma_wait3A] : memref<2x10240x128xf32, #tpu.memory_space<hbm>> -> memref<1x80x128xf32, #tpu.memory_space<hbm>>
      %dma_wait3A_92 = tpu.memref_squeeze %dma_wait3A_91 : memref<1x80x128xf32, #tpu.memory_space<hbm>> -> memref<80x128xf32, #tpu.memory_space<hbm>>
      %dma_wait3A_93 = arith.constant 0 : i32
      %dma_wait3A_94 = tpu.memref_slice %arg8[%add3A_81, %dma_wait3A_93] : memref<10240x128xf32, #tpu.memory_space<vmem_shared>> -> memref<80x128xf32, #tpu.memory_space<vmem_shared>>
      tpu.wait_dma2 semaphore(%run_scoped3A : memref<!tpu.dma_semaphore, #tpu.memory_space<semaphore_mem>>) src(%dma_wait3A_94 : memref<80x128xf32, #tpu.memory_space<vmem_shared>>) dst(%dma_wait3A_92 : memref<80x128xf32, #tpu.memory_space<hbm>>)
      tpu.yield
    }) : () -> ()
    %mul3A_82 = arith.constant 640 : i32
    %mul3A_83 = arith.muli %arg1, %mul3A_82 : i32
    %add3A_84 = arith.constant 560 : i32
    %add3A_85 = arith.addi %mul3A_83, %add3A_84 : i32
    "tpu.region"() ({
      %run_scoped3A = tpu.sem_alloc : memref<!tpu.dma_semaphore, #tpu.memory_space<semaphore_mem>>
      %dma_start3A_86 = arith.constant 0 : i32
      %dma_start3A_87 = tpu.memref_slice %arg7[%arg0, %add3A_85, %dma_start3A_86] : memref<2x10240x128xf32, #tpu.memory_space<hbm>> -> memref<1x80x128xf32, #tpu.memory_space<hbm>>
      %dma_start3A_88 = tpu.memref_squeeze %dma_start3A_87 : memref<1x80x128xf32, #tpu.memory_space<hbm>> -> memref<80x128xf32, #tpu.memory_space<hbm>>
      %dma_start3A_89 = arith.constant 0 : i32
      %dma_start3A_90 = tpu.memref_slice %arg8[%add3A_85, %dma_start3A_89] : memref<10240x128xf32, #tpu.memory_space<vmem_shared>> -> memref<80x128xf32, #tpu.memory_space<vmem_shared>>
      tpu.enqueue_dma source(%dma_start3A_90 : memref<80x128xf32, #tpu.memory_space<vmem_shared>>) target(%dma_start3A_88 : memref<80x128xf32, #tpu.memory_space<hbm>>) target_semaphore(%run_scoped3A : memref<!tpu.dma_semaphore, #tpu.memory_space<semaphore_mem>>)
      %dma_wait3A = arith.constant 0 : i32
      %dma_wait3A_91 = tpu.memref_slice %arg7[%arg0, %add3A_85, %dma_wait3A] : memref<2x10240x128xf32, #tpu.memory_space<hbm>> -> memref<1x80x128xf32, #tpu.memory_space<hbm>>
      %dma_wait3A_92 = tpu.memref_squeeze %dma_wait3A_91 : memref<1x80x128xf32, #tpu.memory_space<hbm>> -> memref<80x128xf32, #tpu.memory_space<hbm>>
      %dma_wait3A_93 = arith.constant 0 : i32
      %dma_wait3A_94 = tpu.memref_slice %arg8[%add3A_85, %dma_wait3A_93] : memref<10240x128xf32, #tpu.memory_space<vmem_shared>> -> memref<80x128xf32, #tpu.memory_space<vmem_shared>>
      tpu.wait_dma2 semaphore(%run_scoped3A : memref<!tpu.dma_semaphore, #tpu.memory_space<semaphore_mem>>) src(%dma_wait3A_94 : memref<80x128xf32, #tpu.memory_space<vmem_shared>>) dst(%dma_wait3A_92 : memref<80x128xf32, #tpu.memory_space<hbm>>)
      tpu.yield
    }) : () -> ()
    return
  }
}

#map = affine_map<(d0, d1) -> (0, 0)>
#map1 = affine_map<(d0, d1) -> (0)>
#map2 = affine_map<(d0, d1) -> (0, 0, 0)>
module attributes {stable_mosaic.version = 14 : i64} {
  func.func @_edge_body(%arg0: i32, %arg1: i32, %arg2: memref<10240x128xf32, #tpu.memory_space<hbm>>, %arg3: memref<512x128xf32, #tpu.memory_space<hbm>>, %arg4: memref<320000xi32, #tpu.memory_space<hbm>>, %arg5: memref<320000xi32, #tpu.memory_space<hbm>>, %arg6: memref<320000xi32, #tpu.memory_space<hbm>>, %arg7: memref<2x10240x128xf32, #tpu.memory_space<hbm>>, %arg8: memref<10240x128xf32, #tpu.memory_space<vmem_shared>>, %arg9: memref<80xi32, #tpu.memory_space<vmem>>, %arg10: memref<80xi32, #tpu.memory_space<vmem>>, %arg11: memref<80xi32, #tpu.memory_space<vmem>>, %arg12: memref<80xi32, #tpu.memory_space<vmem>>, %arg13: memref<80xi32, #tpu.memory_space<vmem>>, %arg14: memref<80xi32, #tpu.memory_space<vmem>>, %arg15: memref<80x128xf32, #tpu.memory_space<vmem>>, %arg16: memref<80x128xf32, #tpu.memory_space<vmem>>, %arg17: memref<80x128xf32, #tpu.memory_space<vmem>>, %arg18: memref<80x128xf32, #tpu.memory_space<vmem>>, %arg19: memref<!tpu.dma_semaphore, #tpu.memory_space<semaphore_mem>>, %arg20: memref<!tpu.dma_semaphore, #tpu.memory_space<semaphore_mem>>) attributes {dimension_semantics = [#tpu.dimension_semantics<core_parallel>, #tpu.dimension_semantics<subcore_parallel>], iteration_bounds = array<i64: 2, 16>, scalar_prefetch = 0 : i64, scratch_operands = 13 : i64, tpu.core_type = #tpu.core_type<sc_vector_subcore>, window_params = [{transform_indices = #map}, {transform_indices = #map}, {transform_indices = #map1}, {transform_indices = #map1}, {transform_indices = #map1}, {transform_indices = #map2}]} {
    %mul3A = arith.constant 2 : i32
    %mul3A_0 = arith.muli %arg1, %mul3A : i32
    %add3A = arith.addi %mul3A_0, %arg0 : i32
    %scan3A = arith.constant 0 : i32
    %scan3A_1 = arith.constant 0 : i32
    %scan3A_2 = arith.constant 80 : i32
    %scan3A_3 = arith.addi %scan3A_1, %scan3A_2 : i32
    %scan3A_4 = arith.constant 1 : i32
    scf.for %scan3A_86 = %scan3A_1 to %scan3A_3 step %scan3A_4  : i32 {
      %broadcast_in_dim3A = arith.constant 0.000000e+00 : f32
      %broadcast_in_dim3A_87 = vector.broadcast %broadcast_in_dim3A : f32 to vector<16xf32>
      %swap3A = arith.index_cast %scan3A_86 : i32 to index
      %swap3A_88 = arith.constant 0 : index
      %swap3A_89 = tpu.vector_load %arg15[%swap3A, %swap3A_88] {strides = array<i32>} : memref<80x128xf32, #tpu.memory_space<vmem>>, vector<1x16xf32>,
      %swap3A_90 = vector.shape_cast %swap3A_89 : vector<1x16xf32> to vector<16xf32>
      %swap3A_91 = vector.shape_cast %broadcast_in_dim3A_87 : vector<16xf32> to vector<1x16xf32>
      tpu.vector_store %arg15[%swap3A, %swap3A_88], %swap3A_91 {strides = array<i32>} : memref<80x128xf32, #tpu.memory_space<vmem>>, vector<1x16xf32>,
      %broadcast_in_dim3A_92 = arith.constant 0.000000e+00 : f32
      %broadcast_in_dim3A_93 = vector.broadcast %broadcast_in_dim3A_92 : f32 to vector<16xf32>
      %swap3A_94 = arith.index_cast %scan3A_86 : i32 to index
      %swap3A_95 = arith.constant 16 : index
      %swap3A_96 = tpu.vector_load %arg15[%swap3A_94, %swap3A_95] {strides = array<i32>} : memref<80x128xf32, #tpu.memory_space<vmem>>, vector<1x16xf32>,
      %swap3A_97 = vector.shape_cast %swap3A_96 : vector<1x16xf32> to vector<16xf32>
      %swap3A_98 = vector.shape_cast %broadcast_in_dim3A_93 : vector<16xf32> to vector<1x16xf32>
      tpu.vector_store %arg15[%swap3A_94, %swap3A_95], %swap3A_98 {strides = array<i32>} : memref<80x128xf32, #tpu.memory_space<vmem>>, vector<1x16xf32>,
      %broadcast_in_dim3A_99 = arith.constant 0.000000e+00 : f32
      %broadcast_in_dim3A_100 = vector.broadcast %broadcast_in_dim3A_99 : f32 to vector<16xf32>
      %swap3A_101 = arith.index_cast %scan3A_86 : i32 to index
      %swap3A_102 = arith.constant 32 : index
      %swap3A_103 = tpu.vector_load %arg15[%swap3A_101, %swap3A_102] {strides = array<i32>} : memref<80x128xf32, #tpu.memory_space<vmem>>, vector<1x16xf32>,
      %swap3A_104 = vector.shape_cast %swap3A_103 : vector<1x16xf32> to vector<16xf32>
      %swap3A_105 = vector.shape_cast %broadcast_in_dim3A_100 : vector<16xf32> to vector<1x16xf32>
      tpu.vector_store %arg15[%swap3A_101, %swap3A_102], %swap3A_105 {strides = array<i32>} : memref<80x128xf32, #tpu.memory_space<vmem>>, vector<1x16xf32>,
      %broadcast_in_dim3A_106 = arith.constant 0.000000e+00 : f32
      %broadcast_in_dim3A_107 = vector.broadcast %broadcast_in_dim3A_106 : f32 to vector<16xf32>
      %swap3A_108 = arith.index_cast %scan3A_86 : i32 to index
      %swap3A_109 = arith.constant 48 : index
      %swap3A_110 = tpu.vector_load %arg15[%swap3A_108, %swap3A_109] {strides = array<i32>} : memref<80x128xf32, #tpu.memory_space<vmem>>, vector<1x16xf32>,
      %swap3A_111 = vector.shape_cast %swap3A_110 : vector<1x16xf32> to vector<16xf32>
      %swap3A_112 = vector.shape_cast %broadcast_in_dim3A_107 : vector<16xf32> to vector<1x16xf32>
      tpu.vector_store %arg15[%swap3A_108, %swap3A_109], %swap3A_112 {strides = array<i32>} : memref<80x128xf32, #tpu.memory_space<vmem>>, vector<1x16xf32>,
      %broadcast_in_dim3A_113 = arith.constant 0.000000e+00 : f32
      %broadcast_in_dim3A_114 = vector.broadcast %broadcast_in_dim3A_113 : f32 to vector<16xf32>
      %swap3A_115 = arith.index_cast %scan3A_86 : i32 to index
      %swap3A_116 = arith.constant 64 : index
      %swap3A_117 = tpu.vector_load %arg15[%swap3A_115, %swap3A_116] {strides = array<i32>} : memref<80x128xf32, #tpu.memory_space<vmem>>, vector<1x16xf32>,
      %swap3A_118 = vector.shape_cast %swap3A_117 : vector<1x16xf32> to vector<16xf32>
      %swap3A_119 = vector.shape_cast %broadcast_in_dim3A_114 : vector<16xf32> to vector<1x16xf32>
      tpu.vector_store %arg15[%swap3A_115, %swap3A_116], %swap3A_119 {strides = array<i32>} : memref<80x128xf32, #tpu.memory_space<vmem>>, vector<1x16xf32>,
      %broadcast_in_dim3A_120 = arith.constant 0.000000e+00 : f32
      %broadcast_in_dim3A_121 = vector.broadcast %broadcast_in_dim3A_120 : f32 to vector<16xf32>
      %swap3A_122 = arith.index_cast %scan3A_86 : i32 to index
      %swap3A_123 = arith.constant 80 : index
      %swap3A_124 = tpu.vector_load %arg15[%swap3A_122, %swap3A_123] {strides = array<i32>} : memref<80x128xf32, #tpu.memory_space<vmem>>, vector<1x16xf32>,
      %swap3A_125 = vector.shape_cast %swap3A_124 : vector<1x16xf32> to vector<16xf32>
      %swap3A_126 = vector.shape_cast %broadcast_in_dim3A_121 : vector<16xf32> to vector<1x16xf32>
      tpu.vector_store %arg15[%swap3A_122, %swap3A_123], %swap3A_126 {strides = array<i32>} : memref<80x128xf32, #tpu.memory_space<vmem>>, vector<1x16xf32>,
      %broadcast_in_dim3A_127 = arith.constant 0.000000e+00 : f32
      %broadcast_in_dim3A_128 = vector.broadcast %broadcast_in_dim3A_127 : f32 to vector<16xf32>
      %swap3A_129 = arith.index_cast %scan3A_86 : i32 to index
      %swap3A_130 = arith.constant 96 : index
      %swap3A_131 = tpu.vector_load %arg15[%swap3A_129, %swap3A_130] {strides = array<i32>} : memref<80x128xf32, #tpu.memory_space<vmem>>, vector<1x16xf32>,
      %swap3A_132 = vector.shape_cast %swap3A_131 : vector<1x16xf32> to vector<16xf32>
      %swap3A_133 = vector.shape_cast %broadcast_in_dim3A_128 : vector<16xf32> to vector<1x16xf32>
      tpu.vector_store %arg15[%swap3A_129, %swap3A_130], %swap3A_133 {strides = array<i32>} : memref<80x128xf32, #tpu.memory_space<vmem>>, vector<1x16xf32>,
      %broadcast_in_dim3A_134 = arith.constant 0.000000e+00 : f32
      %broadcast_in_dim3A_135 = vector.broadcast %broadcast_in_dim3A_134 : f32 to vector<16xf32>
      %swap3A_136 = arith.index_cast %scan3A_86 : i32 to index
      %swap3A_137 = arith.constant 112 : index
      %swap3A_138 = tpu.vector_load %arg15[%swap3A_136, %swap3A_137] {strides = array<i32>} : memref<80x128xf32, #tpu.memory_space<vmem>>, vector<1x16xf32>,
      %swap3A_139 = vector.shape_cast %swap3A_138 : vector<1x16xf32> to vector<16xf32>
      %swap3A_140 = vector.shape_cast %broadcast_in_dim3A_135 : vector<16xf32> to vector<1x16xf32>
      tpu.vector_store %arg15[%swap3A_136, %swap3A_137], %swap3A_140 {strides = array<i32>} : memref<80x128xf32, #tpu.memory_space<vmem>>, vector<1x16xf32>,
    }
    %scan3A_5 = arith.constant 80 : i32
    %mul3A_6 = arith.constant 640 : i32
    %mul3A_7 = arith.muli %arg1, %mul3A_6 : i32
    %add3A_8 = arith.constant 0 : i32
    %add3A_9 = arith.addi %mul3A_7, %add3A_8 : i32
    "tpu.region"() ({
      %run_scoped3A = tpu.sem_alloc : memref<!tpu.dma_semaphore, #tpu.memory_space<semaphore_mem>>
      %dma_start3A_86 = arith.constant 0 : i32
      %dma_start3A_87 = tpu.memref_slice %arg8[%add3A_9, %dma_start3A_86] : memref<10240x128xf32, #tpu.memory_space<vmem_shared>> -> memref<80x128xf32, #tpu.memory_space<vmem_shared>>
      %dma_start3A_88 = arith.constant 0 : i32
      %dma_start3A_89 = tpu.memref_slice %arg8[%add3A_9, %dma_start3A_88] : memref<10240x128xf32, #tpu.memory_space<vmem_shared>> -> memref<80x128xf32, #tpu.memory_space<vmem_shared>>
      tpu.enqueue_dma source(%arg15 : memref<80x128xf32, #tpu.memory_space<vmem>>) target(%dma_start3A_89 : memref<80x128xf32, #tpu.memory_space<vmem_shared>>) target_semaphore(%run_scoped3A : memref<!tpu.dma_semaphore, #tpu.memory_space<semaphore_mem>>)
      %dma_wait3A = arith.constant 0 : i32
      %dma_wait3A_90 = tpu.memref_slice %arg8[%add3A_9, %dma_wait3A] : memref<10240x128xf32, #tpu.memory_space<vmem_shared>> -> memref<80x128xf32, #tpu.memory_space<vmem_shared>>
      %dma_wait3A_91 = arith.constant 0 : i32
      %dma_wait3A_92 = tpu.memref_slice %arg8[%add3A_9, %dma_wait3A_91] : memref<10240x128xf32, #tpu.memory_space<vmem_shared>> -> memref<80x128xf32, #tpu.memory_space<vmem_shared>>
      tpu.wait_dma2 semaphore(%run_scoped3A : memref<!tpu.dma_semaphore, #tpu.memory_space<semaphore_mem>>) src(%arg15 : memref<80x128xf32, #tpu.memory_space<vmem>>) dst(%dma_wait3A_92 : memref<80x128xf32, #tpu.memory_space<vmem_shared>>)
      tpu.yield
    }) : () -> ()
    %mul3A_10 = arith.constant 640 : i32
    %mul3A_11 = arith.muli %arg1, %mul3A_10 : i32
    %add3A_12 = arith.constant 80 : i32
    %add3A_13 = arith.addi %mul3A_11, %add3A_12 : i32
    "tpu.region"() ({
      %run_scoped3A = tpu.sem_alloc : memref<!tpu.dma_semaphore, #tpu.memory_space<semaphore_mem>>
      %dma_start3A_86 = arith.constant 0 : i32
      %dma_start3A_87 = tpu.memref_slice %arg8[%add3A_13, %dma_start3A_86] : memref<10240x128xf32, #tpu.memory_space<vmem_shared>> -> memref<80x128xf32, #tpu.memory_space<vmem_shared>>
      %dma_start3A_88 = arith.constant 0 : i32
      %dma_start3A_89 = tpu.memref_slice %arg8[%add3A_13, %dma_start3A_88] : memref<10240x128xf32, #tpu.memory_space<vmem_shared>> -> memref<80x128xf32, #tpu.memory_space<vmem_shared>>
      tpu.enqueue_dma source(%arg15 : memref<80x128xf32, #tpu.memory_space<vmem>>) target(%dma_start3A_89 : memref<80x128xf32, #tpu.memory_space<vmem_shared>>) target_semaphore(%run_scoped3A : memref<!tpu.dma_semaphore, #tpu.memory_space<semaphore_mem>>)
      %dma_wait3A = arith.constant 0 : i32
      %dma_wait3A_90 = tpu.memref_slice %arg8[%add3A_13, %dma_wait3A] : memref<10240x128xf32, #tpu.memory_space<vmem_shared>> -> memref<80x128xf32, #tpu.memory_space<vmem_shared>>
      %dma_wait3A_91 = arith.constant 0 : i32
      %dma_wait3A_92 = tpu.memref_slice %arg8[%add3A_13, %dma_wait3A_91] : memref<10240x128xf32, #tpu.memory_space<vmem_shared>> -> memref<80x128xf32, #tpu.memory_space<vmem_shared>>
      tpu.wait_dma2 semaphore(%run_scoped3A : memref<!tpu.dma_semaphore, #tpu.memory_space<semaphore_mem>>) src(%arg15 : memref<80x128xf32, #tpu.memory_space<vmem>>) dst(%dma_wait3A_92 : memref<80x128xf32, #tpu.memory_space<vmem_shared>>)
      tpu.yield
    }) : () -> ()
    %mul3A_14 = arith.constant 640 : i32
    %mul3A_15 = arith.muli %arg1, %mul3A_14 : i32
    %add3A_16 = arith.constant 160 : i32
    %add3A_17 = arith.addi %mul3A_15, %add3A_16 : i32
    "tpu.region"() ({
      %run_scoped3A = tpu.sem_alloc : memref<!tpu.dma_semaphore, #tpu.memory_space<semaphore_mem>>
      %dma_start3A_86 = arith.constant 0 : i32
      %dma_start3A_87 = tpu.memref_slice %arg8[%add3A_17, %dma_start3A_86] : memref<10240x128xf32, #tpu.memory_space<vmem_shared>> -> memref<80x128xf32, #tpu.memory_space<vmem_shared>>
      %dma_start3A_88 = arith.constant 0 : i32
      %dma_start3A_89 = tpu.memref_slice %arg8[%add3A_17, %dma_start3A_88] : memref<10240x128xf32, #tpu.memory_space<vmem_shared>> -> memref<80x128xf32, #tpu.memory_space<vmem_shared>>
      tpu.enqueue_dma source(%arg15 : memref<80x128xf32, #tpu.memory_space<vmem>>) target(%dma_start3A_89 : memref<80x128xf32, #tpu.memory_space<vmem_shared>>) target_semaphore(%run_scoped3A : memref<!tpu.dma_semaphore, #tpu.memory_space<semaphore_mem>>)
      %dma_wait3A = arith.constant 0 : i32
      %dma_wait3A_90 = tpu.memref_slice %arg8[%add3A_17, %dma_wait3A] : memref<10240x128xf32, #tpu.memory_space<vmem_shared>> -> memref<80x128xf32, #tpu.memory_space<vmem_shared>>
      %dma_wait3A_91 = arith.constant 0 : i32
      %dma_wait3A_92 = tpu.memref_slice %arg8[%add3A_17, %dma_wait3A_91] : memref<10240x128xf32, #tpu.memory_space<vmem_shared>> -> memref<80x128xf32, #tpu.memory_space<vmem_shared>>
      tpu.wait_dma2 semaphore(%run_scoped3A : memref<!tpu.dma_semaphore, #tpu.memory_space<semaphore_mem>>) src(%arg15 : memref<80x128xf32, #tpu.memory_space<vmem>>) dst(%dma_wait3A_92 : memref<80x128xf32, #tpu.memory_space<vmem_shared>>)
      tpu.yield
    }) : () -> ()
    %mul3A_18 = arith.constant 640 : i32
    %mul3A_19 = arith.muli %arg1, %mul3A_18 : i32
    %add3A_20 = arith.constant 240 : i32
    %add3A_21 = arith.addi %mul3A_19, %add3A_20 : i32
    "tpu.region"() ({
      %run_scoped3A = tpu.sem_alloc : memref<!tpu.dma_semaphore, #tpu.memory_space<semaphore_mem>>
      %dma_start3A_86 = arith.constant 0 : i32
      %dma_start3A_87 = tpu.memref_slice %arg8[%add3A_21, %dma_start3A_86] : memref<10240x128xf32, #tpu.memory_space<vmem_shared>> -> memref<80x128xf32, #tpu.memory_space<vmem_shared>>
      %dma_start3A_88 = arith.constant 0 : i32
      %dma_start3A_89 = tpu.memref_slice %arg8[%add3A_21, %dma_start3A_88] : memref<10240x128xf32, #tpu.memory_space<vmem_shared>> -> memref<80x128xf32, #tpu.memory_space<vmem_shared>>
      tpu.enqueue_dma source(%arg15 : memref<80x128xf32, #tpu.memory_space<vmem>>) target(%dma_start3A_89 : memref<80x128xf32, #tpu.memory_space<vmem_shared>>) target_semaphore(%run_scoped3A : memref<!tpu.dma_semaphore, #tpu.memory_space<semaphore_mem>>)
      %dma_wait3A = arith.constant 0 : i32
      %dma_wait3A_90 = tpu.memref_slice %arg8[%add3A_21, %dma_wait3A] : memref<10240x128xf32, #tpu.memory_space<vmem_shared>> -> memref<80x128xf32, #tpu.memory_space<vmem_shared>>
      %dma_wait3A_91 = arith.constant 0 : i32
      %dma_wait3A_92 = tpu.memref_slice %arg8[%add3A_21, %dma_wait3A_91] : memref<10240x128xf32, #tpu.memory_space<vmem_shared>> -> memref<80x128xf32, #tpu.memory_space<vmem_shared>>
      tpu.wait_dma2 semaphore(%run_scoped3A : memref<!tpu.dma_semaphore, #tpu.memory_space<semaphore_mem>>) src(%arg15 : memref<80x128xf32, #tpu.memory_space<vmem>>) dst(%dma_wait3A_92 : memref<80x128xf32, #tpu.memory_space<vmem_shared>>)
      tpu.yield
    }) : () -> ()
    %mul3A_22 = arith.constant 640 : i32
    %mul3A_23 = arith.muli %arg1, %mul3A_22 : i32
    %add3A_24 = arith.constant 320 : i32
    %add3A_25 = arith.addi %mul3A_23, %add3A_24 : i32
    "tpu.region"() ({
      %run_scoped3A = tpu.sem_alloc : memref<!tpu.dma_semaphore, #tpu.memory_space<semaphore_mem>>
      %dma_start3A_86 = arith.constant 0 : i32
      %dma_start3A_87 = tpu.memref_slice %arg8[%add3A_25, %dma_start3A_86] : memref<10240x128xf32, #tpu.memory_space<vmem_shared>> -> memref<80x128xf32, #tpu.memory_space<vmem_shared>>
      %dma_start3A_88 = arith.constant 0 : i32
      %dma_start3A_89 = tpu.memref_slice %arg8[%add3A_25, %dma_start3A_88] : memref<10240x128xf32, #tpu.memory_space<vmem_shared>> -> memref<80x128xf32, #tpu.memory_space<vmem_shared>>
      tpu.enqueue_dma source(%arg15 : memref<80x128xf32, #tpu.memory_space<vmem>>) target(%dma_start3A_89 : memref<80x128xf32, #tpu.memory_space<vmem_shared>>) target_semaphore(%run_scoped3A : memref<!tpu.dma_semaphore, #tpu.memory_space<semaphore_mem>>)
      %dma_wait3A = arith.constant 0 : i32
      %dma_wait3A_90 = tpu.memref_slice %arg8[%add3A_25, %dma_wait3A] : memref<10240x128xf32, #tpu.memory_space<vmem_shared>> -> memref<80x128xf32, #tpu.memory_space<vmem_shared>>
      %dma_wait3A_91 = arith.constant 0 : i32
      %dma_wait3A_92 = tpu.memref_slice %arg8[%add3A_25, %dma_wait3A_91] : memref<10240x128xf32, #tpu.memory_space<vmem_shared>> -> memref<80x128xf32, #tpu.memory_space<vmem_shared>>
      tpu.wait_dma2 semaphore(%run_scoped3A : memref<!tpu.dma_semaphore, #tpu.memory_space<semaphore_mem>>) src(%arg15 : memref<80x128xf32, #tpu.memory_space<vmem>>) dst(%dma_wait3A_92 : memref<80x128xf32, #tpu.memory_space<vmem_shared>>)
      tpu.yield
    }) : () -> ()
    %mul3A_26 = arith.constant 640 : i32
    %mul3A_27 = arith.muli %arg1, %mul3A_26 : i32
    %add3A_28 = arith.constant 400 : i32
    %add3A_29 = arith.addi %mul3A_27, %add3A_28 : i32
    "tpu.region"() ({
      %run_scoped3A = tpu.sem_alloc : memref<!tpu.dma_semaphore, #tpu.memory_space<semaphore_mem>>
      %dma_start3A_86 = arith.constant 0 : i32
      %dma_start3A_87 = tpu.memref_slice %arg8[%add3A_29, %dma_start3A_86] : memref<10240x128xf32, #tpu.memory_space<vmem_shared>> -> memref<80x128xf32, #tpu.memory_space<vmem_shared>>
      %dma_start3A_88 = arith.constant 0 : i32
      %dma_start3A_89 = tpu.memref_slice %arg8[%add3A_29, %dma_start3A_88] : memref<10240x128xf32, #tpu.memory_space<vmem_shared>> -> memref<80x128xf32, #tpu.memory_space<vmem_shared>>
      tpu.enqueue_dma source(%arg15 : memref<80x128xf32, #tpu.memory_space<vmem>>) target(%dma_start3A_89 : memref<80x128xf32, #tpu.memory_space<vmem_shared>>) target_semaphore(%run_scoped3A : memref<!tpu.dma_semaphore, #tpu.memory_space<semaphore_mem>>)
      %dma_wait3A = arith.constant 0 : i32
      %dma_wait3A_90 = tpu.memref_slice %arg8[%add3A_29, %dma_wait3A] : memref<10240x128xf32, #tpu.memory_space<vmem_shared>> -> memref<80x128xf32, #tpu.memory_space<vmem_shared>>
      %dma_wait3A_91 = arith.constant 0 : i32
      %dma_wait3A_92 = tpu.memref_slice %arg8[%add3A_29, %dma_wait3A_91] : memref<10240x128xf32, #tpu.memory_space<vmem_shared>> -> memref<80x128xf32, #tpu.memory_space<vmem_shared>>
      tpu.wait_dma2 semaphore(%run_scoped3A : memref<!tpu.dma_semaphore, #tpu.memory_space<semaphore_mem>>) src(%arg15 : memref<80x128xf32, #tpu.memory_space<vmem>>) dst(%dma_wait3A_92 : memref<80x128xf32, #tpu.memory_space<vmem_shared>>)
      tpu.yield
    }) : () -> ()
    %mul3A_30 = arith.constant 640 : i32
    %mul3A_31 = arith.muli %arg1, %mul3A_30 : i32
    %add3A_32 = arith.constant 480 : i32
    %add3A_33 = arith.addi %mul3A_31, %add3A_32 : i32
    "tpu.region"() ({
      %run_scoped3A = tpu.sem_alloc : memref<!tpu.dma_semaphore, #tpu.memory_space<semaphore_mem>>
      %dma_start3A_86 = arith.constant 0 : i32
      %dma_start3A_87 = tpu.memref_slice %arg8[%add3A_33, %dma_start3A_86] : memref<10240x128xf32, #tpu.memory_space<vmem_shared>> -> memref<80x128xf32, #tpu.memory_space<vmem_shared>>
      %dma_start3A_88 = arith.constant 0 : i32
      %dma_start3A_89 = tpu.memref_slice %arg8[%add3A_33, %dma_start3A_88] : memref<10240x128xf32, #tpu.memory_space<vmem_shared>> -> memref<80x128xf32, #tpu.memory_space<vmem_shared>>
      tpu.enqueue_dma source(%arg15 : memref<80x128xf32, #tpu.memory_space<vmem>>) target(%dma_start3A_89 : memref<80x128xf32, #tpu.memory_space<vmem_shared>>) target_semaphore(%run_scoped3A : memref<!tpu.dma_semaphore, #tpu.memory_space<semaphore_mem>>)
      %dma_wait3A = arith.constant 0 : i32
      %dma_wait3A_90 = tpu.memref_slice %arg8[%add3A_33, %dma_wait3A] : memref<10240x128xf32, #tpu.memory_space<vmem_shared>> -> memref<80x128xf32, #tpu.memory_space<vmem_shared>>
      %dma_wait3A_91 = arith.constant 0 : i32
      %dma_wait3A_92 = tpu.memref_slice %arg8[%add3A_33, %dma_wait3A_91] : memref<10240x128xf32, #tpu.memory_space<vmem_shared>> -> memref<80x128xf32, #tpu.memory_space<vmem_shared>>
      tpu.wait_dma2 semaphore(%run_scoped3A : memref<!tpu.dma_semaphore, #tpu.memory_space<semaphore_mem>>) src(%arg15 : memref<80x128xf32, #tpu.memory_space<vmem>>) dst(%dma_wait3A_92 : memref<80x128xf32, #tpu.memory_space<vmem_shared>>)
      tpu.yield
    }) : () -> ()
    %mul3A_34 = arith.constant 640 : i32
    %mul3A_35 = arith.muli %arg1, %mul3A_34 : i32
    %add3A_36 = arith.constant 560 : i32
    %add3A_37 = arith.addi %mul3A_35, %add3A_36 : i32
    "tpu.region"() ({
      %run_scoped3A = tpu.sem_alloc : memref<!tpu.dma_semaphore, #tpu.memory_space<semaphore_mem>>
      %dma_start3A_86 = arith.constant 0 : i32
      %dma_start3A_87 = tpu.memref_slice %arg8[%add3A_37, %dma_start3A_86] : memref<10240x128xf32, #tpu.memory_space<vmem_shared>> -> memref<80x128xf32, #tpu.memory_space<vmem_shared>>
      %dma_start3A_88 = arith.constant 0 : i32
      %dma_start3A_89 = tpu.memref_slice %arg8[%add3A_37, %dma_start3A_88] : memref<10240x128xf32, #tpu.memory_space<vmem_shared>> -> memref<80x128xf32, #tpu.memory_space<vmem_shared>>
      tpu.enqueue_dma source(%arg15 : memref<80x128xf32, #tpu.memory_space<vmem>>) target(%dma_start3A_89 : memref<80x128xf32, #tpu.memory_space<vmem_shared>>) target_semaphore(%run_scoped3A : memref<!tpu.dma_semaphore, #tpu.memory_space<semaphore_mem>>)
      %dma_wait3A = arith.constant 0 : i32
      %dma_wait3A_90 = tpu.memref_slice %arg8[%add3A_37, %dma_wait3A] : memref<10240x128xf32, #tpu.memory_space<vmem_shared>> -> memref<80x128xf32, #tpu.memory_space<vmem_shared>>
      %dma_wait3A_91 = arith.constant 0 : i32
      %dma_wait3A_92 = tpu.memref_slice %arg8[%add3A_37, %dma_wait3A_91] : memref<10240x128xf32, #tpu.memory_space<vmem_shared>> -> memref<80x128xf32, #tpu.memory_space<vmem_shared>>
      tpu.wait_dma2 semaphore(%run_scoped3A : memref<!tpu.dma_semaphore, #tpu.memory_space<semaphore_mem>>) src(%arg15 : memref<80x128xf32, #tpu.memory_space<vmem>>) dst(%dma_wait3A_92 : memref<80x128xf32, #tpu.memory_space<vmem_shared>>)
      tpu.yield
    }) : () -> ()
    %mul3A_38 = arith.constant 10000 : i32
    %mul3A_39 = arith.muli %add3A, %mul3A_38 : i32
    %add3A_40 = arith.constant 0 : i32
    %add3A_41 = arith.addi %mul3A_39, %add3A_40 : i32
    "tpu.region"() ({
      %run_scoped3A = tpu.sem_alloc : memref<!tpu.dma_semaphore, #tpu.memory_space<semaphore_mem>>
      %dma_start3A_86 = tpu.memref_slice %arg4[%add3A_41] : memref<320000xi32, #tpu.memory_space<hbm>> -> memref<80xi32, #tpu.memory_space<hbm>>
      %dma_start3A_87 = tpu.memref_slice %arg4[%add3A_41] : memref<320000xi32, #tpu.memory_space<hbm>> -> memref<80xi32, #tpu.memory_space<hbm>>
      tpu.enqueue_dma source(%dma_start3A_87 : memref<80xi32, #tpu.memory_space<hbm>>) target(%arg9 : memref<80xi32, #tpu.memory_space<vmem>>) target_semaphore(%run_scoped3A : memref<!tpu.dma_semaphore, #tpu.memory_space<semaphore_mem>>)
      %dma_wait3A = tpu.memref_slice %arg4[%add3A_41] : memref<320000xi32, #tpu.memory_space<hbm>> -> memref<80xi32, #tpu.memory_space<hbm>>
      %dma_wait3A_88 = tpu.memref_slice %arg4[%add3A_41] : memref<320000xi32, #tpu.memory_space<hbm>> -> memref<80xi32, #tpu.memory_space<hbm>>
      tpu.wait_dma2 semaphore(%run_scoped3A : memref<!tpu.dma_semaphore, #tpu.memory_space<semaphore_mem>>) src(%dma_wait3A_88 : memref<80xi32, #tpu.memory_space<hbm>>) dst(%arg9 : memref<80xi32, #tpu.memory_space<vmem>>)
      tpu.yield
    }) : () -> ()
    "tpu.region"() ({
      %run_scoped3A = tpu.sem_alloc : memref<!tpu.dma_semaphore, #tpu.memory_space<semaphore_mem>>
      %dma_start3A_86 = tpu.memref_slice %arg5[%add3A_41] : memref<320000xi32, #tpu.memory_space<hbm>> -> memref<80xi32, #tpu.memory_space<hbm>>
      %dma_start3A_87 = tpu.memref_slice %arg5[%add3A_41] : memref<320000xi32, #tpu.memory_space<hbm>> -> memref<80xi32, #tpu.memory_space<hbm>>
      tpu.enqueue_dma source(%dma_start3A_87 : memref<80xi32, #tpu.memory_space<hbm>>) target(%arg10 : memref<80xi32, #tpu.memory_space<vmem>>) target_semaphore(%run_scoped3A : memref<!tpu.dma_semaphore, #tpu.memory_space<semaphore_mem>>)
      %dma_wait3A = tpu.memref_slice %arg5[%add3A_41] : memref<320000xi32, #tpu.memory_space<hbm>> -> memref<80xi32, #tpu.memory_space<hbm>>
      %dma_wait3A_88 = tpu.memref_slice %arg5[%add3A_41] : memref<320000xi32, #tpu.memory_space<hbm>> -> memref<80xi32, #tpu.memory_space<hbm>>
      tpu.wait_dma2 semaphore(%run_scoped3A : memref<!tpu.dma_semaphore, #tpu.memory_space<semaphore_mem>>) src(%dma_wait3A_88 : memref<80xi32, #tpu.memory_space<hbm>>) dst(%arg10 : memref<80xi32, #tpu.memory_space<vmem>>)
      tpu.yield
    }) : () -> ()
    "tpu.region"() ({
      %run_scoped3A = tpu.sem_alloc : memref<!tpu.dma_semaphore, #tpu.memory_space<semaphore_mem>>
      %dma_start3A_86 = tpu.memref_slice %arg6[%add3A_41] : memref<320000xi32, #tpu.memory_space<hbm>> -> memref<80xi32, #tpu.memory_space<hbm>>
      %dma_start3A_87 = tpu.memref_slice %arg6[%add3A_41] : memref<320000xi32, #tpu.memory_space<hbm>> -> memref<80xi32, #tpu.memory_space<hbm>>
      tpu.enqueue_dma source(%dma_start3A_87 : memref<80xi32, #tpu.memory_space<hbm>>) target(%arg11 : memref<80xi32, #tpu.memory_space<vmem>>) target_semaphore(%run_scoped3A : memref<!tpu.dma_semaphore, #tpu.memory_space<semaphore_mem>>)
      %dma_wait3A = tpu.memref_slice %arg6[%add3A_41] : memref<320000xi32, #tpu.memory_space<hbm>> -> memref<80xi32, #tpu.memory_space<hbm>>
      %dma_wait3A_88 = tpu.memref_slice %arg6[%add3A_41] : memref<320000xi32, #tpu.memory_space<hbm>> -> memref<80xi32, #tpu.memory_space<hbm>>
      tpu.wait_dma2 semaphore(%run_scoped3A : memref<!tpu.dma_semaphore, #tpu.memory_space<semaphore_mem>>) src(%dma_wait3A_88 : memref<80xi32, #tpu.memory_space<hbm>>) dst(%arg11 : memref<80xi32, #tpu.memory_space<vmem>>)
      tpu.yield
    }) : () -> ()
    %dma_start3A = arith.constant 0 : i32
    %dma_start3A_42 = arith.constant 0 : i32
    %dma_start3A_43 = tpu.memref_slice %arg2[%dma_start3A, %dma_start3A_42] : memref<10240x128xf32, #tpu.memory_space<hbm>> -> memref<10240x128xf32, #tpu.memory_space<hbm>>
    tpu.enqueue_indirect_dma source(%dma_start3A_43 : memref<10240x128xf32, #tpu.memory_space<hbm>>) target(%arg15 : memref<80x128xf32, #tpu.memory_space<vmem>>) offsets(%arg9 : memref<80xi32, #tpu.memory_space<vmem>>) semaphore(%arg19 : memref<!tpu.dma_semaphore, #tpu.memory_space<semaphore_mem>>)
    %dma_start3A_44 = arith.constant 0 : i32
    %dma_start3A_45 = arith.constant 0 : i32
    %dma_start3A_46 = tpu.memref_slice %arg3[%dma_start3A_44, %dma_start3A_45] : memref<512x128xf32, #tpu.memory_space<hbm>> -> memref<512x128xf32, #tpu.memory_space<hbm>>
    tpu.enqueue_indirect_dma source(%dma_start3A_46 : memref<512x128xf32, #tpu.memory_space<hbm>>) target(%arg16 : memref<80x128xf32, #tpu.memory_space<vmem>>) offsets(%arg11 : memref<80xi32, #tpu.memory_space<vmem>>) semaphore(%arg19 : memref<!tpu.dma_semaphore, #tpu.memory_space<semaphore_mem>>)
    %barrier3A = arith.constant 0 : index
    tpu.barrier barrier_id(%barrier3A)
    %scan3A_47 = arith.constant 0 : i32
    %scan3A_48 = arith.constant 0 : i32
    %scan3A_49 = arith.constant 63 : i32
    %scan3A_50 = arith.addi %scan3A_48, %scan3A_49 : i32
    %scan3A_51 = arith.constant 1 : i32
    scf.for %scan3A_86 = %scan3A_48 to %scan3A_50 step %scan3A_51  : i32 {
      %mul3A_87 = arith.constant 2 : i32
      %mul3A_88 = arith.muli %mul3A_87, %scan3A_86 : i32
      %add3A_89 = arith.constant 1 : i32
      %add3A_90 = arith.addi %mul3A_88, %add3A_89 : i32
      %mul3A_91 = arith.constant 2 : i32
      %mul3A_92 = arith.muli %mul3A_91, %scan3A_86 : i32
      %add3A_93 = arith.constant 2 : i32
      %add3A_94 = arith.addi %mul3A_92, %add3A_93 : i32
      %lt3A = arith.constant 125 : i32
      %lt3A_95 = arith.cmpi slt, %add3A_90, %lt3A : i32
      %convert_element_type3A = arith.extui %lt3A_95 : i1 to i32
      %cond3A = arith.constant 0 : i32
      %cond3A_96 = arith.cmpi ne, %convert_element_type3A, %cond3A : i32
      scf.if %cond3A_96 {
        %mul3A_118 = arith.constant 10000 : i32
        %mul3A_119 = arith.muli %add3A, %mul3A_118 : i32
        %mul3A_120 = arith.constant 80 : i32
        %mul3A_121 = arith.muli %add3A_90, %mul3A_120 : i32
        %add3A_122 = arith.addi %mul3A_119, %mul3A_121 : i32
        "tpu.region"() ({
          %run_scoped3A = tpu.sem_alloc : memref<!tpu.dma_semaphore, #tpu.memory_space<semaphore_mem>>
          %dma_start3A_129 = tpu.memref_slice %arg4[%add3A_122] : memref<320000xi32, #tpu.memory_space<hbm>> -> memref<80xi32, #tpu.memory_space<hbm>>
          %dma_start3A_130 = tpu.memref_slice %arg4[%add3A_122] : memref<320000xi32, #tpu.memory_space<hbm>> -> memref<80xi32, #tpu.memory_space<hbm>>
          tpu.enqueue_dma source(%dma_start3A_130 : memref<80xi32, #tpu.memory_space<hbm>>) target(%arg12 : memref<80xi32, #tpu.memory_space<vmem>>) target_semaphore(%run_scoped3A : memref<!tpu.dma_semaphore, #tpu.memory_space<semaphore_mem>>)
          %dma_wait3A_131 = tpu.memref_slice %arg4[%add3A_122] : memref<320000xi32, #tpu.memory_space<hbm>> -> memref<80xi32, #tpu.memory_space<hbm>>
          %dma_wait3A_132 = tpu.memref_slice %arg4[%add3A_122] : memref<320000xi32, #tpu.memory_space<hbm>> -> memref<80xi32, #tpu.memory_space<hbm>>
          tpu.wait_dma2 semaphore(%run_scoped3A : memref<!tpu.dma_semaphore, #tpu.memory_space<semaphore_mem>>) src(%dma_wait3A_132 : memref<80xi32, #tpu.memory_space<hbm>>) dst(%arg12 : memref<80xi32, #tpu.memory_space<vmem>>)
          tpu.yield
        }) : () -> ()
        "tpu.region"() ({
          %run_scoped3A = tpu.sem_alloc : memref<!tpu.dma_semaphore, #tpu.memory_space<semaphore_mem>>
          %dma_start3A_129 = tpu.memref_slice %arg5[%add3A_122] : memref<320000xi32, #tpu.memory_space<hbm>> -> memref<80xi32, #tpu.memory_space<hbm>>
          %dma_start3A_130 = tpu.memref_slice %arg5[%add3A_122] : memref<320000xi32, #tpu.memory_space<hbm>> -> memref<80xi32, #tpu.memory_space<hbm>>
          tpu.enqueue_dma source(%dma_start3A_130 : memref<80xi32, #tpu.memory_space<hbm>>) target(%arg13 : memref<80xi32, #tpu.memory_space<vmem>>) target_semaphore(%run_scoped3A : memref<!tpu.dma_semaphore, #tpu.memory_space<semaphore_mem>>)
          %dma_wait3A_131 = tpu.memref_slice %arg5[%add3A_122] : memref<320000xi32, #tpu.memory_space<hbm>> -> memref<80xi32, #tpu.memory_space<hbm>>
          %dma_wait3A_132 = tpu.memref_slice %arg5[%add3A_122] : memref<320000xi32, #tpu.memory_space<hbm>> -> memref<80xi32, #tpu.memory_space<hbm>>
          tpu.wait_dma2 semaphore(%run_scoped3A : memref<!tpu.dma_semaphore, #tpu.memory_space<semaphore_mem>>) src(%dma_wait3A_132 : memref<80xi32, #tpu.memory_space<hbm>>) dst(%arg13 : memref<80xi32, #tpu.memory_space<vmem>>)
          tpu.yield
        }) : () -> ()
        "tpu.region"() ({
          %run_scoped3A = tpu.sem_alloc : memref<!tpu.dma_semaphore, #tpu.memory_space<semaphore_mem>>
          %dma_start3A_129 = tpu.memref_slice %arg6[%add3A_122] : memref<320000xi32, #tpu.memory_space<hbm>> -> memref<80xi32, #tpu.memory_space<hbm>>
          %dma_start3A_130 = tpu.memref_slice %arg6[%add3A_122] : memref<320000xi32, #tpu.memory_space<hbm>> -> memref<80xi32, #tpu.memory_space<hbm>>
          tpu.enqueue_dma source(%dma_start3A_130 : memref<80xi32, #tpu.memory_space<hbm>>) target(%arg14 : memref<80xi32, #tpu.memory_space<vmem>>) target_semaphore(%run_scoped3A : memref<!tpu.dma_semaphore, #tpu.memory_space<semaphore_mem>>)
          %dma_wait3A_131 = tpu.memref_slice %arg6[%add3A_122] : memref<320000xi32, #tpu.memory_space<hbm>> -> memref<80xi32, #tpu.memory_space<hbm>>
          %dma_wait3A_132 = tpu.memref_slice %arg6[%add3A_122] : memref<320000xi32, #tpu.memory_space<hbm>> -> memref<80xi32, #tpu.memory_space<hbm>>
          tpu.wait_dma2 semaphore(%run_scoped3A : memref<!tpu.dma_semaphore, #tpu.memory_space<semaphore_mem>>) src(%dma_wait3A_132 : memref<80xi32, #tpu.memory_space<hbm>>) dst(%arg14 : memref<80xi32, #tpu.memory_space<vmem>>)
          tpu.yield
        }) : () -> ()
        %dma_start3A_123 = arith.constant 0 : i32
        %dma_start3A_124 = arith.constant 0 : i32
        %dma_start3A_125 = tpu.memref_slice %arg2[%dma_start3A_123, %dma_start3A_124] : memref<10240x128xf32, #tpu.memory_space<hbm>> -> memref<10240x128xf32, #tpu.memory_space<hbm>>
        tpu.enqueue_indirect_dma source(%dma_start3A_125 : memref<10240x128xf32, #tpu.memory_space<hbm>>) target(%arg17 : memref<80x128xf32, #tpu.memory_space<vmem>>) offsets(%arg12 : memref<80xi32, #tpu.memory_space<vmem>>) semaphore(%arg20 : memref<!tpu.dma_semaphore, #tpu.memory_space<semaphore_mem>>)
        %dma_start3A_126 = arith.constant 0 : i32
        %dma_start3A_127 = arith.constant 0 : i32
        %dma_start3A_128 = tpu.memref_slice %arg3[%dma_start3A_126, %dma_start3A_127] : memref<512x128xf32, #tpu.memory_space<hbm>> -> memref<512x128xf32, #tpu.memory_space<hbm>>
        tpu.enqueue_indirect_dma source(%dma_start3A_128 : memref<512x128xf32, #tpu.memory_space<hbm>>) target(%arg18 : memref<80x128xf32, #tpu.memory_space<vmem>>) offsets(%arg14 : memref<80xi32, #tpu.memory_space<vmem>>) semaphore(%arg20 : memref<!tpu.dma_semaphore, #tpu.memory_space<semaphore_mem>>)
      } else {
      }
      %dma_wait3A = arith.constant 0 : i32
      %dma_wait3A_97 = arith.constant 0 : i32
      %dma_wait3A_98 = tpu.memref_slice %arg2[%dma_wait3A, %dma_wait3A_97] : memref<10240x128xf32, #tpu.memory_space<hbm>> -> memref<10240x128xf32, #tpu.memory_space<hbm>>
      tpu.wait_indirect_dma semaphore(%arg19 : memref<!tpu.dma_semaphore, #tpu.memory_space<semaphore_mem>>) src(%dma_wait3A_98 : memref<10240x128xf32, #tpu.memory_space<hbm>>) dst(%arg15 : memref<80x128xf32, #tpu.memory_space<vmem>>)
      %dma_wait3A_99 = arith.constant 0 : i32
      %dma_wait3A_100 = arith.constant 0 : i32
      %dma_wait3A_101 = tpu.memref_slice %arg3[%dma_wait3A_99, %dma_wait3A_100] : memref<512x128xf32, #tpu.memory_space<hbm>> -> memref<512x128xf32, #tpu.memory_space<hbm>>
      tpu.wait_indirect_dma semaphore(%arg19 : memref<!tpu.dma_semaphore, #tpu.memory_space<semaphore_mem>>) src(%dma_wait3A_101 : memref<512x128xf32, #tpu.memory_space<hbm>>) dst(%arg16 : memref<80x128xf32, #tpu.memory_space<vmem>>)
      %scan3A_102 = arith.constant 0 : i32
      %scan3A_103 = arith.constant 0 : i32
      %scan3A_104 = arith.constant 80 : i32
      %scan3A_105 = arith.addi %scan3A_103, %scan3A_104 : i32
      %scan3A_106 = arith.constant 1 : i32
      scf.for %scan3A_118 = %scan3A_103 to %scan3A_105 step %scan3A_106  : i32 {
        %get3A = arith.index_cast %scan3A_118 : i32 to index
        %get3A_119 = arith.constant 0 : index
        %get3A_120 = tpu.vector_load %arg15[%get3A, %get3A_119] {strides = array<i32>} : memref<80x128xf32, #tpu.memory_space<vmem>>, vector<1x16xf32>,
        %get3A_121 = vector.shape_cast %get3A_120 : vector<1x16xf32> to vector<16xf32>
        %get3A_122 = arith.index_cast %scan3A_118 : i32 to index
        %get3A_123 = arith.constant 0 : index
        %get3A_124 = tpu.vector_load %arg16[%get3A_122, %get3A_123] {strides = array<i32>} : memref<80x128xf32, #tpu.memory_space<vmem>>, vector<1x16xf32>,
        %get3A_125 = vector.shape_cast %get3A_124 : vector<1x16xf32> to vector<16xf32>
        %add3A_126 = arith.addf %get3A_121, %get3A_125 : vector<16xf32>
        %max3A = arith.constant 0.000000e+00 : f32
        %max3A_127 = vector.broadcast %max3A : f32 to vector<16xf32>
        %max3A_128 = arith.maximumf %add3A_126, %max3A_127 : vector<16xf32>
        %swap3A = arith.index_cast %scan3A_118 : i32 to index
        %swap3A_129 = arith.constant 0 : index
        %swap3A_130 = tpu.vector_load %arg15[%swap3A, %swap3A_129] {strides = array<i32>} : memref<80x128xf32, #tpu.memory_space<vmem>>, vector<1x16xf32>,
        %swap3A_131 = vector.shape_cast %swap3A_130 : vector<1x16xf32> to vector<16xf32>
        %swap3A_132 = vector.shape_cast %max3A_128 : vector<16xf32> to vector<1x16xf32>
        tpu.vector_store %arg15[%swap3A, %swap3A_129], %swap3A_132 {strides = array<i32>} : memref<80x128xf32, #tpu.memory_space<vmem>>, vector<1x16xf32>,
        %get3A_133 = arith.index_cast %scan3A_118 : i32 to index
        %get3A_134 = arith.constant 16 : index
        %get3A_135 = tpu.vector_load %arg15[%get3A_133, %get3A_134] {strides = array<i32>} : memref<80x128xf32, #tpu.memory_space<vmem>>, vector<1x16xf32>,
        %get3A_136 = vector.shape_cast %get3A_135 : vector<1x16xf32> to vector<16xf32>
        %get3A_137 = arith.index_cast %scan3A_118 : i32 to index
        %get3A_138 = arith.constant 16 : index
        %get3A_139 = tpu.vector_load %arg16[%get3A_137, %get3A_138] {strides = array<i32>} : memref<80x128xf32, #tpu.memory_space<vmem>>, vector<1x16xf32>,
        %get3A_140 = vector.shape_cast %get3A_139 : vector<1x16xf32> to vector<16xf32>
        %add3A_141 = arith.addf %get3A_136, %get3A_140 : vector<16xf32>
        %max3A_142 = arith.constant 0.000000e+00 : f32
        %max3A_143 = vector.broadcast %max3A_142 : f32 to vector<16xf32>
        %max3A_144 = arith.maximumf %add3A_141, %max3A_143 : vector<16xf32>
        %swap3A_145 = arith.index_cast %scan3A_118 : i32 to index
        %swap3A_146 = arith.constant 16 : index
        %swap3A_147 = tpu.vector_load %arg15[%swap3A_145, %swap3A_146] {strides = array<i32>} : memref<80x128xf32, #tpu.memory_space<vmem>>, vector<1x16xf32>,
        %swap3A_148 = vector.shape_cast %swap3A_147 : vector<1x16xf32> to vector<16xf32>
        %swap3A_149 = vector.shape_cast %max3A_144 : vector<16xf32> to vector<1x16xf32>
        tpu.vector_store %arg15[%swap3A_145, %swap3A_146], %swap3A_149 {strides = array<i32>} : memref<80x128xf32, #tpu.memory_space<vmem>>, vector<1x16xf32>,
        %get3A_150 = arith.index_cast %scan3A_118 : i32 to index
        %get3A_151 = arith.constant 32 : index
        %get3A_152 = tpu.vector_load %arg15[%get3A_150, %get3A_151] {strides = array<i32>} : memref<80x128xf32, #tpu.memory_space<vmem>>, vector<1x16xf32>,
        %get3A_153 = vector.shape_cast %get3A_152 : vector<1x16xf32> to vector<16xf32>
        %get3A_154 = arith.index_cast %scan3A_118 : i32 to index
        %get3A_155 = arith.constant 32 : index
        %get3A_156 = tpu.vector_load %arg16[%get3A_154, %get3A_155] {strides = array<i32>} : memref<80x128xf32, #tpu.memory_space<vmem>>, vector<1x16xf32>,
        %get3A_157 = vector.shape_cast %get3A_156 : vector<1x16xf32> to vector<16xf32>
        %add3A_158 = arith.addf %get3A_153, %get3A_157 : vector<16xf32>
        %max3A_159 = arith.constant 0.000000e+00 : f32
        %max3A_160 = vector.broadcast %max3A_159 : f32 to vector<16xf32>
        %max3A_161 = arith.maximumf %add3A_158, %max3A_160 : vector<16xf32>
        %swap3A_162 = arith.index_cast %scan3A_118 : i32 to index
        %swap3A_163 = arith.constant 32 : index
        %swap3A_164 = tpu.vector_load %arg15[%swap3A_162, %swap3A_163] {strides = array<i32>} : memref<80x128xf32, #tpu.memory_space<vmem>>, vector<1x16xf32>,
        %swap3A_165 = vector.shape_cast %swap3A_164 : vector<1x16xf32> to vector<16xf32>
        %swap3A_166 = vector.shape_cast %max3A_161 : vector<16xf32> to vector<1x16xf32>
        tpu.vector_store %arg15[%swap3A_162, %swap3A_163], %swap3A_166 {strides = array<i32>} : memref<80x128xf32, #tpu.memory_space<vmem>>, vector<1x16xf32>,
        %get3A_167 = arith.index_cast %scan3A_118 : i32 to index
        %get3A_168 = arith.constant 48 : index
        %get3A_169 = tpu.vector_load %arg15[%get3A_167, %get3A_168] {strides = array<i32>} : memref<80x128xf32, #tpu.memory_space<vmem>>, vector<1x16xf32>,
        %get3A_170 = vector.shape_cast %get3A_169 : vector<1x16xf32> to vector<16xf32>
        %get3A_171 = arith.index_cast %scan3A_118 : i32 to index
        %get3A_172 = arith.constant 48 : index
        %get3A_173 = tpu.vector_load %arg16[%get3A_171, %get3A_172] {strides = array<i32>} : memref<80x128xf32, #tpu.memory_space<vmem>>, vector<1x16xf32>,
        %get3A_174 = vector.shape_cast %get3A_173 : vector<1x16xf32> to vector<16xf32>
        %add3A_175 = arith.addf %get3A_170, %get3A_174 : vector<16xf32>
        %max3A_176 = arith.constant 0.000000e+00 : f32
        %max3A_177 = vector.broadcast %max3A_176 : f32 to vector<16xf32>
        %max3A_178 = arith.maximumf %add3A_175, %max3A_177 : vector<16xf32>
        %swap3A_179 = arith.index_cast %scan3A_118 : i32 to index
        %swap3A_180 = arith.constant 48 : index
        %swap3A_181 = tpu.vector_load %arg15[%swap3A_179, %swap3A_180] {strides = array<i32>} : memref<80x128xf32, #tpu.memory_space<vmem>>, vector<1x16xf32>,
        %swap3A_182 = vector.shape_cast %swap3A_181 : vector<1x16xf32> to vector<16xf32>
        %swap3A_183 = vector.shape_cast %max3A_178 : vector<16xf32> to vector<1x16xf32>
        tpu.vector_store %arg15[%swap3A_179, %swap3A_180], %swap3A_183 {strides = array<i32>} : memref<80x128xf32, #tpu.memory_space<vmem>>, vector<1x16xf32>,
        %get3A_184 = arith.index_cast %scan3A_118 : i32 to index
        %get3A_185 = arith.constant 64 : index
        %get3A_186 = tpu.vector_load %arg15[%get3A_184, %get3A_185] {strides = array<i32>} : memref<80x128xf32, #tpu.memory_space<vmem>>, vector<1x16xf32>,
        %get3A_187 = vector.shape_cast %get3A_186 : vector<1x16xf32> to vector<16xf32>
        %get3A_188 = arith.index_cast %scan3A_118 : i32 to index
        %get3A_189 = arith.constant 64 : index
        %get3A_190 = tpu.vector_load %arg16[%get3A_188, %get3A_189] {strides = array<i32>} : memref<80x128xf32, #tpu.memory_space<vmem>>, vector<1x16xf32>,
        %get3A_191 = vector.shape_cast %get3A_190 : vector<1x16xf32> to vector<16xf32>
        %add3A_192 = arith.addf %get3A_187, %get3A_191 : vector<16xf32>
        %max3A_193 = arith.constant 0.000000e+00 : f32
        %max3A_194 = vector.broadcast %max3A_193 : f32 to vector<16xf32>
        %max3A_195 = arith.maximumf %add3A_192, %max3A_194 : vector<16xf32>
        %swap3A_196 = arith.index_cast %scan3A_118 : i32 to index
        %swap3A_197 = arith.constant 64 : index
        %swap3A_198 = tpu.vector_load %arg15[%swap3A_196, %swap3A_197] {strides = array<i32>} : memref<80x128xf32, #tpu.memory_space<vmem>>, vector<1x16xf32>,
        %swap3A_199 = vector.shape_cast %swap3A_198 : vector<1x16xf32> to vector<16xf32>
        %swap3A_200 = vector.shape_cast %max3A_195 : vector<16xf32> to vector<1x16xf32>
        tpu.vector_store %arg15[%swap3A_196, %swap3A_197], %swap3A_200 {strides = array<i32>} : memref<80x128xf32, #tpu.memory_space<vmem>>, vector<1x16xf32>,
        %get3A_201 = arith.index_cast %scan3A_118 : i32 to index
        %get3A_202 = arith.constant 80 : index
        %get3A_203 = tpu.vector_load %arg15[%get3A_201, %get3A_202] {strides = array<i32>} : memref<80x128xf32, #tpu.memory_space<vmem>>, vector<1x16xf32>,
        %get3A_204 = vector.shape_cast %get3A_203 : vector<1x16xf32> to vector<16xf32>
        %get3A_205 = arith.index_cast %scan3A_118 : i32 to index
        %get3A_206 = arith.constant 80 : index
        %get3A_207 = tpu.vector_load %arg16[%get3A_205, %get3A_206] {strides = array<i32>} : memref<80x128xf32, #tpu.memory_space<vmem>>, vector<1x16xf32>,
        %get3A_208 = vector.shape_cast %get3A_207 : vector<1x16xf32> to vector<16xf32>
        %add3A_209 = arith.addf %get3A_204, %get3A_208 : vector<16xf32>
        %max3A_210 = arith.constant 0.000000e+00 : f32
        %max3A_211 = vector.broadcast %max3A_210 : f32 to vector<16xf32>
        %max3A_212 = arith.maximumf %add3A_209, %max3A_211 : vector<16xf32>
        %swap3A_213 = arith.index_cast %scan3A_118 : i32 to index
        %swap3A_214 = arith.constant 80 : index
        %swap3A_215 = tpu.vector_load %arg15[%swap3A_213, %swap3A_214] {strides = array<i32>} : memref<80x128xf32, #tpu.memory_space<vmem>>, vector<1x16xf32>,
        %swap3A_216 = vector.shape_cast %swap3A_215 : vector<1x16xf32> to vector<16xf32>
        %swap3A_217 = vector.shape_cast %max3A_212 : vector<16xf32> to vector<1x16xf32>
        tpu.vector_store %arg15[%swap3A_213, %swap3A_214], %swap3A_217 {strides = array<i32>} : memref<80x128xf32, #tpu.memory_space<vmem>>, vector<1x16xf32>,
        %get3A_218 = arith.index_cast %scan3A_118 : i32 to index
        %get3A_219 = arith.constant 96 : index
        %get3A_220 = tpu.vector_load %arg15[%get3A_218, %get3A_219] {strides = array<i32>} : memref<80x128xf32, #tpu.memory_space<vmem>>, vector<1x16xf32>,
        %get3A_221 = vector.shape_cast %get3A_220 : vector<1x16xf32> to vector<16xf32>
        %get3A_222 = arith.index_cast %scan3A_118 : i32 to index
        %get3A_223 = arith.constant 96 : index
        %get3A_224 = tpu.vector_load %arg16[%get3A_222, %get3A_223] {strides = array<i32>} : memref<80x128xf32, #tpu.memory_space<vmem>>, vector<1x16xf32>,
        %get3A_225 = vector.shape_cast %get3A_224 : vector<1x16xf32> to vector<16xf32>
        %add3A_226 = arith.addf %get3A_221, %get3A_225 : vector<16xf32>
        %max3A_227 = arith.constant 0.000000e+00 : f32
        %max3A_228 = vector.broadcast %max3A_227 : f32 to vector<16xf32>
        %max3A_229 = arith.maximumf %add3A_226, %max3A_228 : vector<16xf32>
        %swap3A_230 = arith.index_cast %scan3A_118 : i32 to index
        %swap3A_231 = arith.constant 96 : index
        %swap3A_232 = tpu.vector_load %arg15[%swap3A_230, %swap3A_231] {strides = array<i32>} : memref<80x128xf32, #tpu.memory_space<vmem>>, vector<1x16xf32>,
        %swap3A_233 = vector.shape_cast %swap3A_232 : vector<1x16xf32> to vector<16xf32>
        %swap3A_234 = vector.shape_cast %max3A_229 : vector<16xf32> to vector<1x16xf32>
        tpu.vector_store %arg15[%swap3A_230, %swap3A_231], %swap3A_234 {strides = array<i32>} : memref<80x128xf32, #tpu.memory_space<vmem>>, vector<1x16xf32>,
        %get3A_235 = arith.index_cast %scan3A_118 : i32 to index
        %get3A_236 = arith.constant 112 : index
        %get3A_237 = tpu.vector_load %arg15[%get3A_235, %get3A_236] {strides = array<i32>} : memref<80x128xf32, #tpu.memory_space<vmem>>, vector<1x16xf32>,
        %get3A_238 = vector.shape_cast %get3A_237 : vector<1x16xf32> to vector<16xf32>
        %get3A_239 = arith.index_cast %scan3A_118 : i32 to index
        %get3A_240 = arith.constant 112 : index
        %get3A_241 = tpu.vector_load %arg16[%get3A_239, %get3A_240] {strides = array<i32>} : memref<80x128xf32, #tpu.memory_space<vmem>>, vector<1x16xf32>,
        %get3A_242 = vector.shape_cast %get3A_241 : vector<1x16xf32> to vector<16xf32>
        %add3A_243 = arith.addf %get3A_238, %get3A_242 : vector<16xf32>
        %max3A_244 = arith.constant 0.000000e+00 : f32
        %max3A_245 = vector.broadcast %max3A_244 : f32 to vector<16xf32>
        %max3A_246 = arith.maximumf %add3A_243, %max3A_245 : vector<16xf32>
        %swap3A_247 = arith.index_cast %scan3A_118 : i32 to index
        %swap3A_248 = arith.constant 112 : index
        %swap3A_249 = tpu.vector_load %arg15[%swap3A_247, %swap3A_248] {strides = array<i32>} : memref<80x128xf32, #tpu.memory_space<vmem>>, vector<1x16xf32>,
        %swap3A_250 = vector.shape_cast %swap3A_249 : vector<1x16xf32> to vector<16xf32>
        %swap3A_251 = vector.shape_cast %max3A_246 : vector<16xf32> to vector<1x16xf32>
        tpu.vector_store %arg15[%swap3A_247, %swap3A_248], %swap3A_251 {strides = array<i32>} : memref<80x128xf32, #tpu.memory_space<vmem>>, vector<1x16xf32>,
      }
      %scan3A_107 = arith.constant 80 : i32
      "tpu.region"() ({
        %run_scoped3A = tpu.sem_alloc : memref<!tpu.dma_semaphore, #tpu.memory_space<semaphore_mem>>
        %dma_start3A_118 = arith.constant 0 : i32
        %dma_start3A_119 = arith.constant 0 : i32
        %dma_start3A_120 = tpu.memref_slice %arg8[%dma_start3A_118, %dma_start3A_119] : memref<10240x128xf32, #tpu.memory_space<vmem_shared>> -> memref<10240x128xf32, #tpu.memory_space<vmem_shared>>
        tpu.enqueue_indirect_dma source(%arg15 : memref<80x128xf32, #tpu.memory_space<vmem>>) target(%dma_start3A_120 : memref<10240x128xf32, #tpu.memory_space<vmem_shared>>) offsets(%arg10 : memref<80xi32, #tpu.memory_space<vmem>>) semaphore(%run_scoped3A : memref<!tpu.dma_semaphore, #tpu.memory_space<semaphore_mem>>) {add = true}
        %dma_wait3A_121 = arith.constant 0 : i32
        %dma_wait3A_122 = arith.constant 0 : i32
        %dma_wait3A_123 = tpu.memref_slice %arg8[%dma_wait3A_121, %dma_wait3A_122] : memref<10240x128xf32, #tpu.memory_space<vmem_shared>> -> memref<10240x128xf32, #tpu.memory_space<vmem_shared>>
        tpu.wait_indirect_dma semaphore(%run_scoped3A : memref<!tpu.dma_semaphore, #tpu.memory_space<semaphore_mem>>) src(%arg15 : memref<80x128xf32, #tpu.memory_space<vmem>>) dst(%dma_wait3A_123 : memref<10240x128xf32, #tpu.memory_space<vmem_shared>>)
        tpu.yield
      }) : () -> ()
      %lt3A_108 = arith.constant 125 : i32
      %lt3A_109 = arith.cmpi slt, %add3A_94, %lt3A_108 : i32
      %convert_element_type3A_110 = arith.extui %lt3A_109 : i1 to i32
      %cond3A_111 = arith.constant 0 : i32
      %cond3A_112 = arith.cmpi ne, %convert_element_type3A_110, %cond3A_111 : i32
      scf.if %cond3A_112 {
        %mul3A_118 = arith.constant 10000 : i32
        %mul3A_119 = arith.muli %add3A, %mul3A_118 : i32
        %mul3A_120 = arith.constant 80 : i32
        %mul3A_121 = arith.muli %add3A_94, %mul3A_120 : i32
        %add3A_122 = arith.addi %mul3A_119, %mul3A_121 : i32
        "tpu.region"() ({
          %run_scoped3A = tpu.sem_alloc : memref<!tpu.dma_semaphore, #tpu.memory_space<semaphore_mem>>
          %dma_start3A_129 = tpu.memref_slice %arg4[%add3A_122] : memref<320000xi32, #tpu.memory_space<hbm>> -> memref<80xi32, #tpu.memory_space<hbm>>
          %dma_start3A_130 = tpu.memref_slice %arg4[%add3A_122] : memref<320000xi32, #tpu.memory_space<hbm>> -> memref<80xi32, #tpu.memory_space<hbm>>
          tpu.enqueue_dma source(%dma_start3A_130 : memref<80xi32, #tpu.memory_space<hbm>>) target(%arg9 : memref<80xi32, #tpu.memory_space<vmem>>) target_semaphore(%run_scoped3A : memref<!tpu.dma_semaphore, #tpu.memory_space<semaphore_mem>>)
          %dma_wait3A_131 = tpu.memref_slice %arg4[%add3A_122] : memref<320000xi32, #tpu.memory_space<hbm>> -> memref<80xi32, #tpu.memory_space<hbm>>
          %dma_wait3A_132 = tpu.memref_slice %arg4[%add3A_122] : memref<320000xi32, #tpu.memory_space<hbm>> -> memref<80xi32, #tpu.memory_space<hbm>>
          tpu.wait_dma2 semaphore(%run_scoped3A : memref<!tpu.dma_semaphore, #tpu.memory_space<semaphore_mem>>) src(%dma_wait3A_132 : memref<80xi32, #tpu.memory_space<hbm>>) dst(%arg9 : memref<80xi32, #tpu.memory_space<vmem>>)
          tpu.yield
        }) : () -> ()
        "tpu.region"() ({
          %run_scoped3A = tpu.sem_alloc : memref<!tpu.dma_semaphore, #tpu.memory_space<semaphore_mem>>
          %dma_start3A_129 = tpu.memref_slice %arg5[%add3A_122] : memref<320000xi32, #tpu.memory_space<hbm>> -> memref<80xi32, #tpu.memory_space<hbm>>
          %dma_start3A_130 = tpu.memref_slice %arg5[%add3A_122] : memref<320000xi32, #tpu.memory_space<hbm>> -> memref<80xi32, #tpu.memory_space<hbm>>
          tpu.enqueue_dma source(%dma_start3A_130 : memref<80xi32, #tpu.memory_space<hbm>>) target(%arg10 : memref<80xi32, #tpu.memory_space<vmem>>) target_semaphore(%run_scoped3A : memref<!tpu.dma_semaphore, #tpu.memory_space<semaphore_mem>>)
          %dma_wait3A_131 = tpu.memref_slice %arg5[%add3A_122] : memref<320000xi32, #tpu.memory_space<hbm>> -> memref<80xi32, #tpu.memory_space<hbm>>
          %dma_wait3A_132 = tpu.memref_slice %arg5[%add3A_122] : memref<320000xi32, #tpu.memory_space<hbm>> -> memref<80xi32, #tpu.memory_space<hbm>>
          tpu.wait_dma2 semaphore(%run_scoped3A : memref<!tpu.dma_semaphore, #tpu.memory_space<semaphore_mem>>) src(%dma_wait3A_132 : memref<80xi32, #tpu.memory_space<hbm>>) dst(%arg10 : memref<80xi32, #tpu.memory_space<vmem>>)
          tpu.yield
        }) : () -> ()
        "tpu.region"() ({
          %run_scoped3A = tpu.sem_alloc : memref<!tpu.dma_semaphore, #tpu.memory_space<semaphore_mem>>
          %dma_start3A_129 = tpu.memref_slice %arg6[%add3A_122] : memref<320000xi32, #tpu.memory_space<hbm>> -> memref<80xi32, #tpu.memory_space<hbm>>
          %dma_start3A_130 = tpu.memref_slice %arg6[%add3A_122] : memref<320000xi32, #tpu.memory_space<hbm>> -> memref<80xi32, #tpu.memory_space<hbm>>
          tpu.enqueue_dma source(%dma_start3A_130 : memref<80xi32, #tpu.memory_space<hbm>>) target(%arg11 : memref<80xi32, #tpu.memory_space<vmem>>) target_semaphore(%run_scoped3A : memref<!tpu.dma_semaphore, #tpu.memory_space<semaphore_mem>>)
          %dma_wait3A_131 = tpu.memref_slice %arg6[%add3A_122] : memref<320000xi32, #tpu.memory_space<hbm>> -> memref<80xi32, #tpu.memory_space<hbm>>
          %dma_wait3A_132 = tpu.memref_slice %arg6[%add3A_122] : memref<320000xi32, #tpu.memory_space<hbm>> -> memref<80xi32, #tpu.memory_space<hbm>>
          tpu.wait_dma2 semaphore(%run_scoped3A : memref<!tpu.dma_semaphore, #tpu.memory_space<semaphore_mem>>) src(%dma_wait3A_132 : memref<80xi32, #tpu.memory_space<hbm>>) dst(%arg11 : memref<80xi32, #tpu.memory_space<vmem>>)
          tpu.yield
        }) : () -> ()
        %dma_start3A_123 = arith.constant 0 : i32
        %dma_start3A_124 = arith.constant 0 : i32
        %dma_start3A_125 = tpu.memref_slice %arg2[%dma_start3A_123, %dma_start3A_124] : memref<10240x128xf32, #tpu.memory_space<hbm>> -> memref<10240x128xf32, #tpu.memory_space<hbm>>
        tpu.enqueue_indirect_dma source(%dma_start3A_125 : memref<10240x128xf32, #tpu.memory_space<hbm>>) target(%arg15 : memref<80x128xf32, #tpu.memory_space<vmem>>) offsets(%arg9 : memref<80xi32, #tpu.memory_space<vmem>>) semaphore(%arg19 : memref<!tpu.dma_semaphore, #tpu.memory_space<semaphore_mem>>)
        %dma_start3A_126 = arith.constant 0 : i32
        %dma_start3A_127 = arith.constant 0 : i32
        %dma_start3A_128 = tpu.memref_slice %arg3[%dma_start3A_126, %dma_start3A_127] : memref<512x128xf32, #tpu.memory_space<hbm>> -> memref<512x128xf32, #tpu.memory_space<hbm>>
        tpu.enqueue_indirect_dma source(%dma_start3A_128 : memref<512x128xf32, #tpu.memory_space<hbm>>) target(%arg16 : memref<80x128xf32, #tpu.memory_space<vmem>>) offsets(%arg11 : memref<80xi32, #tpu.memory_space<vmem>>) semaphore(%arg19 : memref<!tpu.dma_semaphore, #tpu.memory_space<semaphore_mem>>)
      } else {
      }
      %lt3A_113 = arith.constant 125 : i32
      %lt3A_114 = arith.cmpi slt, %add3A_90, %lt3A_113 : i32
      %convert_element_type3A_115 = arith.extui %lt3A_114 : i1 to i32
      %cond3A_116 = arith.constant 0 : i32
      %cond3A_117 = arith.cmpi ne, %convert_element_type3A_115, %cond3A_116 : i32
      scf.if %cond3A_117 {
        %dma_wait3A_118 = arith.constant 0 : i32
        %dma_wait3A_119 = arith.constant 0 : i32
        %dma_wait3A_120 = tpu.memref_slice %arg2[%dma_wait3A_118, %dma_wait3A_119] : memref<10240x128xf32, #tpu.memory_space<hbm>> -> memref<10240x128xf32, #tpu.memory_space<hbm>>
        tpu.wait_indirect_dma semaphore(%arg20 : memref<!tpu.dma_semaphore, #tpu.memory_space<semaphore_mem>>) src(%dma_wait3A_120 : memref<10240x128xf32, #tpu.memory_space<hbm>>) dst(%arg17 : memref<80x128xf32, #tpu.memory_space<vmem>>)
        %dma_wait3A_121 = arith.constant 0 : i32
        %dma_wait3A_122 = arith.constant 0 : i32
        %dma_wait3A_123 = tpu.memref_slice %arg3[%dma_wait3A_121, %dma_wait3A_122] : memref<512x128xf32, #tpu.memory_space<hbm>> -> memref<512x128xf32, #tpu.memory_space<hbm>>
        tpu.wait_indirect_dma semaphore(%arg20 : memref<!tpu.dma_semaphore, #tpu.memory_space<semaphore_mem>>) src(%dma_wait3A_123 : memref<512x128xf32, #tpu.memory_space<hbm>>) dst(%arg18 : memref<80x128xf32, #tpu.memory_space<vmem>>)
        %scan3A_124 = arith.constant 0 : i32
        %scan3A_125 = arith.constant 0 : i32
        %scan3A_126 = arith.constant 80 : i32
        %scan3A_127 = arith.addi %scan3A_125, %scan3A_126 : i32
        %scan3A_128 = arith.constant 1 : i32
        scf.for %scan3A_130 = %scan3A_125 to %scan3A_127 step %scan3A_128  : i32 {
          %get3A = arith.index_cast %scan3A_130 : i32 to index
          %get3A_131 = arith.constant 0 : index
          %get3A_132 = tpu.vector_load %arg17[%get3A, %get3A_131] {strides = array<i32>} : memref<80x128xf32, #tpu.memory_space<vmem>>, vector<1x16xf32>,
          %get3A_133 = vector.shape_cast %get3A_132 : vector<1x16xf32> to vector<16xf32>
          %get3A_134 = arith.index_cast %scan3A_130 : i32 to index
          %get3A_135 = arith.constant 0 : index
          %get3A_136 = tpu.vector_load %arg18[%get3A_134, %get3A_135] {strides = array<i32>} : memref<80x128xf32, #tpu.memory_space<vmem>>, vector<1x16xf32>,
          %get3A_137 = vector.shape_cast %get3A_136 : vector<1x16xf32> to vector<16xf32>
          %add3A_138 = arith.addf %get3A_133, %get3A_137 : vector<16xf32>
          %max3A = arith.constant 0.000000e+00 : f32
          %max3A_139 = vector.broadcast %max3A : f32 to vector<16xf32>
          %max3A_140 = arith.maximumf %add3A_138, %max3A_139 : vector<16xf32>
          %swap3A = arith.index_cast %scan3A_130 : i32 to index
          %swap3A_141 = arith.constant 0 : index
          %swap3A_142 = tpu.vector_load %arg17[%swap3A, %swap3A_141] {strides = array<i32>} : memref<80x128xf32, #tpu.memory_space<vmem>>, vector<1x16xf32>,
          %swap3A_143 = vector.shape_cast %swap3A_142 : vector<1x16xf32> to vector<16xf32>
          %swap3A_144 = vector.shape_cast %max3A_140 : vector<16xf32> to vector<1x16xf32>
          tpu.vector_store %arg17[%swap3A, %swap3A_141], %swap3A_144 {strides = array<i32>} : memref<80x128xf32, #tpu.memory_space<vmem>>, vector<1x16xf32>,
          %get3A_145 = arith.index_cast %scan3A_130 : i32 to index
          %get3A_146 = arith.constant 16 : index
          %get3A_147 = tpu.vector_load %arg17[%get3A_145, %get3A_146] {strides = array<i32>} : memref<80x128xf32, #tpu.memory_space<vmem>>, vector<1x16xf32>,
          %get3A_148 = vector.shape_cast %get3A_147 : vector<1x16xf32> to vector<16xf32>
          %get3A_149 = arith.index_cast %scan3A_130 : i32 to index
          %get3A_150 = arith.constant 16 : index
          %get3A_151 = tpu.vector_load %arg18[%get3A_149, %get3A_150] {strides = array<i32>} : memref<80x128xf32, #tpu.memory_space<vmem>>, vector<1x16xf32>,
          %get3A_152 = vector.shape_cast %get3A_151 : vector<1x16xf32> to vector<16xf32>
          %add3A_153 = arith.addf %get3A_148, %get3A_152 : vector<16xf32>
          %max3A_154 = arith.constant 0.000000e+00 : f32
          %max3A_155 = vector.broadcast %max3A_154 : f32 to vector<16xf32>
          %max3A_156 = arith.maximumf %add3A_153, %max3A_155 : vector<16xf32>
          %swap3A_157 = arith.index_cast %scan3A_130 : i32 to index
          %swap3A_158 = arith.constant 16 : index
          %swap3A_159 = tpu.vector_load %arg17[%swap3A_157, %swap3A_158] {strides = array<i32>} : memref<80x128xf32, #tpu.memory_space<vmem>>, vector<1x16xf32>,
          %swap3A_160 = vector.shape_cast %swap3A_159 : vector<1x16xf32> to vector<16xf32>
          %swap3A_161 = vector.shape_cast %max3A_156 : vector<16xf32> to vector<1x16xf32>
          tpu.vector_store %arg17[%swap3A_157, %swap3A_158], %swap3A_161 {strides = array<i32>} : memref<80x128xf32, #tpu.memory_space<vmem>>, vector<1x16xf32>,
          %get3A_162 = arith.index_cast %scan3A_130 : i32 to index
          %get3A_163 = arith.constant 32 : index
          %get3A_164 = tpu.vector_load %arg17[%get3A_162, %get3A_163] {strides = array<i32>} : memref<80x128xf32, #tpu.memory_space<vmem>>, vector<1x16xf32>,
          %get3A_165 = vector.shape_cast %get3A_164 : vector<1x16xf32> to vector<16xf32>
          %get3A_166 = arith.index_cast %scan3A_130 : i32 to index
          %get3A_167 = arith.constant 32 : index
          %get3A_168 = tpu.vector_load %arg18[%get3A_166, %get3A_167] {strides = array<i32>} : memref<80x128xf32, #tpu.memory_space<vmem>>, vector<1x16xf32>,
          %get3A_169 = vector.shape_cast %get3A_168 : vector<1x16xf32> to vector<16xf32>
          %add3A_170 = arith.addf %get3A_165, %get3A_169 : vector<16xf32>
          %max3A_171 = arith.constant 0.000000e+00 : f32
          %max3A_172 = vector.broadcast %max3A_171 : f32 to vector<16xf32>
          %max3A_173 = arith.maximumf %add3A_170, %max3A_172 : vector<16xf32>
          %swap3A_174 = arith.index_cast %scan3A_130 : i32 to index
          %swap3A_175 = arith.constant 32 : index
          %swap3A_176 = tpu.vector_load %arg17[%swap3A_174, %swap3A_175] {strides = array<i32>} : memref<80x128xf32, #tpu.memory_space<vmem>>, vector<1x16xf32>,
          %swap3A_177 = vector.shape_cast %swap3A_176 : vector<1x16xf32> to vector<16xf32>
          %swap3A_178 = vector.shape_cast %max3A_173 : vector<16xf32> to vector<1x16xf32>
          tpu.vector_store %arg17[%swap3A_174, %swap3A_175], %swap3A_178 {strides = array<i32>} : memref<80x128xf32, #tpu.memory_space<vmem>>, vector<1x16xf32>,
          %get3A_179 = arith.index_cast %scan3A_130 : i32 to index
          %get3A_180 = arith.constant 48 : index
          %get3A_181 = tpu.vector_load %arg17[%get3A_179, %get3A_180] {strides = array<i32>} : memref<80x128xf32, #tpu.memory_space<vmem>>, vector<1x16xf32>,
          %get3A_182 = vector.shape_cast %get3A_181 : vector<1x16xf32> to vector<16xf32>
          %get3A_183 = arith.index_cast %scan3A_130 : i32 to index
          %get3A_184 = arith.constant 48 : index
          %get3A_185 = tpu.vector_load %arg18[%get3A_183, %get3A_184] {strides = array<i32>} : memref<80x128xf32, #tpu.memory_space<vmem>>, vector<1x16xf32>,
          %get3A_186 = vector.shape_cast %get3A_185 : vector<1x16xf32> to vector<16xf32>
          %add3A_187 = arith.addf %get3A_182, %get3A_186 : vector<16xf32>
          %max3A_188 = arith.constant 0.000000e+00 : f32
          %max3A_189 = vector.broadcast %max3A_188 : f32 to vector<16xf32>
          %max3A_190 = arith.maximumf %add3A_187, %max3A_189 : vector<16xf32>
          %swap3A_191 = arith.index_cast %scan3A_130 : i32 to index
          %swap3A_192 = arith.constant 48 : index
          %swap3A_193 = tpu.vector_load %arg17[%swap3A_191, %swap3A_192] {strides = array<i32>} : memref<80x128xf32, #tpu.memory_space<vmem>>, vector<1x16xf32>,
          %swap3A_194 = vector.shape_cast %swap3A_193 : vector<1x16xf32> to vector<16xf32>
          %swap3A_195 = vector.shape_cast %max3A_190 : vector<16xf32> to vector<1x16xf32>
          tpu.vector_store %arg17[%swap3A_191, %swap3A_192], %swap3A_195 {strides = array<i32>} : memref<80x128xf32, #tpu.memory_space<vmem>>, vector<1x16xf32>,
          %get3A_196 = arith.index_cast %scan3A_130 : i32 to index
          %get3A_197 = arith.constant 64 : index
          %get3A_198 = tpu.vector_load %arg17[%get3A_196, %get3A_197] {strides = array<i32>} : memref<80x128xf32, #tpu.memory_space<vmem>>, vector<1x16xf32>,
          %get3A_199 = vector.shape_cast %get3A_198 : vector<1x16xf32> to vector<16xf32>
          %get3A_200 = arith.index_cast %scan3A_130 : i32 to index
          %get3A_201 = arith.constant 64 : index
          %get3A_202 = tpu.vector_load %arg18[%get3A_200, %get3A_201] {strides = array<i32>} : memref<80x128xf32, #tpu.memory_space<vmem>>, vector<1x16xf32>,
          %get3A_203 = vector.shape_cast %get3A_202 : vector<1x16xf32> to vector<16xf32>
          %add3A_204 = arith.addf %get3A_199, %get3A_203 : vector<16xf32>
          %max3A_205 = arith.constant 0.000000e+00 : f32
          %max3A_206 = vector.broadcast %max3A_205 : f32 to vector<16xf32>
          %max3A_207 = arith.maximumf %add3A_204, %max3A_206 : vector<16xf32>
          %swap3A_208 = arith.index_cast %scan3A_130 : i32 to index
          %swap3A_209 = arith.constant 64 : index
          %swap3A_210 = tpu.vector_load %arg17[%swap3A_208, %swap3A_209] {strides = array<i32>} : memref<80x128xf32, #tpu.memory_space<vmem>>, vector<1x16xf32>,
          %swap3A_211 = vector.shape_cast %swap3A_210 : vector<1x16xf32> to vector<16xf32>
          %swap3A_212 = vector.shape_cast %max3A_207 : vector<16xf32> to vector<1x16xf32>
          tpu.vector_store %arg17[%swap3A_208, %swap3A_209], %swap3A_212 {strides = array<i32>} : memref<80x128xf32, #tpu.memory_space<vmem>>, vector<1x16xf32>,
          %get3A_213 = arith.index_cast %scan3A_130 : i32 to index
          %get3A_214 = arith.constant 80 : index
          %get3A_215 = tpu.vector_load %arg17[%get3A_213, %get3A_214] {strides = array<i32>} : memref<80x128xf32, #tpu.memory_space<vmem>>, vector<1x16xf32>,
          %get3A_216 = vector.shape_cast %get3A_215 : vector<1x16xf32> to vector<16xf32>
          %get3A_217 = arith.index_cast %scan3A_130 : i32 to index
          %get3A_218 = arith.constant 80 : index
          %get3A_219 = tpu.vector_load %arg18[%get3A_217, %get3A_218] {strides = array<i32>} : memref<80x128xf32, #tpu.memory_space<vmem>>, vector<1x16xf32>,
          %get3A_220 = vector.shape_cast %get3A_219 : vector<1x16xf32> to vector<16xf32>
          %add3A_221 = arith.addf %get3A_216, %get3A_220 : vector<16xf32>
          %max3A_222 = arith.constant 0.000000e+00 : f32
          %max3A_223 = vector.broadcast %max3A_222 : f32 to vector<16xf32>
          %max3A_224 = arith.maximumf %add3A_221, %max3A_223 : vector<16xf32>
          %swap3A_225 = arith.index_cast %scan3A_130 : i32 to index
          %swap3A_226 = arith.constant 80 : index
          %swap3A_227 = tpu.vector_load %arg17[%swap3A_225, %swap3A_226] {strides = array<i32>} : memref<80x128xf32, #tpu.memory_space<vmem>>, vector<1x16xf32>,
          %swap3A_228 = vector.shape_cast %swap3A_227 : vector<1x16xf32> to vector<16xf32>
          %swap3A_229 = vector.shape_cast %max3A_224 : vector<16xf32> to vector<1x16xf32>
          tpu.vector_store %arg17[%swap3A_225, %swap3A_226], %swap3A_229 {strides = array<i32>} : memref<80x128xf32, #tpu.memory_space<vmem>>, vector<1x16xf32>,
          %get3A_230 = arith.index_cast %scan3A_130 : i32 to index
          %get3A_231 = arith.constant 96 : index
          %get3A_232 = tpu.vector_load %arg17[%get3A_230, %get3A_231] {strides = array<i32>} : memref<80x128xf32, #tpu.memory_space<vmem>>, vector<1x16xf32>,
          %get3A_233 = vector.shape_cast %get3A_232 : vector<1x16xf32> to vector<16xf32>
          %get3A_234 = arith.index_cast %scan3A_130 : i32 to index
          %get3A_235 = arith.constant 96 : index
          %get3A_236 = tpu.vector_load %arg18[%get3A_234, %get3A_235] {strides = array<i32>} : memref<80x128xf32, #tpu.memory_space<vmem>>, vector<1x16xf32>,
          %get3A_237 = vector.shape_cast %get3A_236 : vector<1x16xf32> to vector<16xf32>
          %add3A_238 = arith.addf %get3A_233, %get3A_237 : vector<16xf32>
          %max3A_239 = arith.constant 0.000000e+00 : f32
          %max3A_240 = vector.broadcast %max3A_239 : f32 to vector<16xf32>
          %max3A_241 = arith.maximumf %add3A_238, %max3A_240 : vector<16xf32>
          %swap3A_242 = arith.index_cast %scan3A_130 : i32 to index
          %swap3A_243 = arith.constant 96 : index
          %swap3A_244 = tpu.vector_load %arg17[%swap3A_242, %swap3A_243] {strides = array<i32>} : memref<80x128xf32, #tpu.memory_space<vmem>>, vector<1x16xf32>,
          %swap3A_245 = vector.shape_cast %swap3A_244 : vector<1x16xf32> to vector<16xf32>
          %swap3A_246 = vector.shape_cast %max3A_241 : vector<16xf32> to vector<1x16xf32>
          tpu.vector_store %arg17[%swap3A_242, %swap3A_243], %swap3A_246 {strides = array<i32>} : memref<80x128xf32, #tpu.memory_space<vmem>>, vector<1x16xf32>,
          %get3A_247 = arith.index_cast %scan3A_130 : i32 to index
          %get3A_248 = arith.constant 112 : index
          %get3A_249 = tpu.vector_load %arg17[%get3A_247, %get3A_248] {strides = array<i32>} : memref<80x128xf32, #tpu.memory_space<vmem>>, vector<1x16xf32>,
          %get3A_250 = vector.shape_cast %get3A_249 : vector<1x16xf32> to vector<16xf32>
          %get3A_251 = arith.index_cast %scan3A_130 : i32 to index
          %get3A_252 = arith.constant 112 : index
          %get3A_253 = tpu.vector_load %arg18[%get3A_251, %get3A_252] {strides = array<i32>} : memref<80x128xf32, #tpu.memory_space<vmem>>, vector<1x16xf32>,
          %get3A_254 = vector.shape_cast %get3A_253 : vector<1x16xf32> to vector<16xf32>
          %add3A_255 = arith.addf %get3A_250, %get3A_254 : vector<16xf32>
          %max3A_256 = arith.constant 0.000000e+00 : f32
          %max3A_257 = vector.broadcast %max3A_256 : f32 to vector<16xf32>
          %max3A_258 = arith.maximumf %add3A_255, %max3A_257 : vector<16xf32>
          %swap3A_259 = arith.index_cast %scan3A_130 : i32 to index
          %swap3A_260 = arith.constant 112 : index
          %swap3A_261 = tpu.vector_load %arg17[%swap3A_259, %swap3A_260] {strides = array<i32>} : memref<80x128xf32, #tpu.memory_space<vmem>>, vector<1x16xf32>,
          %swap3A_262 = vector.shape_cast %swap3A_261 : vector<1x16xf32> to vector<16xf32>
          %swap3A_263 = vector.shape_cast %max3A_258 : vector<16xf32> to vector<1x16xf32>
          tpu.vector_store %arg17[%swap3A_259, %swap3A_260], %swap3A_263 {strides = array<i32>} : memref<80x128xf32, #tpu.memory_space<vmem>>, vector<1x16xf32>,
        }
        %scan3A_129 = arith.constant 80 : i32
        "tpu.region"() ({
          %run_scoped3A = tpu.sem_alloc : memref<!tpu.dma_semaphore, #tpu.memory_space<semaphore_mem>>
          %dma_start3A_130 = arith.constant 0 : i32
          %dma_start3A_131 = arith.constant 0 : i32
          %dma_start3A_132 = tpu.memref_slice %arg8[%dma_start3A_130, %dma_start3A_131] : memref<10240x128xf32, #tpu.memory_space<vmem_shared>> -> memref<10240x128xf32, #tpu.memory_space<vmem_shared>>
          tpu.enqueue_indirect_dma source(%arg17 : memref<80x128xf32, #tpu.memory_space<vmem>>) target(%dma_start3A_132 : memref<10240x128xf32, #tpu.memory_space<vmem_shared>>) offsets(%arg13 : memref<80xi32, #tpu.memory_space<vmem>>) semaphore(%run_scoped3A : memref<!tpu.dma_semaphore, #tpu.memory_space<semaphore_mem>>) {add = true}
          %dma_wait3A_133 = arith.constant 0 : i32
          %dma_wait3A_134 = arith.constant 0 : i32
          %dma_wait3A_135 = tpu.memref_slice %arg8[%dma_wait3A_133, %dma_wait3A_134] : memref<10240x128xf32, #tpu.memory_space<vmem_shared>> -> memref<10240x128xf32, #tpu.memory_space<vmem_shared>>
          tpu.wait_indirect_dma semaphore(%run_scoped3A : memref<!tpu.dma_semaphore, #tpu.memory_space<semaphore_mem>>) src(%arg17 : memref<80x128xf32, #tpu.memory_space<vmem>>) dst(%dma_wait3A_135 : memref<10240x128xf32, #tpu.memory_space<vmem_shared>>)
          tpu.yield
        }) : () -> ()
      } else {
      }
    }
    %scan3A_52 = arith.constant 63 : i32
    %barrier3A_53 = arith.constant 0 : index
    tpu.barrier barrier_id(%barrier3A_53)
    %mul3A_54 = arith.constant 640 : i32
    %mul3A_55 = arith.muli %arg1, %mul3A_54 : i32
    %add3A_56 = arith.constant 0 : i32
    %add3A_57 = arith.addi %mul3A_55, %add3A_56 : i32
    "tpu.region"() ({
      %run_scoped3A = tpu.sem_alloc : memref<!tpu.dma_semaphore, #tpu.memory_space<semaphore_mem>>
      %dma_start3A_86 = arith.constant 0 : i32
      %dma_start3A_87 = tpu.memref_slice %arg7[%arg0, %add3A_57, %dma_start3A_86] : memref<2x10240x128xf32, #tpu.memory_space<hbm>> -> memref<1x80x128xf32, #tpu.memory_space<hbm>>
      %dma_start3A_88 = tpu.memref_squeeze %dma_start3A_87 : memref<1x80x128xf32, #tpu.memory_space<hbm>> -> memref<80x128xf32, #tpu.memory_space<hbm>>
      %dma_start3A_89 = arith.constant 0 : i32
      %dma_start3A_90 = tpu.memref_slice %arg8[%add3A_57, %dma_start3A_89] : memref<10240x128xf32, #tpu.memory_space<vmem_shared>> -> memref<80x128xf32, #tpu.memory_space<vmem_shared>>
      tpu.enqueue_dma source(%dma_start3A_90 : memref<80x128xf32, #tpu.memory_space<vmem_shared>>) target(%dma_start3A_88 : memref<80x128xf32, #tpu.memory_space<hbm>>) target_semaphore(%run_scoped3A : memref<!tpu.dma_semaphore, #tpu.memory_space<semaphore_mem>>)
      %dma_wait3A = arith.constant 0 : i32
      %dma_wait3A_91 = tpu.memref_slice %arg7[%arg0, %add3A_57, %dma_wait3A] : memref<2x10240x128xf32, #tpu.memory_space<hbm>> -> memref<1x80x128xf32, #tpu.memory_space<hbm>>
      %dma_wait3A_92 = tpu.memref_squeeze %dma_wait3A_91 : memref<1x80x128xf32, #tpu.memory_space<hbm>> -> memref<80x128xf32, #tpu.memory_space<hbm>>
      %dma_wait3A_93 = arith.constant 0 : i32
      %dma_wait3A_94 = tpu.memref_slice %arg8[%add3A_57, %dma_wait3A_93] : memref<10240x128xf32, #tpu.memory_space<vmem_shared>> -> memref<80x128xf32, #tpu.memory_space<vmem_shared>>
      tpu.wait_dma2 semaphore(%run_scoped3A : memref<!tpu.dma_semaphore, #tpu.memory_space<semaphore_mem>>) src(%dma_wait3A_94 : memref<80x128xf32, #tpu.memory_space<vmem_shared>>) dst(%dma_wait3A_92 : memref<80x128xf32, #tpu.memory_space<hbm>>)
      tpu.yield
    }) : () -> ()
    %mul3A_58 = arith.constant 640 : i32
    %mul3A_59 = arith.muli %arg1, %mul3A_58 : i32
    %add3A_60 = arith.constant 80 : i32
    %add3A_61 = arith.addi %mul3A_59, %add3A_60 : i32
    "tpu.region"() ({
      %run_scoped3A = tpu.sem_alloc : memref<!tpu.dma_semaphore, #tpu.memory_space<semaphore_mem>>
      %dma_start3A_86 = arith.constant 0 : i32
      %dma_start3A_87 = tpu.memref_slice %arg7[%arg0, %add3A_61, %dma_start3A_86] : memref<2x10240x128xf32, #tpu.memory_space<hbm>> -> memref<1x80x128xf32, #tpu.memory_space<hbm>>
      %dma_start3A_88 = tpu.memref_squeeze %dma_start3A_87 : memref<1x80x128xf32, #tpu.memory_space<hbm>> -> memref<80x128xf32, #tpu.memory_space<hbm>>
      %dma_start3A_89 = arith.constant 0 : i32
      %dma_start3A_90 = tpu.memref_slice %arg8[%add3A_61, %dma_start3A_89] : memref<10240x128xf32, #tpu.memory_space<vmem_shared>> -> memref<80x128xf32, #tpu.memory_space<vmem_shared>>
      tpu.enqueue_dma source(%dma_start3A_90 : memref<80x128xf32, #tpu.memory_space<vmem_shared>>) target(%dma_start3A_88 : memref<80x128xf32, #tpu.memory_space<hbm>>) target_semaphore(%run_scoped3A : memref<!tpu.dma_semaphore, #tpu.memory_space<semaphore_mem>>)
      %dma_wait3A = arith.constant 0 : i32
      %dma_wait3A_91 = tpu.memref_slice %arg7[%arg0, %add3A_61, %dma_wait3A] : memref<2x10240x128xf32, #tpu.memory_space<hbm>> -> memref<1x80x128xf32, #tpu.memory_space<hbm>>
      %dma_wait3A_92 = tpu.memref_squeeze %dma_wait3A_91 : memref<1x80x128xf32, #tpu.memory_space<hbm>> -> memref<80x128xf32, #tpu.memory_space<hbm>>
      %dma_wait3A_93 = arith.constant 0 : i32
      %dma_wait3A_94 = tpu.memref_slice %arg8[%add3A_61, %dma_wait3A_93] : memref<10240x128xf32, #tpu.memory_space<vmem_shared>> -> memref<80x128xf32, #tpu.memory_space<vmem_shared>>
      tpu.wait_dma2 semaphore(%run_scoped3A : memref<!tpu.dma_semaphore, #tpu.memory_space<semaphore_mem>>) src(%dma_wait3A_94 : memref<80x128xf32, #tpu.memory_space<vmem_shared>>) dst(%dma_wait3A_92 : memref<80x128xf32, #tpu.memory_space<hbm>>)
      tpu.yield
    }) : () -> ()
    %mul3A_62 = arith.constant 640 : i32
    %mul3A_63 = arith.muli %arg1, %mul3A_62 : i32
    %add3A_64 = arith.constant 160 : i32
    %add3A_65 = arith.addi %mul3A_63, %add3A_64 : i32
    "tpu.region"() ({
      %run_scoped3A = tpu.sem_alloc : memref<!tpu.dma_semaphore, #tpu.memory_space<semaphore_mem>>
      %dma_start3A_86 = arith.constant 0 : i32
      %dma_start3A_87 = tpu.memref_slice %arg7[%arg0, %add3A_65, %dma_start3A_86] : memref<2x10240x128xf32, #tpu.memory_space<hbm>> -> memref<1x80x128xf32, #tpu.memory_space<hbm>>
      %dma_start3A_88 = tpu.memref_squeeze %dma_start3A_87 : memref<1x80x128xf32, #tpu.memory_space<hbm>> -> memref<80x128xf32, #tpu.memory_space<hbm>>
      %dma_start3A_89 = arith.constant 0 : i32
      %dma_start3A_90 = tpu.memref_slice %arg8[%add3A_65, %dma_start3A_89] : memref<10240x128xf32, #tpu.memory_space<vmem_shared>> -> memref<80x128xf32, #tpu.memory_space<vmem_shared>>
      tpu.enqueue_dma source(%dma_start3A_90 : memref<80x128xf32, #tpu.memory_space<vmem_shared>>) target(%dma_start3A_88 : memref<80x128xf32, #tpu.memory_space<hbm>>) target_semaphore(%run_scoped3A : memref<!tpu.dma_semaphore, #tpu.memory_space<semaphore_mem>>)
      %dma_wait3A = arith.constant 0 : i32
      %dma_wait3A_91 = tpu.memref_slice %arg7[%arg0, %add3A_65, %dma_wait3A] : memref<2x10240x128xf32, #tpu.memory_space<hbm>> -> memref<1x80x128xf32, #tpu.memory_space<hbm>>
      %dma_wait3A_92 = tpu.memref_squeeze %dma_wait3A_91 : memref<1x80x128xf32, #tpu.memory_space<hbm>> -> memref<80x128xf32, #tpu.memory_space<hbm>>
      %dma_wait3A_93 = arith.constant 0 : i32
      %dma_wait3A_94 = tpu.memref_slice %arg8[%add3A_65, %dma_wait3A_93] : memref<10240x128xf32, #tpu.memory_space<vmem_shared>> -> memref<80x128xf32, #tpu.memory_space<vmem_shared>>
      tpu.wait_dma2 semaphore(%run_scoped3A : memref<!tpu.dma_semaphore, #tpu.memory_space<semaphore_mem>>) src(%dma_wait3A_94 : memref<80x128xf32, #tpu.memory_space<vmem_shared>>) dst(%dma_wait3A_92 : memref<80x128xf32, #tpu.memory_space<hbm>>)
      tpu.yield
    }) : () -> ()
    %mul3A_66 = arith.constant 640 : i32
    %mul3A_67 = arith.muli %arg1, %mul3A_66 : i32
    %add3A_68 = arith.constant 240 : i32
    %add3A_69 = arith.addi %mul3A_67, %add3A_68 : i32
    "tpu.region"() ({
      %run_scoped3A = tpu.sem_alloc : memref<!tpu.dma_semaphore, #tpu.memory_space<semaphore_mem>>
      %dma_start3A_86 = arith.constant 0 : i32
      %dma_start3A_87 = tpu.memref_slice %arg7[%arg0, %add3A_69, %dma_start3A_86] : memref<2x10240x128xf32, #tpu.memory_space<hbm>> -> memref<1x80x128xf32, #tpu.memory_space<hbm>>
      %dma_start3A_88 = tpu.memref_squeeze %dma_start3A_87 : memref<1x80x128xf32, #tpu.memory_space<hbm>> -> memref<80x128xf32, #tpu.memory_space<hbm>>
      %dma_start3A_89 = arith.constant 0 : i32
      %dma_start3A_90 = tpu.memref_slice %arg8[%add3A_69, %dma_start3A_89] : memref<10240x128xf32, #tpu.memory_space<vmem_shared>> -> memref<80x128xf32, #tpu.memory_space<vmem_shared>>
      tpu.enqueue_dma source(%dma_start3A_90 : memref<80x128xf32, #tpu.memory_space<vmem_shared>>) target(%dma_start3A_88 : memref<80x128xf32, #tpu.memory_space<hbm>>) target_semaphore(%run_scoped3A : memref<!tpu.dma_semaphore, #tpu.memory_space<semaphore_mem>>)
      %dma_wait3A = arith.constant 0 : i32
      %dma_wait3A_91 = tpu.memref_slice %arg7[%arg0, %add3A_69, %dma_wait3A] : memref<2x10240x128xf32, #tpu.memory_space<hbm>> -> memref<1x80x128xf32, #tpu.memory_space<hbm>>
      %dma_wait3A_92 = tpu.memref_squeeze %dma_wait3A_91 : memref<1x80x128xf32, #tpu.memory_space<hbm>> -> memref<80x128xf32, #tpu.memory_space<hbm>>
      %dma_wait3A_93 = arith.constant 0 : i32
      %dma_wait3A_94 = tpu.memref_slice %arg8[%add3A_69, %dma_wait3A_93] : memref<10240x128xf32, #tpu.memory_space<vmem_shared>> -> memref<80x128xf32, #tpu.memory_space<vmem_shared>>
      tpu.wait_dma2 semaphore(%run_scoped3A : memref<!tpu.dma_semaphore, #tpu.memory_space<semaphore_mem>>) src(%dma_wait3A_94 : memref<80x128xf32, #tpu.memory_space<vmem_shared>>) dst(%dma_wait3A_92 : memref<80x128xf32, #tpu.memory_space<hbm>>)
      tpu.yield
    }) : () -> ()
    %mul3A_70 = arith.constant 640 : i32
    %mul3A_71 = arith.muli %arg1, %mul3A_70 : i32
    %add3A_72 = arith.constant 320 : i32
    %add3A_73 = arith.addi %mul3A_71, %add3A_72 : i32
    "tpu.region"() ({
      %run_scoped3A = tpu.sem_alloc : memref<!tpu.dma_semaphore, #tpu.memory_space<semaphore_mem>>
      %dma_start3A_86 = arith.constant 0 : i32
      %dma_start3A_87 = tpu.memref_slice %arg7[%arg0, %add3A_73, %dma_start3A_86] : memref<2x10240x128xf32, #tpu.memory_space<hbm>> -> memref<1x80x128xf32, #tpu.memory_space<hbm>>
      %dma_start3A_88 = tpu.memref_squeeze %dma_start3A_87 : memref<1x80x128xf32, #tpu.memory_space<hbm>> -> memref<80x128xf32, #tpu.memory_space<hbm>>
      %dma_start3A_89 = arith.constant 0 : i32
      %dma_start3A_90 = tpu.memref_slice %arg8[%add3A_73, %dma_start3A_89] : memref<10240x128xf32, #tpu.memory_space<vmem_shared>> -> memref<80x128xf32, #tpu.memory_space<vmem_shared>>
      tpu.enqueue_dma source(%dma_start3A_90 : memref<80x128xf32, #tpu.memory_space<vmem_shared>>) target(%dma_start3A_88 : memref<80x128xf32, #tpu.memory_space<hbm>>) target_semaphore(%run_scoped3A : memref<!tpu.dma_semaphore, #tpu.memory_space<semaphore_mem>>)
      %dma_wait3A = arith.constant 0 : i32
      %dma_wait3A_91 = tpu.memref_slice %arg7[%arg0, %add3A_73, %dma_wait3A] : memref<2x10240x128xf32, #tpu.memory_space<hbm>> -> memref<1x80x128xf32, #tpu.memory_space<hbm>>
      %dma_wait3A_92 = tpu.memref_squeeze %dma_wait3A_91 : memref<1x80x128xf32, #tpu.memory_space<hbm>> -> memref<80x128xf32, #tpu.memory_space<hbm>>
      %dma_wait3A_93 = arith.constant 0 : i32
      %dma_wait3A_94 = tpu.memref_slice %arg8[%add3A_73, %dma_wait3A_93] : memref<10240x128xf32, #tpu.memory_space<vmem_shared>> -> memref<80x128xf32, #tpu.memory_space<vmem_shared>>
      tpu.wait_dma2 semaphore(%run_scoped3A : memref<!tpu.dma_semaphore, #tpu.memory_space<semaphore_mem>>) src(%dma_wait3A_94 : memref<80x128xf32, #tpu.memory_space<vmem_shared>>) dst(%dma_wait3A_92 : memref<80x128xf32, #tpu.memory_space<hbm>>)
      tpu.yield
    }) : () -> ()
    %mul3A_74 = arith.constant 640 : i32
    %mul3A_75 = arith.muli %arg1, %mul3A_74 : i32
    %add3A_76 = arith.constant 400 : i32
    %add3A_77 = arith.addi %mul3A_75, %add3A_76 : i32
    "tpu.region"() ({
      %run_scoped3A = tpu.sem_alloc : memref<!tpu.dma_semaphore, #tpu.memory_space<semaphore_mem>>
      %dma_start3A_86 = arith.constant 0 : i32
      %dma_start3A_87 = tpu.memref_slice %arg7[%arg0, %add3A_77, %dma_start3A_86] : memref<2x10240x128xf32, #tpu.memory_space<hbm>> -> memref<1x80x128xf32, #tpu.memory_space<hbm>>
      %dma_start3A_88 = tpu.memref_squeeze %dma_start3A_87 : memref<1x80x128xf32, #tpu.memory_space<hbm>> -> memref<80x128xf32, #tpu.memory_space<hbm>>
      %dma_start3A_89 = arith.constant 0 : i32
      %dma_start3A_90 = tpu.memref_slice %arg8[%add3A_77, %dma_start3A_89] : memref<10240x128xf32, #tpu.memory_space<vmem_shared>> -> memref<80x128xf32, #tpu.memory_space<vmem_shared>>
      tpu.enqueue_dma source(%dma_start3A_90 : memref<80x128xf32, #tpu.memory_space<vmem_shared>>) target(%dma_start3A_88 : memref<80x128xf32, #tpu.memory_space<hbm>>) target_semaphore(%run_scoped3A : memref<!tpu.dma_semaphore, #tpu.memory_space<semaphore_mem>>)
      %dma_wait3A = arith.constant 0 : i32
      %dma_wait3A_91 = tpu.memref_slice %arg7[%arg0, %add3A_77, %dma_wait3A] : memref<2x10240x128xf32, #tpu.memory_space<hbm>> -> memref<1x80x128xf32, #tpu.memory_space<hbm>>
      %dma_wait3A_92 = tpu.memref_squeeze %dma_wait3A_91 : memref<1x80x128xf32, #tpu.memory_space<hbm>> -> memref<80x128xf32, #tpu.memory_space<hbm>>
      %dma_wait3A_93 = arith.constant 0 : i32
      %dma_wait3A_94 = tpu.memref_slice %arg8[%add3A_77, %dma_wait3A_93] : memref<10240x128xf32, #tpu.memory_space<vmem_shared>> -> memref<80x128xf32, #tpu.memory_space<vmem_shared>>
      tpu.wait_dma2 semaphore(%run_scoped3A : memref<!tpu.dma_semaphore, #tpu.memory_space<semaphore_mem>>) src(%dma_wait3A_94 : memref<80x128xf32, #tpu.memory_space<vmem_shared>>) dst(%dma_wait3A_92 : memref<80x128xf32, #tpu.memory_space<hbm>>)
      tpu.yield
    }) : () -> ()
    %mul3A_78 = arith.constant 640 : i32
    %mul3A_79 = arith.muli %arg1, %mul3A_78 : i32
    %add3A_80 = arith.constant 480 : i32
    %add3A_81 = arith.addi %mul3A_79, %add3A_80 : i32
    "tpu.region"() ({
      %run_scoped3A = tpu.sem_alloc : memref<!tpu.dma_semaphore, #tpu.memory_space<semaphore_mem>>
      %dma_start3A_86 = arith.constant 0 : i32
      %dma_start3A_87 = tpu.memref_slice %arg7[%arg0, %add3A_81, %dma_start3A_86] : memref<2x10240x128xf32, #tpu.memory_space<hbm>> -> memref<1x80x128xf32, #tpu.memory_space<hbm>>
      %dma_start3A_88 = tpu.memref_squeeze %dma_start3A_87 : memref<1x80x128xf32, #tpu.memory_space<hbm>> -> memref<80x128xf32, #tpu.memory_space<hbm>>
      %dma_start3A_89 = arith.constant 0 : i32
      %dma_start3A_90 = tpu.memref_slice %arg8[%add3A_81, %dma_start3A_89] : memref<10240x128xf32, #tpu.memory_space<vmem_shared>> -> memref<80x128xf32, #tpu.memory_space<vmem_shared>>
      tpu.enqueue_dma source(%dma_start3A_90 : memref<80x128xf32, #tpu.memory_space<vmem_shared>>) target(%dma_start3A_88 : memref<80x128xf32, #tpu.memory_space<hbm>>) target_semaphore(%run_scoped3A : memref<!tpu.dma_semaphore, #tpu.memory_space<semaphore_mem>>)
      %dma_wait3A = arith.constant 0 : i32
      %dma_wait3A_91 = tpu.memref_slice %arg7[%arg0, %add3A_81, %dma_wait3A] : memref<2x10240x128xf32, #tpu.memory_space<hbm>> -> memref<1x80x128xf32, #tpu.memory_space<hbm>>
      %dma_wait3A_92 = tpu.memref_squeeze %dma_wait3A_91 : memref<1x80x128xf32, #tpu.memory_space<hbm>> -> memref<80x128xf32, #tpu.memory_space<hbm>>
      %dma_wait3A_93 = arith.constant 0 : i32
      %dma_wait3A_94 = tpu.memref_slice %arg8[%add3A_81, %dma_wait3A_93] : memref<10240x128xf32, #tpu.memory_space<vmem_shared>> -> memref<80x128xf32, #tpu.memory_space<vmem_shared>>
      tpu.wait_dma2 semaphore(%run_scoped3A : memref<!tpu.dma_semaphore, #tpu.memory_space<semaphore_mem>>) src(%dma_wait3A_94 : memref<80x128xf32, #tpu.memory_space<vmem_shared>>) dst(%dma_wait3A_92 : memref<80x128xf32, #tpu.memory_space<hbm>>)
      tpu.yield
    }) : () -> ()
    %mul3A_82 = arith.constant 640 : i32
    %mul3A_83 = arith.muli %arg1, %mul3A_82 : i32
    %add3A_84 = arith.constant 560 : i32
    %add3A_85 = arith.addi %mul3A_83, %add3A_84 : i32
    "tpu.region"() ({
      %run_scoped3A = tpu.sem_alloc : memref<!tpu.dma_semaphore, #tpu.memory_space<semaphore_mem>>
      %dma_start3A_86 = arith.constant 0 : i32
      %dma_start3A_87 = tpu.memref_slice %arg7[%arg0, %add3A_85, %dma_start3A_86] : memref<2x10240x128xf32, #tpu.memory_space<hbm>> -> memref<1x80x128xf32, #tpu.memory_space<hbm>>
      %dma_start3A_88 = tpu.memref_squeeze %dma_start3A_87 : memref<1x80x128xf32, #tpu.memory_space<hbm>> -> memref<80x128xf32, #tpu.memory_space<hbm>>
      %dma_start3A_89 = arith.constant 0 : i32
      %dma_start3A_90 = tpu.memref_slice %arg8[%add3A_85, %dma_start3A_89] : memref<10240x128xf32, #tpu.memory_space<vmem_shared>> -> memref<80x128xf32, #tpu.memory_space<vmem_shared>>
      tpu.enqueue_dma source(%dma_start3A_90 : memref<80x128xf32, #tpu.memory_space<vmem_shared>>) target(%dma_start3A_88 : memref<80x128xf32, #tpu.memory_space<hbm>>) target_semaphore(%run_scoped3A : memref<!tpu.dma_semaphore, #tpu.memory_space<semaphore_mem>>)
      %dma_wait3A = arith.constant 0 : i32
      %dma_wait3A_91 = tpu.memref_slice %arg7[%arg0, %add3A_85, %dma_wait3A] : memref<2x10240x128xf32, #tpu.memory_space<hbm>> -> memref<1x80x128xf32, #tpu.memory_space<hbm>>
      %dma_wait3A_92 = tpu.memref_squeeze %dma_wait3A_91 : memref<1x80x128xf32, #tpu.memory_space<hbm>> -> memref<80x128xf32, #tpu.memory_space<hbm>>
      %dma_wait3A_93 = arith.constant 0 : i32
      %dma_wait3A_94 = tpu.memref_slice %arg8[%add3A_85, %dma_wait3A_93] : memref<10240x128xf32, #tpu.memory_space<vmem_shared>> -> memref<80x128xf32, #tpu.memory_space<vmem_shared>>
      tpu.wait_dma2 semaphore(%run_scoped3A : memref<!tpu.dma_semaphore, #tpu.memory_space<semaphore_mem>>) src(%dma_wait3A_94 : memref<80x128xf32, #tpu.memory_space<vmem_shared>>) dst(%dma_wait3A_92 : memref<80x128xf32, #tpu.memory_space<hbm>>)
      tpu.yield
    }) : () -> ()
    return
  }
}

#map = affine_map<(d0, d1) -> (0, 0)>
#map1 = affine_map<(d0, d1) -> (0)>
#map2 = affine_map<(d0, d1) -> (0, 0, 0)>
module attributes {stable_mosaic.version = 14 : i64} {
  func.func @_edge_body(%arg0: i32, %arg1: i32, %arg2: memref<10240x128xf32, #tpu.memory_space<hbm>>, %arg3: memref<512x128xf32, #tpu.memory_space<hbm>>, %arg4: memref<320000xi32, #tpu.memory_space<hbm>>, %arg5: memref<320000xi32, #tpu.memory_space<hbm>>, %arg6: memref<320000xi32, #tpu.memory_space<hbm>>, %arg7: memref<2x10240x128xf32, #tpu.memory_space<hbm>>, %arg8: memref<10240x128xf32, #tpu.memory_space<vmem_shared>>, %arg9: memref<80xi32, #tpu.memory_space<vmem>>, %arg10: memref<80xi32, #tpu.memory_space<vmem>>, %arg11: memref<80xi32, #tpu.memory_space<vmem>>, %arg12: memref<80xi32, #tpu.memory_space<vmem>>, %arg13: memref<80xi32, #tpu.memory_space<vmem>>, %arg14: memref<80xi32, #tpu.memory_space<vmem>>, %arg15: memref<80x128xf32, #tpu.memory_space<vmem>>, %arg16: memref<80x128xf32, #tpu.memory_space<vmem>>, %arg17: memref<80x128xf32, #tpu.memory_space<vmem>>, %arg18: memref<80x128xf32, #tpu.memory_space<vmem>>, %arg19: memref<!tpu.dma_semaphore, #tpu.memory_space<semaphore_mem>>, %arg20: memref<!tpu.dma_semaphore, #tpu.memory_space<semaphore_mem>>) attributes {dimension_semantics = [#tpu.dimension_semantics<core_parallel>, #tpu.dimension_semantics<subcore_parallel>], iteration_bounds = array<i64: 2, 16>, scalar_prefetch = 0 : i64, scratch_operands = 13 : i64, tpu.core_type = #tpu.core_type<sc_vector_subcore>, window_params = [{transform_indices = #map}, {transform_indices = #map}, {transform_indices = #map1}, {transform_indices = #map1}, {transform_indices = #map1}, {transform_indices = #map2}]} {
    %mul3A = arith.constant 2 : i32
    %mul3A_0 = arith.muli %arg1, %mul3A : i32
    %add3A = arith.addi %mul3A_0, %arg0 : i32
    %scan3A = arith.constant 0 : i32
    %scan3A_1 = arith.constant 0 : i32
    %scan3A_2 = arith.constant 80 : i32
    %scan3A_3 = arith.addi %scan3A_1, %scan3A_2 : i32
    %scan3A_4 = arith.constant 1 : i32
    scf.for %scan3A_86 = %scan3A_1 to %scan3A_3 step %scan3A_4  : i32 {
      %broadcast_in_dim3A = arith.constant 0.000000e+00 : f32
      %broadcast_in_dim3A_87 = vector.broadcast %broadcast_in_dim3A : f32 to vector<16xf32>
      %swap3A = arith.index_cast %scan3A_86 : i32 to index
      %swap3A_88 = arith.constant 0 : index
      %swap3A_89 = tpu.vector_load %arg15[%swap3A, %swap3A_88] {strides = array<i32>} : memref<80x128xf32, #tpu.memory_space<vmem>>, vector<1x16xf32>,
      %swap3A_90 = vector.shape_cast %swap3A_89 : vector<1x16xf32> to vector<16xf32>
      %swap3A_91 = vector.shape_cast %broadcast_in_dim3A_87 : vector<16xf32> to vector<1x16xf32>
      tpu.vector_store %arg15[%swap3A, %swap3A_88], %swap3A_91 {strides = array<i32>} : memref<80x128xf32, #tpu.memory_space<vmem>>, vector<1x16xf32>,
      %broadcast_in_dim3A_92 = arith.constant 0.000000e+00 : f32
      %broadcast_in_dim3A_93 = vector.broadcast %broadcast_in_dim3A_92 : f32 to vector<16xf32>
      %swap3A_94 = arith.index_cast %scan3A_86 : i32 to index
      %swap3A_95 = arith.constant 16 : index
      %swap3A_96 = tpu.vector_load %arg15[%swap3A_94, %swap3A_95] {strides = array<i32>} : memref<80x128xf32, #tpu.memory_space<vmem>>, vector<1x16xf32>,
      %swap3A_97 = vector.shape_cast %swap3A_96 : vector<1x16xf32> to vector<16xf32>
      %swap3A_98 = vector.shape_cast %broadcast_in_dim3A_93 : vector<16xf32> to vector<1x16xf32>
      tpu.vector_store %arg15[%swap3A_94, %swap3A_95], %swap3A_98 {strides = array<i32>} : memref<80x128xf32, #tpu.memory_space<vmem>>, vector<1x16xf32>,
      %broadcast_in_dim3A_99 = arith.constant 0.000000e+00 : f32
      %broadcast_in_dim3A_100 = vector.broadcast %broadcast_in_dim3A_99 : f32 to vector<16xf32>
      %swap3A_101 = arith.index_cast %scan3A_86 : i32 to index
      %swap3A_102 = arith.constant 32 : index
      %swap3A_103 = tpu.vector_load %arg15[%swap3A_101, %swap3A_102] {strides = array<i32>} : memref<80x128xf32, #tpu.memory_space<vmem>>, vector<1x16xf32>,
      %swap3A_104 = vector.shape_cast %swap3A_103 : vector<1x16xf32> to vector<16xf32>
      %swap3A_105 = vector.shape_cast %broadcast_in_dim3A_100 : vector<16xf32> to vector<1x16xf32>
      tpu.vector_store %arg15[%swap3A_101, %swap3A_102], %swap3A_105 {strides = array<i32>} : memref<80x128xf32, #tpu.memory_space<vmem>>, vector<1x16xf32>,
      %broadcast_in_dim3A_106 = arith.constant 0.000000e+00 : f32
      %broadcast_in_dim3A_107 = vector.broadcast %broadcast_in_dim3A_106 : f32 to vector<16xf32>
      %swap3A_108 = arith.index_cast %scan3A_86 : i32 to index
      %swap3A_109 = arith.constant 48 : index
      %swap3A_110 = tpu.vector_load %arg15[%swap3A_108, %swap3A_109] {strides = array<i32>} : memref<80x128xf32, #tpu.memory_space<vmem>>, vector<1x16xf32>,
      %swap3A_111 = vector.shape_cast %swap3A_110 : vector<1x16xf32> to vector<16xf32>
      %swap3A_112 = vector.shape_cast %broadcast_in_dim3A_107 : vector<16xf32> to vector<1x16xf32>
      tpu.vector_store %arg15[%swap3A_108, %swap3A_109], %swap3A_112 {strides = array<i32>} : memref<80x128xf32, #tpu.memory_space<vmem>>, vector<1x16xf32>,
      %broadcast_in_dim3A_113 = arith.constant 0.000000e+00 : f32
      %broadcast_in_dim3A_114 = vector.broadcast %broadcast_in_dim3A_113 : f32 to vector<16xf32>
      %swap3A_115 = arith.index_cast %scan3A_86 : i32 to index
      %swap3A_116 = arith.constant 64 : index
      %swap3A_117 = tpu.vector_load %arg15[%swap3A_115, %swap3A_116] {strides = array<i32>} : memref<80x128xf32, #tpu.memory_space<vmem>>, vector<1x16xf32>,
      %swap3A_118 = vector.shape_cast %swap3A_117 : vector<1x16xf32> to vector<16xf32>
      %swap3A_119 = vector.shape_cast %broadcast_in_dim3A_114 : vector<16xf32> to vector<1x16xf32>
      tpu.vector_store %arg15[%swap3A_115, %swap3A_116], %swap3A_119 {strides = array<i32>} : memref<80x128xf32, #tpu.memory_space<vmem>>, vector<1x16xf32>,
      %broadcast_in_dim3A_120 = arith.constant 0.000000e+00 : f32
      %broadcast_in_dim3A_121 = vector.broadcast %broadcast_in_dim3A_120 : f32 to vector<16xf32>
      %swap3A_122 = arith.index_cast %scan3A_86 : i32 to index
      %swap3A_123 = arith.constant 80 : index
      %swap3A_124 = tpu.vector_load %arg15[%swap3A_122, %swap3A_123] {strides = array<i32>} : memref<80x128xf32, #tpu.memory_space<vmem>>, vector<1x16xf32>,
      %swap3A_125 = vector.shape_cast %swap3A_124 : vector<1x16xf32> to vector<16xf32>
      %swap3A_126 = vector.shape_cast %broadcast_in_dim3A_121 : vector<16xf32> to vector<1x16xf32>
      tpu.vector_store %arg15[%swap3A_122, %swap3A_123], %swap3A_126 {strides = array<i32>} : memref<80x128xf32, #tpu.memory_space<vmem>>, vector<1x16xf32>,
      %broadcast_in_dim3A_127 = arith.constant 0.000000e+00 : f32
      %broadcast_in_dim3A_128 = vector.broadcast %broadcast_in_dim3A_127 : f32 to vector<16xf32>
      %swap3A_129 = arith.index_cast %scan3A_86 : i32 to index
      %swap3A_130 = arith.constant 96 : index
      %swap3A_131 = tpu.vector_load %arg15[%swap3A_129, %swap3A_130] {strides = array<i32>} : memref<80x128xf32, #tpu.memory_space<vmem>>, vector<1x16xf32>,
      %swap3A_132 = vector.shape_cast %swap3A_131 : vector<1x16xf32> to vector<16xf32>
      %swap3A_133 = vector.shape_cast %broadcast_in_dim3A_128 : vector<16xf32> to vector<1x16xf32>
      tpu.vector_store %arg15[%swap3A_129, %swap3A_130], %swap3A_133 {strides = array<i32>} : memref<80x128xf32, #tpu.memory_space<vmem>>, vector<1x16xf32>,
      %broadcast_in_dim3A_134 = arith.constant 0.000000e+00 : f32
      %broadcast_in_dim3A_135 = vector.broadcast %broadcast_in_dim3A_134 : f32 to vector<16xf32>
      %swap3A_136 = arith.index_cast %scan3A_86 : i32 to index
      %swap3A_137 = arith.constant 112 : index
      %swap3A_138 = tpu.vector_load %arg15[%swap3A_136, %swap3A_137] {strides = array<i32>} : memref<80x128xf32, #tpu.memory_space<vmem>>, vector<1x16xf32>,
      %swap3A_139 = vector.shape_cast %swap3A_138 : vector<1x16xf32> to vector<16xf32>
      %swap3A_140 = vector.shape_cast %broadcast_in_dim3A_135 : vector<16xf32> to vector<1x16xf32>
      tpu.vector_store %arg15[%swap3A_136, %swap3A_137], %swap3A_140 {strides = array<i32>} : memref<80x128xf32, #tpu.memory_space<vmem>>, vector<1x16xf32>,
    }
    %scan3A_5 = arith.constant 80 : i32
    %mul3A_6 = arith.constant 640 : i32
    %mul3A_7 = arith.muli %arg1, %mul3A_6 : i32
    %add3A_8 = arith.constant 0 : i32
    %add3A_9 = arith.addi %mul3A_7, %add3A_8 : i32
    "tpu.region"() ({
      %run_scoped3A = tpu.sem_alloc : memref<!tpu.dma_semaphore, #tpu.memory_space<semaphore_mem>>
      %dma_start3A_86 = arith.constant 0 : i32
      %dma_start3A_87 = tpu.memref_slice %arg8[%add3A_9, %dma_start3A_86] : memref<10240x128xf32, #tpu.memory_space<vmem_shared>> -> memref<80x128xf32, #tpu.memory_space<vmem_shared>>
      %dma_start3A_88 = arith.constant 0 : i32
      %dma_start3A_89 = tpu.memref_slice %arg8[%add3A_9, %dma_start3A_88] : memref<10240x128xf32, #tpu.memory_space<vmem_shared>> -> memref<80x128xf32, #tpu.memory_space<vmem_shared>>
      tpu.enqueue_dma source(%arg15 : memref<80x128xf32, #tpu.memory_space<vmem>>) target(%dma_start3A_89 : memref<80x128xf32, #tpu.memory_space<vmem_shared>>) target_semaphore(%run_scoped3A : memref<!tpu.dma_semaphore, #tpu.memory_space<semaphore_mem>>)
      %dma_wait3A = arith.constant 0 : i32
      %dma_wait3A_90 = tpu.memref_slice %arg8[%add3A_9, %dma_wait3A] : memref<10240x128xf32, #tpu.memory_space<vmem_shared>> -> memref<80x128xf32, #tpu.memory_space<vmem_shared>>
      %dma_wait3A_91 = arith.constant 0 : i32
      %dma_wait3A_92 = tpu.memref_slice %arg8[%add3A_9, %dma_wait3A_91] : memref<10240x128xf32, #tpu.memory_space<vmem_shared>> -> memref<80x128xf32, #tpu.memory_space<vmem_shared>>
      tpu.wait_dma2 semaphore(%run_scoped3A : memref<!tpu.dma_semaphore, #tpu.memory_space<semaphore_mem>>) src(%arg15 : memref<80x128xf32, #tpu.memory_space<vmem>>) dst(%dma_wait3A_92 : memref<80x128xf32, #tpu.memory_space<vmem_shared>>)
      tpu.yield
    }) : () -> ()
    %mul3A_10 = arith.constant 640 : i32
    %mul3A_11 = arith.muli %arg1, %mul3A_10 : i32
    %add3A_12 = arith.constant 80 : i32
    %add3A_13 = arith.addi %mul3A_11, %add3A_12 : i32
    "tpu.region"() ({
      %run_scoped3A = tpu.sem_alloc : memref<!tpu.dma_semaphore, #tpu.memory_space<semaphore_mem>>
      %dma_start3A_86 = arith.constant 0 : i32
      %dma_start3A_87 = tpu.memref_slice %arg8[%add3A_13, %dma_start3A_86] : memref<10240x128xf32, #tpu.memory_space<vmem_shared>> -> memref<80x128xf32, #tpu.memory_space<vmem_shared>>
      %dma_start3A_88 = arith.constant 0 : i32
      %dma_start3A_89 = tpu.memref_slice %arg8[%add3A_13, %dma_start3A_88] : memref<10240x128xf32, #tpu.memory_space<vmem_shared>> -> memref<80x128xf32, #tpu.memory_space<vmem_shared>>
      tpu.enqueue_dma source(%arg15 : memref<80x128xf32, #tpu.memory_space<vmem>>) target(%dma_start3A_89 : memref<80x128xf32, #tpu.memory_space<vmem_shared>>) target_semaphore(%run_scoped3A : memref<!tpu.dma_semaphore, #tpu.memory_space<semaphore_mem>>)
      %dma_wait3A = arith.constant 0 : i32
      %dma_wait3A_90 = tpu.memref_slice %arg8[%add3A_13, %dma_wait3A] : memref<10240x128xf32, #tpu.memory_space<vmem_shared>> -> memref<80x128xf32, #tpu.memory_space<vmem_shared>>
      %dma_wait3A_91 = arith.constant 0 : i32
      %dma_wait3A_92 = tpu.memref_slice %arg8[%add3A_13, %dma_wait3A_91] : memref<10240x128xf32, #tpu.memory_space<vmem_shared>> -> memref<80x128xf32, #tpu.memory_space<vmem_shared>>
      tpu.wait_dma2 semaphore(%run_scoped3A : memref<!tpu.dma_semaphore, #tpu.memory_space<semaphore_mem>>) src(%arg15 : memref<80x128xf32, #tpu.memory_space<vmem>>) dst(%dma_wait3A_92 : memref<80x128xf32, #tpu.memory_space<vmem_shared>>)
      tpu.yield
    }) : () -> ()
    %mul3A_14 = arith.constant 640 : i32
    %mul3A_15 = arith.muli %arg1, %mul3A_14 : i32
    %add3A_16 = arith.constant 160 : i32
    %add3A_17 = arith.addi %mul3A_15, %add3A_16 : i32
    "tpu.region"() ({
      %run_scoped3A = tpu.sem_alloc : memref<!tpu.dma_semaphore, #tpu.memory_space<semaphore_mem>>
      %dma_start3A_86 = arith.constant 0 : i32
      %dma_start3A_87 = tpu.memref_slice %arg8[%add3A_17, %dma_start3A_86] : memref<10240x128xf32, #tpu.memory_space<vmem_shared>> -> memref<80x128xf32, #tpu.memory_space<vmem_shared>>
      %dma_start3A_88 = arith.constant 0 : i32
      %dma_start3A_89 = tpu.memref_slice %arg8[%add3A_17, %dma_start3A_88] : memref<10240x128xf32, #tpu.memory_space<vmem_shared>> -> memref<80x128xf32, #tpu.memory_space<vmem_shared>>
      tpu.enqueue_dma source(%arg15 : memref<80x128xf32, #tpu.memory_space<vmem>>) target(%dma_start3A_89 : memref<80x128xf32, #tpu.memory_space<vmem_shared>>) target_semaphore(%run_scoped3A : memref<!tpu.dma_semaphore, #tpu.memory_space<semaphore_mem>>)
      %dma_wait3A = arith.constant 0 : i32
      %dma_wait3A_90 = tpu.memref_slice %arg8[%add3A_17, %dma_wait3A] : memref<10240x128xf32, #tpu.memory_space<vmem_shared>> -> memref<80x128xf32, #tpu.memory_space<vmem_shared>>
      %dma_wait3A_91 = arith.constant 0 : i32
      %dma_wait3A_92 = tpu.memref_slice %arg8[%add3A_17, %dma_wait3A_91] : memref<10240x128xf32, #tpu.memory_space<vmem_shared>> -> memref<80x128xf32, #tpu.memory_space<vmem_shared>>
      tpu.wait_dma2 semaphore(%run_scoped3A : memref<!tpu.dma_semaphore, #tpu.memory_space<semaphore_mem>>) src(%arg15 : memref<80x128xf32, #tpu.memory_space<vmem>>) dst(%dma_wait3A_92 : memref<80x128xf32, #tpu.memory_space<vmem_shared>>)
      tpu.yield
    }) : () -> ()
    %mul3A_18 = arith.constant 640 : i32
    %mul3A_19 = arith.muli %arg1, %mul3A_18 : i32
    %add3A_20 = arith.constant 240 : i32
    %add3A_21 = arith.addi %mul3A_19, %add3A_20 : i32
    "tpu.region"() ({
      %run_scoped3A = tpu.sem_alloc : memref<!tpu.dma_semaphore, #tpu.memory_space<semaphore_mem>>
      %dma_start3A_86 = arith.constant 0 : i32
      %dma_start3A_87 = tpu.memref_slice %arg8[%add3A_21, %dma_start3A_86] : memref<10240x128xf32, #tpu.memory_space<vmem_shared>> -> memref<80x128xf32, #tpu.memory_space<vmem_shared>>
      %dma_start3A_88 = arith.constant 0 : i32
      %dma_start3A_89 = tpu.memref_slice %arg8[%add3A_21, %dma_start3A_88] : memref<10240x128xf32, #tpu.memory_space<vmem_shared>> -> memref<80x128xf32, #tpu.memory_space<vmem_shared>>
      tpu.enqueue_dma source(%arg15 : memref<80x128xf32, #tpu.memory_space<vmem>>) target(%dma_start3A_89 : memref<80x128xf32, #tpu.memory_space<vmem_shared>>) target_semaphore(%run_scoped3A : memref<!tpu.dma_semaphore, #tpu.memory_space<semaphore_mem>>)
      %dma_wait3A = arith.constant 0 : i32
      %dma_wait3A_90 = tpu.memref_slice %arg8[%add3A_21, %dma_wait3A] : memref<10240x128xf32, #tpu.memory_space<vmem_shared>> -> memref<80x128xf32, #tpu.memory_space<vmem_shared>>
      %dma_wait3A_91 = arith.constant 0 : i32
      %dma_wait3A_92 = tpu.memref_slice %arg8[%add3A_21, %dma_wait3A_91] : memref<10240x128xf32, #tpu.memory_space<vmem_shared>> -> memref<80x128xf32, #tpu.memory_space<vmem_shared>>
      tpu.wait_dma2 semaphore(%run_scoped3A : memref<!tpu.dma_semaphore, #tpu.memory_space<semaphore_mem>>) src(%arg15 : memref<80x128xf32, #tpu.memory_space<vmem>>) dst(%dma_wait3A_92 : memref<80x128xf32, #tpu.memory_space<vmem_shared>>)
      tpu.yield
    }) : () -> ()
    %mul3A_22 = arith.constant 640 : i32
    %mul3A_23 = arith.muli %arg1, %mul3A_22 : i32
    %add3A_24 = arith.constant 320 : i32
    %add3A_25 = arith.addi %mul3A_23, %add3A_24 : i32
    "tpu.region"() ({
      %run_scoped3A = tpu.sem_alloc : memref<!tpu.dma_semaphore, #tpu.memory_space<semaphore_mem>>
      %dma_start3A_86 = arith.constant 0 : i32
      %dma_start3A_87 = tpu.memref_slice %arg8[%add3A_25, %dma_start3A_86] : memref<10240x128xf32, #tpu.memory_space<vmem_shared>> -> memref<80x128xf32, #tpu.memory_space<vmem_shared>>
      %dma_start3A_88 = arith.constant 0 : i32
      %dma_start3A_89 = tpu.memref_slice %arg8[%add3A_25, %dma_start3A_88] : memref<10240x128xf32, #tpu.memory_space<vmem_shared>> -> memref<80x128xf32, #tpu.memory_space<vmem_shared>>
      tpu.enqueue_dma source(%arg15 : memref<80x128xf32, #tpu.memory_space<vmem>>) target(%dma_start3A_89 : memref<80x128xf32, #tpu.memory_space<vmem_shared>>) target_semaphore(%run_scoped3A : memref<!tpu.dma_semaphore, #tpu.memory_space<semaphore_mem>>)
      %dma_wait3A = arith.constant 0 : i32
      %dma_wait3A_90 = tpu.memref_slice %arg8[%add3A_25, %dma_wait3A] : memref<10240x128xf32, #tpu.memory_space<vmem_shared>> -> memref<80x128xf32, #tpu.memory_space<vmem_shared>>
      %dma_wait3A_91 = arith.constant 0 : i32
      %dma_wait3A_92 = tpu.memref_slice %arg8[%add3A_25, %dma_wait3A_91] : memref<10240x128xf32, #tpu.memory_space<vmem_shared>> -> memref<80x128xf32, #tpu.memory_space<vmem_shared>>
      tpu.wait_dma2 semaphore(%run_scoped3A : memref<!tpu.dma_semaphore, #tpu.memory_space<semaphore_mem>>) src(%arg15 : memref<80x128xf32, #tpu.memory_space<vmem>>) dst(%dma_wait3A_92 : memref<80x128xf32, #tpu.memory_space<vmem_shared>>)
      tpu.yield
    }) : () -> ()
    %mul3A_26 = arith.constant 640 : i32
    %mul3A_27 = arith.muli %arg1, %mul3A_26 : i32
    %add3A_28 = arith.constant 400 : i32
    %add3A_29 = arith.addi %mul3A_27, %add3A_28 : i32
    "tpu.region"() ({
      %run_scoped3A = tpu.sem_alloc : memref<!tpu.dma_semaphore, #tpu.memory_space<semaphore_mem>>
      %dma_start3A_86 = arith.constant 0 : i32
      %dma_start3A_87 = tpu.memref_slice %arg8[%add3A_29, %dma_start3A_86] : memref<10240x128xf32, #tpu.memory_space<vmem_shared>> -> memref<80x128xf32, #tpu.memory_space<vmem_shared>>
      %dma_start3A_88 = arith.constant 0 : i32
      %dma_start3A_89 = tpu.memref_slice %arg8[%add3A_29, %dma_start3A_88] : memref<10240x128xf32, #tpu.memory_space<vmem_shared>> -> memref<80x128xf32, #tpu.memory_space<vmem_shared>>
      tpu.enqueue_dma source(%arg15 : memref<80x128xf32, #tpu.memory_space<vmem>>) target(%dma_start3A_89 : memref<80x128xf32, #tpu.memory_space<vmem_shared>>) target_semaphore(%run_scoped3A : memref<!tpu.dma_semaphore, #tpu.memory_space<semaphore_mem>>)
      %dma_wait3A = arith.constant 0 : i32
      %dma_wait3A_90 = tpu.memref_slice %arg8[%add3A_29, %dma_wait3A] : memref<10240x128xf32, #tpu.memory_space<vmem_shared>> -> memref<80x128xf32, #tpu.memory_space<vmem_shared>>
      %dma_wait3A_91 = arith.constant 0 : i32
      %dma_wait3A_92 = tpu.memref_slice %arg8[%add3A_29, %dma_wait3A_91] : memref<10240x128xf32, #tpu.memory_space<vmem_shared>> -> memref<80x128xf32, #tpu.memory_space<vmem_shared>>
      tpu.wait_dma2 semaphore(%run_scoped3A : memref<!tpu.dma_semaphore, #tpu.memory_space<semaphore_mem>>) src(%arg15 : memref<80x128xf32, #tpu.memory_space<vmem>>) dst(%dma_wait3A_92 : memref<80x128xf32, #tpu.memory_space<vmem_shared>>)
      tpu.yield
    }) : () -> ()
    %mul3A_30 = arith.constant 640 : i32
    %mul3A_31 = arith.muli %arg1, %mul3A_30 : i32
    %add3A_32 = arith.constant 480 : i32
    %add3A_33 = arith.addi %mul3A_31, %add3A_32 : i32
    "tpu.region"() ({
      %run_scoped3A = tpu.sem_alloc : memref<!tpu.dma_semaphore, #tpu.memory_space<semaphore_mem>>
      %dma_start3A_86 = arith.constant 0 : i32
      %dma_start3A_87 = tpu.memref_slice %arg8[%add3A_33, %dma_start3A_86] : memref<10240x128xf32, #tpu.memory_space<vmem_shared>> -> memref<80x128xf32, #tpu.memory_space<vmem_shared>>
      %dma_start3A_88 = arith.constant 0 : i32
      %dma_start3A_89 = tpu.memref_slice %arg8[%add3A_33, %dma_start3A_88] : memref<10240x128xf32, #tpu.memory_space<vmem_shared>> -> memref<80x128xf32, #tpu.memory_space<vmem_shared>>
      tpu.enqueue_dma source(%arg15 : memref<80x128xf32, #tpu.memory_space<vmem>>) target(%dma_start3A_89 : memref<80x128xf32, #tpu.memory_space<vmem_shared>>) target_semaphore(%run_scoped3A : memref<!tpu.dma_semaphore, #tpu.memory_space<semaphore_mem>>)
      %dma_wait3A = arith.constant 0 : i32
      %dma_wait3A_90 = tpu.memref_slice %arg8[%add3A_33, %dma_wait3A] : memref<10240x128xf32, #tpu.memory_space<vmem_shared>> -> memref<80x128xf32, #tpu.memory_space<vmem_shared>>
      %dma_wait3A_91 = arith.constant 0 : i32
      %dma_wait3A_92 = tpu.memref_slice %arg8[%add3A_33, %dma_wait3A_91] : memref<10240x128xf32, #tpu.memory_space<vmem_shared>> -> memref<80x128xf32, #tpu.memory_space<vmem_shared>>
      tpu.wait_dma2 semaphore(%run_scoped3A : memref<!tpu.dma_semaphore, #tpu.memory_space<semaphore_mem>>) src(%arg15 : memref<80x128xf32, #tpu.memory_space<vmem>>) dst(%dma_wait3A_92 : memref<80x128xf32, #tpu.memory_space<vmem_shared>>)
      tpu.yield
    }) : () -> ()
    %mul3A_34 = arith.constant 640 : i32
    %mul3A_35 = arith.muli %arg1, %mul3A_34 : i32
    %add3A_36 = arith.constant 560 : i32
    %add3A_37 = arith.addi %mul3A_35, %add3A_36 : i32
    "tpu.region"() ({
      %run_scoped3A = tpu.sem_alloc : memref<!tpu.dma_semaphore, #tpu.memory_space<semaphore_mem>>
      %dma_start3A_86 = arith.constant 0 : i32
      %dma_start3A_87 = tpu.memref_slice %arg8[%add3A_37, %dma_start3A_86] : memref<10240x128xf32, #tpu.memory_space<vmem_shared>> -> memref<80x128xf32, #tpu.memory_space<vmem_shared>>
      %dma_start3A_88 = arith.constant 0 : i32
      %dma_start3A_89 = tpu.memref_slice %arg8[%add3A_37, %dma_start3A_88] : memref<10240x128xf32, #tpu.memory_space<vmem_shared>> -> memref<80x128xf32, #tpu.memory_space<vmem_shared>>
      tpu.enqueue_dma source(%arg15 : memref<80x128xf32, #tpu.memory_space<vmem>>) target(%dma_start3A_89 : memref<80x128xf32, #tpu.memory_space<vmem_shared>>) target_semaphore(%run_scoped3A : memref<!tpu.dma_semaphore, #tpu.memory_space<semaphore_mem>>)
      %dma_wait3A = arith.constant 0 : i32
      %dma_wait3A_90 = tpu.memref_slice %arg8[%add3A_37, %dma_wait3A] : memref<10240x128xf32, #tpu.memory_space<vmem_shared>> -> memref<80x128xf32, #tpu.memory_space<vmem_shared>>
      %dma_wait3A_91 = arith.constant 0 : i32
      %dma_wait3A_92 = tpu.memref_slice %arg8[%add3A_37, %dma_wait3A_91] : memref<10240x128xf32, #tpu.memory_space<vmem_shared>> -> memref<80x128xf32, #tpu.memory_space<vmem_shared>>
      tpu.wait_dma2 semaphore(%run_scoped3A : memref<!tpu.dma_semaphore, #tpu.memory_space<semaphore_mem>>) src(%arg15 : memref<80x128xf32, #tpu.memory_space<vmem>>) dst(%dma_wait3A_92 : memref<80x128xf32, #tpu.memory_space<vmem_shared>>)
      tpu.yield
    }) : () -> ()
    %mul3A_38 = arith.constant 10000 : i32
    %mul3A_39 = arith.muli %add3A, %mul3A_38 : i32
    %add3A_40 = arith.constant 0 : i32
    %add3A_41 = arith.addi %mul3A_39, %add3A_40 : i32
    "tpu.region"() ({
      %run_scoped3A = tpu.sem_alloc : memref<!tpu.dma_semaphore, #tpu.memory_space<semaphore_mem>>
      %dma_start3A_86 = tpu.memref_slice %arg4[%add3A_41] : memref<320000xi32, #tpu.memory_space<hbm>> -> memref<80xi32, #tpu.memory_space<hbm>>
      %dma_start3A_87 = tpu.memref_slice %arg4[%add3A_41] : memref<320000xi32, #tpu.memory_space<hbm>> -> memref<80xi32, #tpu.memory_space<hbm>>
      tpu.enqueue_dma source(%dma_start3A_87 : memref<80xi32, #tpu.memory_space<hbm>>) target(%arg9 : memref<80xi32, #tpu.memory_space<vmem>>) target_semaphore(%run_scoped3A : memref<!tpu.dma_semaphore, #tpu.memory_space<semaphore_mem>>)
      %dma_wait3A = tpu.memref_slice %arg4[%add3A_41] : memref<320000xi32, #tpu.memory_space<hbm>> -> memref<80xi32, #tpu.memory_space<hbm>>
      %dma_wait3A_88 = tpu.memref_slice %arg4[%add3A_41] : memref<320000xi32, #tpu.memory_space<hbm>> -> memref<80xi32, #tpu.memory_space<hbm>>
      tpu.wait_dma2 semaphore(%run_scoped3A : memref<!tpu.dma_semaphore, #tpu.memory_space<semaphore_mem>>) src(%dma_wait3A_88 : memref<80xi32, #tpu.memory_space<hbm>>) dst(%arg9 : memref<80xi32, #tpu.memory_space<vmem>>)
      tpu.yield
    }) : () -> ()
    "tpu.region"() ({
      %run_scoped3A = tpu.sem_alloc : memref<!tpu.dma_semaphore, #tpu.memory_space<semaphore_mem>>
      %dma_start3A_86 = tpu.memref_slice %arg5[%add3A_41] : memref<320000xi32, #tpu.memory_space<hbm>> -> memref<80xi32, #tpu.memory_space<hbm>>
      %dma_start3A_87 = tpu.memref_slice %arg5[%add3A_41] : memref<320000xi32, #tpu.memory_space<hbm>> -> memref<80xi32, #tpu.memory_space<hbm>>
      tpu.enqueue_dma source(%dma_start3A_87 : memref<80xi32, #tpu.memory_space<hbm>>) target(%arg10 : memref<80xi32, #tpu.memory_space<vmem>>) target_semaphore(%run_scoped3A : memref<!tpu.dma_semaphore, #tpu.memory_space<semaphore_mem>>)
      %dma_wait3A = tpu.memref_slice %arg5[%add3A_41] : memref<320000xi32, #tpu.memory_space<hbm>> -> memref<80xi32, #tpu.memory_space<hbm>>
      %dma_wait3A_88 = tpu.memref_slice %arg5[%add3A_41] : memref<320000xi32, #tpu.memory_space<hbm>> -> memref<80xi32, #tpu.memory_space<hbm>>
      tpu.wait_dma2 semaphore(%run_scoped3A : memref<!tpu.dma_semaphore, #tpu.memory_space<semaphore_mem>>) src(%dma_wait3A_88 : memref<80xi32, #tpu.memory_space<hbm>>) dst(%arg10 : memref<80xi32, #tpu.memory_space<vmem>>)
      tpu.yield
    }) : () -> ()
    "tpu.region"() ({
      %run_scoped3A = tpu.sem_alloc : memref<!tpu.dma_semaphore, #tpu.memory_space<semaphore_mem>>
      %dma_start3A_86 = tpu.memref_slice %arg6[%add3A_41] : memref<320000xi32, #tpu.memory_space<hbm>> -> memref<80xi32, #tpu.memory_space<hbm>>
      %dma_start3A_87 = tpu.memref_slice %arg6[%add3A_41] : memref<320000xi32, #tpu.memory_space<hbm>> -> memref<80xi32, #tpu.memory_space<hbm>>
      tpu.enqueue_dma source(%dma_start3A_87 : memref<80xi32, #tpu.memory_space<hbm>>) target(%arg11 : memref<80xi32, #tpu.memory_space<vmem>>) target_semaphore(%run_scoped3A : memref<!tpu.dma_semaphore, #tpu.memory_space<semaphore_mem>>)
      %dma_wait3A = tpu.memref_slice %arg6[%add3A_41] : memref<320000xi32, #tpu.memory_space<hbm>> -> memref<80xi32, #tpu.memory_space<hbm>>
      %dma_wait3A_88 = tpu.memref_slice %arg6[%add3A_41] : memref<320000xi32, #tpu.memory_space<hbm>> -> memref<80xi32, #tpu.memory_space<hbm>>
      tpu.wait_dma2 semaphore(%run_scoped3A : memref<!tpu.dma_semaphore, #tpu.memory_space<semaphore_mem>>) src(%dma_wait3A_88 : memref<80xi32, #tpu.memory_space<hbm>>) dst(%arg11 : memref<80xi32, #tpu.memory_space<vmem>>)
      tpu.yield
    }) : () -> ()
    %dma_start3A = arith.constant 0 : i32
    %dma_start3A_42 = arith.constant 0 : i32
    %dma_start3A_43 = tpu.memref_slice %arg2[%dma_start3A, %dma_start3A_42] : memref<10240x128xf32, #tpu.memory_space<hbm>> -> memref<10240x128xf32, #tpu.memory_space<hbm>>
    tpu.enqueue_indirect_dma source(%dma_start3A_43 : memref<10240x128xf32, #tpu.memory_space<hbm>>) target(%arg15 : memref<80x128xf32, #tpu.memory_space<vmem>>) offsets(%arg9 : memref<80xi32, #tpu.memory_space<vmem>>) semaphore(%arg19 : memref<!tpu.dma_semaphore, #tpu.memory_space<semaphore_mem>>)
    %dma_start3A_44 = arith.constant 0 : i32
    %dma_start3A_45 = arith.constant 0 : i32
    %dma_start3A_46 = tpu.memref_slice %arg3[%dma_start3A_44, %dma_start3A_45] : memref<512x128xf32, #tpu.memory_space<hbm>> -> memref<512x128xf32, #tpu.memory_space<hbm>>
    tpu.enqueue_indirect_dma source(%dma_start3A_46 : memref<512x128xf32, #tpu.memory_space<hbm>>) target(%arg16 : memref<80x128xf32, #tpu.memory_space<vmem>>) offsets(%arg11 : memref<80xi32, #tpu.memory_space<vmem>>) semaphore(%arg19 : memref<!tpu.dma_semaphore, #tpu.memory_space<semaphore_mem>>)
    %barrier3A = arith.constant 0 : index
    tpu.barrier barrier_id(%barrier3A)
    %scan3A_47 = arith.constant 0 : i32
    %scan3A_48 = arith.constant 0 : i32
    %scan3A_49 = arith.constant 63 : i32
    %scan3A_50 = arith.addi %scan3A_48, %scan3A_49 : i32
    %scan3A_51 = arith.constant 1 : i32
    scf.for %scan3A_86 = %scan3A_48 to %scan3A_50 step %scan3A_51  : i32 {
      %mul3A_87 = arith.constant 2 : i32
      %mul3A_88 = arith.muli %mul3A_87, %scan3A_86 : i32
      %add3A_89 = arith.constant 1 : i32
      %add3A_90 = arith.addi %mul3A_88, %add3A_89 : i32
      %mul3A_91 = arith.constant 2 : i32
      %mul3A_92 = arith.muli %mul3A_91, %scan3A_86 : i32
      %add3A_93 = arith.constant 2 : i32
      %add3A_94 = arith.addi %mul3A_92, %add3A_93 : i32
      %lt3A = arith.constant 125 : i32
      %lt3A_95 = arith.cmpi slt, %add3A_90, %lt3A : i32
      %convert_element_type3A = arith.extui %lt3A_95 : i1 to i32
      %cond3A = arith.constant 0 : i32
      %cond3A_96 = arith.cmpi ne, %convert_element_type3A, %cond3A : i32
      scf.if %cond3A_96 {
        %mul3A_118 = arith.constant 10000 : i32
        %mul3A_119 = arith.muli %add3A, %mul3A_118 : i32
        %mul3A_120 = arith.constant 80 : i32
        %mul3A_121 = arith.muli %add3A_90, %mul3A_120 : i32
        %add3A_122 = arith.addi %mul3A_119, %mul3A_121 : i32
        "tpu.region"() ({
          %run_scoped3A = tpu.sem_alloc : memref<!tpu.dma_semaphore, #tpu.memory_space<semaphore_mem>>
          %dma_start3A_129 = tpu.memref_slice %arg4[%add3A_122] : memref<320000xi32, #tpu.memory_space<hbm>> -> memref<80xi32, #tpu.memory_space<hbm>>
          %dma_start3A_130 = tpu.memref_slice %arg4[%add3A_122] : memref<320000xi32, #tpu.memory_space<hbm>> -> memref<80xi32, #tpu.memory_space<hbm>>
          tpu.enqueue_dma source(%dma_start3A_130 : memref<80xi32, #tpu.memory_space<hbm>>) target(%arg12 : memref<80xi32, #tpu.memory_space<vmem>>) target_semaphore(%run_scoped3A : memref<!tpu.dma_semaphore, #tpu.memory_space<semaphore_mem>>)
          %dma_wait3A_131 = tpu.memref_slice %arg4[%add3A_122] : memref<320000xi32, #tpu.memory_space<hbm>> -> memref<80xi32, #tpu.memory_space<hbm>>
          %dma_wait3A_132 = tpu.memref_slice %arg4[%add3A_122] : memref<320000xi32, #tpu.memory_space<hbm>> -> memref<80xi32, #tpu.memory_space<hbm>>
          tpu.wait_dma2 semaphore(%run_scoped3A : memref<!tpu.dma_semaphore, #tpu.memory_space<semaphore_mem>>) src(%dma_wait3A_132 : memref<80xi32, #tpu.memory_space<hbm>>) dst(%arg12 : memref<80xi32, #tpu.memory_space<vmem>>)
          tpu.yield
        }) : () -> ()
        "tpu.region"() ({
          %run_scoped3A = tpu.sem_alloc : memref<!tpu.dma_semaphore, #tpu.memory_space<semaphore_mem>>
          %dma_start3A_129 = tpu.memref_slice %arg5[%add3A_122] : memref<320000xi32, #tpu.memory_space<hbm>> -> memref<80xi32, #tpu.memory_space<hbm>>
          %dma_start3A_130 = tpu.memref_slice %arg5[%add3A_122] : memref<320000xi32, #tpu.memory_space<hbm>> -> memref<80xi32, #tpu.memory_space<hbm>>
          tpu.enqueue_dma source(%dma_start3A_130 : memref<80xi32, #tpu.memory_space<hbm>>) target(%arg13 : memref<80xi32, #tpu.memory_space<vmem>>) target_semaphore(%run_scoped3A : memref<!tpu.dma_semaphore, #tpu.memory_space<semaphore_mem>>)
          %dma_wait3A_131 = tpu.memref_slice %arg5[%add3A_122] : memref<320000xi32, #tpu.memory_space<hbm>> -> memref<80xi32, #tpu.memory_space<hbm>>
          %dma_wait3A_132 = tpu.memref_slice %arg5[%add3A_122] : memref<320000xi32, #tpu.memory_space<hbm>> -> memref<80xi32, #tpu.memory_space<hbm>>
          tpu.wait_dma2 semaphore(%run_scoped3A : memref<!tpu.dma_semaphore, #tpu.memory_space<semaphore_mem>>) src(%dma_wait3A_132 : memref<80xi32, #tpu.memory_space<hbm>>) dst(%arg13 : memref<80xi32, #tpu.memory_space<vmem>>)
          tpu.yield
        }) : () -> ()
        "tpu.region"() ({
          %run_scoped3A = tpu.sem_alloc : memref<!tpu.dma_semaphore, #tpu.memory_space<semaphore_mem>>
          %dma_start3A_129 = tpu.memref_slice %arg6[%add3A_122] : memref<320000xi32, #tpu.memory_space<hbm>> -> memref<80xi32, #tpu.memory_space<hbm>>
          %dma_start3A_130 = tpu.memref_slice %arg6[%add3A_122] : memref<320000xi32, #tpu.memory_space<hbm>> -> memref<80xi32, #tpu.memory_space<hbm>>
          tpu.enqueue_dma source(%dma_start3A_130 : memref<80xi32, #tpu.memory_space<hbm>>) target(%arg14 : memref<80xi32, #tpu.memory_space<vmem>>) target_semaphore(%run_scoped3A : memref<!tpu.dma_semaphore, #tpu.memory_space<semaphore_mem>>)
          %dma_wait3A_131 = tpu.memref_slice %arg6[%add3A_122] : memref<320000xi32, #tpu.memory_space<hbm>> -> memref<80xi32, #tpu.memory_space<hbm>>
          %dma_wait3A_132 = tpu.memref_slice %arg6[%add3A_122] : memref<320000xi32, #tpu.memory_space<hbm>> -> memref<80xi32, #tpu.memory_space<hbm>>
          tpu.wait_dma2 semaphore(%run_scoped3A : memref<!tpu.dma_semaphore, #tpu.memory_space<semaphore_mem>>) src(%dma_wait3A_132 : memref<80xi32, #tpu.memory_space<hbm>>) dst(%arg14 : memref<80xi32, #tpu.memory_space<vmem>>)
          tpu.yield
        }) : () -> ()
        %dma_start3A_123 = arith.constant 0 : i32
        %dma_start3A_124 = arith.constant 0 : i32
        %dma_start3A_125 = tpu.memref_slice %arg2[%dma_start3A_123, %dma_start3A_124] : memref<10240x128xf32, #tpu.memory_space<hbm>> -> memref<10240x128xf32, #tpu.memory_space<hbm>>
        tpu.enqueue_indirect_dma source(%dma_start3A_125 : memref<10240x128xf32, #tpu.memory_space<hbm>>) target(%arg17 : memref<80x128xf32, #tpu.memory_space<vmem>>) offsets(%arg12 : memref<80xi32, #tpu.memory_space<vmem>>) semaphore(%arg20 : memref<!tpu.dma_semaphore, #tpu.memory_space<semaphore_mem>>)
        %dma_start3A_126 = arith.constant 0 : i32
        %dma_start3A_127 = arith.constant 0 : i32
        %dma_start3A_128 = tpu.memref_slice %arg3[%dma_start3A_126, %dma_start3A_127] : memref<512x128xf32, #tpu.memory_space<hbm>> -> memref<512x128xf32, #tpu.memory_space<hbm>>
        tpu.enqueue_indirect_dma source(%dma_start3A_128 : memref<512x128xf32, #tpu.memory_space<hbm>>) target(%arg18 : memref<80x128xf32, #tpu.memory_space<vmem>>) offsets(%arg14 : memref<80xi32, #tpu.memory_space<vmem>>) semaphore(%arg20 : memref<!tpu.dma_semaphore, #tpu.memory_space<semaphore_mem>>)
      } else {
      }
      %dma_wait3A = arith.constant 0 : i32
      %dma_wait3A_97 = arith.constant 0 : i32
      %dma_wait3A_98 = tpu.memref_slice %arg2[%dma_wait3A, %dma_wait3A_97] : memref<10240x128xf32, #tpu.memory_space<hbm>> -> memref<10240x128xf32, #tpu.memory_space<hbm>>
      tpu.wait_indirect_dma semaphore(%arg19 : memref<!tpu.dma_semaphore, #tpu.memory_space<semaphore_mem>>) src(%dma_wait3A_98 : memref<10240x128xf32, #tpu.memory_space<hbm>>) dst(%arg15 : memref<80x128xf32, #tpu.memory_space<vmem>>)
      %dma_wait3A_99 = arith.constant 0 : i32
      %dma_wait3A_100 = arith.constant 0 : i32
      %dma_wait3A_101 = tpu.memref_slice %arg3[%dma_wait3A_99, %dma_wait3A_100] : memref<512x128xf32, #tpu.memory_space<hbm>> -> memref<512x128xf32, #tpu.memory_space<hbm>>
      tpu.wait_indirect_dma semaphore(%arg19 : memref<!tpu.dma_semaphore, #tpu.memory_space<semaphore_mem>>) src(%dma_wait3A_101 : memref<512x128xf32, #tpu.memory_space<hbm>>) dst(%arg16 : memref<80x128xf32, #tpu.memory_space<vmem>>)
      %scan3A_102 = arith.constant 0 : i32
      %scan3A_103 = arith.constant 0 : i32
      %scan3A_104 = arith.constant 80 : i32
      %scan3A_105 = arith.addi %scan3A_103, %scan3A_104 : i32
      %scan3A_106 = arith.constant 1 : i32
      scf.for %scan3A_118 = %scan3A_103 to %scan3A_105 step %scan3A_106  : i32 {
        %get3A = arith.index_cast %scan3A_118 : i32 to index
        %get3A_119 = arith.constant 0 : index
        %get3A_120 = tpu.vector_load %arg15[%get3A, %get3A_119] {strides = array<i32>} : memref<80x128xf32, #tpu.memory_space<vmem>>, vector<1x16xf32>,
        %get3A_121 = vector.shape_cast %get3A_120 : vector<1x16xf32> to vector<16xf32>
        %get3A_122 = arith.index_cast %scan3A_118 : i32 to index
        %get3A_123 = arith.constant 0 : index
        %get3A_124 = tpu.vector_load %arg16[%get3A_122, %get3A_123] {strides = array<i32>} : memref<80x128xf32, #tpu.memory_space<vmem>>, vector<1x16xf32>,
        %get3A_125 = vector.shape_cast %get3A_124 : vector<1x16xf32> to vector<16xf32>
        %add3A_126 = arith.addf %get3A_121, %get3A_125 : vector<16xf32>
        %max3A = arith.constant 0.000000e+00 : f32
        %max3A_127 = vector.broadcast %max3A : f32 to vector<16xf32>
        %max3A_128 = arith.maximumf %add3A_126, %max3A_127 : vector<16xf32>
        %swap3A = arith.index_cast %scan3A_118 : i32 to index
        %swap3A_129 = arith.constant 0 : index
        %swap3A_130 = tpu.vector_load %arg15[%swap3A, %swap3A_129] {strides = array<i32>} : memref<80x128xf32, #tpu.memory_space<vmem>>, vector<1x16xf32>,
        %swap3A_131 = vector.shape_cast %swap3A_130 : vector<1x16xf32> to vector<16xf32>
        %swap3A_132 = vector.shape_cast %max3A_128 : vector<16xf32> to vector<1x16xf32>
        tpu.vector_store %arg15[%swap3A, %swap3A_129], %swap3A_132 {strides = array<i32>} : memref<80x128xf32, #tpu.memory_space<vmem>>, vector<1x16xf32>,
        %get3A_133 = arith.index_cast %scan3A_118 : i32 to index
        %get3A_134 = arith.constant 16 : index
        %get3A_135 = tpu.vector_load %arg15[%get3A_133, %get3A_134] {strides = array<i32>} : memref<80x128xf32, #tpu.memory_space<vmem>>, vector<1x16xf32>,
        %get3A_136 = vector.shape_cast %get3A_135 : vector<1x16xf32> to vector<16xf32>
        %get3A_137 = arith.index_cast %scan3A_118 : i32 to index
        %get3A_138 = arith.constant 16 : index
        %get3A_139 = tpu.vector_load %arg16[%get3A_137, %get3A_138] {strides = array<i32>} : memref<80x128xf32, #tpu.memory_space<vmem>>, vector<1x16xf32>,
        %get3A_140 = vector.shape_cast %get3A_139 : vector<1x16xf32> to vector<16xf32>
        %add3A_141 = arith.addf %get3A_136, %get3A_140 : vector<16xf32>
        %max3A_142 = arith.constant 0.000000e+00 : f32
        %max3A_143 = vector.broadcast %max3A_142 : f32 to vector<16xf32>
        %max3A_144 = arith.maximumf %add3A_141, %max3A_143 : vector<16xf32>
        %swap3A_145 = arith.index_cast %scan3A_118 : i32 to index
        %swap3A_146 = arith.constant 16 : index
        %swap3A_147 = tpu.vector_load %arg15[%swap3A_145, %swap3A_146] {strides = array<i32>} : memref<80x128xf32, #tpu.memory_space<vmem>>, vector<1x16xf32>,
        %swap3A_148 = vector.shape_cast %swap3A_147 : vector<1x16xf32> to vector<16xf32>
        %swap3A_149 = vector.shape_cast %max3A_144 : vector<16xf32> to vector<1x16xf32>
        tpu.vector_store %arg15[%swap3A_145, %swap3A_146], %swap3A_149 {strides = array<i32>} : memref<80x128xf32, #tpu.memory_space<vmem>>, vector<1x16xf32>,
        %get3A_150 = arith.index_cast %scan3A_118 : i32 to index
        %get3A_151 = arith.constant 32 : index
        %get3A_152 = tpu.vector_load %arg15[%get3A_150, %get3A_151] {strides = array<i32>} : memref<80x128xf32, #tpu.memory_space<vmem>>, vector<1x16xf32>,
        %get3A_153 = vector.shape_cast %get3A_152 : vector<1x16xf32> to vector<16xf32>
        %get3A_154 = arith.index_cast %scan3A_118 : i32 to index
        %get3A_155 = arith.constant 32 : index
        %get3A_156 = tpu.vector_load %arg16[%get3A_154, %get3A_155] {strides = array<i32>} : memref<80x128xf32, #tpu.memory_space<vmem>>, vector<1x16xf32>,
        %get3A_157 = vector.shape_cast %get3A_156 : vector<1x16xf32> to vector<16xf32>
        %add3A_158 = arith.addf %get3A_153, %get3A_157 : vector<16xf32>
        %max3A_159 = arith.constant 0.000000e+00 : f32
        %max3A_160 = vector.broadcast %max3A_159 : f32 to vector<16xf32>
        %max3A_161 = arith.maximumf %add3A_158, %max3A_160 : vector<16xf32>
        %swap3A_162 = arith.index_cast %scan3A_118 : i32 to index
        %swap3A_163 = arith.constant 32 : index
        %swap3A_164 = tpu.vector_load %arg15[%swap3A_162, %swap3A_163] {strides = array<i32>} : memref<80x128xf32, #tpu.memory_space<vmem>>, vector<1x16xf32>,
        %swap3A_165 = vector.shape_cast %swap3A_164 : vector<1x16xf32> to vector<16xf32>
        %swap3A_166 = vector.shape_cast %max3A_161 : vector<16xf32> to vector<1x16xf32>
        tpu.vector_store %arg15[%swap3A_162, %swap3A_163], %swap3A_166 {strides = array<i32>} : memref<80x128xf32, #tpu.memory_space<vmem>>, vector<1x16xf32>,
        %get3A_167 = arith.index_cast %scan3A_118 : i32 to index
        %get3A_168 = arith.constant 48 : index
        %get3A_169 = tpu.vector_load %arg15[%get3A_167, %get3A_168] {strides = array<i32>} : memref<80x128xf32, #tpu.memory_space<vmem>>, vector<1x16xf32>,
        %get3A_170 = vector.shape_cast %get3A_169 : vector<1x16xf32> to vector<16xf32>
        %get3A_171 = arith.index_cast %scan3A_118 : i32 to index
        %get3A_172 = arith.constant 48 : index
        %get3A_173 = tpu.vector_load %arg16[%get3A_171, %get3A_172] {strides = array<i32>} : memref<80x128xf32, #tpu.memory_space<vmem>>, vector<1x16xf32>,
        %get3A_174 = vector.shape_cast %get3A_173 : vector<1x16xf32> to vector<16xf32>
        %add3A_175 = arith.addf %get3A_170, %get3A_174 : vector<16xf32>
        %max3A_176 = arith.constant 0.000000e+00 : f32
        %max3A_177 = vector.broadcast %max3A_176 : f32 to vector<16xf32>
        %max3A_178 = arith.maximumf %add3A_175, %max3A_177 : vector<16xf32>
        %swap3A_179 = arith.index_cast %scan3A_118 : i32 to index
        %swap3A_180 = arith.constant 48 : index
        %swap3A_181 = tpu.vector_load %arg15[%swap3A_179, %swap3A_180] {strides = array<i32>} : memref<80x128xf32, #tpu.memory_space<vmem>>, vector<1x16xf32>,
        %swap3A_182 = vector.shape_cast %swap3A_181 : vector<1x16xf32> to vector<16xf32>
        %swap3A_183 = vector.shape_cast %max3A_178 : vector<16xf32> to vector<1x16xf32>
        tpu.vector_store %arg15[%swap3A_179, %swap3A_180], %swap3A_183 {strides = array<i32>} : memref<80x128xf32, #tpu.memory_space<vmem>>, vector<1x16xf32>,
        %get3A_184 = arith.index_cast %scan3A_118 : i32 to index
        %get3A_185 = arith.constant 64 : index
        %get3A_186 = tpu.vector_load %arg15[%get3A_184, %get3A_185] {strides = array<i32>} : memref<80x128xf32, #tpu.memory_space<vmem>>, vector<1x16xf32>,
        %get3A_187 = vector.shape_cast %get3A_186 : vector<1x16xf32> to vector<16xf32>
        %get3A_188 = arith.index_cast %scan3A_118 : i32 to index
        %get3A_189 = arith.constant 64 : index
        %get3A_190 = tpu.vector_load %arg16[%get3A_188, %get3A_189] {strides = array<i32>} : memref<80x128xf32, #tpu.memory_space<vmem>>, vector<1x16xf32>,
        %get3A_191 = vector.shape_cast %get3A_190 : vector<1x16xf32> to vector<16xf32>
        %add3A_192 = arith.addf %get3A_187, %get3A_191 : vector<16xf32>
        %max3A_193 = arith.constant 0.000000e+00 : f32
        %max3A_194 = vector.broadcast %max3A_193 : f32 to vector<16xf32>
        %max3A_195 = arith.maximumf %add3A_192, %max3A_194 : vector<16xf32>
        %swap3A_196 = arith.index_cast %scan3A_118 : i32 to index
        %swap3A_197 = arith.constant 64 : index
        %swap3A_198 = tpu.vector_load %arg15[%swap3A_196, %swap3A_197] {strides = array<i32>} : memref<80x128xf32, #tpu.memory_space<vmem>>, vector<1x16xf32>,
        %swap3A_199 = vector.shape_cast %swap3A_198 : vector<1x16xf32> to vector<16xf32>
        %swap3A_200 = vector.shape_cast %max3A_195 : vector<16xf32> to vector<1x16xf32>
        tpu.vector_store %arg15[%swap3A_196, %swap3A_197], %swap3A_200 {strides = array<i32>} : memref<80x128xf32, #tpu.memory_space<vmem>>, vector<1x16xf32>,
        %get3A_201 = arith.index_cast %scan3A_118 : i32 to index
        %get3A_202 = arith.constant 80 : index
        %get3A_203 = tpu.vector_load %arg15[%get3A_201, %get3A_202] {strides = array<i32>} : memref<80x128xf32, #tpu.memory_space<vmem>>, vector<1x16xf32>,
        %get3A_204 = vector.shape_cast %get3A_203 : vector<1x16xf32> to vector<16xf32>
        %get3A_205 = arith.index_cast %scan3A_118 : i32 to index
        %get3A_206 = arith.constant 80 : index
        %get3A_207 = tpu.vector_load %arg16[%get3A_205, %get3A_206] {strides = array<i32>} : memref<80x128xf32, #tpu.memory_space<vmem>>, vector<1x16xf32>,
        %get3A_208 = vector.shape_cast %get3A_207 : vector<1x16xf32> to vector<16xf32>
        %add3A_209 = arith.addf %get3A_204, %get3A_208 : vector<16xf32>
        %max3A_210 = arith.constant 0.000000e+00 : f32
        %max3A_211 = vector.broadcast %max3A_210 : f32 to vector<16xf32>
        %max3A_212 = arith.maximumf %add3A_209, %max3A_211 : vector<16xf32>
        %swap3A_213 = arith.index_cast %scan3A_118 : i32 to index
        %swap3A_214 = arith.constant 80 : index
        %swap3A_215 = tpu.vector_load %arg15[%swap3A_213, %swap3A_214] {strides = array<i32>} : memref<80x128xf32, #tpu.memory_space<vmem>>, vector<1x16xf32>,
        %swap3A_216 = vector.shape_cast %swap3A_215 : vector<1x16xf32> to vector<16xf32>
        %swap3A_217 = vector.shape_cast %max3A_212 : vector<16xf32> to vector<1x16xf32>
        tpu.vector_store %arg15[%swap3A_213, %swap3A_214], %swap3A_217 {strides = array<i32>} : memref<80x128xf32, #tpu.memory_space<vmem>>, vector<1x16xf32>,
        %get3A_218 = arith.index_cast %scan3A_118 : i32 to index
        %get3A_219 = arith.constant 96 : index
        %get3A_220 = tpu.vector_load %arg15[%get3A_218, %get3A_219] {strides = array<i32>} : memref<80x128xf32, #tpu.memory_space<vmem>>, vector<1x16xf32>,
        %get3A_221 = vector.shape_cast %get3A_220 : vector<1x16xf32> to vector<16xf32>
        %get3A_222 = arith.index_cast %scan3A_118 : i32 to index
        %get3A_223 = arith.constant 96 : index
        %get3A_224 = tpu.vector_load %arg16[%get3A_222, %get3A_223] {strides = array<i32>} : memref<80x128xf32, #tpu.memory_space<vmem>>, vector<1x16xf32>,
        %get3A_225 = vector.shape_cast %get3A_224 : vector<1x16xf32> to vector<16xf32>
        %add3A_226 = arith.addf %get3A_221, %get3A_225 : vector<16xf32>
        %max3A_227 = arith.constant 0.000000e+00 : f32
        %max3A_228 = vector.broadcast %max3A_227 : f32 to vector<16xf32>
        %max3A_229 = arith.maximumf %add3A_226, %max3A_228 : vector<16xf32>
        %swap3A_230 = arith.index_cast %scan3A_118 : i32 to index
        %swap3A_231 = arith.constant 96 : index
        %swap3A_232 = tpu.vector_load %arg15[%swap3A_230, %swap3A_231] {strides = array<i32>} : memref<80x128xf32, #tpu.memory_space<vmem>>, vector<1x16xf32>,
        %swap3A_233 = vector.shape_cast %swap3A_232 : vector<1x16xf32> to vector<16xf32>
        %swap3A_234 = vector.shape_cast %max3A_229 : vector<16xf32> to vector<1x16xf32>
        tpu.vector_store %arg15[%swap3A_230, %swap3A_231], %swap3A_234 {strides = array<i32>} : memref<80x128xf32, #tpu.memory_space<vmem>>, vector<1x16xf32>,
        %get3A_235 = arith.index_cast %scan3A_118 : i32 to index
        %get3A_236 = arith.constant 112 : index
        %get3A_237 = tpu.vector_load %arg15[%get3A_235, %get3A_236] {strides = array<i32>} : memref<80x128xf32, #tpu.memory_space<vmem>>, vector<1x16xf32>,
        %get3A_238 = vector.shape_cast %get3A_237 : vector<1x16xf32> to vector<16xf32>
        %get3A_239 = arith.index_cast %scan3A_118 : i32 to index
        %get3A_240 = arith.constant 112 : index
        %get3A_241 = tpu.vector_load %arg16[%get3A_239, %get3A_240] {strides = array<i32>} : memref<80x128xf32, #tpu.memory_space<vmem>>, vector<1x16xf32>,
        %get3A_242 = vector.shape_cast %get3A_241 : vector<1x16xf32> to vector<16xf32>
        %add3A_243 = arith.addf %get3A_238, %get3A_242 : vector<16xf32>
        %max3A_244 = arith.constant 0.000000e+00 : f32
        %max3A_245 = vector.broadcast %max3A_244 : f32 to vector<16xf32>
        %max3A_246 = arith.maximumf %add3A_243, %max3A_245 : vector<16xf32>
        %swap3A_247 = arith.index_cast %scan3A_118 : i32 to index
        %swap3A_248 = arith.constant 112 : index
        %swap3A_249 = tpu.vector_load %arg15[%swap3A_247, %swap3A_248] {strides = array<i32>} : memref<80x128xf32, #tpu.memory_space<vmem>>, vector<1x16xf32>,
        %swap3A_250 = vector.shape_cast %swap3A_249 : vector<1x16xf32> to vector<16xf32>
        %swap3A_251 = vector.shape_cast %max3A_246 : vector<16xf32> to vector<1x16xf32>
        tpu.vector_store %arg15[%swap3A_247, %swap3A_248], %swap3A_251 {strides = array<i32>} : memref<80x128xf32, #tpu.memory_space<vmem>>, vector<1x16xf32>,
      }
      %scan3A_107 = arith.constant 80 : i32
      "tpu.region"() ({
        %run_scoped3A = tpu.sem_alloc : memref<!tpu.dma_semaphore, #tpu.memory_space<semaphore_mem>>
        %dma_start3A_118 = arith.constant 0 : i32
        %dma_start3A_119 = arith.constant 0 : i32
        %dma_start3A_120 = tpu.memref_slice %arg8[%dma_start3A_118, %dma_start3A_119] : memref<10240x128xf32, #tpu.memory_space<vmem_shared>> -> memref<10240x128xf32, #tpu.memory_space<vmem_shared>>
        tpu.enqueue_indirect_dma source(%arg15 : memref<80x128xf32, #tpu.memory_space<vmem>>) target(%dma_start3A_120 : memref<10240x128xf32, #tpu.memory_space<vmem_shared>>) offsets(%arg10 : memref<80xi32, #tpu.memory_space<vmem>>) semaphore(%run_scoped3A : memref<!tpu.dma_semaphore, #tpu.memory_space<semaphore_mem>>) {add = true}
        %dma_wait3A_121 = arith.constant 0 : i32
        %dma_wait3A_122 = arith.constant 0 : i32
        %dma_wait3A_123 = tpu.memref_slice %arg8[%dma_wait3A_121, %dma_wait3A_122] : memref<10240x128xf32, #tpu.memory_space<vmem_shared>> -> memref<10240x128xf32, #tpu.memory_space<vmem_shared>>
        tpu.wait_indirect_dma semaphore(%run_scoped3A : memref<!tpu.dma_semaphore, #tpu.memory_space<semaphore_mem>>) src(%arg15 : memref<80x128xf32, #tpu.memory_space<vmem>>) dst(%dma_wait3A_123 : memref<10240x128xf32, #tpu.memory_space<vmem_shared>>)
        tpu.yield
      }) : () -> ()
      %lt3A_108 = arith.constant 125 : i32
      %lt3A_109 = arith.cmpi slt, %add3A_94, %lt3A_108 : i32
      %convert_element_type3A_110 = arith.extui %lt3A_109 : i1 to i32
      %cond3A_111 = arith.constant 0 : i32
      %cond3A_112 = arith.cmpi ne, %convert_element_type3A_110, %cond3A_111 : i32
      scf.if %cond3A_112 {
        %mul3A_118 = arith.constant 10000 : i32
        %mul3A_119 = arith.muli %add3A, %mul3A_118 : i32
        %mul3A_120 = arith.constant 80 : i32
        %mul3A_121 = arith.muli %add3A_94, %mul3A_120 : i32
        %add3A_122 = arith.addi %mul3A_119, %mul3A_121 : i32
        "tpu.region"() ({
          %run_scoped3A = tpu.sem_alloc : memref<!tpu.dma_semaphore, #tpu.memory_space<semaphore_mem>>
          %dma_start3A_129 = tpu.memref_slice %arg4[%add3A_122] : memref<320000xi32, #tpu.memory_space<hbm>> -> memref<80xi32, #tpu.memory_space<hbm>>
          %dma_start3A_130 = tpu.memref_slice %arg4[%add3A_122] : memref<320000xi32, #tpu.memory_space<hbm>> -> memref<80xi32, #tpu.memory_space<hbm>>
          tpu.enqueue_dma source(%dma_start3A_130 : memref<80xi32, #tpu.memory_space<hbm>>) target(%arg9 : memref<80xi32, #tpu.memory_space<vmem>>) target_semaphore(%run_scoped3A : memref<!tpu.dma_semaphore, #tpu.memory_space<semaphore_mem>>)
          %dma_wait3A_131 = tpu.memref_slice %arg4[%add3A_122] : memref<320000xi32, #tpu.memory_space<hbm>> -> memref<80xi32, #tpu.memory_space<hbm>>
          %dma_wait3A_132 = tpu.memref_slice %arg4[%add3A_122] : memref<320000xi32, #tpu.memory_space<hbm>> -> memref<80xi32, #tpu.memory_space<hbm>>
          tpu.wait_dma2 semaphore(%run_scoped3A : memref<!tpu.dma_semaphore, #tpu.memory_space<semaphore_mem>>) src(%dma_wait3A_132 : memref<80xi32, #tpu.memory_space<hbm>>) dst(%arg9 : memref<80xi32, #tpu.memory_space<vmem>>)
          tpu.yield
        }) : () -> ()
        "tpu.region"() ({
          %run_scoped3A = tpu.sem_alloc : memref<!tpu.dma_semaphore, #tpu.memory_space<semaphore_mem>>
          %dma_start3A_129 = tpu.memref_slice %arg5[%add3A_122] : memref<320000xi32, #tpu.memory_space<hbm>> -> memref<80xi32, #tpu.memory_space<hbm>>
          %dma_start3A_130 = tpu.memref_slice %arg5[%add3A_122] : memref<320000xi32, #tpu.memory_space<hbm>> -> memref<80xi32, #tpu.memory_space<hbm>>
          tpu.enqueue_dma source(%dma_start3A_130 : memref<80xi32, #tpu.memory_space<hbm>>) target(%arg10 : memref<80xi32, #tpu.memory_space<vmem>>) target_semaphore(%run_scoped3A : memref<!tpu.dma_semaphore, #tpu.memory_space<semaphore_mem>>)
          %dma_wait3A_131 = tpu.memref_slice %arg5[%add3A_122] : memref<320000xi32, #tpu.memory_space<hbm>> -> memref<80xi32, #tpu.memory_space<hbm>>
          %dma_wait3A_132 = tpu.memref_slice %arg5[%add3A_122] : memref<320000xi32, #tpu.memory_space<hbm>> -> memref<80xi32, #tpu.memory_space<hbm>>
          tpu.wait_dma2 semaphore(%run_scoped3A : memref<!tpu.dma_semaphore, #tpu.memory_space<semaphore_mem>>) src(%dma_wait3A_132 : memref<80xi32, #tpu.memory_space<hbm>>) dst(%arg10 : memref<80xi32, #tpu.memory_space<vmem>>)
          tpu.yield
        }) : () -> ()
        "tpu.region"() ({
          %run_scoped3A = tpu.sem_alloc : memref<!tpu.dma_semaphore, #tpu.memory_space<semaphore_mem>>
          %dma_start3A_129 = tpu.memref_slice %arg6[%add3A_122] : memref<320000xi32, #tpu.memory_space<hbm>> -> memref<80xi32, #tpu.memory_space<hbm>>
          %dma_start3A_130 = tpu.memref_slice %arg6[%add3A_122] : memref<320000xi32, #tpu.memory_space<hbm>> -> memref<80xi32, #tpu.memory_space<hbm>>
          tpu.enqueue_dma source(%dma_start3A_130 : memref<80xi32, #tpu.memory_space<hbm>>) target(%arg11 : memref<80xi32, #tpu.memory_space<vmem>>) target_semaphore(%run_scoped3A : memref<!tpu.dma_semaphore, #tpu.memory_space<semaphore_mem>>)
          %dma_wait3A_131 = tpu.memref_slice %arg6[%add3A_122] : memref<320000xi32, #tpu.memory_space<hbm>> -> memref<80xi32, #tpu.memory_space<hbm>>
          %dma_wait3A_132 = tpu.memref_slice %arg6[%add3A_122] : memref<320000xi32, #tpu.memory_space<hbm>> -> memref<80xi32, #tpu.memory_space<hbm>>
          tpu.wait_dma2 semaphore(%run_scoped3A : memref<!tpu.dma_semaphore, #tpu.memory_space<semaphore_mem>>) src(%dma_wait3A_132 : memref<80xi32, #tpu.memory_space<hbm>>) dst(%arg11 : memref<80xi32, #tpu.memory_space<vmem>>)
          tpu.yield
        }) : () -> ()
        %dma_start3A_123 = arith.constant 0 : i32
        %dma_start3A_124 = arith.constant 0 : i32
        %dma_start3A_125 = tpu.memref_slice %arg2[%dma_start3A_123, %dma_start3A_124] : memref<10240x128xf32, #tpu.memory_space<hbm>> -> memref<10240x128xf32, #tpu.memory_space<hbm>>
        tpu.enqueue_indirect_dma source(%dma_start3A_125 : memref<10240x128xf32, #tpu.memory_space<hbm>>) target(%arg15 : memref<80x128xf32, #tpu.memory_space<vmem>>) offsets(%arg9 : memref<80xi32, #tpu.memory_space<vmem>>) semaphore(%arg19 : memref<!tpu.dma_semaphore, #tpu.memory_space<semaphore_mem>>)
        %dma_start3A_126 = arith.constant 0 : i32
        %dma_start3A_127 = arith.constant 0 : i32
        %dma_start3A_128 = tpu.memref_slice %arg3[%dma_start3A_126, %dma_start3A_127] : memref<512x128xf32, #tpu.memory_space<hbm>> -> memref<512x128xf32, #tpu.memory_space<hbm>>
        tpu.enqueue_indirect_dma source(%dma_start3A_128 : memref<512x128xf32, #tpu.memory_space<hbm>>) target(%arg16 : memref<80x128xf32, #tpu.memory_space<vmem>>) offsets(%arg11 : memref<80xi32, #tpu.memory_space<vmem>>) semaphore(%arg19 : memref<!tpu.dma_semaphore, #tpu.memory_space<semaphore_mem>>)
      } else {
      }
      %lt3A_113 = arith.constant 125 : i32
      %lt3A_114 = arith.cmpi slt, %add3A_90, %lt3A_113 : i32
      %convert_element_type3A_115 = arith.extui %lt3A_114 : i1 to i32
      %cond3A_116 = arith.constant 0 : i32
      %cond3A_117 = arith.cmpi ne, %convert_element_type3A_115, %cond3A_116 : i32
      scf.if %cond3A_117 {
        %dma_wait3A_118 = arith.constant 0 : i32
        %dma_wait3A_119 = arith.constant 0 : i32
        %dma_wait3A_120 = tpu.memref_slice %arg2[%dma_wait3A_118, %dma_wait3A_119] : memref<10240x128xf32, #tpu.memory_space<hbm>> -> memref<10240x128xf32, #tpu.memory_space<hbm>>
        tpu.wait_indirect_dma semaphore(%arg20 : memref<!tpu.dma_semaphore, #tpu.memory_space<semaphore_mem>>) src(%dma_wait3A_120 : memref<10240x128xf32, #tpu.memory_space<hbm>>) dst(%arg17 : memref<80x128xf32, #tpu.memory_space<vmem>>)
        %dma_wait3A_121 = arith.constant 0 : i32
        %dma_wait3A_122 = arith.constant 0 : i32
        %dma_wait3A_123 = tpu.memref_slice %arg3[%dma_wait3A_121, %dma_wait3A_122] : memref<512x128xf32, #tpu.memory_space<hbm>> -> memref<512x128xf32, #tpu.memory_space<hbm>>
        tpu.wait_indirect_dma semaphore(%arg20 : memref<!tpu.dma_semaphore, #tpu.memory_space<semaphore_mem>>) src(%dma_wait3A_123 : memref<512x128xf32, #tpu.memory_space<hbm>>) dst(%arg18 : memref<80x128xf32, #tpu.memory_space<vmem>>)
        %scan3A_124 = arith.constant 0 : i32
        %scan3A_125 = arith.constant 0 : i32
        %scan3A_126 = arith.constant 80 : i32
        %scan3A_127 = arith.addi %scan3A_125, %scan3A_126 : i32
        %scan3A_128 = arith.constant 1 : i32
        scf.for %scan3A_130 = %scan3A_125 to %scan3A_127 step %scan3A_128  : i32 {
          %get3A = arith.index_cast %scan3A_130 : i32 to index
          %get3A_131 = arith.constant 0 : index
          %get3A_132 = tpu.vector_load %arg17[%get3A, %get3A_131] {strides = array<i32>} : memref<80x128xf32, #tpu.memory_space<vmem>>, vector<1x16xf32>,
          %get3A_133 = vector.shape_cast %get3A_132 : vector<1x16xf32> to vector<16xf32>
          %get3A_134 = arith.index_cast %scan3A_130 : i32 to index
          %get3A_135 = arith.constant 0 : index
          %get3A_136 = tpu.vector_load %arg18[%get3A_134, %get3A_135] {strides = array<i32>} : memref<80x128xf32, #tpu.memory_space<vmem>>, vector<1x16xf32>,
          %get3A_137 = vector.shape_cast %get3A_136 : vector<1x16xf32> to vector<16xf32>
          %add3A_138 = arith.addf %get3A_133, %get3A_137 : vector<16xf32>
          %max3A = arith.constant 0.000000e+00 : f32
          %max3A_139 = vector.broadcast %max3A : f32 to vector<16xf32>
          %max3A_140 = arith.maximumf %add3A_138, %max3A_139 : vector<16xf32>
          %swap3A = arith.index_cast %scan3A_130 : i32 to index
          %swap3A_141 = arith.constant 0 : index
          %swap3A_142 = tpu.vector_load %arg17[%swap3A, %swap3A_141] {strides = array<i32>} : memref<80x128xf32, #tpu.memory_space<vmem>>, vector<1x16xf32>,
          %swap3A_143 = vector.shape_cast %swap3A_142 : vector<1x16xf32> to vector<16xf32>
          %swap3A_144 = vector.shape_cast %max3A_140 : vector<16xf32> to vector<1x16xf32>
          tpu.vector_store %arg17[%swap3A, %swap3A_141], %swap3A_144 {strides = array<i32>} : memref<80x128xf32, #tpu.memory_space<vmem>>, vector<1x16xf32>,
          %get3A_145 = arith.index_cast %scan3A_130 : i32 to index
          %get3A_146 = arith.constant 16 : index
          %get3A_147 = tpu.vector_load %arg17[%get3A_145, %get3A_146] {strides = array<i32>} : memref<80x128xf32, #tpu.memory_space<vmem>>, vector<1x16xf32>,
          %get3A_148 = vector.shape_cast %get3A_147 : vector<1x16xf32> to vector<16xf32>
          %get3A_149 = arith.index_cast %scan3A_130 : i32 to index
          %get3A_150 = arith.constant 16 : index
          %get3A_151 = tpu.vector_load %arg18[%get3A_149, %get3A_150] {strides = array<i32>} : memref<80x128xf32, #tpu.memory_space<vmem>>, vector<1x16xf32>,
          %get3A_152 = vector.shape_cast %get3A_151 : vector<1x16xf32> to vector<16xf32>
          %add3A_153 = arith.addf %get3A_148, %get3A_152 : vector<16xf32>
          %max3A_154 = arith.constant 0.000000e+00 : f32
          %max3A_155 = vector.broadcast %max3A_154 : f32 to vector<16xf32>
          %max3A_156 = arith.maximumf %add3A_153, %max3A_155 : vector<16xf32>
          %swap3A_157 = arith.index_cast %scan3A_130 : i32 to index
          %swap3A_158 = arith.constant 16 : index
          %swap3A_159 = tpu.vector_load %arg17[%swap3A_157, %swap3A_158] {strides = array<i32>} : memref<80x128xf32, #tpu.memory_space<vmem>>, vector<1x16xf32>,
          %swap3A_160 = vector.shape_cast %swap3A_159 : vector<1x16xf32> to vector<16xf32>
          %swap3A_161 = vector.shape_cast %max3A_156 : vector<16xf32> to vector<1x16xf32>
          tpu.vector_store %arg17[%swap3A_157, %swap3A_158], %swap3A_161 {strides = array<i32>} : memref<80x128xf32, #tpu.memory_space<vmem>>, vector<1x16xf32>,
          %get3A_162 = arith.index_cast %scan3A_130 : i32 to index
          %get3A_163 = arith.constant 32 : index
          %get3A_164 = tpu.vector_load %arg17[%get3A_162, %get3A_163] {strides = array<i32>} : memref<80x128xf32, #tpu.memory_space<vmem>>, vector<1x16xf32>,
          %get3A_165 = vector.shape_cast %get3A_164 : vector<1x16xf32> to vector<16xf32>
          %get3A_166 = arith.index_cast %scan3A_130 : i32 to index
          %get3A_167 = arith.constant 32 : index
          %get3A_168 = tpu.vector_load %arg18[%get3A_166, %get3A_167] {strides = array<i32>} : memref<80x128xf32, #tpu.memory_space<vmem>>, vector<1x16xf32>,
          %get3A_169 = vector.shape_cast %get3A_168 : vector<1x16xf32> to vector<16xf32>
          %add3A_170 = arith.addf %get3A_165, %get3A_169 : vector<16xf32>
          %max3A_171 = arith.constant 0.000000e+00 : f32
          %max3A_172 = vector.broadcast %max3A_171 : f32 to vector<16xf32>
          %max3A_173 = arith.maximumf %add3A_170, %max3A_172 : vector<16xf32>
          %swap3A_174 = arith.index_cast %scan3A_130 : i32 to index
          %swap3A_175 = arith.constant 32 : index
          %swap3A_176 = tpu.vector_load %arg17[%swap3A_174, %swap3A_175] {strides = array<i32>} : memref<80x128xf32, #tpu.memory_space<vmem>>, vector<1x16xf32>,
          %swap3A_177 = vector.shape_cast %swap3A_176 : vector<1x16xf32> to vector<16xf32>
          %swap3A_178 = vector.shape_cast %max3A_173 : vector<16xf32> to vector<1x16xf32>
          tpu.vector_store %arg17[%swap3A_174, %swap3A_175], %swap3A_178 {strides = array<i32>} : memref<80x128xf32, #tpu.memory_space<vmem>>, vector<1x16xf32>,
          %get3A_179 = arith.index_cast %scan3A_130 : i32 to index
          %get3A_180 = arith.constant 48 : index
          %get3A_181 = tpu.vector_load %arg17[%get3A_179, %get3A_180] {strides = array<i32>} : memref<80x128xf32, #tpu.memory_space<vmem>>, vector<1x16xf32>,
          %get3A_182 = vector.shape_cast %get3A_181 : vector<1x16xf32> to vector<16xf32>
          %get3A_183 = arith.index_cast %scan3A_130 : i32 to index
          %get3A_184 = arith.constant 48 : index
          %get3A_185 = tpu.vector_load %arg18[%get3A_183, %get3A_184] {strides = array<i32>} : memref<80x128xf32, #tpu.memory_space<vmem>>, vector<1x16xf32>,
          %get3A_186 = vector.shape_cast %get3A_185 : vector<1x16xf32> to vector<16xf32>
          %add3A_187 = arith.addf %get3A_182, %get3A_186 : vector<16xf32>
          %max3A_188 = arith.constant 0.000000e+00 : f32
          %max3A_189 = vector.broadcast %max3A_188 : f32 to vector<16xf32>
          %max3A_190 = arith.maximumf %add3A_187, %max3A_189 : vector<16xf32>
          %swap3A_191 = arith.index_cast %scan3A_130 : i32 to index
          %swap3A_192 = arith.constant 48 : index
          %swap3A_193 = tpu.vector_load %arg17[%swap3A_191, %swap3A_192] {strides = array<i32>} : memref<80x128xf32, #tpu.memory_space<vmem>>, vector<1x16xf32>,
          %swap3A_194 = vector.shape_cast %swap3A_193 : vector<1x16xf32> to vector<16xf32>
          %swap3A_195 = vector.shape_cast %max3A_190 : vector<16xf32> to vector<1x16xf32>
          tpu.vector_store %arg17[%swap3A_191, %swap3A_192], %swap3A_195 {strides = array<i32>} : memref<80x128xf32, #tpu.memory_space<vmem>>, vector<1x16xf32>,
          %get3A_196 = arith.index_cast %scan3A_130 : i32 to index
          %get3A_197 = arith.constant 64 : index
          %get3A_198 = tpu.vector_load %arg17[%get3A_196, %get3A_197] {strides = array<i32>} : memref<80x128xf32, #tpu.memory_space<vmem>>, vector<1x16xf32>,
          %get3A_199 = vector.shape_cast %get3A_198 : vector<1x16xf32> to vector<16xf32>
          %get3A_200 = arith.index_cast %scan3A_130 : i32 to index
          %get3A_201 = arith.constant 64 : index
          %get3A_202 = tpu.vector_load %arg18[%get3A_200, %get3A_201] {strides = array<i32>} : memref<80x128xf32, #tpu.memory_space<vmem>>, vector<1x16xf32>,
          %get3A_203 = vector.shape_cast %get3A_202 : vector<1x16xf32> to vector<16xf32>
          %add3A_204 = arith.addf %get3A_199, %get3A_203 : vector<16xf32>
          %max3A_205 = arith.constant 0.000000e+00 : f32
          %max3A_206 = vector.broadcast %max3A_205 : f32 to vector<16xf32>
          %max3A_207 = arith.maximumf %add3A_204, %max3A_206 : vector<16xf32>
          %swap3A_208 = arith.index_cast %scan3A_130 : i32 to index
          %swap3A_209 = arith.constant 64 : index
          %swap3A_210 = tpu.vector_load %arg17[%swap3A_208, %swap3A_209] {strides = array<i32>} : memref<80x128xf32, #tpu.memory_space<vmem>>, vector<1x16xf32>,
          %swap3A_211 = vector.shape_cast %swap3A_210 : vector<1x16xf32> to vector<16xf32>
          %swap3A_212 = vector.shape_cast %max3A_207 : vector<16xf32> to vector<1x16xf32>
          tpu.vector_store %arg17[%swap3A_208, %swap3A_209], %swap3A_212 {strides = array<i32>} : memref<80x128xf32, #tpu.memory_space<vmem>>, vector<1x16xf32>,
          %get3A_213 = arith.index_cast %scan3A_130 : i32 to index
          %get3A_214 = arith.constant 80 : index
          %get3A_215 = tpu.vector_load %arg17[%get3A_213, %get3A_214] {strides = array<i32>} : memref<80x128xf32, #tpu.memory_space<vmem>>, vector<1x16xf32>,
          %get3A_216 = vector.shape_cast %get3A_215 : vector<1x16xf32> to vector<16xf32>
          %get3A_217 = arith.index_cast %scan3A_130 : i32 to index
          %get3A_218 = arith.constant 80 : index
          %get3A_219 = tpu.vector_load %arg18[%get3A_217, %get3A_218] {strides = array<i32>} : memref<80x128xf32, #tpu.memory_space<vmem>>, vector<1x16xf32>,
          %get3A_220 = vector.shape_cast %get3A_219 : vector<1x16xf32> to vector<16xf32>
          %add3A_221 = arith.addf %get3A_216, %get3A_220 : vector<16xf32>
          %max3A_222 = arith.constant 0.000000e+00 : f32
          %max3A_223 = vector.broadcast %max3A_222 : f32 to vector<16xf32>
          %max3A_224 = arith.maximumf %add3A_221, %max3A_223 : vector<16xf32>
          %swap3A_225 = arith.index_cast %scan3A_130 : i32 to index
          %swap3A_226 = arith.constant 80 : index
          %swap3A_227 = tpu.vector_load %arg17[%swap3A_225, %swap3A_226] {strides = array<i32>} : memref<80x128xf32, #tpu.memory_space<vmem>>, vector<1x16xf32>,
          %swap3A_228 = vector.shape_cast %swap3A_227 : vector<1x16xf32> to vector<16xf32>
          %swap3A_229 = vector.shape_cast %max3A_224 : vector<16xf32> to vector<1x16xf32>
          tpu.vector_store %arg17[%swap3A_225, %swap3A_226], %swap3A_229 {strides = array<i32>} : memref<80x128xf32, #tpu.memory_space<vmem>>, vector<1x16xf32>,
          %get3A_230 = arith.index_cast %scan3A_130 : i32 to index
          %get3A_231 = arith.constant 96 : index
          %get3A_232 = tpu.vector_load %arg17[%get3A_230, %get3A_231] {strides = array<i32>} : memref<80x128xf32, #tpu.memory_space<vmem>>, vector<1x16xf32>,
          %get3A_233 = vector.shape_cast %get3A_232 : vector<1x16xf32> to vector<16xf32>
          %get3A_234 = arith.index_cast %scan3A_130 : i32 to index
          %get3A_235 = arith.constant 96 : index
          %get3A_236 = tpu.vector_load %arg18[%get3A_234, %get3A_235] {strides = array<i32>} : memref<80x128xf32, #tpu.memory_space<vmem>>, vector<1x16xf32>,
          %get3A_237 = vector.shape_cast %get3A_236 : vector<1x16xf32> to vector<16xf32>
          %add3A_238 = arith.addf %get3A_233, %get3A_237 : vector<16xf32>
          %max3A_239 = arith.constant 0.000000e+00 : f32
          %max3A_240 = vector.broadcast %max3A_239 : f32 to vector<16xf32>
          %max3A_241 = arith.maximumf %add3A_238, %max3A_240 : vector<16xf32>
          %swap3A_242 = arith.index_cast %scan3A_130 : i32 to index
          %swap3A_243 = arith.constant 96 : index
          %swap3A_244 = tpu.vector_load %arg17[%swap3A_242, %swap3A_243] {strides = array<i32>} : memref<80x128xf32, #tpu.memory_space<vmem>>, vector<1x16xf32>,
          %swap3A_245 = vector.shape_cast %swap3A_244 : vector<1x16xf32> to vector<16xf32>
          %swap3A_246 = vector.shape_cast %max3A_241 : vector<16xf32> to vector<1x16xf32>
          tpu.vector_store %arg17[%swap3A_242, %swap3A_243], %swap3A_246 {strides = array<i32>} : memref<80x128xf32, #tpu.memory_space<vmem>>, vector<1x16xf32>,
          %get3A_247 = arith.index_cast %scan3A_130 : i32 to index
          %get3A_248 = arith.constant 112 : index
          %get3A_249 = tpu.vector_load %arg17[%get3A_247, %get3A_248] {strides = array<i32>} : memref<80x128xf32, #tpu.memory_space<vmem>>, vector<1x16xf32>,
          %get3A_250 = vector.shape_cast %get3A_249 : vector<1x16xf32> to vector<16xf32>
          %get3A_251 = arith.index_cast %scan3A_130 : i32 to index
          %get3A_252 = arith.constant 112 : index
          %get3A_253 = tpu.vector_load %arg18[%get3A_251, %get3A_252] {strides = array<i32>} : memref<80x128xf32, #tpu.memory_space<vmem>>, vector<1x16xf32>,
          %get3A_254 = vector.shape_cast %get3A_253 : vector<1x16xf32> to vector<16xf32>
          %add3A_255 = arith.addf %get3A_250, %get3A_254 : vector<16xf32>
          %max3A_256 = arith.constant 0.000000e+00 : f32
          %max3A_257 = vector.broadcast %max3A_256 : f32 to vector<16xf32>
          %max3A_258 = arith.maximumf %add3A_255, %max3A_257 : vector<16xf32>
          %swap3A_259 = arith.index_cast %scan3A_130 : i32 to index
          %swap3A_260 = arith.constant 112 : index
          %swap3A_261 = tpu.vector_load %arg17[%swap3A_259, %swap3A_260] {strides = array<i32>} : memref<80x128xf32, #tpu.memory_space<vmem>>, vector<1x16xf32>,
          %swap3A_262 = vector.shape_cast %swap3A_261 : vector<1x16xf32> to vector<16xf32>
          %swap3A_263 = vector.shape_cast %max3A_258 : vector<16xf32> to vector<1x16xf32>
          tpu.vector_store %arg17[%swap3A_259, %swap3A_260], %swap3A_263 {strides = array<i32>} : memref<80x128xf32, #tpu.memory_space<vmem>>, vector<1x16xf32>,
        }
        %scan3A_129 = arith.constant 80 : i32
        "tpu.region"() ({
          %run_scoped3A = tpu.sem_alloc : memref<!tpu.dma_semaphore, #tpu.memory_space<semaphore_mem>>
          %dma_start3A_130 = arith.constant 0 : i32
          %dma_start3A_131 = arith.constant 0 : i32
          %dma_start3A_132 = tpu.memref_slice %arg8[%dma_start3A_130, %dma_start3A_131] : memref<10240x128xf32, #tpu.memory_space<vmem_shared>> -> memref<10240x128xf32, #tpu.memory_space<vmem_shared>>
          tpu.enqueue_indirect_dma source(%arg17 : memref<80x128xf32, #tpu.memory_space<vmem>>) target(%dma_start3A_132 : memref<10240x128xf32, #tpu.memory_space<vmem_shared>>) offsets(%arg13 : memref<80xi32, #tpu.memory_space<vmem>>) semaphore(%run_scoped3A : memref<!tpu.dma_semaphore, #tpu.memory_space<semaphore_mem>>) {add = true}
          %dma_wait3A_133 = arith.constant 0 : i32
          %dma_wait3A_134 = arith.constant 0 : i32
          %dma_wait3A_135 = tpu.memref_slice %arg8[%dma_wait3A_133, %dma_wait3A_134] : memref<10240x128xf32, #tpu.memory_space<vmem_shared>> -> memref<10240x128xf32, #tpu.memory_space<vmem_shared>>
          tpu.wait_indirect_dma semaphore(%run_scoped3A : memref<!tpu.dma_semaphore, #tpu.memory_space<semaphore_mem>>) src(%arg17 : memref<80x128xf32, #tpu.memory_space<vmem>>) dst(%dma_wait3A_135 : memref<10240x128xf32, #tpu.memory_space<vmem_shared>>)
          tpu.yield
        }) : () -> ()
      } else {
      }
    }
    %scan3A_52 = arith.constant 63 : i32
    %barrier3A_53 = arith.constant 0 : index
    tpu.barrier barrier_id(%barrier3A_53)
    %mul3A_54 = arith.constant 640 : i32
    %mul3A_55 = arith.muli %arg1, %mul3A_54 : i32
    %add3A_56 = arith.constant 0 : i32
    %add3A_57 = arith.addi %mul3A_55, %add3A_56 : i32
    "tpu.region"() ({
      %run_scoped3A = tpu.sem_alloc : memref<!tpu.dma_semaphore, #tpu.memory_space<semaphore_mem>>
      %dma_start3A_86 = arith.constant 0 : i32
      %dma_start3A_87 = tpu.memref_slice %arg7[%arg0, %add3A_57, %dma_start3A_86] : memref<2x10240x128xf32, #tpu.memory_space<hbm>> -> memref<1x80x128xf32, #tpu.memory_space<hbm>>
      %dma_start3A_88 = tpu.memref_squeeze %dma_start3A_87 : memref<1x80x128xf32, #tpu.memory_space<hbm>> -> memref<80x128xf32, #tpu.memory_space<hbm>>
      %dma_start3A_89 = arith.constant 0 : i32
      %dma_start3A_90 = tpu.memref_slice %arg8[%add3A_57, %dma_start3A_89] : memref<10240x128xf32, #tpu.memory_space<vmem_shared>> -> memref<80x128xf32, #tpu.memory_space<vmem_shared>>
      tpu.enqueue_dma source(%dma_start3A_90 : memref<80x128xf32, #tpu.memory_space<vmem_shared>>) target(%dma_start3A_88 : memref<80x128xf32, #tpu.memory_space<hbm>>) target_semaphore(%run_scoped3A : memref<!tpu.dma_semaphore, #tpu.memory_space<semaphore_mem>>)
      %dma_wait3A = arith.constant 0 : i32
      %dma_wait3A_91 = tpu.memref_slice %arg7[%arg0, %add3A_57, %dma_wait3A] : memref<2x10240x128xf32, #tpu.memory_space<hbm>> -> memref<1x80x128xf32, #tpu.memory_space<hbm>>
      %dma_wait3A_92 = tpu.memref_squeeze %dma_wait3A_91 : memref<1x80x128xf32, #tpu.memory_space<hbm>> -> memref<80x128xf32, #tpu.memory_space<hbm>>
      %dma_wait3A_93 = arith.constant 0 : i32
      %dma_wait3A_94 = tpu.memref_slice %arg8[%add3A_57, %dma_wait3A_93] : memref<10240x128xf32, #tpu.memory_space<vmem_shared>> -> memref<80x128xf32, #tpu.memory_space<vmem_shared>>
      tpu.wait_dma2 semaphore(%run_scoped3A : memref<!tpu.dma_semaphore, #tpu.memory_space<semaphore_mem>>) src(%dma_wait3A_94 : memref<80x128xf32, #tpu.memory_space<vmem_shared>>) dst(%dma_wait3A_92 : memref<80x128xf32, #tpu.memory_space<hbm>>)
      tpu.yield
    }) : () -> ()
    %mul3A_58 = arith.constant 640 : i32
    %mul3A_59 = arith.muli %arg1, %mul3A_58 : i32
    %add3A_60 = arith.constant 80 : i32
    %add3A_61 = arith.addi %mul3A_59, %add3A_60 : i32
    "tpu.region"() ({
      %run_scoped3A = tpu.sem_alloc : memref<!tpu.dma_semaphore, #tpu.memory_space<semaphore_mem>>
      %dma_start3A_86 = arith.constant 0 : i32
      %dma_start3A_87 = tpu.memref_slice %arg7[%arg0, %add3A_61, %dma_start3A_86] : memref<2x10240x128xf32, #tpu.memory_space<hbm>> -> memref<1x80x128xf32, #tpu.memory_space<hbm>>
      %dma_start3A_88 = tpu.memref_squeeze %dma_start3A_87 : memref<1x80x128xf32, #tpu.memory_space<hbm>> -> memref<80x128xf32, #tpu.memory_space<hbm>>
      %dma_start3A_89 = arith.constant 0 : i32
      %dma_start3A_90 = tpu.memref_slice %arg8[%add3A_61, %dma_start3A_89] : memref<10240x128xf32, #tpu.memory_space<vmem_shared>> -> memref<80x128xf32, #tpu.memory_space<vmem_shared>>
      tpu.enqueue_dma source(%dma_start3A_90 : memref<80x128xf32, #tpu.memory_space<vmem_shared>>) target(%dma_start3A_88 : memref<80x128xf32, #tpu.memory_space<hbm>>) target_semaphore(%run_scoped3A : memref<!tpu.dma_semaphore, #tpu.memory_space<semaphore_mem>>)
      %dma_wait3A = arith.constant 0 : i32
      %dma_wait3A_91 = tpu.memref_slice %arg7[%arg0, %add3A_61, %dma_wait3A] : memref<2x10240x128xf32, #tpu.memory_space<hbm>> -> memref<1x80x128xf32, #tpu.memory_space<hbm>>
      %dma_wait3A_92 = tpu.memref_squeeze %dma_wait3A_91 : memref<1x80x128xf32, #tpu.memory_space<hbm>> -> memref<80x128xf32, #tpu.memory_space<hbm>>
      %dma_wait3A_93 = arith.constant 0 : i32
      %dma_wait3A_94 = tpu.memref_slice %arg8[%add3A_61, %dma_wait3A_93] : memref<10240x128xf32, #tpu.memory_space<vmem_shared>> -> memref<80x128xf32, #tpu.memory_space<vmem_shared>>
      tpu.wait_dma2 semaphore(%run_scoped3A : memref<!tpu.dma_semaphore, #tpu.memory_space<semaphore_mem>>) src(%dma_wait3A_94 : memref<80x128xf32, #tpu.memory_space<vmem_shared>>) dst(%dma_wait3A_92 : memref<80x128xf32, #tpu.memory_space<hbm>>)
      tpu.yield
    }) : () -> ()
    %mul3A_62 = arith.constant 640 : i32
    %mul3A_63 = arith.muli %arg1, %mul3A_62 : i32
    %add3A_64 = arith.constant 160 : i32
    %add3A_65 = arith.addi %mul3A_63, %add3A_64 : i32
    "tpu.region"() ({
      %run_scoped3A = tpu.sem_alloc : memref<!tpu.dma_semaphore, #tpu.memory_space<semaphore_mem>>
      %dma_start3A_86 = arith.constant 0 : i32
      %dma_start3A_87 = tpu.memref_slice %arg7[%arg0, %add3A_65, %dma_start3A_86] : memref<2x10240x128xf32, #tpu.memory_space<hbm>> -> memref<1x80x128xf32, #tpu.memory_space<hbm>>
      %dma_start3A_88 = tpu.memref_squeeze %dma_start3A_87 : memref<1x80x128xf32, #tpu.memory_space<hbm>> -> memref<80x128xf32, #tpu.memory_space<hbm>>
      %dma_start3A_89 = arith.constant 0 : i32
      %dma_start3A_90 = tpu.memref_slice %arg8[%add3A_65, %dma_start3A_89] : memref<10240x128xf32, #tpu.memory_space<vmem_shared>> -> memref<80x128xf32, #tpu.memory_space<vmem_shared>>
      tpu.enqueue_dma source(%dma_start3A_90 : memref<80x128xf32, #tpu.memory_space<vmem_shared>>) target(%dma_start3A_88 : memref<80x128xf32, #tpu.memory_space<hbm>>) target_semaphore(%run_scoped3A : memref<!tpu.dma_semaphore, #tpu.memory_space<semaphore_mem>>)
      %dma_wait3A = arith.constant 0 : i32
      %dma_wait3A_91 = tpu.memref_slice %arg7[%arg0, %add3A_65, %dma_wait3A] : memref<2x10240x128xf32, #tpu.memory_space<hbm>> -> memref<1x80x128xf32, #tpu.memory_space<hbm>>
      %dma_wait3A_92 = tpu.memref_squeeze %dma_wait3A_91 : memref<1x80x128xf32, #tpu.memory_space<hbm>> -> memref<80x128xf32, #tpu.memory_space<hbm>>
      %dma_wait3A_93 = arith.constant 0 : i32
      %dma_wait3A_94 = tpu.memref_slice %arg8[%add3A_65, %dma_wait3A_93] : memref<10240x128xf32, #tpu.memory_space<vmem_shared>> -> memref<80x128xf32, #tpu.memory_space<vmem_shared>>
      tpu.wait_dma2 semaphore(%run_scoped3A : memref<!tpu.dma_semaphore, #tpu.memory_space<semaphore_mem>>) src(%dma_wait3A_94 : memref<80x128xf32, #tpu.memory_space<vmem_shared>>) dst(%dma_wait3A_92 : memref<80x128xf32, #tpu.memory_space<hbm>>)
      tpu.yield
    }) : () -> ()
    %mul3A_66 = arith.constant 640 : i32
    %mul3A_67 = arith.muli %arg1, %mul3A_66 : i32
    %add3A_68 = arith.constant 240 : i32
    %add3A_69 = arith.addi %mul3A_67, %add3A_68 : i32
    "tpu.region"() ({
      %run_scoped3A = tpu.sem_alloc : memref<!tpu.dma_semaphore, #tpu.memory_space<semaphore_mem>>
      %dma_start3A_86 = arith.constant 0 : i32
      %dma_start3A_87 = tpu.memref_slice %arg7[%arg0, %add3A_69, %dma_start3A_86] : memref<2x10240x128xf32, #tpu.memory_space<hbm>> -> memref<1x80x128xf32, #tpu.memory_space<hbm>>
      %dma_start3A_88 = tpu.memref_squeeze %dma_start3A_87 : memref<1x80x128xf32, #tpu.memory_space<hbm>> -> memref<80x128xf32, #tpu.memory_space<hbm>>
      %dma_start3A_89 = arith.constant 0 : i32
      %dma_start3A_90 = tpu.memref_slice %arg8[%add3A_69, %dma_start3A_89] : memref<10240x128xf32, #tpu.memory_space<vmem_shared>> -> memref<80x128xf32, #tpu.memory_space<vmem_shared>>
      tpu.enqueue_dma source(%dma_start3A_90 : memref<80x128xf32, #tpu.memory_space<vmem_shared>>) target(%dma_start3A_88 : memref<80x128xf32, #tpu.memory_space<hbm>>) target_semaphore(%run_scoped3A : memref<!tpu.dma_semaphore, #tpu.memory_space<semaphore_mem>>)
      %dma_wait3A = arith.constant 0 : i32
      %dma_wait3A_91 = tpu.memref_slice %arg7[%arg0, %add3A_69, %dma_wait3A] : memref<2x10240x128xf32, #tpu.memory_space<hbm>> -> memref<1x80x128xf32, #tpu.memory_space<hbm>>
      %dma_wait3A_92 = tpu.memref_squeeze %dma_wait3A_91 : memref<1x80x128xf32, #tpu.memory_space<hbm>> -> memref<80x128xf32, #tpu.memory_space<hbm>>
      %dma_wait3A_93 = arith.constant 0 : i32
      %dma_wait3A_94 = tpu.memref_slice %arg8[%add3A_69, %dma_wait3A_93] : memref<10240x128xf32, #tpu.memory_space<vmem_shared>> -> memref<80x128xf32, #tpu.memory_space<vmem_shared>>
      tpu.wait_dma2 semaphore(%run_scoped3A : memref<!tpu.dma_semaphore, #tpu.memory_space<semaphore_mem>>) src(%dma_wait3A_94 : memref<80x128xf32, #tpu.memory_space<vmem_shared>>) dst(%dma_wait3A_92 : memref<80x128xf32, #tpu.memory_space<hbm>>)
      tpu.yield
    }) : () -> ()
    %mul3A_70 = arith.constant 640 : i32
    %mul3A_71 = arith.muli %arg1, %mul3A_70 : i32
    %add3A_72 = arith.constant 320 : i32
    %add3A_73 = arith.addi %mul3A_71, %add3A_72 : i32
    "tpu.region"() ({
      %run_scoped3A = tpu.sem_alloc : memref<!tpu.dma_semaphore, #tpu.memory_space<semaphore_mem>>
      %dma_start3A_86 = arith.constant 0 : i32
      %dma_start3A_87 = tpu.memref_slice %arg7[%arg0, %add3A_73, %dma_start3A_86] : memref<2x10240x128xf32, #tpu.memory_space<hbm>> -> memref<1x80x128xf32, #tpu.memory_space<hbm>>
      %dma_start3A_88 = tpu.memref_squeeze %dma_start3A_87 : memref<1x80x128xf32, #tpu.memory_space<hbm>> -> memref<80x128xf32, #tpu.memory_space<hbm>>
      %dma_start3A_89 = arith.constant 0 : i32
      %dma_start3A_90 = tpu.memref_slice %arg8[%add3A_73, %dma_start3A_89] : memref<10240x128xf32, #tpu.memory_space<vmem_shared>> -> memref<80x128xf32, #tpu.memory_space<vmem_shared>>
      tpu.enqueue_dma source(%dma_start3A_90 : memref<80x128xf32, #tpu.memory_space<vmem_shared>>) target(%dma_start3A_88 : memref<80x128xf32, #tpu.memory_space<hbm>>) target_semaphore(%run_scoped3A : memref<!tpu.dma_semaphore, #tpu.memory_space<semaphore_mem>>)
      %dma_wait3A = arith.constant 0 : i32
      %dma_wait3A_91 = tpu.memref_slice %arg7[%arg0, %add3A_73, %dma_wait3A] : memref<2x10240x128xf32, #tpu.memory_space<hbm>> -> memref<1x80x128xf32, #tpu.memory_space<hbm>>
      %dma_wait3A_92 = tpu.memref_squeeze %dma_wait3A_91 : memref<1x80x128xf32, #tpu.memory_space<hbm>> -> memref<80x128xf32, #tpu.memory_space<hbm>>
      %dma_wait3A_93 = arith.constant 0 : i32
      %dma_wait3A_94 = tpu.memref_slice %arg8[%add3A_73, %dma_wait3A_93] : memref<10240x128xf32, #tpu.memory_space<vmem_shared>> -> memref<80x128xf32, #tpu.memory_space<vmem_shared>>
      tpu.wait_dma2 semaphore(%run_scoped3A : memref<!tpu.dma_semaphore, #tpu.memory_space<semaphore_mem>>) src(%dma_wait3A_94 : memref<80x128xf32, #tpu.memory_space<vmem_shared>>) dst(%dma_wait3A_92 : memref<80x128xf32, #tpu.memory_space<hbm>>)
      tpu.yield
    }) : () -> ()
    %mul3A_74 = arith.constant 640 : i32
    %mul3A_75 = arith.muli %arg1, %mul3A_74 : i32
    %add3A_76 = arith.constant 400 : i32
    %add3A_77 = arith.addi %mul3A_75, %add3A_76 : i32
    "tpu.region"() ({
      %run_scoped3A = tpu.sem_alloc : memref<!tpu.dma_semaphore, #tpu.memory_space<semaphore_mem>>
      %dma_start3A_86 = arith.constant 0 : i32
      %dma_start3A_87 = tpu.memref_slice %arg7[%arg0, %add3A_77, %dma_start3A_86] : memref<2x10240x128xf32, #tpu.memory_space<hbm>> -> memref<1x80x128xf32, #tpu.memory_space<hbm>>
      %dma_start3A_88 = tpu.memref_squeeze %dma_start3A_87 : memref<1x80x128xf32, #tpu.memory_space<hbm>> -> memref<80x128xf32, #tpu.memory_space<hbm>>
      %dma_start3A_89 = arith.constant 0 : i32
      %dma_start3A_90 = tpu.memref_slice %arg8[%add3A_77, %dma_start3A_89] : memref<10240x128xf32, #tpu.memory_space<vmem_shared>> -> memref<80x128xf32, #tpu.memory_space<vmem_shared>>
      tpu.enqueue_dma source(%dma_start3A_90 : memref<80x128xf32, #tpu.memory_space<vmem_shared>>) target(%dma_start3A_88 : memref<80x128xf32, #tpu.memory_space<hbm>>) target_semaphore(%run_scoped3A : memref<!tpu.dma_semaphore, #tpu.memory_space<semaphore_mem>>)
      %dma_wait3A = arith.constant 0 : i32
      %dma_wait3A_91 = tpu.memref_slice %arg7[%arg0, %add3A_77, %dma_wait3A] : memref<2x10240x128xf32, #tpu.memory_space<hbm>> -> memref<1x80x128xf32, #tpu.memory_space<hbm>>
      %dma_wait3A_92 = tpu.memref_squeeze %dma_wait3A_91 : memref<1x80x128xf32, #tpu.memory_space<hbm>> -> memref<80x128xf32, #tpu.memory_space<hbm>>
      %dma_wait3A_93 = arith.constant 0 : i32
      %dma_wait3A_94 = tpu.memref_slice %arg8[%add3A_77, %dma_wait3A_93] : memref<10240x128xf32, #tpu.memory_space<vmem_shared>> -> memref<80x128xf32, #tpu.memory_space<vmem_shared>>
      tpu.wait_dma2 semaphore(%run_scoped3A : memref<!tpu.dma_semaphore, #tpu.memory_space<semaphore_mem>>) src(%dma_wait3A_94 : memref<80x128xf32, #tpu.memory_space<vmem_shared>>) dst(%dma_wait3A_92 : memref<80x128xf32, #tpu.memory_space<hbm>>)
      tpu.yield
    }) : () -> ()
    %mul3A_78 = arith.constant 640 : i32
    %mul3A_79 = arith.muli %arg1, %mul3A_78 : i32
    %add3A_80 = arith.constant 480 : i32
    %add3A_81 = arith.addi %mul3A_79, %add3A_80 : i32
    "tpu.region"() ({
      %run_scoped3A = tpu.sem_alloc : memref<!tpu.dma_semaphore, #tpu.memory_space<semaphore_mem>>
      %dma_start3A_86 = arith.constant 0 : i32
      %dma_start3A_87 = tpu.memref_slice %arg7[%arg0, %add3A_81, %dma_start3A_86] : memref<2x10240x128xf32, #tpu.memory_space<hbm>> -> memref<1x80x128xf32, #tpu.memory_space<hbm>>
      %dma_start3A_88 = tpu.memref_squeeze %dma_start3A_87 : memref<1x80x128xf32, #tpu.memory_space<hbm>> -> memref<80x128xf32, #tpu.memory_space<hbm>>
      %dma_start3A_89 = arith.constant 0 : i32
      %dma_start3A_90 = tpu.memref_slice %arg8[%add3A_81, %dma_start3A_89] : memref<10240x128xf32, #tpu.memory_space<vmem_shared>> -> memref<80x128xf32, #tpu.memory_space<vmem_shared>>
      tpu.enqueue_dma source(%dma_start3A_90 : memref<80x128xf32, #tpu.memory_space<vmem_shared>>) target(%dma_start3A_88 : memref<80x128xf32, #tpu.memory_space<hbm>>) target_semaphore(%run_scoped3A : memref<!tpu.dma_semaphore, #tpu.memory_space<semaphore_mem>>)
      %dma_wait3A = arith.constant 0 : i32
      %dma_wait3A_91 = tpu.memref_slice %arg7[%arg0, %add3A_81, %dma_wait3A] : memref<2x10240x128xf32, #tpu.memory_space<hbm>> -> memref<1x80x128xf32, #tpu.memory_space<hbm>>
      %dma_wait3A_92 = tpu.memref_squeeze %dma_wait3A_91 : memref<1x80x128xf32, #tpu.memory_space<hbm>> -> memref<80x128xf32, #tpu.memory_space<hbm>>
      %dma_wait3A_93 = arith.constant 0 : i32
      %dma_wait3A_94 = tpu.memref_slice %arg8[%add3A_81, %dma_wait3A_93] : memref<10240x128xf32, #tpu.memory_space<vmem_shared>> -> memref<80x128xf32, #tpu.memory_space<vmem_shared>>
      tpu.wait_dma2 semaphore(%run_scoped3A : memref<!tpu.dma_semaphore, #tpu.memory_space<semaphore_mem>>) src(%dma_wait3A_94 : memref<80x128xf32, #tpu.memory_space<vmem_shared>>) dst(%dma_wait3A_92 : memref<80x128xf32, #tpu.memory_space<hbm>>)
      tpu.yield
    }) : () -> ()
    %mul3A_82 = arith.constant 640 : i32
    %mul3A_83 = arith.muli %arg1, %mul3A_82 : i32
    %add3A_84 = arith.constant 560 : i32
    %add3A_85 = arith.addi %mul3A_83, %add3A_84 : i32
    "tpu.region"() ({
      %run_scoped3A = tpu.sem_alloc : memref<!tpu.dma_semaphore, #tpu.memory_space<semaphore_mem>>
      %dma_start3A_86 = arith.constant 0 : i32
      %dma_start3A_87 = tpu.memref_slice %arg7[%arg0, %add3A_85, %dma_start3A_86] : memref<2x10240x128xf32, #tpu.memory_space<hbm>> -> memref<1x80x128xf32, #tpu.memory_space<hbm>>
      %dma_start3A_88 = tpu.memref_squeeze %dma_start3A_87 : memref<1x80x128xf32, #tpu.memory_space<hbm>> -> memref<80x128xf32, #tpu.memory_space<hbm>>
      %dma_start3A_89 = arith.constant 0 : i32
      %dma_start3A_90 = tpu.memref_slice %arg8[%add3A_85, %dma_start3A_89] : memref<10240x128xf32, #tpu.memory_space<vmem_shared>> -> memref<80x128xf32, #tpu.memory_space<vmem_shared>>
      tpu.enqueue_dma source(%dma_start3A_90 : memref<80x128xf32, #tpu.memory_space<vmem_shared>>) target(%dma_start3A_88 : memref<80x128xf32, #tpu.memory_space<hbm>>) target_semaphore(%run_scoped3A : memref<!tpu.dma_semaphore, #tpu.memory_space<semaphore_mem>>)
      %dma_wait3A = arith.constant 0 : i32
      %dma_wait3A_91 = tpu.memref_slice %arg7[%arg0, %add3A_85, %dma_wait3A] : memref<2x10240x128xf32, #tpu.memory_space<hbm>> -> memref<1x80x128xf32, #tpu.memory_space<hbm>>
      %dma_wait3A_92 = tpu.memref_squeeze %dma_wait3A_91 : memref<1x80x128xf32, #tpu.memory_space<hbm>> -> memref<80x128xf32, #tpu.memory_space<hbm>>
      %dma_wait3A_93 = arith.constant 0 : i32
      %dma_wait3A_94 = tpu.memref_slice %arg8[%add3A_85, %dma_wait3A_93] : memref<10240x128xf32, #tpu.memory_space<vmem_shared>> -> memref<80x128xf32, #tpu.memory_space<vmem_shared>>
      tpu.wait_dma2 semaphore(%run_scoped3A : memref<!tpu.dma_semaphore, #tpu.memory_space<semaphore_mem>>) src(%dma_wait3A_94 : memref<80x128xf32, #tpu.memory_space<vmem_shared>>) dst(%dma_wait3A_92 : memref<80x128xf32, #tpu.memory_space<hbm>>)
      tpu.yield
    }) : () -> ()
    return
  }
}

module attributes {stable_mosaic.version = 14 : i64} {
  func.func @_eidx_body(%arg0: memref<3x2500x128xi32, #tpu.memory_space<vmem>>, %arg1: memref<2500x128xi32, #tpu.memory_space<vmem>>) attributes {dimension_semantics = [], scalar_prefetch = 0 : i64, scratch_operands = 0 : i64, tpu.core_type = #tpu.core_type<tc>} {
    %get3A = arith.constant 0 : index
    %get3A_0 = arith.constant 0 : index
    %get3A_1 = arith.constant 0 : index
    %get3A_2 = vector.load %arg0[%get3A, %get3A_0, %get3A_1] : memref<3x2500x128xi32, #tpu.memory_space<vmem>>, vector<3x2500x128xi32>
    %slice3A = vector.extract_strided_slice %get3A_2 {offsets = [0, 0, 0], sizes = [1, 2500, 128], strides = [1, 1, 1]} : vector<3x2500x128xi32> to vector<1x2500x128xi32>
    %squeeze3A = vector.shape_cast %slice3A : vector<1x2500x128xi32> to vector<2500x128xi32>
    %mul3A = arith.constant 64 : i32
    %mul3A_3 = vector.broadcast %mul3A : i32 to vector<2500x128xi32>
    %mul3A_4 = arith.muli %squeeze3A, %mul3A_3 : vector<2500x128xi32>
    %slice3A_5 = vector.extract_strided_slice %get3A_2 {offsets = [1, 0, 0], sizes = [1, 2500, 128], strides = [1, 1, 1]} : vector<3x2500x128xi32> to vector<1x2500x128xi32>
    %squeeze3A_6 = vector.shape_cast %slice3A_5 : vector<1x2500x128xi32> to vector<2500x128xi32>
    %mul3A_7 = arith.constant 8 : i32
    %mul3A_8 = vector.broadcast %mul3A_7 : i32 to vector<2500x128xi32>
    %mul3A_9 = arith.muli %squeeze3A_6, %mul3A_8 : vector<2500x128xi32>
    %add3A = arith.addi %mul3A_4, %mul3A_9 : vector<2500x128xi32>
    %slice3A_10 = vector.extract_strided_slice %get3A_2 {offsets = [2, 0, 0], sizes = [1, 2500, 128], strides = [1, 1, 1]} : vector<3x2500x128xi32> to vector<1x2500x128xi32>
    %squeeze3A_11 = vector.shape_cast %slice3A_10 : vector<1x2500x128xi32> to vector<2500x128xi32>
    %add3A_12 = arith.addi %add3A, %squeeze3A_11 : vector<2500x128xi32>
    %swap3A = arith.constant 0 : index
    %swap3A_13 = arith.constant 0 : index
    %swap3A_14 = vector.load %arg1[%swap3A, %swap3A_13] : memref<2500x128xi32, #tpu.memory_space<vmem>>, vector<2500x128xi32>
    tpu.vector_store %arg1[%swap3A, %swap3A_13], %add3A_12 {strides = array<i32>} : memref<2500x128xi32, #tpu.memory_space<vmem>>, vector<2500x128xi32>,
    return
  }
}

module attributes {stable_mosaic.version = 14 : i64} {
  func.func @_etab_body(%arg0: memref<24x128xf32, #tpu.memory_space<vmem>>, %arg1: memref<512x24xf32, #tpu.memory_space<vmem>>, %arg2: memref<512x128xf32, #tpu.memory_space<vmem>>) attributes {dimension_semantics = [], scalar_prefetch = 0 : i64, scratch_operands = 0 : i64, tpu.core_type = #tpu.core_type<tc>} {
    %get3A = arith.constant 0 : index
    %get3A_0 = arith.constant 0 : index
    %get3A_1 = vector.load %arg1[%get3A, %get3A_0] : memref<512x24xf32, #tpu.memory_space<vmem>>, vector<512x24xf32>
    %get3A_2 = arith.constant 0 : index
    %get3A_3 = arith.constant 0 : index
    %get3A_4 = vector.load %arg0[%get3A_2, %get3A_3] : memref<24x128xf32, #tpu.memory_space<vmem>>, vector<24x128xf32>
    %dot_general3A = arith.constant dense<0.000000e+00> : vector<512x128xf32>
    %dot_general3A_5 = tpu.matmul %get3A_1, %get3A_4, %dot_general3A {dimension_numbers = #tpu.dot_dimension_numbers<[1], [0], [0], [1], [0, 0, 1, 1], [], []>, precision = #tpu.contract_precision<fp32>, transpose_lhs_hint = false} : vector<512x24xf32>, vector<24x128xf32>, vector<512x128xf32> -> vector<512x128xf32>
    %swap3A = arith.constant 0 : index
    %swap3A_6 = arith.constant 0 : index
    %swap3A_7 = vector.load %arg2[%swap3A, %swap3A_6] : memref<512x128xf32, #tpu.memory_space<vmem>>, vector<512x128xf32>
    tpu.vector_store %arg2[%swap3A, %swap3A_6], %dot_general3A_5 {strides = array<i32>} : memref<512x128xf32, #tpu.memory_space<vmem>>, vector<512x128xf32>,
    return
  }
}

module attributes {stable_mosaic.version = 14 : i64} {
  func.func @_p0_body(%arg0: i32, %arg1: memref<2000x9xi32, #tpu.memory_space<vmem>>, %arg2: memref<576x128xf32, #tpu.memory_space<vmem>>, %arg3: memref<1x128xf32, #tpu.memory_space<vmem>>, %arg4: memref<2000x128xf32, #tpu.memory_space<vmem>>) attributes {dimension_semantics = [#tpu.dimension_semantics<arbitrary>], iteration_bounds = array<i64: 5>, scalar_prefetch = 0 : i64, scratch_operands = 0 : i64, tpu.core_type = #tpu.core_type<tc>, window_params = [{transform_indices = @transform_0, window_bounds = array<i64: 2000, 9>}, {pipeline_mode = #tpu.pipeline_mode<synchronous>, transform_indices = @transform_1, window_bounds = array<i64: 576, 128>}, {pipeline_mode = #tpu.pipeline_mode<synchronous>, transform_indices = @transform_2, window_bounds = array<i64: 1, 128>}, {transform_indices = @transform_3, window_bounds = array<i64: 2000, 128>}]} {
    %get3A = arith.constant 0 : index
    %get3A_0 = arith.constant 0 : index
    %get3A_1 = vector.load %arg3[%get3A, %get3A_0] : memref<1x128xf32, #tpu.memory_space<vmem>>, vector<1x128xf32>
    %broadcast_in_dim3A = vector.shape_cast %get3A_1 : vector<1x128xf32> to vector<1x128xf32>
    %broadcast_in_dim3A_2 = vector.broadcast %broadcast_in_dim3A : vector<1x128xf32> to vector<2000x128xf32>
    %get3A_3 = arith.constant 0 : index
    %get3A_4 = arith.constant 0 : index
    %get3A_5 = vector.load %arg1[%get3A_3, %get3A_4] : memref<2000x9xi32, #tpu.memory_space<vmem>>, vector<2000x1xi32>
    %iota3A = tpu.iota {dimensions = array<i32: 1>} : vector<2000x64xi32>
    %eq3A = vector.broadcast %get3A_5 : vector<2000x1xi32> to vector<2000x64xi32>
    %eq3A_6 = arith.cmpi eq, %eq3A, %iota3A : vector<2000x64xi32>
    %convert_element_type3A = arith.extui %eq3A_6 : vector<2000x64xi1> to vector<2000x64xi32>
    %convert_element_type3A_7 = arith.sitofp %convert_element_type3A : vector<2000x64xi32> to vector<2000x64xf32>
    %get3A_8 = arith.constant 0 : index
    %get3A_9 = arith.constant 0 : index
    %get3A_10 = vector.load %arg2[%get3A_8, %get3A_9] : memref<576x128xf32, #tpu.memory_space<vmem>>, vector<64x128xf32>
    %dot_general3A = arith.constant dense<0.000000e+00> : vector<2000x128xf32>
    %dot_general3A_11 = tpu.matmul %convert_element_type3A_7, %get3A_10, %dot_general3A {dimension_numbers = #tpu.dot_dimension_numbers<[1], [0], [0], [1], [0, 0, 1, 1], [], []>, precision = #tpu.contract_precision<fp32>, transpose_lhs_hint = false} : vector<2000x64xf32>, vector<64x128xf32>, vector<2000x128xf32> -> vector<2000x128xf32>
    %add3A = arith.addf %broadcast_in_dim3A_2, %dot_general3A_11 : vector<2000x128xf32>
    %get3A_12 = arith.constant 0 : index
    %get3A_13 = arith.constant 1 : index
    %get3A_14 = vector.load %arg1[%get3A_12, %get3A_13] : memref<2000x9xi32, #tpu.memory_space<vmem>>, vector<2000x1xi32>
    %iota3A_15 = tpu.iota {dimensions = array<i32: 1>} : vector<2000x64xi32>
    %eq3A_16 = vector.broadcast %get3A_14 : vector<2000x1xi32> to vector<2000x64xi32>
    %eq3A_17 = arith.cmpi eq, %eq3A_16, %iota3A_15 : vector<2000x64xi32>
    %convert_element_type3A_18 = arith.extui %eq3A_17 : vector<2000x64xi1> to vector<2000x64xi32>
    %convert_element_type3A_19 = arith.sitofp %convert_element_type3A_18 : vector<2000x64xi32> to vector<2000x64xf32>
    %get3A_20 = arith.constant 64 : index
    %get3A_21 = arith.constant 0 : index
    %get3A_22 = vector.load %arg2[%get3A_20, %get3A_21] : memref<576x128xf32, #tpu.memory_space<vmem>>, vector<64x128xf32>
    %dot_general3A_23 = arith.constant dense<0.000000e+00> : vector<2000x128xf32>
    %dot_general3A_24 = tpu.matmul %convert_element_type3A_19, %get3A_22, %dot_general3A_23 {dimension_numbers = #tpu.dot_dimension_numbers<[1], [0], [0], [1], [0, 0, 1, 1], [], []>, precision = #tpu.contract_precision<fp32>, transpose_lhs_hint = false} : vector<2000x64xf32>, vector<64x128xf32>, vector<2000x128xf32> -> vector<2000x128xf32>
    %add3A_25 = arith.addf %add3A, %dot_general3A_24 : vector<2000x128xf32>
    %get3A_26 = arith.constant 0 : index
    %get3A_27 = arith.constant 2 : index
    %get3A_28 = vector.load %arg1[%get3A_26, %get3A_27] : memref<2000x9xi32, #tpu.memory_space<vmem>>, vector<2000x1xi32>
    %iota3A_29 = tpu.iota {dimensions = array<i32: 1>} : vector<2000x64xi32>
    %eq3A_30 = vector.broadcast %get3A_28 : vector<2000x1xi32> to vector<2000x64xi32>
    %eq3A_31 = arith.cmpi eq, %eq3A_30, %iota3A_29 : vector<2000x64xi32>
    %convert_element_type3A_32 = arith.extui %eq3A_31 : vector<2000x64xi1> to vector<2000x64xi32>
    %convert_element_type3A_33 = arith.sitofp %convert_element_type3A_32 : vector<2000x64xi32> to vector<2000x64xf32>
    %get3A_34 = arith.constant 128 : index
    %get3A_35 = arith.constant 0 : index
    %get3A_36 = vector.load %arg2[%get3A_34, %get3A_35] : memref<576x128xf32, #tpu.memory_space<vmem>>, vector<64x128xf32>
    %dot_general3A_37 = arith.constant dense<0.000000e+00> : vector<2000x128xf32>
    %dot_general3A_38 = tpu.matmul %convert_element_type3A_33, %get3A_36, %dot_general3A_37 {dimension_numbers = #tpu.dot_dimension_numbers<[1], [0], [0], [1], [0, 0, 1, 1], [], []>, precision = #tpu.contract_precision<fp32>, transpose_lhs_hint = false} : vector<2000x64xf32>, vector<64x128xf32>, vector<2000x128xf32> -> vector<2000x128xf32>
    %add3A_39 = arith.addf %add3A_25, %dot_general3A_38 : vector<2000x128xf32>
    %get3A_40 = arith.constant 0 : index
    %get3A_41 = arith.constant 3 : index
    %get3A_42 = vector.load %arg1[%get3A_40, %get3A_41] : memref<2000x9xi32, #tpu.memory_space<vmem>>, vector<2000x1xi32>
    %iota3A_43 = tpu.iota {dimensions = array<i32: 1>} : vector<2000x64xi32>
    %eq3A_44 = vector.broadcast %get3A_42 : vector<2000x1xi32> to vector<2000x64xi32>
    %eq3A_45 = arith.cmpi eq, %eq3A_44, %iota3A_43 : vector<2000x64xi32>
    %convert_element_type3A_46 = arith.extui %eq3A_45 : vector<2000x64xi1> to vector<2000x64xi32>
    %convert_element_type3A_47 = arith.sitofp %convert_element_type3A_46 : vector<2000x64xi32> to vector<2000x64xf32>
    %get3A_48 = arith.constant 192 : index
    %get3A_49 = arith.constant 0 : index
    %get3A_50 = vector.load %arg2[%get3A_48, %get3A_49] : memref<576x128xf32, #tpu.memory_space<vmem>>, vector<64x128xf32>
    %dot_general3A_51 = arith.constant dense<0.000000e+00> : vector<2000x128xf32>
    %dot_general3A_52 = tpu.matmul %convert_element_type3A_47, %get3A_50, %dot_general3A_51 {dimension_numbers = #tpu.dot_dimension_numbers<[1], [0], [0], [1], [0, 0, 1, 1], [], []>, precision = #tpu.contract_precision<fp32>, transpose_lhs_hint = false} : vector<2000x64xf32>, vector<64x128xf32>, vector<2000x128xf32> -> vector<2000x128xf32>
    %add3A_53 = arith.addf %add3A_39, %dot_general3A_52 : vector<2000x128xf32>
    %get3A_54 = arith.constant 0 : index
    %get3A_55 = arith.constant 4 : index
    %get3A_56 = vector.load %arg1[%get3A_54, %get3A_55] : memref<2000x9xi32, #tpu.memory_space<vmem>>, vector<2000x1xi32>
    %iota3A_57 = tpu.iota {dimensions = array<i32: 1>} : vector<2000x64xi32>
    %eq3A_58 = vector.broadcast %get3A_56 : vector<2000x1xi32> to vector<2000x64xi32>
    %eq3A_59 = arith.cmpi eq, %eq3A_58, %iota3A_57 : vector<2000x64xi32>
    %convert_element_type3A_60 = arith.extui %eq3A_59 : vector<2000x64xi1> to vector<2000x64xi32>
    %convert_element_type3A_61 = arith.sitofp %convert_element_type3A_60 : vector<2000x64xi32> to vector<2000x64xf32>
    %get3A_62 = arith.constant 256 : index
    %get3A_63 = arith.constant 0 : index
    %get3A_64 = vector.load %arg2[%get3A_62, %get3A_63] : memref<576x128xf32, #tpu.memory_space<vmem>>, vector<64x128xf32>
    %dot_general3A_65 = arith.constant dense<0.000000e+00> : vector<2000x128xf32>
    %dot_general3A_66 = tpu.matmul %convert_element_type3A_61, %get3A_64, %dot_general3A_65 {dimension_numbers = #tpu.dot_dimension_numbers<[1], [0], [0], [1], [0, 0, 1, 1], [], []>, precision = #tpu.contract_precision<fp32>, transpose_lhs_hint = false} : vector<2000x64xf32>, vector<64x128xf32>, vector<2000x128xf32> -> vector<2000x128xf32>
    %add3A_67 = arith.addf %add3A_53, %dot_general3A_66 : vector<2000x128xf32>
    %get3A_68 = arith.constant 0 : index
    %get3A_69 = arith.constant 5 : index
    %get3A_70 = vector.load %arg1[%get3A_68, %get3A_69] : memref<2000x9xi32, #tpu.memory_space<vmem>>, vector<2000x1xi32>
    %iota3A_71 = tpu.iota {dimensions = array<i32: 1>} : vector<2000x64xi32>
    %eq3A_72 = vector.broadcast %get3A_70 : vector<2000x1xi32> to vector<2000x64xi32>
    %eq3A_73 = arith.cmpi eq, %eq3A_72, %iota3A_71 : vector<2000x64xi32>
    %convert_element_type3A_74 = arith.extui %eq3A_73 : vector<2000x64xi1> to vector<2000x64xi32>
    %convert_element_type3A_75 = arith.sitofp %convert_element_type3A_74 : vector<2000x64xi32> to vector<2000x64xf32>
    %get3A_76 = arith.constant 320 : index
    %get3A_77 = arith.constant 0 : index
    %get3A_78 = vector.load %arg2[%get3A_76, %get3A_77] : memref<576x128xf32, #tpu.memory_space<vmem>>, vector<64x128xf32>
    %dot_general3A_79 = arith.constant dense<0.000000e+00> : vector<2000x128xf32>
    %dot_general3A_80 = tpu.matmul %convert_element_type3A_75, %get3A_78, %dot_general3A_79 {dimension_numbers = #tpu.dot_dimension_numbers<[1], [0], [0], [1], [0, 0, 1, 1], [], []>, precision = #tpu.contract_precision<fp32>, transpose_lhs_hint = false} : vector<2000x64xf32>, vector<64x128xf32>, vector<2000x128xf32> -> vector<2000x128xf32>
    %add3A_81 = arith.addf %add3A_67, %dot_general3A_80 : vector<2000x128xf32>
    %get3A_82 = arith.constant 0 : index
    %get3A_83 = arith.constant 6 : index
    %get3A_84 = vector.load %arg1[%get3A_82, %get3A_83] : memref<2000x9xi32, #tpu.memory_space<vmem>>, vector<2000x1xi32>
    %iota3A_85 = tpu.iota {dimensions = array<i32: 1>} : vector<2000x64xi32>
    %eq3A_86 = vector.broadcast %get3A_84 : vector<2000x1xi32> to vector<2000x64xi32>
    %eq3A_87 = arith.cmpi eq, %eq3A_86, %iota3A_85 : vector<2000x64xi32>
    %convert_element_type3A_88 = arith.extui %eq3A_87 : vector<2000x64xi1> to vector<2000x64xi32>
    %convert_element_type3A_89 = arith.sitofp %convert_element_type3A_88 : vector<2000x64xi32> to vector<2000x64xf32>
    %get3A_90 = arith.constant 384 : index
    %get3A_91 = arith.constant 0 : index
    %get3A_92 = vector.load %arg2[%get3A_90, %get3A_91] : memref<576x128xf32, #tpu.memory_space<vmem>>, vector<64x128xf32>
    %dot_general3A_93 = arith.constant dense<0.000000e+00> : vector<2000x128xf32>
    %dot_general3A_94 = tpu.matmul %convert_element_type3A_89, %get3A_92, %dot_general3A_93 {dimension_numbers = #tpu.dot_dimension_numbers<[1], [0], [0], [1], [0, 0, 1, 1], [], []>, precision = #tpu.contract_precision<fp32>, transpose_lhs_hint = false} : vector<2000x64xf32>, vector<64x128xf32>, vector<2000x128xf32> -> vector<2000x128xf32>
    %add3A_95 = arith.addf %add3A_81, %dot_general3A_94 : vector<2000x128xf32>
    %get3A_96 = arith.constant 0 : index
    %get3A_97 = arith.constant 7 : index
    %get3A_98 = vector.load %arg1[%get3A_96, %get3A_97] : memref<2000x9xi32, #tpu.memory_space<vmem>>, vector<2000x1xi32>
    %iota3A_99 = tpu.iota {dimensions = array<i32: 1>} : vector<2000x64xi32>
    %eq3A_100 = vector.broadcast %get3A_98 : vector<2000x1xi32> to vector<2000x64xi32>
    %eq3A_101 = arith.cmpi eq, %eq3A_100, %iota3A_99 : vector<2000x64xi32>
    %convert_element_type3A_102 = arith.extui %eq3A_101 : vector<2000x64xi1> to vector<2000x64xi32>
    %convert_element_type3A_103 = arith.sitofp %convert_element_type3A_102 : vector<2000x64xi32> to vector<2000x64xf32>
    %get3A_104 = arith.constant 448 : index
    %get3A_105 = arith.constant 0 : index
    %get3A_106 = vector.load %arg2[%get3A_104, %get3A_105] : memref<576x128xf32, #tpu.memory_space<vmem>>, vector<64x128xf32>
    %dot_general3A_107 = arith.constant dense<0.000000e+00> : vector<2000x128xf32>
    %dot_general3A_108 = tpu.matmul %convert_element_type3A_103, %get3A_106, %dot_general3A_107 {dimension_numbers = #tpu.dot_dimension_numbers<[1], [0], [0], [1], [0, 0, 1, 1], [], []>, precision = #tpu.contract_precision<fp32>, transpose_lhs_hint = false} : vector<2000x64xf32>, vector<64x128xf32>, vector<2000x128xf32> -> vector<2000x128xf32>
    %add3A_109 = arith.addf %add3A_95, %dot_general3A_108 : vector<2000x128xf32>
    %get3A_110 = arith.constant 0 : index
    %get3A_111 = arith.constant 8 : index
    %get3A_112 = vector.load %arg1[%get3A_110, %get3A_111] : memref<2000x9xi32, #tpu.memory_space<vmem>>, vector<2000x1xi32>
    %iota3A_113 = tpu.iota {dimensions = array<i32: 1>} : vector<2000x64xi32>
    %eq3A_114 = vector.broadcast %get3A_112 : vector<2000x1xi32> to vector<2000x64xi32>
    %eq3A_115 = arith.cmpi eq, %eq3A_114, %iota3A_113 : vector<2000x64xi32>
    %convert_element_type3A_116 = arith.extui %eq3A_115 : vector<2000x64xi1> to vector<2000x64xi32>
    %convert_element_type3A_117 = arith.sitofp %convert_element_type3A_116 : vector<2000x64xi32> to vector<2000x64xf32>
    %get3A_118 = arith.constant 512 : index
    %get3A_119 = arith.constant 0 : index
    %get3A_120 = vector.load %arg2[%get3A_118, %get3A_119] : memref<576x128xf32, #tpu.memory_space<vmem>>, vector<64x128xf32>
    %dot_general3A_121 = arith.constant dense<0.000000e+00> : vector<2000x128xf32>
    %dot_general3A_122 = tpu.matmul %convert_element_type3A_117, %get3A_120, %dot_general3A_121 {dimension_numbers = #tpu.dot_dimension_numbers<[1], [0], [0], [1], [0, 0, 1, 1], [], []>, precision = #tpu.contract_precision<fp32>, transpose_lhs_hint = false} : vector<2000x64xf32>, vector<64x128xf32>, vector<2000x128xf32> -> vector<2000x128xf32>
    %add3A_123 = arith.addf %add3A_109, %dot_general3A_122 : vector<2000x128xf32>
    %swap3A = arith.constant 0 : index
    %swap3A_124 = arith.constant 0 : index
    %swap3A_125 = vector.load %arg4[%swap3A, %swap3A_124] : memref<2000x128xf32, #tpu.memory_space<vmem>>, vector<2000x128xf32>
    tpu.vector_store %arg4[%swap3A, %swap3A_124], %add3A_123 {strides = array<i32>} : memref<2000x128xf32, #tpu.memory_space<vmem>>, vector<2000x128xf32>,
    return
  }
  func.func @transform_0(%arg0: i32) -> (i32, i32) {
    %c0_i32 = arith.constant 0 : i32
    %c0_i32_0 = arith.constant 0 : i32
    return %arg0, %c0_i32 : i32, i32
  }
  func.func @transform_1(%arg0: i32) -> (i32, i32) {
    %c0_i32 = arith.constant 0 : i32
    %c0_i32_0 = arith.constant 0 : i32
    %c0_i32_1 = arith.constant 0 : i32
    return %c0_i32, %c0_i32_0 : i32, i32
  }
  func.func @transform_2(%arg0: i32) -> (i32, i32) {
    %c0_i32 = arith.constant 0 : i32
    %c0_i32_0 = arith.constant 0 : i32
    %c0_i32_1 = arith.constant 0 : i32
    return %c0_i32, %c0_i32_0 : i32, i32
  }
  func.func @transform_3(%arg0: i32) -> (i32, i32) {
    %c0_i32 = arith.constant 0 : i32
    %c0_i32_0 = arith.constant 0 : i32
    return %arg0, %c0_i32 : i32, i32
  }
}

module attributes {stable_mosaic.version = 14 : i64} {
  func.func @_p1_body(%arg0: i32, %arg1: memref<2000x128xf32, #tpu.memory_space<vmem>>, %arg2: memref<2000x128xf32, #tpu.memory_space<vmem>>, %arg3: memref<2000x128xf32, #tpu.memory_space<vmem>>, %arg4: memref<1x1x2000xi32, #tpu.memory_space<vmem>>, %arg5: memref<1x1xf32, #tpu.memory_space<vmem>>, %arg6: memref<128x256xf32, #tpu.memory_space<vmem>>, %arg7: memref<1x256xf32, #tpu.memory_space<vmem>>, %arg8: memref<2000x256xf32, #tpu.memory_space<vmem>>, %arg9: memref<1x256xf32, #tpu.memory_space<vmem>>, %arg10: memref<1x256xf32, #tpu.memory_space<vmem>>, %arg11: memref<1x256xf32, #tpu.memory_space<vmem>>, %arg12: memref<128x128xf32, #tpu.memory_space<vmem>>) attributes {dimension_semantics = [#tpu.dimension_semantics<arbitrary>], iteration_bounds = array<i64: 5>, scalar_prefetch = 0 : i64, scratch_operands = 0 : i64, tpu.core_type = #tpu.core_type<tc>, window_params = [{transform_indices = @transform_0, window_bounds = array<i64: 2000, 128>}, {transform_indices = @transform_1, window_bounds = array<i64: 2000, 128>}, {transform_indices = @transform_2, window_bounds = array<i64: 2000, 128>}, {transform_indices = @transform_3, window_bounds = array<i64: 1, 1, 2000>}, {pipeline_mode = #tpu.pipeline_mode<synchronous>, transform_indices = @transform_4, window_bounds = array<i64: 1, 1>}, {pipeline_mode = #tpu.pipeline_mode<synchronous>, transform_indices = @transform_5, window_bounds = array<i64: 128, 256>}, {pipeline_mode = #tpu.pipeline_mode<synchronous>, transform_indices = @transform_6, window_bounds = array<i64: 1, 256>}, {transform_indices = @transform_7, window_bounds = array<i64: 2000, 256>}, {pipeline_mode = #tpu.pipeline_mode<synchronous>, transform_indices = @transform_8, window_bounds = array<i64: 1, 256>}, {pipeline_mode = #tpu.pipeline_mode<synchronous>, transform_indices = @transform_9, window_bounds = array<i64: 1, 256>}, {pipeline_mode = #tpu.pipeline_mode<synchronous>, transform_indices = @transform_10, window_bounds = array<i64: 1, 256>}, {pipeline_mode = #tpu.pipeline_mode<synchronous>, transform_indices = @transform_11, window_bounds = array<i64: 128, 128>}]} {
    %get3A = arith.constant 0 : index
    %get3A_0 = arith.constant 0 : index
    %get3A_1 = vector.load %arg1[%get3A, %get3A_0] : memref<2000x128xf32, #tpu.memory_space<vmem>>, vector<2000x128xf32>
    %get3A_2 = arith.constant 0 : index
    %get3A_3 = arith.constant 0 : index
    %get3A_4 = vector.load %arg5[%get3A_2, %get3A_3] : memref<1x1xf32, #tpu.memory_space<vmem>>, vector<1x1xf32>
    %add3A = arith.constant 1.000000e+00 : f32
    %add3A_5 = vector.broadcast %add3A : f32 to vector<1x1xf32>
    %add3A_6 = arith.addf %add3A_5, %get3A_4 : vector<1x1xf32>
    %mul3A = vector.broadcast %add3A_6 : vector<1x1xf32> to vector<2000x128xf32>
    %mul3A_7 = arith.mulf %mul3A, %get3A_1 : vector<2000x128xf32>
    %get3A_8 = arith.constant 0 : index
    %get3A_9 = arith.constant 0 : index
    %get3A_10 = vector.load %arg2[%get3A_8, %get3A_9] : memref<2000x128xf32, #tpu.memory_space<vmem>>, vector<2000x128xf32>
    %add3A_11 = arith.addf %mul3A_7, %get3A_10 : vector<2000x128xf32>
    %get3A_12 = arith.constant 0 : index
    %get3A_13 = arith.constant 0 : index
    %get3A_14 = vector.load %arg3[%get3A_12, %get3A_13] : memref<2000x128xf32, #tpu.memory_space<vmem>>, vector<2000x128xf32>
    %add3A_15 = arith.addf %add3A_11, %get3A_14 : vector<2000x128xf32>
    %get3A_16 = arith.constant 0 : index
    %get3A_17 = arith.constant 0 : index
    %get3A_18 = vector.load %arg6[%get3A_16, %get3A_17] : memref<128x256xf32, #tpu.memory_space<vmem>>, vector<128x256xf32>
    %dot_general3A = arith.constant dense<0.000000e+00> : vector<2000x256xf32>
    %dot_general3A_19 = tpu.matmul %add3A_15, %get3A_18, %dot_general3A {dimension_numbers = #tpu.dot_dimension_numbers<[1], [0], [0], [1], [0, 0, 1, 1], [], []>, transpose_lhs_hint = false} : vector<2000x128xf32>, vector<128x256xf32>, vector<2000x256xf32> -> vector<2000x256xf32>
    %get3A_20 = arith.constant 0 : index
    %get3A_21 = arith.constant 0 : index
    %get3A_22 = vector.load %arg7[%get3A_20, %get3A_21] : memref<1x256xf32, #tpu.memory_space<vmem>>, vector<1x256xf32>
    %add3A_23 = vector.broadcast %get3A_22 : vector<1x256xf32> to vector<2000x256xf32>
    %add3A_24 = arith.addf %dot_general3A_19, %add3A_23 : vector<2000x256xf32>
    %swap3A = arith.constant 0 : index
    %swap3A_25 = arith.constant 0 : index
    %swap3A_26 = vector.load %arg8[%swap3A, %swap3A_25] : memref<2000x256xf32, #tpu.memory_space<vmem>>, vector<2000x256xf32>
    tpu.vector_store %arg8[%swap3A, %swap3A_25], %add3A_24 {strides = array<i32>} : memref<2000x256xf32, #tpu.memory_space<vmem>>, vector<2000x256xf32>,
    %get3A_27 = arith.constant 0 : index
    %get3A_28 = arith.constant 0 : index
    %get3A_29 = arith.constant 0 : index
    %get3A_30 = vector.load %arg4[%get3A_27, %get3A_28, %get3A_29] : memref<1x1x2000xi32, #tpu.memory_space<vmem>>, vector<1x1x2000xi32>
    %get3A_31 = vector.shape_cast %get3A_30 : vector<1x1x2000xi32> to vector<1x2000xi32>
    %iota3A = tpu.iota {dimensions = array<i32: 0>} : vector<128x2000xi32>
    %eq3A = vector.broadcast %get3A_31 : vector<1x2000xi32> to vector<128x2000xi32>
    %eq3A_32 = arith.cmpi eq, %eq3A, %iota3A : vector<128x2000xi32>
    %convert_element_type3A = arith.extui %eq3A_32 : vector<128x2000xi1> to vector<128x2000xi32>
    %convert_element_type3A_33 = arith.sitofp %convert_element_type3A : vector<128x2000xi32> to vector<128x2000xf32>
    %dot_general3A_34 = arith.constant dense<0.000000e+00> : vector<128x128xf32>
    %dot_general3A_35 = tpu.matmul %convert_element_type3A_33, %get3A_1, %dot_general3A_34 {dimension_numbers = #tpu.dot_dimension_numbers<[1], [0], [0], [1], [0, 0, 1, 1], [], []>, precision = #tpu.contract_precision<fp32>, transpose_lhs_hint = false} : vector<128x2000xf32>, vector<2000x128xf32>, vector<128x128xf32> -> vector<128x128xf32>
    %eq3A_36 = arith.constant 0 : i32
    %eq3A_37 = arith.cmpi eq, %arg0, %eq3A_36 : i32
    %convert_element_type3A_38 = arith.extui %eq3A_37 : i1 to i32
    %cond3A = arith.constant 0 : i32
    %cond3A_39 = arith.cmpi ne, %convert_element_type3A_38, %cond3A : i32
    scf.if %cond3A_39 {
      %reduce_sum3A_70 = arith.constant dense<0.000000e+00> : vector<256xf32>
      %reduce_sum3A_71 = vector.multi_reduction <add>, %add3A_24, %reduce_sum3A_70 [0] : vector<2000x256xf32> to vector<256xf32>
      %broadcast_in_dim3A_72 = vector.shape_cast %reduce_sum3A_71 : vector<256xf32> to vector<1x256xf32>
      %mul3A_73 = arith.constant 5.000000e-04 : f32
      %mul3A_74 = vector.broadcast %mul3A_73 : f32 to vector<1x256xf32>
      %mul3A_75 = arith.mulf %broadcast_in_dim3A_72, %mul3A_74 : vector<1x256xf32>
      %swap3A_76 = arith.constant 0 : index
      %swap3A_77 = arith.constant 0 : index
      %swap3A_78 = vector.load %arg9[%swap3A_76, %swap3A_77] : memref<1x256xf32, #tpu.memory_space<vmem>>, vector<1x256xf32>
      tpu.vector_store %arg9[%swap3A_76, %swap3A_77], %mul3A_75 {strides = array<i32>} : memref<1x256xf32, #tpu.memory_space<vmem>>, vector<1x256xf32>,
      %broadcast_in_dim3A_79 = arith.constant 0.000000e+00 : f32
      %broadcast_in_dim3A_80 = vector.broadcast %broadcast_in_dim3A_79 : f32 to vector<1x256xf32>
      %swap3A_81 = arith.constant 0 : index
      %swap3A_82 = arith.constant 0 : index
      %swap3A_83 = vector.load %arg10[%swap3A_81, %swap3A_82] : memref<1x256xf32, #tpu.memory_space<vmem>>, vector<1x256xf32>
      tpu.vector_store %arg10[%swap3A_81, %swap3A_82], %broadcast_in_dim3A_80 {strides = array<i32>} : memref<1x256xf32, #tpu.memory_space<vmem>>, vector<1x256xf32>,
      %broadcast_in_dim3A_84 = arith.constant 0.000000e+00 : f32
      %broadcast_in_dim3A_85 = vector.broadcast %broadcast_in_dim3A_84 : f32 to vector<1x256xf32>
      %swap3A_86 = arith.constant 0 : index
      %swap3A_87 = arith.constant 0 : index
      %swap3A_88 = vector.load %arg11[%swap3A_86, %swap3A_87] : memref<1x256xf32, #tpu.memory_space<vmem>>, vector<1x256xf32>
      tpu.vector_store %arg11[%swap3A_86, %swap3A_87], %broadcast_in_dim3A_85 {strides = array<i32>} : memref<1x256xf32, #tpu.memory_space<vmem>>, vector<1x256xf32>,
      %broadcast_in_dim3A_89 = arith.constant 0.000000e+00 : f32
      %broadcast_in_dim3A_90 = vector.broadcast %broadcast_in_dim3A_89 : f32 to vector<128x128xf32>
      %swap3A_91 = arith.constant 0 : index
      %swap3A_92 = arith.constant 0 : index
      %swap3A_93 = vector.load %arg12[%swap3A_91, %swap3A_92] : memref<128x128xf32, #tpu.memory_space<vmem>>, vector<128x128xf32>
      tpu.vector_store %arg12[%swap3A_91, %swap3A_92], %broadcast_in_dim3A_90 {strides = array<i32>} : memref<128x128xf32, #tpu.memory_space<vmem>>, vector<128x128xf32>,
    } else {
    }
    %get3A_40 = arith.constant 0 : index
    %get3A_41 = arith.constant 0 : index
    %get3A_42 = vector.load %arg9[%get3A_40, %get3A_41] : memref<1x256xf32, #tpu.memory_space<vmem>>, vector<1x256xf32>
    %sub3A = vector.broadcast %get3A_42 : vector<1x256xf32> to vector<2000x256xf32>
    %sub3A_43 = arith.subf %add3A_24, %sub3A : vector<2000x256xf32>
    %get3A_44 = arith.constant 0 : index
    %get3A_45 = arith.constant 0 : index
    %get3A_46 = vector.load %arg10[%get3A_44, %get3A_45] : memref<1x256xf32, #tpu.memory_space<vmem>>, vector<1x256xf32>
    %reduce_sum3A = arith.constant dense<0.000000e+00> : vector<256xf32>
    %reduce_sum3A_47 = vector.multi_reduction <add>, %sub3A_43, %reduce_sum3A [0] : vector<2000x256xf32> to vector<256xf32>
    %broadcast_in_dim3A = vector.shape_cast %reduce_sum3A_47 : vector<256xf32> to vector<1x256xf32>
    %add3A_48 = arith.addf %get3A_46, %broadcast_in_dim3A : vector<1x256xf32>
    %swap3A_49 = arith.constant 0 : index
    %swap3A_50 = arith.constant 0 : index
    %swap3A_51 = vector.load %arg10[%swap3A_49, %swap3A_50] : memref<1x256xf32, #tpu.memory_space<vmem>>, vector<1x256xf32>
    tpu.vector_store %arg10[%swap3A_49, %swap3A_50], %add3A_48 {strides = array<i32>} : memref<1x256xf32, #tpu.memory_space<vmem>>, vector<1x256xf32>,
    %get3A_52 = arith.constant 0 : index
    %get3A_53 = arith.constant 0 : index
    %get3A_54 = vector.load %arg11[%get3A_52, %get3A_53] : memref<1x256xf32, #tpu.memory_space<vmem>>, vector<1x256xf32>
    %mul3A_55 = arith.mulf %sub3A_43, %sub3A_43 : vector<2000x256xf32>
    %reduce_sum3A_56 = arith.constant dense<0.000000e+00> : vector<256xf32>
    %reduce_sum3A_57 = vector.multi_reduction <add>, %mul3A_55, %reduce_sum3A_56 [0] : vector<2000x256xf32> to vector<256xf32>
    %broadcast_in_dim3A_58 = vector.shape_cast %reduce_sum3A_57 : vector<256xf32> to vector<1x256xf32>
    %add3A_59 = arith.addf %get3A_54, %broadcast_in_dim3A_58 : vector<1x256xf32>
    %swap3A_60 = arith.constant 0 : index
    %swap3A_61 = arith.constant 0 : index
    %swap3A_62 = vector.load %arg11[%swap3A_60, %swap3A_61] : memref<1x256xf32, #tpu.memory_space<vmem>>, vector<1x256xf32>
    tpu.vector_store %arg11[%swap3A_60, %swap3A_61], %add3A_59 {strides = array<i32>} : memref<1x256xf32, #tpu.memory_space<vmem>>, vector<1x256xf32>,
    %get3A_63 = arith.constant 0 : index
    %get3A_64 = arith.constant 0 : index
    %get3A_65 = vector.load %arg12[%get3A_63, %get3A_64] : memref<128x128xf32, #tpu.memory_space<vmem>>, vector<128x128xf32>
    %add3A_66 = arith.addf %get3A_65, %dot_general3A_35 : vector<128x128xf32>
    %swap3A_67 = arith.constant 0 : index
    %swap3A_68 = arith.constant 0 : index
    %swap3A_69 = vector.load %arg12[%swap3A_67, %swap3A_68] : memref<128x128xf32, #tpu.memory_space<vmem>>, vector<128x128xf32>
    tpu.vector_store %arg12[%swap3A_67, %swap3A_68], %add3A_66 {strides = array<i32>} : memref<128x128xf32, #tpu.memory_space<vmem>>, vector<128x128xf32>,
    return
  }
  func.func @transform_0(%arg0: i32) -> (i32, i32) {
    %c0_i32 = arith.constant 0 : i32
    %c0_i32_0 = arith.constant 0 : i32
    return %arg0, %c0_i32 : i32, i32
  }
  func.func @transform_1(%arg0: i32) -> (i32, i32) {
    %c0_i32 = arith.constant 0 : i32
    %c0_i32_0 = arith.constant 0 : i32
    return %arg0, %c0_i32 : i32, i32
  }
  func.func @transform_2(%arg0: i32) -> (i32, i32) {
    %c0_i32 = arith.constant 0 : i32
    %c0_i32_0 = arith.constant 0 : i32
    return %arg0, %c0_i32 : i32, i32
  }
  func.func @transform_3(%arg0: i32) -> (i32, i32, i32) {
    %c0_i32 = arith.constant 0 : i32
    %c0_i32_0 = arith.constant 0 : i32
    %c0_i32_1 = arith.constant 0 : i32
    return %arg0, %c0_i32, %c0_i32_0 : i32, i32, i32
  }
  func.func @transform_4(%arg0: i32) -> (i32, i32) {
    %c0_i32 = arith.constant 0 : i32
    %c0_i32_0 = arith.constant 0 : i32
    %c0_i32_1 = arith.constant 0 : i32
    return %c0_i32, %c0_i32_0 : i32, i32
  }
  func.func @transform_5(%arg0: i32) -> (i32, i32) {
    %c0_i32 = arith.constant 0 : i32
    %c0_i32_0 = arith.constant 0 : i32
    %c0_i32_1 = arith.constant 0 : i32
    return %c0_i32, %c0_i32_0 : i32, i32
  }
  func.func @transform_6(%arg0: i32) -> (i32, i32) {
    %c0_i32 = arith.constant 0 : i32
    %c0_i32_0 = arith.constant 0 : i32
    %c0_i32_1 = arith.constant 0 : i32
    return %c0_i32, %c0_i32_0 : i32, i32
  }
  func.func @transform_7(%arg0: i32) -> (i32, i32) {
    %c0_i32 = arith.constant 0 : i32
    %c0_i32_0 = arith.constant 0 : i32
    return %arg0, %c0_i32 : i32, i32
  }
  func.func @transform_8(%arg0: i32) -> (i32, i32) {
    %c0_i32 = arith.constant 0 : i32
    %c0_i32_0 = arith.constant 0 : i32
    %c0_i32_1 = arith.constant 0 : i32
    return %c0_i32, %c0_i32_0 : i32, i32
  }
  func.func @transform_9(%arg0: i32) -> (i32, i32) {
    %c0_i32 = arith.constant 0 : i32
    %c0_i32_0 = arith.constant 0 : i32
    %c0_i32_1 = arith.constant 0 : i32
    return %c0_i32, %c0_i32_0 : i32, i32
  }
  func.func @transform_10(%arg0: i32) -> (i32, i32) {
    %c0_i32 = arith.constant 0 : i32
    %c0_i32_0 = arith.constant 0 : i32
    %c0_i32_1 = arith.constant 0 : i32
    return %c0_i32, %c0_i32_0 : i32, i32
  }
  func.func @transform_11(%arg0: i32) -> (i32, i32) {
    %c0_i32 = arith.constant 0 : i32
    %c0_i32_0 = arith.constant 0 : i32
    %c0_i32_1 = arith.constant 0 : i32
    return %c0_i32, %c0_i32_0 : i32, i32
  }
}

module attributes {stable_mosaic.version = 14 : i64} {
  func.func @_p3_body(%arg0: i32, %arg1: memref<2000x256xf32, #tpu.memory_space<vmem>>, %arg2: memref<1x256xf32, #tpu.memory_space<vmem>>, %arg3: memref<1x256xf32, #tpu.memory_space<vmem>>, %arg4: memref<1x256xf32, #tpu.memory_space<vmem>>, %arg5: memref<1x256xf32, #tpu.memory_space<vmem>>, %arg6: memref<1x256xf32, #tpu.memory_space<vmem>>, %arg7: memref<256x128xf32, #tpu.memory_space<vmem>>, %arg8: memref<1x128xf32, #tpu.memory_space<vmem>>, %arg9: memref<2000x128xf32, #tpu.memory_space<vmem>>, %arg10: memref<1x128xf32, #tpu.memory_space<vmem>>, %arg11: memref<1x128xf32, #tpu.memory_space<vmem>>, %arg12: memref<1x128xf32, #tpu.memory_space<vmem>>) attributes {dimension_semantics = [#tpu.dimension_semantics<arbitrary>], iteration_bounds = array<i64: 5>, scalar_prefetch = 0 : i64, scratch_operands = 0 : i64, tpu.core_type = #tpu.core_type<tc>, window_params = [{transform_indices = @transform_0, window_bounds = array<i64: 2000, 256>}, {pipeline_mode = #tpu.pipeline_mode<synchronous>, transform_indices = @transform_1, window_bounds = array<i64: 1, 256>}, {pipeline_mode = #tpu.pipeline_mode<synchronous>, transform_indices = @transform_2, window_bounds = array<i64: 1, 256>}, {pipeline_mode = #tpu.pipeline_mode<synchronous>, transform_indices = @transform_3, window_bounds = array<i64: 1, 256>}, {pipeline_mode = #tpu.pipeline_mode<synchronous>, transform_indices = @transform_4, window_bounds = array<i64: 1, 256>}, {pipeline_mode = #tpu.pipeline_mode<synchronous>, transform_indices = @transform_5, window_bounds = array<i64: 1, 256>}, {pipeline_mode = #tpu.pipeline_mode<synchronous>, transform_indices = @transform_6, window_bounds = array<i64: 256, 128>}, {pipeline_mode = #tpu.pipeline_mode<synchronous>, transform_indices = @transform_7, window_bounds = array<i64: 1, 128>}, {transform_indices = @transform_8, window_bounds = array<i64: 2000, 128>}, {pipeline_mode = #tpu.pipeline_mode<synchronous>, transform_indices = @transform_9, window_bounds = array<i64: 1, 128>}, {pipeline_mode = #tpu.pipeline_mode<synchronous>, transform_indices = @transform_10, window_bounds = array<i64: 1, 128>}, {pipeline_mode = #tpu.pipeline_mode<synchronous>, transform_indices = @transform_11, window_bounds = array<i64: 1, 128>}]} {
    %get3A = arith.constant 0 : index
    %get3A_0 = arith.constant 0 : index
    %get3A_1 = vector.load %arg3[%get3A, %get3A_0] : memref<1x256xf32, #tpu.memory_space<vmem>>, vector<1x256xf32>
    %mul3A = arith.constant 9.99999974E-5 : f32
    %mul3A_2 = vector.broadcast %mul3A : f32 to vector<1x256xf32>
    %mul3A_3 = arith.mulf %get3A_1, %mul3A_2 : vector<1x256xf32>
    %get3A_4 = arith.constant 0 : index
    %get3A_5 = arith.constant 0 : index
    %get3A_6 = vector.load %arg2[%get3A_4, %get3A_5] : memref<1x256xf32, #tpu.memory_space<vmem>>, vector<1x256xf32>
    %add3A = arith.addf %get3A_6, %mul3A_3 : vector<1x256xf32>
    %get3A_7 = arith.constant 0 : index
    %get3A_8 = arith.constant 0 : index
    %get3A_9 = vector.load %arg4[%get3A_7, %get3A_8] : memref<1x256xf32, #tpu.memory_space<vmem>>, vector<1x256xf32>
    %mul3A_10 = arith.constant 9.99999974E-5 : f32
    %mul3A_11 = vector.broadcast %mul3A_10 : f32 to vector<1x256xf32>
    %mul3A_12 = arith.mulf %get3A_9, %mul3A_11 : vector<1x256xf32>
    %mul3A_13 = arith.mulf %mul3A_3, %mul3A_3 : vector<1x256xf32>
    %sub3A = arith.subf %mul3A_12, %mul3A_13 : vector<1x256xf32>
    %get3A_14 = arith.constant 0 : index
    %get3A_15 = arith.constant 0 : index
    %get3A_16 = vector.load %arg1[%get3A_14, %get3A_15] : memref<2000x256xf32, #tpu.memory_space<vmem>>, vector<2000x256xf32>
    %sub3A_17 = vector.broadcast %add3A : vector<1x256xf32> to vector<2000x256xf32>
    %sub3A_18 = arith.subf %get3A_16, %sub3A_17 : vector<2000x256xf32>
    %add3A_19 = arith.constant 9.99999974E-6 : f32
    %add3A_20 = vector.broadcast %add3A_19 : f32 to vector<1x256xf32>
    %add3A_21 = arith.addf %sub3A, %add3A_20 : vector<1x256xf32>
    %rsqrt3A = math.rsqrt %add3A_21 : vector<1x256xf32>
    %mul3A_22 = arith.constant 5.000000e-01 : f32
    %mul3A_23 = vector.broadcast %mul3A_22 : f32 to vector<1x256xf32>
    %mul3A_24 = arith.mulf %mul3A_23, %add3A_21 : vector<1x256xf32>
    %mul3A_25 = arith.mulf %mul3A_24, %rsqrt3A : vector<1x256xf32>
    %mul3A_26 = arith.mulf %mul3A_25, %rsqrt3A : vector<1x256xf32>
    %sub3A_27 = arith.constant 1.500000e+00 : f32
    %sub3A_28 = vector.broadcast %sub3A_27 : f32 to vector<1x256xf32>
    %sub3A_29 = arith.subf %sub3A_28, %mul3A_26 : vector<1x256xf32>
    %mul3A_30 = arith.mulf %rsqrt3A, %sub3A_29 : vector<1x256xf32>
    %mul3A_31 = vector.broadcast %mul3A_30 : vector<1x256xf32> to vector<2000x256xf32>
    %mul3A_32 = arith.mulf %sub3A_18, %mul3A_31 : vector<2000x256xf32>
    %get3A_33 = arith.constant 0 : index
    %get3A_34 = arith.constant 0 : index
    %get3A_35 = vector.load %arg5[%get3A_33, %get3A_34] : memref<1x256xf32, #tpu.memory_space<vmem>>, vector<1x256xf32>
    %mul3A_36 = vector.broadcast %get3A_35 : vector<1x256xf32> to vector<2000x256xf32>
    %mul3A_37 = arith.mulf %mul3A_32, %mul3A_36 : vector<2000x256xf32>
    %get3A_38 = arith.constant 0 : index
    %get3A_39 = arith.constant 0 : index
    %get3A_40 = vector.load %arg6[%get3A_38, %get3A_39] : memref<1x256xf32, #tpu.memory_space<vmem>>, vector<1x256xf32>
    %add3A_41 = vector.broadcast %get3A_40 : vector<1x256xf32> to vector<2000x256xf32>
    %add3A_42 = arith.addf %mul3A_37, %add3A_41 : vector<2000x256xf32>
    %max3A = arith.constant 0.000000e+00 : f32
    %max3A_43 = vector.broadcast %max3A : f32 to vector<2000x256xf32>
    %max3A_44 = arith.maximumf %add3A_42, %max3A_43 : vector<2000x256xf32>
    %get3A_45 = arith.constant 0 : index
    %get3A_46 = arith.constant 0 : index
    %get3A_47 = vector.load %arg7[%get3A_45, %get3A_46] : memref<256x128xf32, #tpu.memory_space<vmem>>, vector<256x128xf32>
    %dot_general3A = arith.constant dense<0.000000e+00> : vector<2000x128xf32>
    %dot_general3A_48 = tpu.matmul %max3A_44, %get3A_47, %dot_general3A {dimension_numbers = #tpu.dot_dimension_numbers<[1], [0], [0], [1], [0, 0, 1, 1], [], []>, transpose_lhs_hint = false} : vector<2000x256xf32>, vector<256x128xf32>, vector<2000x128xf32> -> vector<2000x128xf32>
    %get3A_49 = arith.constant 0 : index
    %get3A_50 = arith.constant 0 : index
    %get3A_51 = vector.load %arg8[%get3A_49, %get3A_50] : memref<1x128xf32, #tpu.memory_space<vmem>>, vector<1x128xf32>
    %add3A_52 = vector.broadcast %get3A_51 : vector<1x128xf32> to vector<2000x128xf32>
    %add3A_53 = arith.addf %dot_general3A_48, %add3A_52 : vector<2000x128xf32>
    %swap3A = arith.constant 0 : index
    %swap3A_54 = arith.constant 0 : index
    %swap3A_55 = vector.load %arg9[%swap3A, %swap3A_54] : memref<2000x128xf32, #tpu.memory_space<vmem>>, vector<2000x128xf32>
    tpu.vector_store %arg9[%swap3A, %swap3A_54], %add3A_53 {strides = array<i32>} : memref<2000x128xf32, #tpu.memory_space<vmem>>, vector<2000x128xf32>,
    %eq3A = arith.constant 0 : i32
    %eq3A_56 = arith.cmpi eq, %arg0, %eq3A : i32
    %convert_element_type3A = arith.extui %eq3A_56 : i1 to i32
    %cond3A = arith.constant 0 : i32
    %cond3A_57 = arith.cmpi ne, %convert_element_type3A, %cond3A : i32
    scf.if %cond3A_57 {
      %reduce_sum3A_82 = arith.constant dense<0.000000e+00> : vector<128xf32>
      %reduce_sum3A_83 = vector.multi_reduction <add>, %add3A_53, %reduce_sum3A_82 [0] : vector<2000x128xf32> to vector<128xf32>
      %broadcast_in_dim3A_84 = vector.shape_cast %reduce_sum3A_83 : vector<128xf32> to vector<1x128xf32>
      %mul3A_85 = arith.constant 5.000000e-04 : f32
      %mul3A_86 = vector.broadcast %mul3A_85 : f32 to vector<1x128xf32>
      %mul3A_87 = arith.mulf %broadcast_in_dim3A_84, %mul3A_86 : vector<1x128xf32>
      %swap3A_88 = arith.constant 0 : index
      %swap3A_89 = arith.constant 0 : index
      %swap3A_90 = vector.load %arg10[%swap3A_88, %swap3A_89] : memref<1x128xf32, #tpu.memory_space<vmem>>, vector<1x128xf32>
      tpu.vector_store %arg10[%swap3A_88, %swap3A_89], %mul3A_87 {strides = array<i32>} : memref<1x128xf32, #tpu.memory_space<vmem>>, vector<1x128xf32>,
      %broadcast_in_dim3A_91 = arith.constant 0.000000e+00 : f32
      %broadcast_in_dim3A_92 = vector.broadcast %broadcast_in_dim3A_91 : f32 to vector<1x128xf32>
      %swap3A_93 = arith.constant 0 : index
      %swap3A_94 = arith.constant 0 : index
      %swap3A_95 = vector.load %arg11[%swap3A_93, %swap3A_94] : memref<1x128xf32, #tpu.memory_space<vmem>>, vector<1x128xf32>
      tpu.vector_store %arg11[%swap3A_93, %swap3A_94], %broadcast_in_dim3A_92 {strides = array<i32>} : memref<1x128xf32, #tpu.memory_space<vmem>>, vector<1x128xf32>,
      %broadcast_in_dim3A_96 = arith.constant 0.000000e+00 : f32
      %broadcast_in_dim3A_97 = vector.broadcast %broadcast_in_dim3A_96 : f32 to vector<1x128xf32>
      %swap3A_98 = arith.constant 0 : index
      %swap3A_99 = arith.constant 0 : index
      %swap3A_100 = vector.load %arg12[%swap3A_98, %swap3A_99] : memref<1x128xf32, #tpu.memory_space<vmem>>, vector<1x128xf32>
      tpu.vector_store %arg12[%swap3A_98, %swap3A_99], %broadcast_in_dim3A_97 {strides = array<i32>} : memref<1x128xf32, #tpu.memory_space<vmem>>, vector<1x128xf32>,
    } else {
    }
    %get3A_58 = arith.constant 0 : index
    %get3A_59 = arith.constant 0 : index
    %get3A_60 = vector.load %arg10[%get3A_58, %get3A_59] : memref<1x128xf32, #tpu.memory_space<vmem>>, vector<1x128xf32>
    %sub3A_61 = vector.broadcast %get3A_60 : vector<1x128xf32> to vector<2000x128xf32>
    %sub3A_62 = arith.subf %add3A_53, %sub3A_61 : vector<2000x128xf32>
    %get3A_63 = arith.constant 0 : index
    %get3A_64 = arith.constant 0 : index
    %get3A_65 = vector.load %arg11[%get3A_63, %get3A_64] : memref<1x128xf32, #tpu.memory_space<vmem>>, vector<1x128xf32>
    %reduce_sum3A = arith.constant dense<0.000000e+00> : vector<128xf32>
    %reduce_sum3A_66 = vector.multi_reduction <add>, %sub3A_62, %reduce_sum3A [0] : vector<2000x128xf32> to vector<128xf32>
    %broadcast_in_dim3A = vector.shape_cast %reduce_sum3A_66 : vector<128xf32> to vector<1x128xf32>
    %add3A_67 = arith.addf %get3A_65, %broadcast_in_dim3A : vector<1x128xf32>
    %swap3A_68 = arith.constant 0 : index
    %swap3A_69 = arith.constant 0 : index
    %swap3A_70 = vector.load %arg11[%swap3A_68, %swap3A_69] : memref<1x128xf32, #tpu.memory_space<vmem>>, vector<1x128xf32>
    tpu.vector_store %arg11[%swap3A_68, %swap3A_69], %add3A_67 {strides = array<i32>} : memref<1x128xf32, #tpu.memory_space<vmem>>, vector<1x128xf32>,
    %get3A_71 = arith.constant 0 : index
    %get3A_72 = arith.constant 0 : index
    %get3A_73 = vector.load %arg12[%get3A_71, %get3A_72] : memref<1x128xf32, #tpu.memory_space<vmem>>, vector<1x128xf32>
    %mul3A_74 = arith.mulf %sub3A_62, %sub3A_62 : vector<2000x128xf32>
    %reduce_sum3A_75 = arith.constant dense<0.000000e+00> : vector<128xf32>
    %reduce_sum3A_76 = vector.multi_reduction <add>, %mul3A_74, %reduce_sum3A_75 [0] : vector<2000x128xf32> to vector<128xf32>
    %broadcast_in_dim3A_77 = vector.shape_cast %reduce_sum3A_76 : vector<128xf32> to vector<1x128xf32>
    %add3A_78 = arith.addf %get3A_73, %broadcast_in_dim3A_77 : vector<1x128xf32>
    %swap3A_79 = arith.constant 0 : index
    %swap3A_80 = arith.constant 0 : index
    %swap3A_81 = vector.load %arg12[%swap3A_79, %swap3A_80] : memref<1x128xf32, #tpu.memory_space<vmem>>, vector<1x128xf32>
    tpu.vector_store %arg12[%swap3A_79, %swap3A_80], %add3A_78 {strides = array<i32>} : memref<1x128xf32, #tpu.memory_space<vmem>>, vector<1x128xf32>,
    return
  }
  func.func @transform_0(%arg0: i32) -> (i32, i32) {
    %c0_i32 = arith.constant 0 : i32
    %c0_i32_0 = arith.constant 0 : i32
    return %arg0, %c0_i32 : i32, i32
  }
  func.func @transform_1(%arg0: i32) -> (i32, i32) {
    %c0_i32 = arith.constant 0 : i32
    %c0_i32_0 = arith.constant 0 : i32
    %c0_i32_1 = arith.constant 0 : i32
    return %c0_i32, %c0_i32_0 : i32, i32
  }
  func.func @transform_2(%arg0: i32) -> (i32, i32) {
    %c0_i32 = arith.constant 0 : i32
    %c0_i32_0 = arith.constant 0 : i32
    %c0_i32_1 = arith.constant 0 : i32
    return %c0_i32, %c0_i32_0 : i32, i32
  }
  func.func @transform_3(%arg0: i32) -> (i32, i32) {
    %c0_i32 = arith.constant 0 : i32
    %c0_i32_0 = arith.constant 0 : i32
    %c0_i32_1 = arith.constant 0 : i32
    return %c0_i32, %c0_i32_0 : i32, i32
  }
  func.func @transform_4(%arg0: i32) -> (i32, i32) {
    %c0_i32 = arith.constant 0 : i32
    %c0_i32_0 = arith.constant 0 : i32
    %c0_i32_1 = arith.constant 0 : i32
    return %c0_i32, %c0_i32_0 : i32, i32
  }
  func.func @transform_5(%arg0: i32) -> (i32, i32) {
    %c0_i32 = arith.constant 0 : i32
    %c0_i32_0 = arith.constant 0 : i32
    %c0_i32_1 = arith.constant 0 : i32
    return %c0_i32, %c0_i32_0 : i32, i32
  }
  func.func @transform_6(%arg0: i32) -> (i32, i32) {
    %c0_i32 = arith.constant 0 : i32
    %c0_i32_0 = arith.constant 0 : i32
    %c0_i32_1 = arith.constant 0 : i32
    return %c0_i32, %c0_i32_0 : i32, i32
  }
  func.func @transform_7(%arg0: i32) -> (i32, i32) {
    %c0_i32 = arith.constant 0 : i32
    %c0_i32_0 = arith.constant 0 : i32
    %c0_i32_1 = arith.constant 0 : i32
    return %c0_i32, %c0_i32_0 : i32, i32
  }
  func.func @transform_8(%arg0: i32) -> (i32, i32) {
    %c0_i32 = arith.constant 0 : i32
    %c0_i32_0 = arith.constant 0 : i32
    return %arg0, %c0_i32 : i32, i32
  }
  func.func @transform_9(%arg0: i32) -> (i32, i32) {
    %c0_i32 = arith.constant 0 : i32
    %c0_i32_0 = arith.constant 0 : i32
    %c0_i32_1 = arith.constant 0 : i32
    return %c0_i32, %c0_i32_0 : i32, i32
  }
  func.func @transform_10(%arg0: i32) -> (i32, i32) {
    %c0_i32 = arith.constant 0 : i32
    %c0_i32_0 = arith.constant 0 : i32
    %c0_i32_1 = arith.constant 0 : i32
    return %c0_i32, %c0_i32_0 : i32, i32
  }
  func.func @transform_11(%arg0: i32) -> (i32, i32) {
    %c0_i32 = arith.constant 0 : i32
    %c0_i32_0 = arith.constant 0 : i32
    %c0_i32_1 = arith.constant 0 : i32
    return %c0_i32, %c0_i32_0 : i32, i32
  }
}

module attributes {stable_mosaic.version = 14 : i64} {
  func.func @_p2_body(%arg0: memref<128x128xf32, #tpu.memory_space<vmem>>, %arg1: memref<128x128xf32, #tpu.memory_space<vmem>>, %arg2: memref<1x1xi32, #tpu.memory_space<vmem>>, %arg3: memref<128x256xf32, #tpu.memory_space<vmem>>, %arg4: memref<1x256xf32, #tpu.memory_space<vmem>>, %arg5: memref<1x256xf32, #tpu.memory_space<vmem>>, %arg6: memref<1x256xf32, #tpu.memory_space<vmem>>, %arg7: memref<256x128xf32, #tpu.memory_space<vmem>>, %arg8: memref<1x128xf32, #tpu.memory_space<vmem>>, %arg9: memref<1x128xf32, #tpu.memory_space<vmem>>, %arg10: memref<1x128xf32, #tpu.memory_space<vmem>>, %arg11: memref<24x128xf32, #tpu.memory_space<vmem>>, %arg12: memref<512x24xf32, #tpu.memory_space<vmem>>, %arg13: memref<128x128xf32, #tpu.memory_space<vmem>>, %arg14: memref<512x128xf32, #tpu.memory_space<vmem>>) attributes {dimension_semantics = [], scalar_prefetch = 0 : i64, scratch_operands = 0 : i64, tpu.core_type = #tpu.core_type<tc>} {
    %iota3A = tpu.iota {dimensions = array<i32: 0>} : vector<128x1xi32>
    %get3A = arith.constant 0 : index
    %get3A_0 = arith.constant 0 : index
    %get3A_1 = vector.load %arg2[%get3A, %get3A_0] : memref<1x1xi32, #tpu.memory_space<vmem>>, vector<1x1xi32>
    %lt3A = vector.broadcast %get3A_1 : vector<1x1xi32> to vector<128x1xi32>
    %lt3A_2 = arith.cmpi slt, %iota3A, %lt3A : vector<128x1xi32>
    %convert_element_type3A = arith.extui %lt3A_2 : vector<128x1xi1> to vector<128x1xi32>
    %convert_element_type3A_3 = arith.sitofp %convert_element_type3A : vector<128x1xi32> to vector<128x1xf32>
    %get3A_4 = arith.constant 0 : index
    %get3A_5 = arith.constant 0 : index
    %get3A_6 = vector.load %arg2[%get3A_4, %get3A_5] : memref<1x1xi32, #tpu.memory_space<vmem>>, vector<1x1xi32>
    %convert_element_type3A_7 = arith.sitofp %get3A_6 : vector<1x1xi32> to vector<1x1xf32>
    %get3A_8 = arith.constant 0 : index
    %get3A_9 = arith.constant 0 : index
    %get3A_10 = vector.load %arg0[%get3A_8, %get3A_9] : memref<128x128xf32, #tpu.memory_space<vmem>>, vector<128x128xf32>
    %get3A_11 = arith.constant 0 : index
    %get3A_12 = arith.constant 0 : index
    %get3A_13 = vector.load %arg1[%get3A_11, %get3A_12] : memref<128x128xf32, #tpu.memory_space<vmem>>, vector<128x128xf32>
    %add3A = arith.addf %get3A_10, %get3A_13 : vector<128x128xf32>
    %get3A_14 = arith.constant 0 : index
    %get3A_15 = arith.constant 0 : index
    %get3A_16 = vector.load %arg3[%get3A_14, %get3A_15] : memref<128x256xf32, #tpu.memory_space<vmem>>, vector<128x256xf32>
    %dot_general3A = arith.constant dense<0.000000e+00> : vector<128x256xf32>
    %dot_general3A_17 = tpu.matmul %add3A, %get3A_16, %dot_general3A {dimension_numbers = #tpu.dot_dimension_numbers<[1], [0], [0], [1], [0, 0, 1, 1], [], []>, transpose_lhs_hint = false} : vector<128x128xf32>, vector<128x256xf32>, vector<128x256xf32> -> vector<128x256xf32>
    %get3A_18 = arith.constant 0 : index
    %get3A_19 = arith.constant 0 : index
    %get3A_20 = vector.load %arg4[%get3A_18, %get3A_19] : memref<1x256xf32, #tpu.memory_space<vmem>>, vector<1x256xf32>
    %add3A_21 = vector.broadcast %get3A_20 : vector<1x256xf32> to vector<128x256xf32>
    %add3A_22 = arith.addf %dot_general3A_17, %add3A_21 : vector<128x256xf32>
    %get3A_23 = arith.constant 0 : index
    %get3A_24 = arith.constant 0 : index
    %get3A_25 = vector.load %arg5[%get3A_23, %get3A_24] : memref<1x256xf32, #tpu.memory_space<vmem>>, vector<1x256xf32>
    %get3A_26 = arith.constant 0 : index
    %get3A_27 = arith.constant 0 : index
    %get3A_28 = vector.load %arg6[%get3A_26, %get3A_27] : memref<1x256xf32, #tpu.memory_space<vmem>>, vector<1x256xf32>
    %mul3A = vector.broadcast %convert_element_type3A_3 : vector<128x1xf32> to vector<128x256xf32>
    %mul3A_29 = arith.mulf %add3A_22, %mul3A : vector<128x256xf32>
    %reduce_sum3A = arith.constant dense<0.000000e+00> : vector<256xf32>
    %reduce_sum3A_30 = vector.multi_reduction <add>, %mul3A_29, %reduce_sum3A [0] : vector<128x256xf32> to vector<256xf32>
    %broadcast_in_dim3A = vector.shape_cast %reduce_sum3A_30 : vector<256xf32> to vector<1x256xf32>
    %div3A = vector.broadcast %convert_element_type3A_7 : vector<1x1xf32> to vector<1x256xf32>
    %div3A_31 = arith.divf %broadcast_in_dim3A, %div3A : vector<1x256xf32>
    %sub3A = vector.broadcast %div3A_31 : vector<1x256xf32> to vector<128x256xf32>
    %sub3A_32 = arith.subf %add3A_22, %sub3A : vector<128x256xf32>
    %mul3A_33 = arith.mulf %sub3A_32, %sub3A_32 : vector<128x256xf32>
    %mul3A_34 = vector.broadcast %convert_element_type3A_3 : vector<128x1xf32> to vector<128x256xf32>
    %mul3A_35 = arith.mulf %mul3A_33, %mul3A_34 : vector<128x256xf32>
    %reduce_sum3A_36 = arith.constant dense<0.000000e+00> : vector<256xf32>
    %reduce_sum3A_37 = vector.multi_reduction <add>, %mul3A_35, %reduce_sum3A_36 [0] : vector<128x256xf32> to vector<256xf32>
    %broadcast_in_dim3A_38 = vector.shape_cast %reduce_sum3A_37 : vector<256xf32> to vector<1x256xf32>
    %div3A_39 = vector.broadcast %convert_element_type3A_7 : vector<1x1xf32> to vector<1x256xf32>
    %div3A_40 = arith.divf %broadcast_in_dim3A_38, %div3A_39 : vector<1x256xf32>
    %add3A_41 = arith.constant 9.99999974E-6 : f32
    %add3A_42 = vector.broadcast %add3A_41 : f32 to vector<1x256xf32>
    %add3A_43 = arith.addf %div3A_40, %add3A_42 : vector<1x256xf32>
    %rsqrt3A = math.rsqrt %add3A_43 : vector<1x256xf32>
    %mul3A_44 = arith.constant 5.000000e-01 : f32
    %mul3A_45 = vector.broadcast %mul3A_44 : f32 to vector<1x256xf32>
    %mul3A_46 = arith.mulf %mul3A_45, %add3A_43 : vector<1x256xf32>
    %mul3A_47 = arith.mulf %mul3A_46, %rsqrt3A : vector<1x256xf32>
    %mul3A_48 = arith.mulf %mul3A_47, %rsqrt3A : vector<1x256xf32>
    %sub3A_49 = arith.constant 1.500000e+00 : f32
    %sub3A_50 = vector.broadcast %sub3A_49 : f32 to vector<1x256xf32>
    %sub3A_51 = arith.subf %sub3A_50, %mul3A_48 : vector<1x256xf32>
    %mul3A_52 = arith.mulf %rsqrt3A, %sub3A_51 : vector<1x256xf32>
    %mul3A_53 = vector.broadcast %mul3A_52 : vector<1x256xf32> to vector<128x256xf32>
    %mul3A_54 = arith.mulf %sub3A_32, %mul3A_53 : vector<128x256xf32>
    %mul3A_55 = vector.broadcast %get3A_25 : vector<1x256xf32> to vector<128x256xf32>
    %mul3A_56 = arith.mulf %mul3A_54, %mul3A_55 : vector<128x256xf32>
    %add3A_57 = vector.broadcast %get3A_28 : vector<1x256xf32> to vector<128x256xf32>
    %add3A_58 = arith.addf %mul3A_56, %add3A_57 : vector<128x256xf32>
    %max3A = arith.constant 0.000000e+00 : f32
    %max3A_59 = vector.broadcast %max3A : f32 to vector<128x256xf32>
    %max3A_60 = arith.maximumf %add3A_58, %max3A_59 : vector<128x256xf32>
    %get3A_61 = arith.constant 0 : index
    %get3A_62 = arith.constant 0 : index
    %get3A_63 = vector.load %arg7[%get3A_61, %get3A_62] : memref<256x128xf32, #tpu.memory_space<vmem>>, vector<256x128xf32>
    %dot_general3A_64 = arith.constant dense<0.000000e+00> : vector<128x128xf32>
    %dot_general3A_65 = tpu.matmul %max3A_60, %get3A_63, %dot_general3A_64 {dimension_numbers = #tpu.dot_dimension_numbers<[1], [0], [0], [1], [0, 0, 1, 1], [], []>, transpose_lhs_hint = false} : vector<128x256xf32>, vector<256x128xf32>, vector<128x128xf32> -> vector<128x128xf32>
    %get3A_66 = arith.constant 0 : index
    %get3A_67 = arith.constant 0 : index
    %get3A_68 = vector.load %arg8[%get3A_66, %get3A_67] : memref<1x128xf32, #tpu.memory_space<vmem>>, vector<1x128xf32>
    %add3A_69 = vector.broadcast %get3A_68 : vector<1x128xf32> to vector<128x128xf32>
    %add3A_70 = arith.addf %dot_general3A_65, %add3A_69 : vector<128x128xf32>
    %get3A_71 = arith.constant 0 : index
    %get3A_72 = arith.constant 0 : index
    %get3A_73 = vector.load %arg9[%get3A_71, %get3A_72] : memref<1x128xf32, #tpu.memory_space<vmem>>, vector<1x128xf32>
    %get3A_74 = arith.constant 0 : index
    %get3A_75 = arith.constant 0 : index
    %get3A_76 = vector.load %arg10[%get3A_74, %get3A_75] : memref<1x128xf32, #tpu.memory_space<vmem>>, vector<1x128xf32>
    %mul3A_77 = vector.broadcast %convert_element_type3A_3 : vector<128x1xf32> to vector<128x128xf32>
    %mul3A_78 = arith.mulf %add3A_70, %mul3A_77 : vector<128x128xf32>
    %reduce_sum3A_79 = arith.constant dense<0.000000e+00> : vector<128xf32>
    %reduce_sum3A_80 = vector.multi_reduction <add>, %mul3A_78, %reduce_sum3A_79 [0] : vector<128x128xf32> to vector<128xf32>
    %broadcast_in_dim3A_81 = vector.shape_cast %reduce_sum3A_80 : vector<128xf32> to vector<1x128xf32>
    %div3A_82 = vector.broadcast %convert_element_type3A_7 : vector<1x1xf32> to vector<1x128xf32>
    %div3A_83 = arith.divf %broadcast_in_dim3A_81, %div3A_82 : vector<1x128xf32>
    %sub3A_84 = vector.broadcast %div3A_83 : vector<1x128xf32> to vector<128x128xf32>
    %sub3A_85 = arith.subf %add3A_70, %sub3A_84 : vector<128x128xf32>
    %mul3A_86 = arith.mulf %sub3A_85, %sub3A_85 : vector<128x128xf32>
    %mul3A_87 = vector.broadcast %convert_element_type3A_3 : vector<128x1xf32> to vector<128x128xf32>
    %mul3A_88 = arith.mulf %mul3A_86, %mul3A_87 : vector<128x128xf32>
    %reduce_sum3A_89 = arith.constant dense<0.000000e+00> : vector<128xf32>
    %reduce_sum3A_90 = vector.multi_reduction <add>, %mul3A_88, %reduce_sum3A_89 [0] : vector<128x128xf32> to vector<128xf32>
    %broadcast_in_dim3A_91 = vector.shape_cast %reduce_sum3A_90 : vector<128xf32> to vector<1x128xf32>
    %div3A_92 = vector.broadcast %convert_element_type3A_7 : vector<1x1xf32> to vector<1x128xf32>
    %div3A_93 = arith.divf %broadcast_in_dim3A_91, %div3A_92 : vector<1x128xf32>
    %add3A_94 = arith.constant 9.99999974E-6 : f32
    %add3A_95 = vector.broadcast %add3A_94 : f32 to vector<1x128xf32>
    %add3A_96 = arith.addf %div3A_93, %add3A_95 : vector<1x128xf32>
    %rsqrt3A_97 = math.rsqrt %add3A_96 : vector<1x128xf32>
    %mul3A_98 = arith.constant 5.000000e-01 : f32
    %mul3A_99 = vector.broadcast %mul3A_98 : f32 to vector<1x128xf32>
    %mul3A_100 = arith.mulf %mul3A_99, %add3A_96 : vector<1x128xf32>
    %mul3A_101 = arith.mulf %mul3A_100, %rsqrt3A_97 : vector<1x128xf32>
    %mul3A_102 = arith.mulf %mul3A_101, %rsqrt3A_97 : vector<1x128xf32>
    %sub3A_103 = arith.constant 1.500000e+00 : f32
    %sub3A_104 = vector.broadcast %sub3A_103 : f32 to vector<1x128xf32>
    %sub3A_105 = arith.subf %sub3A_104, %mul3A_102 : vector<1x128xf32>
    %mul3A_106 = arith.mulf %rsqrt3A_97, %sub3A_105 : vector<1x128xf32>
    %mul3A_107 = vector.broadcast %mul3A_106 : vector<1x128xf32> to vector<128x128xf32>
    %mul3A_108 = arith.mulf %sub3A_85, %mul3A_107 : vector<128x128xf32>
    %mul3A_109 = vector.broadcast %get3A_73 : vector<1x128xf32> to vector<128x128xf32>
    %mul3A_110 = arith.mulf %mul3A_108, %mul3A_109 : vector<128x128xf32>
    %add3A_111 = vector.broadcast %get3A_76 : vector<1x128xf32> to vector<128x128xf32>
    %add3A_112 = arith.addf %mul3A_110, %add3A_111 : vector<128x128xf32>
    %max3A_113 = arith.constant 0.000000e+00 : f32
    %max3A_114 = vector.broadcast %max3A_113 : f32 to vector<128x128xf32>
    %max3A_115 = arith.maximumf %add3A_112, %max3A_114 : vector<128x128xf32>
    %swap3A = arith.constant 0 : index
    %swap3A_116 = arith.constant 0 : index
    %swap3A_117 = vector.load %arg13[%swap3A, %swap3A_116] : memref<128x128xf32, #tpu.memory_space<vmem>>, vector<128x128xf32>
    tpu.vector_store %arg13[%swap3A, %swap3A_116], %max3A_115 {strides = array<i32>} : memref<128x128xf32, #tpu.memory_space<vmem>>, vector<128x128xf32>,
    %get3A_118 = arith.constant 0 : index
    %get3A_119 = arith.constant 0 : index
    %get3A_120 = vector.load %arg12[%get3A_118, %get3A_119] : memref<512x24xf32, #tpu.memory_space<vmem>>, vector<512x24xf32>
    %get3A_121 = arith.constant 0 : index
    %get3A_122 = arith.constant 0 : index
    %get3A_123 = vector.load %arg11[%get3A_121, %get3A_122] : memref<24x128xf32, #tpu.memory_space<vmem>>, vector<24x128xf32>
    %dot_general3A_124 = arith.constant dense<0.000000e+00> : vector<512x128xf32>
    %dot_general3A_125 = tpu.matmul %get3A_120, %get3A_123, %dot_general3A_124 {dimension_numbers = #tpu.dot_dimension_numbers<[1], [0], [0], [1], [0, 0, 1, 1], [], []>, precision = #tpu.contract_precision<fp32>, transpose_lhs_hint = false} : vector<512x24xf32>, vector<24x128xf32>, vector<512x128xf32> -> vector<512x128xf32>
    %swap3A_126 = arith.constant 0 : index
    %swap3A_127 = arith.constant 0 : index
    %swap3A_128 = vector.load %arg14[%swap3A_126, %swap3A_127] : memref<512x128xf32, #tpu.memory_space<vmem>>, vector<512x128xf32>
    tpu.vector_store %arg14[%swap3A_126, %swap3A_127], %dot_general3A_125 {strides = array<i32>} : memref<512x128xf32, #tpu.memory_space<vmem>>, vector<512x128xf32>,
    return
  }
}

module attributes {stable_mosaic.version = 14 : i64} {
  func.func @_p4_body(%arg0: i32, %arg1: memref<2000x128xf32, #tpu.memory_space<vmem>>, %arg2: memref<1x128xf32, #tpu.memory_space<vmem>>, %arg3: memref<1x128xf32, #tpu.memory_space<vmem>>, %arg4: memref<1x128xf32, #tpu.memory_space<vmem>>, %arg5: memref<1x128xf32, #tpu.memory_space<vmem>>, %arg6: memref<1x128xf32, #tpu.memory_space<vmem>>, %arg7: memref<2000x1xi32, #tpu.memory_space<vmem>>, %arg8: memref<128x128xf32, #tpu.memory_space<vmem>>, %arg9: memref<2000x128xf32, #tpu.memory_space<vmem>>) attributes {dimension_semantics = [#tpu.dimension_semantics<arbitrary>], iteration_bounds = array<i64: 5>, scalar_prefetch = 0 : i64, scratch_operands = 0 : i64, tpu.core_type = #tpu.core_type<tc>, window_params = [{transform_indices = @transform_0, window_bounds = array<i64: 2000, 128>}, {pipeline_mode = #tpu.pipeline_mode<synchronous>, transform_indices = @transform_1, window_bounds = array<i64: 1, 128>}, {pipeline_mode = #tpu.pipeline_mode<synchronous>, transform_indices = @transform_2, window_bounds = array<i64: 1, 128>}, {pipeline_mode = #tpu.pipeline_mode<synchronous>, transform_indices = @transform_3, window_bounds = array<i64: 1, 128>}, {pipeline_mode = #tpu.pipeline_mode<synchronous>, transform_indices = @transform_4, window_bounds = array<i64: 1, 128>}, {pipeline_mode = #tpu.pipeline_mode<synchronous>, transform_indices = @transform_5, window_bounds = array<i64: 1, 128>}, {transform_indices = @transform_6, window_bounds = array<i64: 2000, 1>}, {pipeline_mode = #tpu.pipeline_mode<synchronous>, transform_indices = @transform_7, window_bounds = array<i64: 128, 128>}, {transform_indices = @transform_8, window_bounds = array<i64: 2000, 128>}]} {
    %get3A = arith.constant 0 : index
    %get3A_0 = arith.constant 0 : index
    %get3A_1 = vector.load %arg3[%get3A, %get3A_0] : memref<1x128xf32, #tpu.memory_space<vmem>>, vector<1x128xf32>
    %mul3A = arith.constant 9.99999974E-5 : f32
    %mul3A_2 = vector.broadcast %mul3A : f32 to vector<1x128xf32>
    %mul3A_3 = arith.mulf %get3A_1, %mul3A_2 : vector<1x128xf32>
    %get3A_4 = arith.constant 0 : index
    %get3A_5 = arith.constant 0 : index
    %get3A_6 = vector.load %arg2[%get3A_4, %get3A_5] : memref<1x128xf32, #tpu.memory_space<vmem>>, vector<1x128xf32>
    %add3A = arith.addf %get3A_6, %mul3A_3 : vector<1x128xf32>
    %get3A_7 = arith.constant 0 : index
    %get3A_8 = arith.constant 0 : index
    %get3A_9 = vector.load %arg4[%get3A_7, %get3A_8] : memref<1x128xf32, #tpu.memory_space<vmem>>, vector<1x128xf32>
    %mul3A_10 = arith.constant 9.99999974E-5 : f32
    %mul3A_11 = vector.broadcast %mul3A_10 : f32 to vector<1x128xf32>
    %mul3A_12 = arith.mulf %get3A_9, %mul3A_11 : vector<1x128xf32>
    %mul3A_13 = arith.mulf %mul3A_3, %mul3A_3 : vector<1x128xf32>
    %sub3A = arith.subf %mul3A_12, %mul3A_13 : vector<1x128xf32>
    %get3A_14 = arith.constant 0 : index
    %get3A_15 = arith.constant 0 : index
    %get3A_16 = vector.load %arg1[%get3A_14, %get3A_15] : memref<2000x128xf32, #tpu.memory_space<vmem>>, vector<2000x128xf32>
    %sub3A_17 = vector.broadcast %add3A : vector<1x128xf32> to vector<2000x128xf32>
    %sub3A_18 = arith.subf %get3A_16, %sub3A_17 : vector<2000x128xf32>
    %add3A_19 = arith.constant 9.99999974E-6 : f32
    %add3A_20 = vector.broadcast %add3A_19 : f32 to vector<1x128xf32>
    %add3A_21 = arith.addf %sub3A, %add3A_20 : vector<1x128xf32>
    %rsqrt3A = math.rsqrt %add3A_21 : vector<1x128xf32>
    %mul3A_22 = arith.constant 5.000000e-01 : f32
    %mul3A_23 = vector.broadcast %mul3A_22 : f32 to vector<1x128xf32>
    %mul3A_24 = arith.mulf %mul3A_23, %add3A_21 : vector<1x128xf32>
    %mul3A_25 = arith.mulf %mul3A_24, %rsqrt3A : vector<1x128xf32>
    %mul3A_26 = arith.mulf %mul3A_25, %rsqrt3A : vector<1x128xf32>
    %sub3A_27 = arith.constant 1.500000e+00 : f32
    %sub3A_28 = vector.broadcast %sub3A_27 : f32 to vector<1x128xf32>
    %sub3A_29 = arith.subf %sub3A_28, %mul3A_26 : vector<1x128xf32>
    %mul3A_30 = arith.mulf %rsqrt3A, %sub3A_29 : vector<1x128xf32>
    %mul3A_31 = vector.broadcast %mul3A_30 : vector<1x128xf32> to vector<2000x128xf32>
    %mul3A_32 = arith.mulf %sub3A_18, %mul3A_31 : vector<2000x128xf32>
    %get3A_33 = arith.constant 0 : index
    %get3A_34 = arith.constant 0 : index
    %get3A_35 = vector.load %arg5[%get3A_33, %get3A_34] : memref<1x128xf32, #tpu.memory_space<vmem>>, vector<1x128xf32>
    %mul3A_36 = vector.broadcast %get3A_35 : vector<1x128xf32> to vector<2000x128xf32>
    %mul3A_37 = arith.mulf %mul3A_32, %mul3A_36 : vector<2000x128xf32>
    %get3A_38 = arith.constant 0 : index
    %get3A_39 = arith.constant 0 : index
    %get3A_40 = vector.load %arg6[%get3A_38, %get3A_39] : memref<1x128xf32, #tpu.memory_space<vmem>>, vector<1x128xf32>
    %add3A_41 = vector.broadcast %get3A_40 : vector<1x128xf32> to vector<2000x128xf32>
    %add3A_42 = arith.addf %mul3A_37, %add3A_41 : vector<2000x128xf32>
    %max3A = arith.constant 0.000000e+00 : f32
    %max3A_43 = vector.broadcast %max3A : f32 to vector<2000x128xf32>
    %max3A_44 = arith.maximumf %add3A_42, %max3A_43 : vector<2000x128xf32>
    %get3A_45 = arith.constant 0 : index
    %get3A_46 = arith.constant 0 : index
    %get3A_47 = vector.load %arg7[%get3A_45, %get3A_46] : memref<2000x1xi32, #tpu.memory_space<vmem>>, vector<2000x1xi32>
    %iota3A = tpu.iota {dimensions = array<i32: 1>} : vector<2000x128xi32>
    %eq3A = vector.broadcast %get3A_47 : vector<2000x1xi32> to vector<2000x128xi32>
    %eq3A_48 = arith.cmpi eq, %eq3A, %iota3A : vector<2000x128xi32>
    %convert_element_type3A = arith.extui %eq3A_48 : vector<2000x128xi1> to vector<2000x128xi32>
    %convert_element_type3A_49 = arith.sitofp %convert_element_type3A : vector<2000x128xi32> to vector<2000x128xf32>
    %get3A_50 = arith.constant 0 : index
    %get3A_51 = arith.constant 0 : index
    %get3A_52 = vector.load %arg8[%get3A_50, %get3A_51] : memref<128x128xf32, #tpu.memory_space<vmem>>, vector<128x128xf32>
    %dot_general3A = arith.constant dense<0.000000e+00> : vector<2000x128xf32>
    %dot_general3A_53 = tpu.matmul %convert_element_type3A_49, %get3A_52, %dot_general3A {dimension_numbers = #tpu.dot_dimension_numbers<[1], [0], [0], [1], [0, 0, 1, 1], [], []>, precision = #tpu.contract_precision<fp32>, transpose_lhs_hint = false} : vector<2000x128xf32>, vector<128x128xf32>, vector<2000x128xf32> -> vector<2000x128xf32>
    %add3A_54 = arith.addf %max3A_44, %dot_general3A_53 : vector<2000x128xf32>
    %swap3A = arith.constant 0 : index
    %swap3A_55 = arith.constant 0 : index
    %swap3A_56 = vector.load %arg9[%swap3A, %swap3A_55] : memref<2000x128xf32, #tpu.memory_space<vmem>>, vector<2000x128xf32>
    tpu.vector_store %arg9[%swap3A, %swap3A_55], %add3A_54 {strides = array<i32>} : memref<2000x128xf32, #tpu.memory_space<vmem>>, vector<2000x128xf32>,
    return
  }
  func.func @transform_0(%arg0: i32) -> (i32, i32) {
    %c0_i32 = arith.constant 0 : i32
    %c0_i32_0 = arith.constant 0 : i32
    return %arg0, %c0_i32 : i32, i32
  }
  func.func @transform_1(%arg0: i32) -> (i32, i32) {
    %c0_i32 = arith.constant 0 : i32
    %c0_i32_0 = arith.constant 0 : i32
    %c0_i32_1 = arith.constant 0 : i32
    return %c0_i32, %c0_i32_0 : i32, i32
  }
  func.func @transform_2(%arg0: i32) -> (i32, i32) {
    %c0_i32 = arith.constant 0 : i32
    %c0_i32_0 = arith.constant 0 : i32
    %c0_i32_1 = arith.constant 0 : i32
    return %c0_i32, %c0_i32_0 : i32, i32
  }
  func.func @transform_3(%arg0: i32) -> (i32, i32) {
    %c0_i32 = arith.constant 0 : i32
    %c0_i32_0 = arith.constant 0 : i32
    %c0_i32_1 = arith.constant 0 : i32
    return %c0_i32, %c0_i32_0 : i32, i32
  }
  func.func @transform_4(%arg0: i32) -> (i32, i32) {
    %c0_i32 = arith.constant 0 : i32
    %c0_i32_0 = arith.constant 0 : i32
    %c0_i32_1 = arith.constant 0 : i32
    return %c0_i32, %c0_i32_0 : i32, i32
  }
  func.func @transform_5(%arg0: i32) -> (i32, i32) {
    %c0_i32 = arith.constant 0 : i32
    %c0_i32_0 = arith.constant 0 : i32
    %c0_i32_1 = arith.constant 0 : i32
    return %c0_i32, %c0_i32_0 : i32, i32
  }
  func.func @transform_6(%arg0: i32) -> (i32, i32) {
    %c0_i32 = arith.constant 0 : i32
    %c0_i32_0 = arith.constant 0 : i32
    return %arg0, %c0_i32 : i32, i32
  }
  func.func @transform_7(%arg0: i32) -> (i32, i32) {
    %c0_i32 = arith.constant 0 : i32
    %c0_i32_0 = arith.constant 0 : i32
    %c0_i32_1 = arith.constant 0 : i32
    return %c0_i32, %c0_i32_0 : i32, i32
  }
  func.func @transform_8(%arg0: i32) -> (i32, i32) {
    %c0_i32 = arith.constant 0 : i32
    %c0_i32_0 = arith.constant 0 : i32
    return %arg0, %c0_i32 : i32, i32
  }
}

module attributes {stable_mosaic.version = 14 : i64} {
  func.func @_p1_body(%arg0: i32, %arg1: memref<2000x128xf32, #tpu.memory_space<vmem>>, %arg2: memref<2000x128xf32, #tpu.memory_space<vmem>>, %arg3: memref<2000x128xf32, #tpu.memory_space<vmem>>, %arg4: memref<1x1x2000xi32, #tpu.memory_space<vmem>>, %arg5: memref<1x1xf32, #tpu.memory_space<vmem>>, %arg6: memref<128x256xf32, #tpu.memory_space<vmem>>, %arg7: memref<1x256xf32, #tpu.memory_space<vmem>>, %arg8: memref<2000x256xf32, #tpu.memory_space<vmem>>, %arg9: memref<1x256xf32, #tpu.memory_space<vmem>>, %arg10: memref<1x256xf32, #tpu.memory_space<vmem>>, %arg11: memref<1x256xf32, #tpu.memory_space<vmem>>, %arg12: memref<128x128xf32, #tpu.memory_space<vmem>>) attributes {dimension_semantics = [#tpu.dimension_semantics<arbitrary>], iteration_bounds = array<i64: 5>, scalar_prefetch = 0 : i64, scratch_operands = 0 : i64, tpu.core_type = #tpu.core_type<tc>, window_params = [{transform_indices = @transform_0, window_bounds = array<i64: 2000, 128>}, {transform_indices = @transform_1, window_bounds = array<i64: 2000, 128>}, {transform_indices = @transform_2, window_bounds = array<i64: 2000, 128>}, {transform_indices = @transform_3, window_bounds = array<i64: 1, 1, 2000>}, {pipeline_mode = #tpu.pipeline_mode<synchronous>, transform_indices = @transform_4, window_bounds = array<i64: 1, 1>}, {pipeline_mode = #tpu.pipeline_mode<synchronous>, transform_indices = @transform_5, window_bounds = array<i64: 128, 256>}, {pipeline_mode = #tpu.pipeline_mode<synchronous>, transform_indices = @transform_6, window_bounds = array<i64: 1, 256>}, {transform_indices = @transform_7, window_bounds = array<i64: 2000, 256>}, {pipeline_mode = #tpu.pipeline_mode<synchronous>, transform_indices = @transform_8, window_bounds = array<i64: 1, 256>}, {pipeline_mode = #tpu.pipeline_mode<synchronous>, transform_indices = @transform_9, window_bounds = array<i64: 1, 256>}, {pipeline_mode = #tpu.pipeline_mode<synchronous>, transform_indices = @transform_10, window_bounds = array<i64: 1, 256>}, {pipeline_mode = #tpu.pipeline_mode<synchronous>, transform_indices = @transform_11, window_bounds = array<i64: 128, 128>}]} {
    %get3A = arith.constant 0 : index
    %get3A_0 = arith.constant 0 : index
    %get3A_1 = vector.load %arg1[%get3A, %get3A_0] : memref<2000x128xf32, #tpu.memory_space<vmem>>, vector<2000x128xf32>
    %get3A_2 = arith.constant 0 : index
    %get3A_3 = arith.constant 0 : index
    %get3A_4 = vector.load %arg5[%get3A_2, %get3A_3] : memref<1x1xf32, #tpu.memory_space<vmem>>, vector<1x1xf32>
    %add3A = arith.constant 1.000000e+00 : f32
    %add3A_5 = vector.broadcast %add3A : f32 to vector<1x1xf32>
    %add3A_6 = arith.addf %add3A_5, %get3A_4 : vector<1x1xf32>
    %mul3A = vector.broadcast %add3A_6 : vector<1x1xf32> to vector<2000x128xf32>
    %mul3A_7 = arith.mulf %mul3A, %get3A_1 : vector<2000x128xf32>
    %get3A_8 = arith.constant 0 : index
    %get3A_9 = arith.constant 0 : index
    %get3A_10 = vector.load %arg2[%get3A_8, %get3A_9] : memref<2000x128xf32, #tpu.memory_space<vmem>>, vector<2000x128xf32>
    %add3A_11 = arith.addf %mul3A_7, %get3A_10 : vector<2000x128xf32>
    %get3A_12 = arith.constant 0 : index
    %get3A_13 = arith.constant 0 : index
    %get3A_14 = vector.load %arg3[%get3A_12, %get3A_13] : memref<2000x128xf32, #tpu.memory_space<vmem>>, vector<2000x128xf32>
    %add3A_15 = arith.addf %add3A_11, %get3A_14 : vector<2000x128xf32>
    %get3A_16 = arith.constant 0 : index
    %get3A_17 = arith.constant 0 : index
    %get3A_18 = vector.load %arg6[%get3A_16, %get3A_17] : memref<128x256xf32, #tpu.memory_space<vmem>>, vector<128x256xf32>
    %dot_general3A = arith.constant dense<0.000000e+00> : vector<2000x256xf32>
    %dot_general3A_19 = tpu.matmul %add3A_15, %get3A_18, %dot_general3A {dimension_numbers = #tpu.dot_dimension_numbers<[1], [0], [0], [1], [0, 0, 1, 1], [], []>, transpose_lhs_hint = false} : vector<2000x128xf32>, vector<128x256xf32>, vector<2000x256xf32> -> vector<2000x256xf32>
    %get3A_20 = arith.constant 0 : index
    %get3A_21 = arith.constant 0 : index
    %get3A_22 = vector.load %arg7[%get3A_20, %get3A_21] : memref<1x256xf32, #tpu.memory_space<vmem>>, vector<1x256xf32>
    %add3A_23 = vector.broadcast %get3A_22 : vector<1x256xf32> to vector<2000x256xf32>
    %add3A_24 = arith.addf %dot_general3A_19, %add3A_23 : vector<2000x256xf32>
    %swap3A = arith.constant 0 : index
    %swap3A_25 = arith.constant 0 : index
    %swap3A_26 = vector.load %arg8[%swap3A, %swap3A_25] : memref<2000x256xf32, #tpu.memory_space<vmem>>, vector<2000x256xf32>
    tpu.vector_store %arg8[%swap3A, %swap3A_25], %add3A_24 {strides = array<i32>} : memref<2000x256xf32, #tpu.memory_space<vmem>>, vector<2000x256xf32>,
    %get3A_27 = arith.constant 0 : index
    %get3A_28 = arith.constant 0 : index
    %get3A_29 = arith.constant 0 : index
    %get3A_30 = vector.load %arg4[%get3A_27, %get3A_28, %get3A_29] : memref<1x1x2000xi32, #tpu.memory_space<vmem>>, vector<1x1x2000xi32>
    %get3A_31 = vector.shape_cast %get3A_30 : vector<1x1x2000xi32> to vector<1x2000xi32>
    %iota3A = tpu.iota {dimensions = array<i32: 0>} : vector<128x2000xi32>
    %eq3A = vector.broadcast %get3A_31 : vector<1x2000xi32> to vector<128x2000xi32>
    %eq3A_32 = arith.cmpi eq, %eq3A, %iota3A : vector<128x2000xi32>
    %convert_element_type3A = arith.extui %eq3A_32 : vector<128x2000xi1> to vector<128x2000xi32>
    %convert_element_type3A_33 = arith.sitofp %convert_element_type3A : vector<128x2000xi32> to vector<128x2000xf32>
    %dot_general3A_34 = arith.constant dense<0.000000e+00> : vector<128x128xf32>
    %dot_general3A_35 = tpu.matmul %convert_element_type3A_33, %get3A_1, %dot_general3A_34 {dimension_numbers = #tpu.dot_dimension_numbers<[1], [0], [0], [1], [0, 0, 1, 1], [], []>, precision = #tpu.contract_precision<fp32>, transpose_lhs_hint = false} : vector<128x2000xf32>, vector<2000x128xf32>, vector<128x128xf32> -> vector<128x128xf32>
    %eq3A_36 = arith.constant 0 : i32
    %eq3A_37 = arith.cmpi eq, %arg0, %eq3A_36 : i32
    %convert_element_type3A_38 = arith.extui %eq3A_37 : i1 to i32
    %cond3A = arith.constant 0 : i32
    %cond3A_39 = arith.cmpi ne, %convert_element_type3A_38, %cond3A : i32
    scf.if %cond3A_39 {
      %reduce_sum3A_70 = arith.constant dense<0.000000e+00> : vector<256xf32>
      %reduce_sum3A_71 = vector.multi_reduction <add>, %add3A_24, %reduce_sum3A_70 [0] : vector<2000x256xf32> to vector<256xf32>
      %broadcast_in_dim3A_72 = vector.shape_cast %reduce_sum3A_71 : vector<256xf32> to vector<1x256xf32>
      %mul3A_73 = arith.constant 5.000000e-04 : f32
      %mul3A_74 = vector.broadcast %mul3A_73 : f32 to vector<1x256xf32>
      %mul3A_75 = arith.mulf %broadcast_in_dim3A_72, %mul3A_74 : vector<1x256xf32>
      %swap3A_76 = arith.constant 0 : index
      %swap3A_77 = arith.constant 0 : index
      %swap3A_78 = vector.load %arg9[%swap3A_76, %swap3A_77] : memref<1x256xf32, #tpu.memory_space<vmem>>, vector<1x256xf32>
      tpu.vector_store %arg9[%swap3A_76, %swap3A_77], %mul3A_75 {strides = array<i32>} : memref<1x256xf32, #tpu.memory_space<vmem>>, vector<1x256xf32>,
      %broadcast_in_dim3A_79 = arith.constant 0.000000e+00 : f32
      %broadcast_in_dim3A_80 = vector.broadcast %broadcast_in_dim3A_79 : f32 to vector<1x256xf32>
      %swap3A_81 = arith.constant 0 : index
      %swap3A_82 = arith.constant 0 : index
      %swap3A_83 = vector.load %arg10[%swap3A_81, %swap3A_82] : memref<1x256xf32, #tpu.memory_space<vmem>>, vector<1x256xf32>
      tpu.vector_store %arg10[%swap3A_81, %swap3A_82], %broadcast_in_dim3A_80 {strides = array<i32>} : memref<1x256xf32, #tpu.memory_space<vmem>>, vector<1x256xf32>,
      %broadcast_in_dim3A_84 = arith.constant 0.000000e+00 : f32
      %broadcast_in_dim3A_85 = vector.broadcast %broadcast_in_dim3A_84 : f32 to vector<1x256xf32>
      %swap3A_86 = arith.constant 0 : index
      %swap3A_87 = arith.constant 0 : index
      %swap3A_88 = vector.load %arg11[%swap3A_86, %swap3A_87] : memref<1x256xf32, #tpu.memory_space<vmem>>, vector<1x256xf32>
      tpu.vector_store %arg11[%swap3A_86, %swap3A_87], %broadcast_in_dim3A_85 {strides = array<i32>} : memref<1x256xf32, #tpu.memory_space<vmem>>, vector<1x256xf32>,
      %broadcast_in_dim3A_89 = arith.constant 0.000000e+00 : f32
      %broadcast_in_dim3A_90 = vector.broadcast %broadcast_in_dim3A_89 : f32 to vector<128x128xf32>
      %swap3A_91 = arith.constant 0 : index
      %swap3A_92 = arith.constant 0 : index
      %swap3A_93 = vector.load %arg12[%swap3A_91, %swap3A_92] : memref<128x128xf32, #tpu.memory_space<vmem>>, vector<128x128xf32>
      tpu.vector_store %arg12[%swap3A_91, %swap3A_92], %broadcast_in_dim3A_90 {strides = array<i32>} : memref<128x128xf32, #tpu.memory_space<vmem>>, vector<128x128xf32>,
    } else {
    }
    %get3A_40 = arith.constant 0 : index
    %get3A_41 = arith.constant 0 : index
    %get3A_42 = vector.load %arg9[%get3A_40, %get3A_41] : memref<1x256xf32, #tpu.memory_space<vmem>>, vector<1x256xf32>
    %sub3A = vector.broadcast %get3A_42 : vector<1x256xf32> to vector<2000x256xf32>
    %sub3A_43 = arith.subf %add3A_24, %sub3A : vector<2000x256xf32>
    %get3A_44 = arith.constant 0 : index
    %get3A_45 = arith.constant 0 : index
    %get3A_46 = vector.load %arg10[%get3A_44, %get3A_45] : memref<1x256xf32, #tpu.memory_space<vmem>>, vector<1x256xf32>
    %reduce_sum3A = arith.constant dense<0.000000e+00> : vector<256xf32>
    %reduce_sum3A_47 = vector.multi_reduction <add>, %sub3A_43, %reduce_sum3A [0] : vector<2000x256xf32> to vector<256xf32>
    %broadcast_in_dim3A = vector.shape_cast %reduce_sum3A_47 : vector<256xf32> to vector<1x256xf32>
    %add3A_48 = arith.addf %get3A_46, %broadcast_in_dim3A : vector<1x256xf32>
    %swap3A_49 = arith.constant 0 : index
    %swap3A_50 = arith.constant 0 : index
    %swap3A_51 = vector.load %arg10[%swap3A_49, %swap3A_50] : memref<1x256xf32, #tpu.memory_space<vmem>>, vector<1x256xf32>
    tpu.vector_store %arg10[%swap3A_49, %swap3A_50], %add3A_48 {strides = array<i32>} : memref<1x256xf32, #tpu.memory_space<vmem>>, vector<1x256xf32>,
    %get3A_52 = arith.constant 0 : index
    %get3A_53 = arith.constant 0 : index
    %get3A_54 = vector.load %arg11[%get3A_52, %get3A_53] : memref<1x256xf32, #tpu.memory_space<vmem>>, vector<1x256xf32>
    %mul3A_55 = arith.mulf %sub3A_43, %sub3A_43 : vector<2000x256xf32>
    %reduce_sum3A_56 = arith.constant dense<0.000000e+00> : vector<256xf32>
    %reduce_sum3A_57 = vector.multi_reduction <add>, %mul3A_55, %reduce_sum3A_56 [0] : vector<2000x256xf32> to vector<256xf32>
    %broadcast_in_dim3A_58 = vector.shape_cast %reduce_sum3A_57 : vector<256xf32> to vector<1x256xf32>
    %add3A_59 = arith.addf %get3A_54, %broadcast_in_dim3A_58 : vector<1x256xf32>
    %swap3A_60 = arith.constant 0 : index
    %swap3A_61 = arith.constant 0 : index
    %swap3A_62 = vector.load %arg11[%swap3A_60, %swap3A_61] : memref<1x256xf32, #tpu.memory_space<vmem>>, vector<1x256xf32>
    tpu.vector_store %arg11[%swap3A_60, %swap3A_61], %add3A_59 {strides = array<i32>} : memref<1x256xf32, #tpu.memory_space<vmem>>, vector<1x256xf32>,
    %get3A_63 = arith.constant 0 : index
    %get3A_64 = arith.constant 0 : index
    %get3A_65 = vector.load %arg12[%get3A_63, %get3A_64] : memref<128x128xf32, #tpu.memory_space<vmem>>, vector<128x128xf32>
    %add3A_66 = arith.addf %get3A_65, %dot_general3A_35 : vector<128x128xf32>
    %swap3A_67 = arith.constant 0 : index
    %swap3A_68 = arith.constant 0 : index
    %swap3A_69 = vector.load %arg12[%swap3A_67, %swap3A_68] : memref<128x128xf32, #tpu.memory_space<vmem>>, vector<128x128xf32>
    tpu.vector_store %arg12[%swap3A_67, %swap3A_68], %add3A_66 {strides = array<i32>} : memref<128x128xf32, #tpu.memory_space<vmem>>, vector<128x128xf32>,
    return
  }
  func.func @transform_0(%arg0: i32) -> (i32, i32) {
    %c0_i32 = arith.constant 0 : i32
    %c0_i32_0 = arith.constant 0 : i32
    return %arg0, %c0_i32 : i32, i32
  }
  func.func @transform_1(%arg0: i32) -> (i32, i32) {
    %c0_i32 = arith.constant 0 : i32
    %c0_i32_0 = arith.constant 0 : i32
    return %arg0, %c0_i32 : i32, i32
  }
  func.func @transform_2(%arg0: i32) -> (i32, i32) {
    %c0_i32 = arith.constant 0 : i32
    %c0_i32_0 = arith.constant 0 : i32
    return %arg0, %c0_i32 : i32, i32
  }
  func.func @transform_3(%arg0: i32) -> (i32, i32, i32) {
    %c0_i32 = arith.constant 0 : i32
    %c0_i32_0 = arith.constant 0 : i32
    %c0_i32_1 = arith.constant 0 : i32
    return %arg0, %c0_i32, %c0_i32_0 : i32, i32, i32
  }
  func.func @transform_4(%arg0: i32) -> (i32, i32) {
    %c0_i32 = arith.constant 0 : i32
    %c0_i32_0 = arith.constant 0 : i32
    %c0_i32_1 = arith.constant 0 : i32
    return %c0_i32, %c0_i32_0 : i32, i32
  }
  func.func @transform_5(%arg0: i32) -> (i32, i32) {
    %c0_i32 = arith.constant 0 : i32
    %c0_i32_0 = arith.constant 0 : i32
    %c0_i32_1 = arith.constant 0 : i32
    return %c0_i32, %c0_i32_0 : i32, i32
  }
  func.func @transform_6(%arg0: i32) -> (i32, i32) {
    %c0_i32 = arith.constant 0 : i32
    %c0_i32_0 = arith.constant 0 : i32
    %c0_i32_1 = arith.constant 0 : i32
    return %c0_i32, %c0_i32_0 : i32, i32
  }
  func.func @transform_7(%arg0: i32) -> (i32, i32) {
    %c0_i32 = arith.constant 0 : i32
    %c0_i32_0 = arith.constant 0 : i32
    return %arg0, %c0_i32 : i32, i32
  }
  func.func @transform_8(%arg0: i32) -> (i32, i32) {
    %c0_i32 = arith.constant 0 : i32
    %c0_i32_0 = arith.constant 0 : i32
    %c0_i32_1 = arith.constant 0 : i32
    return %c0_i32, %c0_i32_0 : i32, i32
  }
  func.func @transform_9(%arg0: i32) -> (i32, i32) {
    %c0_i32 = arith.constant 0 : i32
    %c0_i32_0 = arith.constant 0 : i32
    %c0_i32_1 = arith.constant 0 : i32
    return %c0_i32, %c0_i32_0 : i32, i32
  }
  func.func @transform_10(%arg0: i32) -> (i32, i32) {
    %c0_i32 = arith.constant 0 : i32
    %c0_i32_0 = arith.constant 0 : i32
    %c0_i32_1 = arith.constant 0 : i32
    return %c0_i32, %c0_i32_0 : i32, i32
  }
  func.func @transform_11(%arg0: i32) -> (i32, i32) {
    %c0_i32 = arith.constant 0 : i32
    %c0_i32_0 = arith.constant 0 : i32
    %c0_i32_1 = arith.constant 0 : i32
    return %c0_i32, %c0_i32_0 : i32, i32
  }
}

module attributes {stable_mosaic.version = 14 : i64} {
  func.func @_p4f_body(%arg0: i32, %arg1: memref<2000x128xf32, #tpu.memory_space<vmem>>, %arg2: memref<1x128xf32, #tpu.memory_space<vmem>>, %arg3: memref<1x128xf32, #tpu.memory_space<vmem>>, %arg4: memref<1x128xf32, #tpu.memory_space<vmem>>, %arg5: memref<1x128xf32, #tpu.memory_space<vmem>>, %arg6: memref<1x128xf32, #tpu.memory_space<vmem>>, %arg7: memref<2000x128xf32, #tpu.memory_space<vmem>>) attributes {dimension_semantics = [#tpu.dimension_semantics<arbitrary>], iteration_bounds = array<i64: 5>, scalar_prefetch = 0 : i64, scratch_operands = 0 : i64, tpu.core_type = #tpu.core_type<tc>, window_params = [{transform_indices = @transform_0, window_bounds = array<i64: 2000, 128>}, {pipeline_mode = #tpu.pipeline_mode<synchronous>, transform_indices = @transform_1, window_bounds = array<i64: 1, 128>}, {pipeline_mode = #tpu.pipeline_mode<synchronous>, transform_indices = @transform_2, window_bounds = array<i64: 1, 128>}, {pipeline_mode = #tpu.pipeline_mode<synchronous>, transform_indices = @transform_3, window_bounds = array<i64: 1, 128>}, {pipeline_mode = #tpu.pipeline_mode<synchronous>, transform_indices = @transform_4, window_bounds = array<i64: 1, 128>}, {pipeline_mode = #tpu.pipeline_mode<synchronous>, transform_indices = @transform_5, window_bounds = array<i64: 1, 128>}, {transform_indices = @transform_6, window_bounds = array<i64: 2000, 128>}]} {
    %get3A = arith.constant 0 : index
    %get3A_0 = arith.constant 0 : index
    %get3A_1 = vector.load %arg3[%get3A, %get3A_0] : memref<1x128xf32, #tpu.memory_space<vmem>>, vector<1x128xf32>
    %mul3A = arith.constant 9.99999974E-5 : f32
    %mul3A_2 = vector.broadcast %mul3A : f32 to vector<1x128xf32>
    %mul3A_3 = arith.mulf %get3A_1, %mul3A_2 : vector<1x128xf32>
    %get3A_4 = arith.constant 0 : index
    %get3A_5 = arith.constant 0 : index
    %get3A_6 = vector.load %arg2[%get3A_4, %get3A_5] : memref<1x128xf32, #tpu.memory_space<vmem>>, vector<1x128xf32>
    %add3A = arith.addf %get3A_6, %mul3A_3 : vector<1x128xf32>
    %get3A_7 = arith.constant 0 : index
    %get3A_8 = arith.constant 0 : index
    %get3A_9 = vector.load %arg4[%get3A_7, %get3A_8] : memref<1x128xf32, #tpu.memory_space<vmem>>, vector<1x128xf32>
    %mul3A_10 = arith.constant 9.99999974E-5 : f32
    %mul3A_11 = vector.broadcast %mul3A_10 : f32 to vector<1x128xf32>
    %mul3A_12 = arith.mulf %get3A_9, %mul3A_11 : vector<1x128xf32>
    %mul3A_13 = arith.mulf %mul3A_3, %mul3A_3 : vector<1x128xf32>
    %sub3A = arith.subf %mul3A_12, %mul3A_13 : vector<1x128xf32>
    %get3A_14 = arith.constant 0 : index
    %get3A_15 = arith.constant 0 : index
    %get3A_16 = vector.load %arg1[%get3A_14, %get3A_15] : memref<2000x128xf32, #tpu.memory_space<vmem>>, vector<2000x128xf32>
    %sub3A_17 = vector.broadcast %add3A : vector<1x128xf32> to vector<2000x128xf32>
    %sub3A_18 = arith.subf %get3A_16, %sub3A_17 : vector<2000x128xf32>
    %add3A_19 = arith.constant 9.99999974E-6 : f32
    %add3A_20 = vector.broadcast %add3A_19 : f32 to vector<1x128xf32>
    %add3A_21 = arith.addf %sub3A, %add3A_20 : vector<1x128xf32>
    %rsqrt3A = math.rsqrt %add3A_21 : vector<1x128xf32>
    %mul3A_22 = arith.constant 5.000000e-01 : f32
    %mul3A_23 = vector.broadcast %mul3A_22 : f32 to vector<1x128xf32>
    %mul3A_24 = arith.mulf %mul3A_23, %add3A_21 : vector<1x128xf32>
    %mul3A_25 = arith.mulf %mul3A_24, %rsqrt3A : vector<1x128xf32>
    %mul3A_26 = arith.mulf %mul3A_25, %rsqrt3A : vector<1x128xf32>
    %sub3A_27 = arith.constant 1.500000e+00 : f32
    %sub3A_28 = vector.broadcast %sub3A_27 : f32 to vector<1x128xf32>
    %sub3A_29 = arith.subf %sub3A_28, %mul3A_26 : vector<1x128xf32>
    %mul3A_30 = arith.mulf %rsqrt3A, %sub3A_29 : vector<1x128xf32>
    %mul3A_31 = vector.broadcast %mul3A_30 : vector<1x128xf32> to vector<2000x128xf32>
    %mul3A_32 = arith.mulf %sub3A_18, %mul3A_31 : vector<2000x128xf32>
    %get3A_33 = arith.constant 0 : index
    %get3A_34 = arith.constant 0 : index
    %get3A_35 = vector.load %arg5[%get3A_33, %get3A_34] : memref<1x128xf32, #tpu.memory_space<vmem>>, vector<1x128xf32>
    %mul3A_36 = vector.broadcast %get3A_35 : vector<1x128xf32> to vector<2000x128xf32>
    %mul3A_37 = arith.mulf %mul3A_32, %mul3A_36 : vector<2000x128xf32>
    %get3A_38 = arith.constant 0 : index
    %get3A_39 = arith.constant 0 : index
    %get3A_40 = vector.load %arg6[%get3A_38, %get3A_39] : memref<1x128xf32, #tpu.memory_space<vmem>>, vector<1x128xf32>
    %add3A_41 = vector.broadcast %get3A_40 : vector<1x128xf32> to vector<2000x128xf32>
    %add3A_42 = arith.addf %mul3A_37, %add3A_41 : vector<2000x128xf32>
    %swap3A = arith.constant 0 : index
    %swap3A_43 = arith.constant 0 : index
    %swap3A_44 = vector.load %arg7[%swap3A, %swap3A_43] : memref<2000x128xf32, #tpu.memory_space<vmem>>, vector<2000x128xf32>
    tpu.vector_store %arg7[%swap3A, %swap3A_43], %add3A_42 {strides = array<i32>} : memref<2000x128xf32, #tpu.memory_space<vmem>>, vector<2000x128xf32>,
    return
  }
  func.func @transform_0(%arg0: i32) -> (i32, i32) {
    %c0_i32 = arith.constant 0 : i32
    %c0_i32_0 = arith.constant 0 : i32
    return %arg0, %c0_i32 : i32, i32
  }
  func.func @transform_1(%arg0: i32) -> (i32, i32) {
    %c0_i32 = arith.constant 0 : i32
    %c0_i32_0 = arith.constant 0 : i32
    %c0_i32_1 = arith.constant 0 : i32
    return %c0_i32, %c0_i32_0 : i32, i32
  }
  func.func @transform_2(%arg0: i32) -> (i32, i32) {
    %c0_i32 = arith.constant 0 : i32
    %c0_i32_0 = arith.constant 0 : i32
    %c0_i32_1 = arith.constant 0 : i32
    return %c0_i32, %c0_i32_0 : i32, i32
  }
  func.func @transform_3(%arg0: i32) -> (i32, i32) {
    %c0_i32 = arith.constant 0 : i32
    %c0_i32_0 = arith.constant 0 : i32
    %c0_i32_1 = arith.constant 0 : i32
    return %c0_i32, %c0_i32_0 : i32, i32
  }
  func.func @transform_4(%arg0: i32) -> (i32, i32) {
    %c0_i32 = arith.constant 0 : i32
    %c0_i32_0 = arith.constant 0 : i32
    %c0_i32_1 = arith.constant 0 : i32
    return %c0_i32, %c0_i32_0 : i32, i32
  }
  func.func @transform_5(%arg0: i32) -> (i32, i32) {
    %c0_i32 = arith.constant 0 : i32
    %c0_i32_0 = arith.constant 0 : i32
    %c0_i32_1 = arith.constant 0 : i32
    return %c0_i32, %c0_i32_0 : i32, i32
  }
  func.func @transform_6(%arg0: i32) -> (i32, i32) {
    %c0_i32 = arith.constant 0 : i32
    %c0_i32_0 = arith.constant 0 : i32
    return %arg0, %c0_i32 : i32, i32
  }
}

</mosaic_0001>

<sc_bundles>
// kernel: kernel.19.cloned.1.call-start
scs
__scs_entry_jumppad:
0x0: {  	(pc) =	sbr.rel $0x88, $3  }
0x1: {  	(tag) =	ssettag $0x0;
	lr =	simm.s32 $0x1  }
0x2: {  	[smem:$0x3F89] =	sst lr;
	_ =	strace $0xD0000000  }
0x3: {  	_ = 	snop  }
0x4: {  	_ = 	snop  }
0x5: {  	_ = 	snop  }
0x6: {  	_ = 	snop  }
0x7: {  	_ = 	snop  }
__scs_overlays_trampoline_lowered:
0x8: {  	[smem:$0x3F98] =	sst s0  }
0x9: {  	[smem:$0x3F99] =	sst s1  }
0xa: {  	[smem:$0x3F9A] =	sst s2  }
0xb: {  	[smem:$0x3F9B] =	sst s3  }
0xc: {  	[smem:$0x3F9C] =	sst s4  }
0xd: {  	[smem:$0x3F9D] =	sst s5  }
0xe: {  	[smem:$0x3F9E] =	sst s6  }
0xf: {  	[smem:$0x3F9F] =	sst s7  }
0x10: {  	[smem:$0x3FA0] =	sst s8  }
0x11: {  	[smem:$0x3FA1] =	sst s9;
	s0 =	simm.s32 @!p0 $0x0  }
0x12: {  	s1 =	sld [smem:$0x3F87];
	s0 =	simm.s32 @p0 $0x1  }
0x13: {  	[smem:$0x3FA2] =	sst s0;
	s0 =	simm.s32 @!p1 $0x0  }
0x14: {  	s2 =	sld [smem:$0x3F86];
	s0 =	simm.s32 @p1 $0x1  }
0x15: {  	[smem:$0x3FA3] =	sst s0;
	s0 =	simm.s32 @!p2 $0x0  }
0x16: {  	s3 =	sld [smem:$0x3FDB];
	s0 =	simm.s32 @p2 $0x1  }
0x17: {  	s4 =	simm.s32 $0x1BF5;
	[smem:$0x3FA5] =	sst s0  }
0x18: {  	s0 =	sld [smem:$0x3F88];
	_ =	swait.ge [sflag:s4], $0x0  }
0x19: {  	s7 =	sld [smem:$0x3F89]  }
0x1a: {  	s8 =	sadd.s32 $0xFFFFE003, lr  }
0x1b: {  	s9 =	sadd.s32 $0xFFFFFEF7, lr;
	s5 =	simm.s32 $0xFFFFFFFF;
	p2 =	slt.u32 s8, $0xFFFFF086  }
0x1c: {  	p1 =	slt.u32 s9, $0xF7A;
	s5 =	simm.s32 @!p2 $0x0  }
0x1d: {  	s5 =	simm.s32 @p1 $0x1;
	p0 =	seq.s32 s7, s2  }
0x1e: {  	s7 =	smul.u32 @!p0 $0xF7A, s2;
	p2 =	seq.s32 @!p0 s5, $0x0  }
0x1f: {  	s9 =	smul.u32 $0xF7A, s1;
	s8 =	simm.s32 @!p0 $0x1BF5;
	p2 =	por !p2, p0  }
0x20: {  	[sflag:s8] =	ssyncset.s32 @!p0 $0xFFFFF086;
	s6 =	sadd.s32 @!p0 s3, s7;
	s7 =	simm.s32 @!p0 $0x108  }
0x21: {  	s3 =	sadd.s32 s3, s9;
	s6 =	sadd.s32 @!p0 $0x88, s6;
	s7 =	simm.s32 @p2 $0x1082  }
0x22: {  	[simem:s7], [sflag:s8] =	dma.local @!p0 [hbm:s6], $0xF7A  }
0x23: {  	s9 =	sor.u32 $0xD0000000, s2;
	s6 =	simm.s32 $0x108;
	_ =	swait.ge @!p0 [sflag:s8], $0x0  }
0x24: {  	s3 =	sadd.s32 $0x88, s3;
	s6 =	simm.s32 @!p1 $0x1082;
	[sflag:s4] =	ssyncset.s32 $0xFFFFF086  }
0x25: {  	[simem:s6], [sflag:s4] =	dma.local [hbm:s3], $0xF7A  }
0x26: {  	[smem:$0x3F89] =	sst s1;
	(tag) =	ssettag s2;
	_ =	strace s9  }
0x27: {  	s1 =	sld [smem:$0x3F99]  }
0x28: {  	s2 =	sld [smem:$0x3F9A]  }
0x29: {  	s4 =	sld [smem:$0x3F9C]  }
0x2a: {  	p0 =	seq.s32 s5, $0x0;
	s5 =	sld [smem:$0x3F9D]  }
0x2b: {  	s6 =	sld [smem:$0x3F9E]  }
0x2c: {  	s7 =	sld [smem:$0x3F9F]  }
0x2d: {  	s3 =	simm.s32 $0x108;
	s8 =	sld [smem:$0x3FA0]  }
0x2e: {  	s3 =	simm.s32 @!p0 $0x1082;
	s9 =	sld [smem:$0x3FA1]  }
0x2f: {  	lr =	sadd.s32 s0, s3;
	s0 =	sld [smem:$0x3F98]  }
0x30: {  	s3 =	sld [smem:$0x3F9B]  }
0x31: {  	[smem:$0x3FA4] =	sst s10  }
0x32: {  	s10 =	sld [smem:$0x3FA2];
	_ =	sdelay $0x3  }
0x33: {  	p0 =	seq.s32 s10, $0x1;
	s10 =	sld [smem:$0x3FA4];
	_ =	sdelay $0x3  }
0x34: {  	[smem:$0x3FA4] =	sst s10  }
0x35: {  	s10 =	sld [smem:$0x3FA3];
	_ =	sdelay $0x3  }
0x36: {  	p1 =	seq.s32 s10, $0x1;
	s10 =	sld [smem:$0x3FA4];
	_ =	sdelay $0x3  }
0x37: {  	[smem:$0x3FA4] =	sst s10  }
0x38: {  	s10 =	sld [smem:$0x3FA5]  }
0x39: {  	_ = 	snop;
	(pc) =	sbr.ind lr, $3  }
0x3a: {  	_ = 	snop  }
0x3b: {  	_ = 	snop  }
0x3c: {  	p2 =	seq.s32 s10, $0x1;
	s10 =	sld [smem:$0x3FA4]  }
0x3d: {  	_ =	shalt  }
0x3e: {  	_ =	shalt  }
0x3f: {  	_ =	shalt  }
0x40: {  	_ =	shalt  }
0x41: {  	_ =	shalt  }
0x42: {  	_ =	shalt  }
0x43: {  	_ =	shalt  }
0x44: {  	_ =	shalt  }
0x45: {  	_ =	shalt  }
0x46: {  	_ =	shalt  }
0x47: {  	_ =	shalt  }
0x48: {  	_ =	shalt  }
0x49: {  	_ =	shalt  }
0x4a: {  	_ =	shalt  }
0x4b: {  	_ =	shalt  }
0x4c: {  	_ =	shalt  }
0x4d: {  	_ =	shalt  }
0x4e: {  	_ =	shalt  }
0x4f: {  	_ =	shalt  }
0x50: {  	_ =	shalt  }
0x51: {  	_ =	shalt  }
0x52: {  	_ =	shalt  }
0x53: {  	_ =	shalt  }
0x54: {  	_ =	shalt  }
0x55: {  	_ =	shalt  }
0x56: {  	_ =	shalt  }
0x57: {  	_ =	shalt  }
0x58: {  	_ =	shalt  }
0x59: {  	_ =	shalt  }
0x5a: {  	_ =	shalt  }
0x5b: {  	_ =	shalt  }
0x5c: {  	_ =	shalt  }
0x5d: {  	_ =	shalt  }
0x5e: {  	_ =	shalt  }
0x5f: {  	_ =	shalt  }
0x60: {  	_ =	shalt  }
0x61: {  	_ =	shalt  }
0x62: {  	_ =	shalt  }
0x63: {  	_ =	shalt  }
0x64: {  	_ =	shalt  }
0x65: {  	_ =	shalt  }
0x66: {  	_ =	shalt  }
0x67: {  	_ =	shalt  }
0x68: {  	_ =	shalt  }
0x69: {  	_ =	shalt  }
0x6a: {  	_ =	shalt  }
0x6b: {  	_ =	shalt  }
0x6c: {  	_ =	shalt  }
0x6d: {  	_ =	shalt  }
0x6e: {  	_ =	shalt  }
0x6f: {  	_ =	shalt  }
0x70: {  	_ =	shalt  }
0x71: {  	_ =	shalt  }
0x72: {  	_ =	shalt  }
0x73: {  	_ =	shalt  }
0x74: {  	_ =	shalt  }
0x75: {  	_ =	shalt  }
0x76: {  	_ =	shalt  }
0x77: {  	_ =	shalt  }
0x78: {  	_ =	shalt  }
0x79: {  	_ =	shalt  }
0x7a: {  	_ =	shalt  }
0x7b: {  	_ =	shalt  }
0x7c: {  	_ =	shalt  }
0x7d: {  	_ =	shalt  }
0x7e: {  	_ =	shalt  }
0x7f: {  	_ =	shalt  }
0x80: {  	_ =	shalt  }
0x81: {  	_ =	shalt  }
0x82: {  	_ =	shalt  }
0x83: {  	_ =	shalt  }
0x84: {  	_ =	shalt  }
0x85: {  	_ =	shalt  }
0x86: {  	_ =	shalt  }
0x87: {  	_ =	shalt  }
.Lfunc_end0:
.L_simem_size_0:
called_computation_lowered:
.L_overlay_start_0:
0x88: {  	s2 =	sld [smem:$0x3FD9]  }
0x89: {  	s3 =	sld [smem:$0x3FFE];
	_ =	sdelay $0x1  }
0x8a: {  	s1 =	srdreg.scid  }
0x8b: {  	s0 =	sand.u32 $0x1, s1  }
0x8c: {  	s17 =	sshll.u32 s0, $0xA;
	s2 =	sadd.s32 s3, s2  }
0x8d: {  	s2 =	sadd.s32 s2, s17  }
0x8e: {  	[smem:$0x3FB0] =	sst s2  }
0x8f: {  	_ = 	snop  }
0x90: {  	s2 =	sld [smem:$0x3FD0];
	(tm) =	ssettm $0x1  }
0x91: {  	s18 =	sld [smem:$0x3FFB];
	_ =	sdelay $0x3  }
0x92: {  	_ =	strace s18  }
0x93: {  	s3 =	sld [smem:$0x3FFC];
	_ =	sdelay $0x3  }
0x94: {  	_ =	strace s3  }
0x95: {  	s3 =	sld [smem:$0x3FFD];
	_ =	sdelay $0x3  }
0x96: {  	_ =	strace s3  }
0x97: {  	_ =	strace $0x8FFFFFFF  }
0x98: {  	s19 =	sld [smem:$0x3FDB];
	_ =	sdelay $0x1  }
0x99: {  	s4 =	simm.s32 $_scs_section_size  }
0x9a: {  	s5 =	simm.s32 $_size__tile_overlayer_lowered;
	s6 =	simm.s32 $_tile_overlayer_lowered  }
0x9b: {  	s22 =	simm.s32 $0x1BFF;
	s21 =	sshll.u32 s6, $0x1;
	s3 =	sadd.s32 s4, s19  }
0x9c: {  	s7 =	simm.s32 $0x0;
	s20 =	sshll.u32 s5, $0x1;
	s5 =	sadd.s32 s21, s3  }
0x9d: {  	[timem:s7], [sflag:s22] =	dma.local [hbm:s5], s20  }
0x9e: {  	_ =	swait.ge [sflag:s22], s20  }
0x9f: {  	s4 =	ssub.s32 $0x0, s20;
	[sflag:s22] =	ssyncset.done $0x0  }
0xa0: {  	[sflag:s22] =	ssyncadd.s32 s4;
	_ =	sdelay $0x1  }
0xa1: {  	s23 =	simm.s32 $0x1B8B  }
0xa2: {  	_ =	swait.ge [sflag:s23], $0x1  }
0xa3: {  	[sflag:s23] =	ssyncset.done $0x0  }
0xa4: {  	s25 =	simm.s32 $0x1B8E;
	s24 =	sld [smem:$0x3FFE];
	[sflag:s23] =	ssyncadd.s32 $0xFFFFFFFF  }
0xa5: {  	s26 =	simm.s32 $execute0_lowered;
	[smem:$0x3FD2] =	sst s25  }
0xa6: {  	s5 =	sshll.u32 s26, $0x1;
	_ =	strace $0x80000046;
	[dreg:$0x1] =	wrdreg $0xFFFFFFFF  }
0xa7: {  	s28 =	simm.s32 $_size_execute0_lowered;
	s3 =	sadd.s32 s3, s5;
	[dreg:$0x0] =	wrdreg $0x0  }
0xa8: {  	s5 =	sshll.u32 s28, $0x1;
	[dreg:$0x2] =	wrdreg s3  }
0xa9: {  	[dreg:$0x3] =	wrdreg s5  }
0xaa: {  	[dreg:$0x4] =	wrdreg $0xC0  }
0xab: {  	_ =	task [dreg:s7], $0x5FFFF  }
0xac: {  	[dreg:$0x1] =	wrdreg $0xFFFFFFFF  }
0xad: {  	[dreg:$0x0] =	wrdreg $0x60  }
0xae: {  	[dreg:$0x2] =	wrdreg s24  }
0xaf: {  	[dreg:$0x3] =	wrdreg s2  }
0xb0: {  	[dreg:$0x4] =	wrdreg $0x0  }
0xb1: {  	[dreg:$0x5] =	wrdreg $0x9  }
0xb2: {  	_ =	task.clear_ibuf [dreg:s7], $0x6FFFF;
	_ =	strace $0x90000046  }
0xb3: {  	s29 =	simm.s32 $0x9;
	_ =	strace $0x80000048  }
0xb4: {  	_ =	swait.ge [sflag:s29], $0x1  }
0xb5: {  	[sflag:s29] =	ssyncadd.s32 $0xFFFFFFFF  }
0xb6: {  	_ =	strace $0x90000048  }
0xb7: {  	_ =	sfence  }
0xb8: {  	s30 =	sld [smem:$0x0];
	_ =	sdelay $0x2  }
0xb9: {  	s31 =	sshll.u32 s1, $0xD;
	s1 =	sshrl.u32 s1, $0x2  }
0xba: {  	s3 =	sand.u32 $0x4000, s31;
	s1 =	sadd.s32 s1, s30  }
0xbb: {  	s0 =	sor.u32 s3, s0;
	s1 =	sshll.u32 s1, $0x11  }
0xbc: {  	s0 =	sor.u32 s1, s0  }
0xbd: {  	s0 =	sadd.s32 $0x8F2B, s0  }
0xbe: {  	[sflag:s0] =	ssyncadd.remote.s32 $0x1  }
0xbf: {  	_ =	sfence.sel $0xFFFF  }
0xc0: {  	[dreg:$0x0] =	wrdreg $0xFFFFFFFF;
	(pc) =	sbr.abs _section_cstart, $3  }
0xc1: {  	[dreg:$0x1] =	wrdreg $0xFFFFFFFF  }
0xc2: {  	_ =	task.clear_ibuf [dreg:s7], $0x2FFFF;
	_ =	strace $0x9FFFFFFF  }
0xc3: {  	(tm) =	ssettm $0x7FFFFFFF  }
tec
execute0_lowered:
.L_overlay_start_1:
0x0: {  	(tag) =	ssettag $0x1  }
0x1: {  	s0 =	rddreg [dreg:$0x0]  }
0x2: {  	s1 =	rddreg [dreg:$0x1]  }
0x3: {  	s2 =	rddreg [dreg:$0x2]  }
0x4: {  	s3 =	simm.s32 $0x0;
	s4 =	srdreg.scid;
	s11 =	stileid.u32  }
0x5: {  	[smem:$0x7FF] =	sst s3;
	s5 =	sadd.s32 $0x1CE00, s0;
	s4 =	sand.u32 $0x1, s4  }
0x6: {  	s6 =	sadd.s32 $0x44E00, s0;
	s10 =	smul.u32 $0x14000, s11;
	s7 =	ssub.s32 $0x2, s4  }
0x7: {  	s9 =	sshll.u32 s11, $0x1;
	_ =	strace $0x80000047;
	s8 =	sshrl.u32 s7, $0x1  }
0x8: {  	s12 =	sadd.s32 $0x5000, s10;
	s13 =	sadd.s32 $0x7800, s10;
	s22 =	sadd.s32 $0xA000, s10  }
0x9: {  	s7 =	ssub.s32 s7, s8;
	s8 =	sor.u32 s4, s9;
	s4 =	smul.u32 $0x140000, s4  }
0xa: {  	s23 =	sadd.s32 $0xC800, s10;
	s9 =	smul.u32 $0x50000, s11;
	s11 =	sor.u32 $0x2800, s10  }
0xb: {  	s24 =	sadd.s32 $0xF000, s10;
	s14 =	sadd.s32 s10, s4;
	s15 =	sadd.s32 s4, s11  }
0xc: {  	s10 =	sadd.s32 $0x11800, s10;
	s18 =	sadd.s32 s4, s12;
	s19 =	sadd.s32 s4, s13  }
0xd: {  	s16 =	sadd.s32 s4, s22;
	s26 =	sadd.s32 s4, s23;
	s29 =	sadd.s32 s4, s24  }
0xe: {  	s9 =	sshrl.u32 s9, $0x2;
	s22 =	sadd.s32 s22, s2;
	s23 =	sadd.s32 s23, s2  }
0xf: {  	s24 =	sadd.s32 s24, s2;
	s14 =	sshrl.u32 s14, $0x3;
	s15 =	sshrl.u32 s15, $0x3  }
0x10: {  	s20 =	sshrl.u32 s19, $0x3;
	s21 =	sshrl.u32 s16, $0x3;
	s4 =	sadd.s32 s4, s10  }
0x11: {  	s30 =	sshrl.u32 s29, $0x3;
	s16 =	sadd.s32 $0x11000, s0;
	s28 =	sadd.s32 s9, s2  }
0x12: {  	s19 =	smul.u32 $0x2710, s8;
	s9 =	simm.s32 $0x50;
	s14 =	sadd.s32 s6, s14  }
0x13: {  	s17 =	sadd.s32 s6, s15;
	s25 =	sadd.s32 s6, s21;
	s4 =	sshrl.u32 s4, $0x3  }
0x14: {  	s15 =	sadd.s32 $0x7200, s0;
	s21 =	sadd.s32 s13, s2;
	[dreg:$0x4] =	wrdreg s14  }
0x15: {  	s13 =	simm.s32 $0x14200;
	[dreg:$0x5] =	wrdreg s17;
	s14 =	sshrl.u32 s18, $0x3  }
0x16: {  	[dreg:$0x8] =	wrdreg s25;
	s4 =	sadd.s32 s6, s4;
	s17 =	sadd.s32 s11, s2  }
0x17: {  	s18 =	sadd.s32 s12, s2;
	s25 =	sadd.s32 s10, s2;
	[dreg:$0xb] =	wrdreg s4  }
0x18: {  	s31 =	sadd.s32 $0xA0, s19;
	s10 =	simm.s32 $0x1;
	[dreg:$0xc] =	wrdreg s17  }
0x19: {  	s11 =	simm.s32 $0x4;
	s14 =	sadd.s32 s6, s14;
	[dreg:$0xd] =	wrdreg s18  }
0x1a: {  	[dreg:$0x6] =	wrdreg s14;
	s14 =	sadd.s32 s6, s20;
	s20 =	sshrl.u32 s19, $0x3  }
0x1b: {  	[dreg:$0x7] =	wrdreg s14;
	s14 =	sshrl.u32 s26, $0x3;
	s26 =	sadd.s32 s15, s20  }
0x1c: {  	s12 =	simm.s32 $0x2;
	s29 =	sadd.s32 s1, s20;
	[dreg:$0xe] =	wrdreg s26  }
.Ltmp0:
0x1d: {  	s14 =	sadd.s32 s6, s14;
	[dreg:$0xf] =	wrdreg s29;
	(pc) =	sbr.rel .LBB2_1-.Ltmp0, $4  }
0x1e: {  	s4 =	simm.s32 $0x3;
	[dreg:$0x9] =	wrdreg s14;
	s14 =	sadd.s32 s6, s30  }
0x1f: {  	s30 =	smax.u32 s7, $0x1;
	s7 =	simm.s32 $0x14080;
	[dreg:$0xa] =	wrdreg s14  }
0x20: {  	s14 =	sadd.s32 $0x1AE00, s0;
	s0 =	sadd.s32 s16, s20;
	[dreg:$0x11] =	wrdreg s30  }
0x21: {  	v0 =	vimm.f32 $0.0e+00;
	s6 =	simm.s32 $0x19300;
	[dreg:$0x10] =	wrdreg s0;
	s0 =	simm.s32 $0x14300  }
.LBB2_11:
0x22: {  	s8 =	stileid.u32  }
0x23: {  	[bflag:$0x0] =	sbarrier.arrive $0xFFFF;
	s8 =	sshll.u32 s8, $0x6  }
0x24: {  	s17 =	sshrl.u32 s20, $0x3;
	s18 =	rddreg [dreg:$0x4];
	s8 =	sor.u32 $0x1C03, s8  }
0x25: {  	[hbm:s18], [sflag:s8] =	dma.local [spmem:s17], $0x500  }
0x26: {  	_ =	swait.ge [sflag:s4], $0x500  }
0x27: {  	[sflag:s4] =	ssyncset.done $0x0;
	s29 =	rddreg [dreg:$0xc]  }
0x28: {  	s30 =	rddreg [dreg:$0x5];
	[sflag:s4] =	ssyncadd.s32 $0xFFFFFB00;
	s17 =	sshrl.u32 s29, $0x3  }
0x29: {  	[hbm:s30], [sflag:s8] =	dma.local [spmem:s17], $0x500  }
0x2a: {  	_ =	swait.ge [sflag:s4], $0x500  }
0x2b: {  	s28 =	smov.u32 s20;
	[sflag:s4] =	ssyncset.done $0x0;
	s20 =	rddreg [dreg:$0xd]  }
0x2c: {  	s26 =	rddreg [dreg:$0x6];
	[sflag:s4] =	ssyncadd.s32 $0xFFFFFB00;
	s17 =	sshrl.u32 s20, $0x3  }
0x2d: {  	[hbm:s26], [sflag:s8] =	dma.local [spmem:s17], $0x500  }
0x2e: {  	_ =	swait.ge [sflag:s4], $0x500  }
0x2f: {  	[sflag:s4] =	ssyncset.done $0x0  }
0x30: {  	s29 =	sshrl.u32 s21, $0x3;
	s30 =	rddreg [dreg:$0x7];
	[sflag:s4] =	ssyncadd.s32 $0xFFFFFB00  }
0x31: {  	[hbm:s30], [sflag:s8] =	dma.local [spmem:s29], $0x500  }
0x32: {  	_ =	swait.ge [sflag:s4], $0x500  }
0x33: {  	[sflag:s4] =	ssyncset.done $0x0  }
0x34: {  	s20 =	sshrl.u32 s22, $0x3;
	s26 =	rddreg [dreg:$0x8];
	[sflag:s4] =	ssyncadd.s32 $0xFFFFFB00  }
0x35: {  	[hbm:s26], [sflag:s8] =	dma.local [spmem:s20], $0x500  }
0x36: {  	_ =	swait.ge [sflag:s4], $0x500  }
0x37: {  	[sflag:s4] =	ssyncset.done $0x0  }
0x38: {  	s29 =	sshrl.u32 s23, $0x3;
	s30 =	rddreg [dreg:$0x9];
	[sflag:s4] =	ssyncadd.s32 $0xFFFFFB00  }
0x39: {  	[hbm:s30], [sflag:s8] =	dma.local [spmem:s29], $0x500  }
0x3a: {  	_ =	swait.ge [sflag:s4], $0x500  }
0x3b: {  	[sflag:s4] =	ssyncset.done $0x0  }
0x3c: {  	s18 =	sshrl.u32 s24, $0x3;
	s20 =	rddreg [dreg:$0xa];
	[sflag:s4] =	ssyncadd.s32 $0xFFFFFB00  }
0x3d: {  	[hbm:s20], [sflag:s8] =	dma.local [spmem:s18], $0x500  }
0x3e: {  	_ =	swait.ge [sflag:s4], $0x500  }
0x3f: {  	[sflag:s4] =	ssyncset.done $0x0  }
0x40: {  	s26 =	sshrl.u32 s25, $0x3;
	s29 =	rddreg [dreg:$0xb];
	[sflag:s4] =	ssyncadd.s32 $0xFFFFFB00  }
0x41: {  	[hbm:s29], [sflag:s8] =	dma.local [spmem:s26], $0x500  }
0x42: {  	_ =	swait.ge [sflag:s4], $0x500  }
0x43: {  	s3 =	sadd.s32 $0x1, s3;
	s30 =	rddreg [dreg:$0x11]  }
0x44: {  	p0 =	sne.s32 s3, s30  }
.Ltmp1:
0x45: {  	_ = 	snop;
	(pc) =	sbr.rel @!p0 .LBB2_12-.Ltmp1, $3  }
0x46: {  	_ =	sdelay $0x1  }
0x47: {  	[sflag:s4] =	ssyncset.done $0x0  }
0x48: {  	[sflag:s4] =	ssyncadd.s32 $0xFFFFFB00  }
.LBB2_1:
0x49: {  	s8 =	simm.s32 $0x0;
	s26 =	simm.s32 $0x200  }
.LBB2_2:
0x4a: {  	p0 =	sne.s32 s26, $0x9E00;
	[tilespmem:s8+$0x14370] =	vst v0  }
0x4b: {  	[tilespmem:s8+$0x14300] =	vst v0  }
0x4c: {  	[tilespmem:s8+$0x14310] =	vst v0  }
.Ltmp2:
0x4d: {  	[tilespmem:s8+$0x14320] =	vst v0;
	(pc) =	sbr.rel @p0 .LBB2_2-.Ltmp2, $4  }
0x4e: {  	[tilespmem:s8+$0x14330] =	vst v0  }
0x4f: {  	[tilespmem:s8+$0x14340] =	vst v0  }
0x50: {  	[tilespmem:s8+$0x14350] =	vst v0  }
0x51: {  	[tilespmem:s8+$0x14360] =	vst v0;
	s8 =	sshra.s32 s26, $0x2;
	s26 =	sadd.s32 $0x200, s26  }
0x52: {  	[tilespmem:s8+$0x14370] =	vst v0  }
0x53: {  	[tilespmem:s8+$0x14300] =	vst v0  }
0x54: {  	[tilespmem:s8+$0x14310] =	vst v0  }
0x55: {  	[tilespmem:s8+$0x14320] =	vst v0  }
0x56: {  	[tilespmem:s8+$0x14330] =	vst v0  }
0x57: {  	[tilespmem:s8+$0x14340] =	vst v0  }
0x58: {  	[tilespmem:s8+$0x14350] =	vst v0  }
0x59: {  	[tilespmem:s8+$0x14360] =	vst v0  }
0x5a: {  	[spmem:s28] =	stream.linear.scatter [tilespmem:s0], [sflag:$0x3], $0x2800, $0x38;
	[tilespmem:$0x1E300] =	vst v63  }
0x5b: {  	_ =	swait.ge [sflag:s4], $0x2800  }
0x5c: {  	[sflag:s4] =	ssyncset.done $0x0  }
0x5d: {  	s30 =	rddreg [dreg:$0xc];
	[sflag:s4] =	ssyncadd.s32 $0xFFFFD800  }
0x5e: {  	[spmem:s30] =	stream.linear.scatter [tilespmem:s0], [sflag:$0x3], $0x2800, $0x38;
	[tilespmem:$0x1E300] =	vst v63  }
0x5f: {  	_ =	swait.ge [sflag:s4], $0x2800  }
0x60: {  	[sflag:s4] =	ssyncset.done $0x0  }
0x61: {  	s17 =	rddreg [dreg:$0xd];
	[sflag:s4] =	ssyncadd.s32 $0xFFFFD800  }
0x62: {  	[spmem:s17] =	stream.linear.scatter [tilespmem:s0], [sflag:$0x3], $0x2800, $0x38;
	[tilespmem:$0x1E300] =	vst v63  }
0x63: {  	_ =	swait.ge [sflag:s4], $0x2800  }
0x64: {  	[sflag:s4] =	ssyncset.done $0x0  }
0x65: {  	[sflag:s4] =	ssyncadd.s32 $0xFFFFD800  }
0x66: {  	[spmem:s21] =	stream.linear.scatter [tilespmem:s0], [sflag:$0x3], $0x2800, $0x38;
	[tilespmem:$0x1E300] =	vst v63  }
0x67: {  	_ =	swait.ge [sflag:s4], $0x2800  }
0x68: {  	[sflag:s4] =	ssyncset.done $0x0  }
0x69: {  	[sflag:s4] =	ssyncadd.s32 $0xFFFFD800  }
0x6a: {  	[spmem:s22] =	stream.linear.scatter [tilespmem:s0], [sflag:$0x3], $0x2800, $0x38;
	[tilespmem:$0x1E300] =	vst v63  }
0x6b: {  	_ =	swait.ge [sflag:s4], $0x2800  }
0x6c: {  	[sflag:s4] =	ssyncset.done $0x0  }
0x6d: {  	[sflag:s4] =	ssyncadd.s32 $0xFFFFD800  }
0x6e: {  	[spmem:s23] =	stream.linear.scatter [tilespmem:s0], [sflag:$0x3], $0x2800, $0x38;
	[tilespmem:$0x1E300] =	vst v63  }
0x6f: {  	_ =	swait.ge [sflag:s4], $0x2800  }
0x70: {  	[sflag:s4] =	ssyncset.done $0x0  }
0x71: {  	[sflag:s4] =	ssyncadd.s32 $0xFFFFD800  }
0x72: {  	[spmem:s24] =	stream.linear.scatter [tilespmem:s0], [sflag:$0x3], $0x2800, $0x38;
	[tilespmem:$0x1E300] =	vst v63  }
0x73: {  	_ =	swait.ge [sflag:s4], $0x2800  }
0x74: {  	[sflag:s4] =	ssyncset.done $0x0  }
0x75: {  	[sflag:s4] =	ssyncadd.s32 $0xFFFFD800  }
0x76: {  	[spmem:s25] =	stream.linear.scatter [tilespmem:s0], [sflag:$0x3], $0x2800, $0x38;
	[tilespmem:$0x1E300] =	vst v63  }
0x77: {  	_ =	swait.ge [sflag:s4], $0x2800  }
0x78: {  	s26 =	simm.s32 $0x0;
	[sflag:s4] =	ssyncset.done $0x0  }
0x79: {  	s17 =	simm.s32 $0x14000;
	s18 =	rddreg [dreg:$0xe];
	[sflag:s4] =	ssyncadd.s32 $0xFFFFD800  }
0x7a: {  	[tilespmem:s17], [sflag:$0x3] =	stream.linear.gather [hbm4b:s18+s26], $0x50, $0x38;
	[tilespmem:$0x1E300] =	vst v63  }
0x7b: {  	_ =	swait.ge [sflag:s4], $0x50  }
0x7c: {  	[sflag:s4] =	ssyncset.done $0x0  }
0x7d: {  	s20 =	smov.u32 s28;
	s28 =	rddreg [dreg:$0xf];
	[sflag:s4] =	ssyncadd.s32 $0xFFFFFFB0  }
0x7e: {  	[tilespmem:s7], [sflag:$0x3] =	stream.linear.gather [hbm4b:s28+s26], $0x50, $0x38;
	[tilespmem:$0x1E300] =	vst v63  }
0x7f: {  	_ =	swait.ge [sflag:s4], $0x50  }
0x80: {  	[sflag:s4] =	ssyncset.done $0x0  }
0x81: {  	s18 =	simm.s32 $0x14100;
	s29 =	rddreg [dreg:$0x10];
	[sflag:s4] =	ssyncadd.s32 $0xFFFFFFB0  }
0x82: {  	[tilespmem:s18], [sflag:$0x3] =	stream.linear.gather [hbm4b:s29+s26], $0x50, $0x38;
	[tilespmem:$0x1E300] =	vst v63  }
0x83: {  	_ =	swait.ge [sflag:s4], $0x50  }
0x84: {  	[sflag:s4] =	ssyncset.done $0x0  }
0x85: {  	[sflag:s4] =	ssyncadd.s32 $0xFFFFFFB0  }
0x86: {  	[tilespmem:s0], [sflag:$0x1] =	stream.indirect.gather [hbm4b:s5+s9], $0x80, s17, s9, $0xb8;
	[tilespmem:$0x1E300] =	vst v63  }
.Ltmp3:
0x87: {  	_ = 	snop;
	(pc) =	sbr.rel .LBB2_4-.Ltmp3, $3  }
0x88: {  	s30 =	simm.s32 $0x16B00  }
0x89: {  	[tilespmem:s30], [sflag:$0x1] =	stream.indirect.gather [hbm4b:s14+s9], $0x80, s18, s9, $0xb8;
	[tilespmem:$0x1E300] =	vst v63  }
0x8a: {  	[bflag:$0x0] =	sbarrier.arrive $0xFFFF;
	_ =	sdelay $0x1  }
.LBB2_10:
0x8b: {  	s26 =	sadd.s32 $0x1, s26  }
0x8c: {  	p0 =	sne.s32 s26, $0x3F  }
.Ltmp4:
0x8d: {  	_ = 	snop;
	(pc) =	sbr.rel @!p0 .LBB2_11-.Ltmp4, $1  }
0x8e: {  	_ =	sdelay $0x3  }
.LBB2_4:
0x8f: {  	s8 =	sshllo.u32 s26, $0x1  }
0x90: {  	p0 =	sgt.u32 s8, $0x7C  }
0x91: {  	s8 =	smul.u32 @!p0 $0x50, s8;
	_ =	sdelay $0x1  }
0x92: {  	s8 =	sadd.s32 @!p0 s19, s8  }
0x93: {  	s8 =	sshrl.u32 @!p0 s8, $0x3  }
0x94: {  	s29 =	simm.s32 @!p0 $0x0;
	s30 =	simm.s32 @!p0 $0x14180;
	s28 =	sadd.s32 @!p0 s15, s8  }
0x95: {  	[tilespmem:s30], [sflag:$0x4] =	stream.linear.gather @!p0 [hbm4b:s28+s29], $0x50, $0x38;
	[tilespmem:$0x1E300] =	vst v63  }
0x96: {  	s28 =	simm.s32 @!p0 $0x4  }
0x97: {  	_ =	swait.ge @!p0 [sflag:s28], $0x50  }
0x98: {  	[sflag:s28] =	ssyncset.done @!p0 $0x0  }
0x99: {  	s18 =	simm.s32 @!p0 $0x14200;
	s17 =	sadd.s32 @!p0 s1, s8;
	[sflag:s28] =	ssyncadd.s32 @!p0 $0xFFFFFFB0  }
0x9a: {  	[tilespmem:s18], [sflag:$0x4] =	stream.linear.gather @!p0 [hbm4b:s17+s29], $0x50, $0x38;
	[tilespmem:$0x1E300] =	vst v63  }
0x9b: {  	_ =	swait.ge @!p0 [sflag:s28], $0x50  }
0x9c: {  	[sflag:s28] =	ssyncset.done @!p0 $0x0  }
0x9d: {  	s8 =	sadd.s32 @!p0 s16, s8;
	s17 =	simm.s32 @!p0 $0x14280;
	[sflag:s28] =	ssyncadd.s32 @!p0 $0xFFFFFFB0  }
0x9e: {  	[tilespmem:s17], [sflag:$0x4] =	stream.linear.gather @!p0 [hbm4b:s8+s29], $0x50, $0x38;
	[tilespmem:$0x1E300] =	vst v63  }
0x9f: {  	_ =	swait.ge @!p0 [sflag:s28], $0x50  }
0xa0: {  	[sflag:s28] =	ssyncset.done @!p0 $0x0  }
0xa1: {  	s18 =	simm.s32 @!p0 $0x19300;
	s8 =	simm.s32 @!p0 $0x50;
	[sflag:s28] =	ssyncadd.s32 @!p0 $0xFFFFFFB0  }
0xa2: {  	[tilespmem:s18], [sflag:$0x2] =	stream.indirect.gather @!p0 [hbm4b:s5+s8], $0x80, s30, s8, $0xb8;
	[tilespmem:$0x1E300] =	vst v63  }
0xa3: {  	s18 =	simm.s32 @!p0 $0x1BB00  }
0xa4: {  	[tilespmem:s18], [sflag:$0x2] =	stream.indirect.gather @!p0 [hbm4b:s14+s8], $0x80, s17, s8, $0xb8;
	[tilespmem:$0x1E300] =	vst v63  }
0xa5: {  	_ =	swait.ge [sflag:s10], $0x2800  }
0xa6: {  	[sflag:s10] =	ssyncset.done $0x0  }
0xa7: {  	[sflag:s10] =	ssyncadd.s32 $0xFFFFD800  }
0xa8: {  	_ =	swait.ge [sflag:s10], $0x2800  }
0xa9: {  	[sflag:s10] =	ssyncset.done $0x0  }
0xaa: {  	s28 =	simm.s32 $0x0;
	[sflag:s10] =	ssyncadd.s32 $0xFFFFD800  }
0xab: {  	v7 =	vld [tilespmem:s28+$0x16B00]  }
0xac: {  	v12 =	vld [tilespmem:s28+$0x16B10]  }
0xad: {  	v6 =	vld [tilespmem:s28+$0x16B20]  }
0xae: {  	v5 =	vld [tilespmem:s28+$0x16B30]  }
0xaf: {  	v4 =	vld [tilespmem:s28+$0x16B40]  }
0xb0: {  	v3 =	vld [tilespmem:s28+$0x16B50]  }
0xb1: {  	v2 =	vld [tilespmem:s28+$0x16B60]  }
0xb2: {  	v1 =	vld [tilespmem:s28+$0x16B70]  }
0xb3: {  	v13 =	vld [tilespmem:s28+$0x14300]  }
0xb4: {  	v14 =	vld [tilespmem:s28+$0x14310]  }
0xb5: {  	v11 =	vld [tilespmem:s28+$0x14320]  }
0xb6: {  	v10 =	vld [tilespmem:s28+$0x14330]  }
0xb7: {  	v9 =	vld [tilespmem:s28+$0x14340]  }
0xb8: {  	v8 =	vld [tilespmem:s28+$0x14350];
	v13 =	vadd.f32 v7, v13  }
0xb9: {  	s8 =	simm.s32 $0x200;
	v12 =	vadd.f32 v12, v14;
	v7 =	vld [tilespmem:s28+$0x14360]  }
.LBB2_5:
0xba: {  	s17 =	sshra.s32 s8, $0x2;
	p1 =	sne.s32 s8, $0x9E00;
	v13 =	vmax.f32 v13, $0.0e+00;
	v6 =	vadd.f32 v6, v11;
	v11 =	vld [tilespmem:s28+$0x14370]  }
0xbb: {  	v14 =	vld [tilespmem:s17+$0x16B00];
	[tilespmem:s28+$0x14300] =	vst v13;
	v12 =	vmax.f32 v12, $0.0e+00;
	v5 =	vadd.f32 v5, v10  }
0xbc: {  	v15 =	vld [tilespmem:s17+$0x16B10];
	[tilespmem:s28+$0x14310] =	vst v12;
	v10 =	vmax.f32 v6, $0.0e+00;
	v4 =	vadd.f32 v4, v9  }
0xbd: {  	v6 =	vld [tilespmem:s17+$0x16B20];
	[tilespmem:s28+$0x14320] =	vst v10;
	v9 =	vmax.f32 v5, $0.0e+00;
	v3 =	vadd.f32 v3, v8  }
0xbe: {  	v5 =	vld [tilespmem:s17+$0x16B30];
	[tilespmem:s28+$0x14330] =	vst v9;
	v8 =	vmax.f32 v4, $0.0e+00;
	v2 =	vadd.f32 v2, v7  }
0xbf: {  	v4 =	vld [tilespmem:s17+$0x16B40];
	[tilespmem:s28+$0x14340] =	vst v8;
	v7 =	vmax.f32 v3, $0.0e+00;
	v1 =	vadd.f32 v1, v11  }
0xc0: {  	v3 =	vld [tilespmem:s17+$0x16B50];
	[tilespmem:s28+$0x14350] =	vst v7;
	v7 =	vmax.f32 v2, $0.0e+00  }
0xc1: {  	v2 =	vld [tilespmem:s17+$0x16B60];
	[tilespmem:s28+$0x14360] =	vst v7;
	v7 =	vmax.f32 v1, $0.0e+00  }
0xc2: {  	v1 =	vld [tilespmem:s17+$0x16B70];
	[tilespmem:s28+$0x14370] =	vst v7;
	s28 =	smov.u32 s17  }
0xc3: {  	v7 =	vld [tilespmem:s28+$0x14300]  }
0xc4: {  	v12 =	vld [tilespmem:s28+$0x14310]  }
.Ltmp5:
0xc5: {  	v11 =	vld [tilespmem:s28+$0x14320];
	(pc) =	sbr.rel @p1 .LBB2_5-.Ltmp5, $4  }
0xc6: {  	v10 =	vld [tilespmem:s28+$0x14330]  }
0xc7: {  	v9 =	vld [tilespmem:s28+$0x14340]  }
0xc8: {  	v13 =	vadd.f32 v14, v7;
	v8 =	vld [tilespmem:s28+$0x14350]  }
0xc9: {  	s8 =	sadd.s32 $0x200, s8;
	v12 =	vadd.f32 v15, v12;
	v7 =	vld [tilespmem:s28+$0x14360]  }
0xca: {  	v13 =	vmax.f32 v13, $0.0e+00;
	v6 =	vadd.f32 v6, v11;
	v63 =	vld [tilespmem:s28+$0x14370]  }
0xcb: {  	[tilespmem:s28+$0x14300] =	vst v13;
	v12 =	vmax.f32 v12, $0.0e+00;
	v5 =	vadd.f32 v5, v10  }
0xcc: {  	[tilespmem:s28+$0x14310] =	vst v12;
	v6 =	vmax.f32 v6, $0.0e+00;
	v4 =	vadd.f32 v4, v9  }
0xcd: {  	[tilespmem:s28+$0x14320] =	vst v6;
	v5 =	vmax.f32 v5, $0.0e+00;
	v3 =	vadd.f32 v3, v8  }
0xce: {  	[tilespmem:s28+$0x14330] =	vst v5;
	v4 =	vmax.f32 v4, $0.0e+00;
	v2 =	vadd.f32 v2, v7  }
0xcf: {  	[tilespmem:s28+$0x14340] =	vst v4;
	v3 =	vmax.f32 v3, $0.0e+00;
	v1 =	vadd.f32 v1, v63  }
0xd0: {  	[tilespmem:s28+$0x14350] =	vst v3;
	v2 =	vmax.f32 v2, $0.0e+00  }
0xd1: {  	p1 =	seq.s32 s26, $0x3E;
	[tilespmem:s28+$0x14360] =	vst v2;
	v1 =	vmax.f32 v1, $0.0e+00  }
0xd2: {  	s8 =	smul.u32 @!p1 $0xA0, s26;
	[tilespmem:s28+$0x14370] =	vst v1  }
0xd3: {  	[spmem:s2] =	stream.indirect.scatter.add.f32 [tilespmem:s0], [sflag:$0x4], $0x80, s7, s9, $0xb8;
	[tilespmem:$0x1E300] =	vst v63  }
0xd4: {  	s8 =	sadd.s32 @!p1 s8, s31;
	_ =	swait.ge [sflag:s11], $0x2800  }
0xd5: {  	s18 =	simm.s32 @!p1 $0x0;
	s8 =	sshrl.u32 @!p1 s8, $0x3;
	[sflag:s11] =	ssyncset.done $0x0  }
0xd6: {  	s17 =	sadd.s32 @!p1 s15, s8;
	s28 =	simm.s32 @!p1 $0x14000;
	[sflag:s11] =	ssyncadd.s32 $0xFFFFD800  }
0xd7: {  	[tilespmem:s28], [sflag:$0x4] =	stream.linear.gather @!p1 [hbm4b:s17+s18], $0x50, $0x38;
	[tilespmem:$0x1E300] =	vst v63  }
0xd8: {  	s17 =	simm.s32 @!p1 $0x4  }
0xd9: {  	_ =	swait.ge @!p1 [sflag:s17], $0x50  }
0xda: {  	[sflag:s17] =	ssyncset.done @!p1 $0x0  }
0xdb: {  	s30 =	simm.s32 @!p1 $0x14080;
	s29 =	sadd.s32 @!p1 s1, s8;
	[sflag:s17] =	ssyncadd.s32 @!p1 $0xFFFFFFB0  }
0xdc: {  	[tilespmem:s30], [sflag:$0x4] =	stream.linear.gather @!p1 [hbm4b:s29+s18], $0x50, $0x38;
	[tilespmem:$0x1E300] =	vst v63  }
0xdd: {  	_ =	swait.ge @!p1 [sflag:s17], $0x50  }
0xde: {  	[sflag:s17] =	ssyncset.done @!p1 $0x0  }
0xdf: {  	s8 =	sadd.s32 @!p1 s16, s8;
	s29 =	simm.s32 @!p1 $0x14100;
	[sflag:s17] =	ssyncadd.s32 @!p1 $0xFFFFFFB0  }
0xe0: {  	[tilespmem:s29], [sflag:$0x4] =	stream.linear.gather @!p1 [hbm4b:s8+s18], $0x50, $0x38;
	[tilespmem:$0x1E300] =	vst v63  }
0xe1: {  	_ =	swait.ge @!p1 [sflag:s17], $0x50  }
.Ltmp6:
0xe2: {  	[sflag:s17] =	ssyncset.done @!p1 $0x0;
	(pc) =	sbr.rel @p0 .LBB2_10-.Ltmp6, $4  }
0xe3: {  	s8 =	simm.s32 @!p1 $0x50;
	[sflag:s17] =	ssyncadd.s32 @!p1 $0xFFFFFFB0;
	s17 =	simm.s32 @!p1 $0x14300  }
0xe4: {  	[tilespmem:s17], [sflag:$0x1] =	stream.indirect.gather @!p1 [hbm4b:s5+s8], $0x80, s28, s8, $0xb8;
	[tilespmem:$0x1E300] =	vst v63  }
0xe5: {  	s17 =	simm.s32 @!p1 $0x16B00  }
0xe6: {  	[tilespmem:s17], [sflag:$0x1] =	stream.indirect.gather @!p1 [hbm4b:s14+s8], $0x80, s29, s8, $0xb8;
	[tilespmem:$0x1E300] =	vst v63  }
0xe7: {  	_ =	swait.ge [sflag:s12], $0x2800  }
0xe8: {  	[sflag:s12] =	ssyncset.done $0x0  }
0xe9: {  	[sflag:s12] =	ssyncadd.s32 $0xFFFFD800  }
0xea: {  	_ =	swait.ge [sflag:s12], $0x2800  }
0xeb: {  	[sflag:s12] =	ssyncset.done $0x0  }
0xec: {  	s28 =	simm.s32 $0x0;
	[sflag:s12] =	ssyncadd.s32 $0xFFFFD800  }
0xed: {  	v7 =	vld [tilespmem:s28+$0x1BB00]  }
0xee: {  	v12 =	vld [tilespmem:s28+$0x1BB10]  }
0xef: {  	v6 =	vld [tilespmem:s28+$0x1BB20]  }
0xf0: {  	v5 =	vld [tilespmem:s28+$0x1BB30]  }
0xf1: {  	v4 =	vld [tilespmem:s28+$0x1BB40]  }
0xf2: {  	v3 =	vld [tilespmem:s28+$0x1BB50]  }
0xf3: {  	v2 =	vld [tilespmem:s28+$0x1BB60]  }
0xf4: {  	v1 =	vld [tilespmem:s28+$0x1BB70]  }
0xf5: {  	v13 =	vld [tilespmem:s28+$0x19300]  }
0xf6: {  	v14 =	vld [tilespmem:s28+$0x19310]  }
0xf7: {  	v11 =	vld [tilespmem:s28+$0x19320]  }
0xf8: {  	v10 =	vld [tilespmem:s28+$0x19330]  }
0xf9: {  	v9 =	vld [tilespmem:s28+$0x19340]  }
0xfa: {  	v8 =	vld [tilespmem:s28+$0x19350];
	v13 =	vadd.f32 v7, v13  }
0xfb: {  	s8 =	simm.s32 $0x200;
	v12 =	vadd.f32 v12, v14;
	v7 =	vld [tilespmem:s28+$0x19360]  }
.LBB2_8:
0xfc: {  	s17 =	sshra.s32 s8, $0x2;
	p0 =	sne.s32 s8, $0x9E00;
	v13 =	vmax.f32 v13, $0.0e+00;
	v6 =	vadd.f32 v6, v11;
	v11 =	vld [tilespmem:s28+$0x19370]  }
0xfd: {  	v14 =	vld [tilespmem:s17+$0x1BB00];
	[tilespmem:s28+$0x19300] =	vst v13;
	v12 =	vmax.f32 v12, $0.0e+00;
	v5 =	vadd.f32 v5, v10  }
0xfe: {  	v15 =	vld [tilespmem:s17+$0x1BB10];
	[tilespmem:s28+$0x19310] =	vst v12;
	v10 =	vmax.f32 v6, $0.0e+00;
	v4 =	vadd.f32 v4, v9  }
0xff: {  	v6 =	vld [tilespmem:s17+$0x1BB20];
	[tilespmem:s28+$0x19320] =	vst v10;
	v9 =	vmax.f32 v5, $0.0e+00;
	v3 =	vadd.f32 v3, v8  }
0x100: {  	v5 =	vld [tilespmem:s17+$0x1BB30];
	[tilespmem:s28+$0x19330] =	vst v9;
	v8 =	vmax.f32 v4, $0.0e+00;
	v2 =	vadd.f32 v2, v7  }
0x101: {  	v4 =	vld [tilespmem:s17+$0x1BB40];
	[tilespmem:s28+$0x19340] =	vst v8;
	v7 =	vmax.f32 v3, $0.0e+00;
	v1 =	vadd.f32 v1, v11  }
0x102: {  	v3 =	vld [tilespmem:s17+$0x1BB50];
	[tilespmem:s28+$0x19350] =	vst v7;
	v7 =	vmax.f32 v2, $0.0e+00  }
0x103: {  	v2 =	vld [tilespmem:s17+$0x1BB60];
	[tilespmem:s28+$0x19360] =	vst v7;
	v7 =	vmax.f32 v1, $0.0e+00  }
0x104: {  	v1 =	vld [tilespmem:s17+$0x1BB70];
	[tilespmem:s28+$0x19370] =	vst v7;
	s28 =	smov.u32 s17  }
0x105: {  	v7 =	vld [tilespmem:s28+$0x19300]  }
0x106: {  	v12 =	vld [tilespmem:s28+$0x19310]  }
.Ltmp7:
0x107: {  	v11 =	vld [tilespmem:s28+$0x19320];
	(pc) =	sbr.rel @p0 .LBB2_8-.Ltmp7, $4  }
0x108: {  	v10 =	vld [tilespmem:s28+$0x19330]  }
0x109: {  	v9 =	vld [tilespmem:s28+$0x19340]  }
0x10a: {  	v13 =	vadd.f32 v14, v7;
	v8 =	vld [tilespmem:s28+$0x19350]  }
0x10b: {  	s8 =	sadd.s32 $0x200, s8;
	v12 =	vadd.f32 v15, v12;
	v7 =	vld [tilespmem:s28+$0x19360]  }
0x10c: {  	v13 =	vmax.f32 v13, $0.0e+00;
	v6 =	vadd.f32 v6, v11;
	v63 =	vld [tilespmem:s28+$0x19370]  }
0x10d: {  	[tilespmem:s28+$0x19300] =	vst v13;
	v12 =	vmax.f32 v12, $0.0e+00;
	v5 =	vadd.f32 v5, v10  }
0x10e: {  	[tilespmem:s28+$0x19310] =	vst v12;
	v6 =	vmax.f32 v6, $0.0e+00;
	v4 =	vadd.f32 v4, v9  }
0x10f: {  	[tilespmem:s28+$0x19320] =	vst v6;
	v5 =	vmax.f32 v5, $0.0e+00;
	v3 =	vadd.f32 v3, v8  }
0x110: {  	[tilespmem:s28+$0x19330] =	vst v5;
	v4 =	vmax.f32 v4, $0.0e+00;
	v2 =	vadd.f32 v2, v7  }
0x111: {  	[tilespmem:s28+$0x19340] =	vst v4;
	v3 =	vmax.f32 v3, $0.0e+00;
	v1 =	vadd.f32 v1, v63  }
0x112: {  	[tilespmem:s28+$0x19350] =	vst v3;
	v2 =	vmax.f32 v2, $0.0e+00  }
0x113: {  	[tilespmem:s28+$0x19360] =	vst v2;
	v1 =	vmax.f32 v1, $0.0e+00  }
.Ltmp8:
0x114: {  	[tilespmem:s28+$0x19370] =	vst v1;
	(pc) =	sbr.rel .LBB2_10-.Ltmp8, $4  }
0x115: {  	[spmem:s2] =	stream.indirect.scatter.add.f32 [tilespmem:s6], [sflag:$0x3], $0x80, s13, s9, $0xb8;
	[tilespmem:$0x1E300] =	vst v63  }
0x116: {  	_ =	swait.ge [sflag:s4], $0x2800  }
0x117: {  	[sflag:s4] =	ssyncset.done $0x0  }
0x118: {  	[sflag:s4] =	ssyncadd.s32 $0xFFFFD800  }
.LBB2_12:
0x119: {  	_ =	sfence.sel $0x180000  }
0x11a: {  	[bflag:$0x0] =	sbarrier.arrive $0xFFFF  }
0x11b: {  	_ =	strace $0x90000047  }
0x11c: {  	s0 =	stileid.u32;
	[bflag:$0x2] =	sbarrier.arrive $0xFFFF  }
0x11d: {  	p0 =	sne.s32 s0, $0x0;
	s0 =	rddreg [dreg:$0x3]  }
0x11e: {  	s0 =	sadd.s32 @!p0 $0x100000, s0  }
0x11f: {  	[sflag:s0] =	ssyncadd.tile.s32 @!p0 $0x1;
	_ =	shalt  }
.Lfunc_end2:
_tile_overlayer_lowered:
.L_overlay_start_2:
0x120: {  	(tag) =	ssettag $0x2  }
0x121: {  	s0 =	rddreg [dreg:$0x0];
	s2 =	stileid.u32  }
0x122: {  	s1 =	rddreg [dreg:$0x1];
	p0 =	sne.s32 s2, $0x0  }
0x123: {  	s3 =	rddreg [dreg:$0x2];
	[bflag:$0x3] =	sbarrier.arrive $0xFFFF;
	s2 =	simm.s32 @!p0 $0x1C03  }
0x124: {  	[timem:s3], [sflag:s2] =	dma.local @!p0 [hbm:s0], s1  }
0x125: {  	s0 =	simm.s32 @!p0 $0x3  }
0x126: {  	_ =	swait.ge @!p0 [sflag:s0], s1  }
0x127: {  	s1 =	ssub.s32 @!p0 $0x0, s1;
	[sflag:s0] =	ssyncset.done @!p0 $0x0  }
0x128: {  	[sflag:s0] =	ssyncadd.s32 @!p0 s1  }
0x129: {  	[bflag:$0x3] =	sbarrier.arrive $0xFFFF  }
0x12a: {  	_ =	shalt  }

// kernel: kernel.22.cloned.1.call-start
scs
__scs_entry_jumppad:
0x0: {  	(pc) =	sbr.rel $0x88, $3  }
0x1: {  	(tag) =	ssettag $0x0;
	lr =	simm.s32 $0x1  }
0x2: {  	[smem:$0x3F89] =	sst lr;
	_ =	strace $0xD0000000  }
0x3: {  	_ = 	snop  }
0x4: {  	_ = 	snop  }
0x5: {  	_ = 	snop  }
0x6: {  	_ = 	snop  }
0x7: {  	_ = 	snop  }
__scs_overlays_trampoline_lowered:
0x8: {  	[smem:$0x3F98] =	sst s0  }
0x9: {  	[smem:$0x3F99] =	sst s1  }
0xa: {  	[smem:$0x3F9A] =	sst s2  }
0xb: {  	[smem:$0x3F9B] =	sst s3  }
0xc: {  	[smem:$0x3F9C] =	sst s4  }
0xd: {  	[smem:$0x3F9D] =	sst s5  }
0xe: {  	[smem:$0x3F9E] =	sst s6  }
0xf: {  	[smem:$0x3F9F] =	sst s7  }
0x10: {  	[smem:$0x3FA0] =	sst s8  }
0x11: {  	[smem:$0x3FA1] =	sst s9;
	s0 =	simm.s32 @!p0 $0x0  }
0x12: {  	s1 =	sld [smem:$0x3F87];
	s0 =	simm.s32 @p0 $0x1  }
0x13: {  	[smem:$0x3FA2] =	sst s0;
	s0 =	simm.s32 @!p1 $0x0  }
0x14: {  	s2 =	sld [smem:$0x3F86];
	s0 =	simm.s32 @p1 $0x1  }
0x15: {  	[smem:$0x3FA3] =	sst s0;
	s0 =	simm.s32 @!p2 $0x0  }
0x16: {  	s3 =	sld [smem:$0x3FDB];
	s0 =	simm.s32 @p2 $0x1  }
0x17: {  	s4 =	simm.s32 $0x1BF5;
	[smem:$0x3FA5] =	sst s0  }
0x18: {  	s0 =	sld [smem:$0x3F88];
	_ =	swait.ge [sflag:s4], $0x0  }
0x19: {  	s7 =	sld [smem:$0x3F89]  }
0x1a: {  	s8 =	sadd.s32 $0xFFFFE003, lr  }
0x1b: {  	s9 =	sadd.s32 $0xFFFFFEF7, lr;
	s5 =	simm.s32 $0xFFFFFFFF;
	p2 =	slt.u32 s8, $0xFFFFF086  }
0x1c: {  	p1 =	slt.u32 s9, $0xF7A;
	s5 =	simm.s32 @!p2 $0x0  }
0x1d: {  	s5 =	simm.s32 @p1 $0x1;
	p0 =	seq.s32 s7, s2  }
0x1e: {  	s7 =	smul.u32 @!p0 $0xF7A, s2;
	p2 =	seq.s32 @!p0 s5, $0x0  }
0x1f: {  	s9 =	smul.u32 $0xF7A, s1;
	s8 =	simm.s32 @!p0 $0x1BF5;
	p2 =	por !p2, p0  }
0x20: {  	[sflag:s8] =	ssyncset.s32 @!p0 $0xFFFFF086;
	s6 =	sadd.s32 @!p0 s3, s7;
	s7 =	simm.s32 @!p0 $0x108  }
0x21: {  	s3 =	sadd.s32 s3, s9;
	s6 =	sadd.s32 @!p0 $0x88, s6;
	s7 =	simm.s32 @p2 $0x1082  }
0x22: {  	[simem:s7], [sflag:s8] =	dma.local @!p0 [hbm:s6], $0xF7A  }
0x23: {  	s9 =	sor.u32 $0xD0000000, s2;
	s6 =	simm.s32 $0x108;
	_ =	swait.ge @!p0 [sflag:s8], $0x0  }
0x24: {  	s3 =	sadd.s32 $0x88, s3;
	s6 =	simm.s32 @!p1 $0x1082;
	[sflag:s4] =	ssyncset.s32 $0xFFFFF086  }
0x25: {  	[simem:s6], [sflag:s4] =	dma.local [hbm:s3], $0xF7A  }
0x26: {  	[smem:$0x3F89] =	sst s1;
	(tag) =	ssettag s2;
	_ =	strace s9  }
0x27: {  	s1 =	sld [smem:$0x3F99]  }
0x28: {  	s2 =	sld [smem:$0x3F9A]  }
0x29: {  	s4 =	sld [smem:$0x3F9C]  }
0x2a: {  	p0 =	seq.s32 s5, $0x0;
	s5 =	sld [smem:$0x3F9D]  }
0x2b: {  	s6 =	sld [smem:$0x3F9E]  }
0x2c: {  	s7 =	sld [smem:$0x3F9F]  }
0x2d: {  	s3 =	simm.s32 $0x108;
	s8 =	sld [smem:$0x3FA0]  }
0x2e: {  	s3 =	simm.s32 @!p0 $0x1082;
	s9 =	sld [smem:$0x3FA1]  }
0x2f: {  	lr =	sadd.s32 s0, s3;
	s0 =	sld [smem:$0x3F98]  }
0x30: {  	s3 =	sld [smem:$0x3F9B]  }
0x31: {  	[smem:$0x3FA4] =	sst s10  }
0x32: {  	s10 =	sld [smem:$0x3FA2];
	_ =	sdelay $0x3  }
0x33: {  	p0 =	seq.s32 s10, $0x1;
	s10 =	sld [smem:$0x3FA4];
	_ =	sdelay $0x3  }
0x34: {  	[smem:$0x3FA4] =	sst s10  }
0x35: {  	s10 =	sld [smem:$0x3FA3];
	_ =	sdelay $0x3  }
0x36: {  	p1 =	seq.s32 s10, $0x1;
	s10 =	sld [smem:$0x3FA4];
	_ =	sdelay $0x3  }
0x37: {  	[smem:$0x3FA4] =	sst s10  }
0x38: {  	s10 =	sld [smem:$0x3FA5]  }
0x39: {  	_ = 	snop;
	(pc) =	sbr.ind lr, $3  }
0x3a: {  	_ = 	snop  }
0x3b: {  	_ = 	snop  }
0x3c: {  	p2 =	seq.s32 s10, $0x1;
	s10 =	sld [smem:$0x3FA4]  }
0x3d: {  	_ =	shalt  }
0x3e: {  	_ =	shalt  }
0x3f: {  	_ =	shalt  }
0x40: {  	_ =	shalt  }
0x41: {  	_ =	shalt  }
0x42: {  	_ =	shalt  }
0x43: {  	_ =	shalt  }
0x44: {  	_ =	shalt  }
0x45: {  	_ =	shalt  }
0x46: {  	_ =	shalt  }
0x47: {  	_ =	shalt  }
0x48: {  	_ =	shalt  }
0x49: {  	_ =	shalt  }
0x4a: {  	_ =	shalt  }
0x4b: {  	_ =	shalt  }
0x4c: {  	_ =	shalt  }
0x4d: {  	_ =	shalt  }
0x4e: {  	_ =	shalt  }
0x4f: {  	_ =	shalt  }
0x50: {  	_ =	shalt  }
0x51: {  	_ =	shalt  }
0x52: {  	_ =	shalt  }
0x53: {  	_ =	shalt  }
0x54: {  	_ =	shalt  }
0x55: {  	_ =	shalt  }
0x56: {  	_ =	shalt  }
0x57: {  	_ =	shalt  }
0x58: {  	_ =	shalt  }
0x59: {  	_ =	shalt  }
0x5a: {  	_ =	shalt  }
0x5b: {  	_ =	shalt  }
0x5c: {  	_ =	shalt  }
0x5d: {  	_ =	shalt  }
0x5e: {  	_ =	shalt  }
0x5f: {  	_ =	shalt  }
0x60: {  	_ =	shalt  }
0x61: {  	_ =	shalt  }
0x62: {  	_ =	shalt  }
0x63: {  	_ =	shalt  }
0x64: {  	_ =	shalt  }
0x65: {  	_ =	shalt  }
0x66: {  	_ =	shalt  }
0x67: {  	_ =	shalt  }
0x68: {  	_ =	shalt  }
0x69: {  	_ =	shalt  }
0x6a: {  	_ =	shalt  }
0x6b: {  	_ =	shalt  }
0x6c: {  	_ =	shalt  }
0x6d: {  	_ =	shalt  }
0x6e: {  	_ =	shalt  }
0x6f: {  	_ =	shalt  }
0x70: {  	_ =	shalt  }
0x71: {  	_ =	shalt  }
0x72: {  	_ =	shalt  }
0x73: {  	_ =	shalt  }
0x74: {  	_ =	shalt  }
0x75: {  	_ =	shalt  }
0x76: {  	_ =	shalt  }
0x77: {  	_ =	shalt  }
0x78: {  	_ =	shalt  }
0x79: {  	_ =	shalt  }
0x7a: {  	_ =	shalt  }
0x7b: {  	_ =	shalt  }
0x7c: {  	_ =	shalt  }
0x7d: {  	_ =	shalt  }
0x7e: {  	_ =	shalt  }
0x7f: {  	_ =	shalt  }
0x80: {  	_ =	shalt  }
0x81: {  	_ =	shalt  }
0x82: {  	_ =	shalt  }
0x83: {  	_ =	shalt  }
0x84: {  	_ =	shalt  }
0x85: {  	_ =	shalt  }
0x86: {  	_ =	shalt  }
0x87: {  	_ =	shalt  }
.Lfunc_end0:
.L_simem_size_0:
called_computation.1_lowered:
.L_overlay_start_0:
0x88: {  	s2 =	sld [smem:$0x3FD9]  }
0x89: {  	s3 =	sld [smem:$0x3FFE];
	_ =	sdelay $0x1  }
0x8a: {  	s1 =	srdreg.scid  }
0x8b: {  	s0 =	sand.u32 $0x1, s1  }
0x8c: {  	s17 =	sshll.u32 s0, $0xA;
	s2 =	sadd.s32 s3, s2  }
0x8d: {  	s2 =	sadd.s32 s2, s17  }
0x8e: {  	[smem:$0x3FB0] =	sst s2  }
0x8f: {  	_ = 	snop  }
0x90: {  	s2 =	sld [smem:$0x3FD0];
	(tm) =	ssettm $0x1  }
0x91: {  	s18 =	sld [smem:$0x3FFB];
	_ =	sdelay $0x3  }
0x92: {  	_ =	strace s18  }
0x93: {  	s3 =	sld [smem:$0x3FFC];
	_ =	sdelay $0x3  }
0x94: {  	_ =	strace s3  }
0x95: {  	s3 =	sld [smem:$0x3FFD];
	_ =	sdelay $0x3  }
0x96: {  	_ =	strace s3  }
0x97: {  	_ =	strace $0x8FFFFFFF  }
0x98: {  	s19 =	sld [smem:$0x3FDB];
	_ =	sdelay $0x1  }
0x99: {  	s4 =	simm.s32 $_scs_section_size  }
0x9a: {  	s5 =	simm.s32 $_size__tile_overlayer_lowered;
	s6 =	simm.s32 $_tile_overlayer_lowered  }
0x9b: {  	s22 =	simm.s32 $0x1BFF;
	s21 =	sshll.u32 s6, $0x1;
	s3 =	sadd.s32 s4, s19  }
0x9c: {  	s7 =	simm.s32 $0x0;
	s20 =	sshll.u32 s5, $0x1;
	s5 =	sadd.s32 s21, s3  }
0x9d: {  	[timem:s7], [sflag:s22] =	dma.local [hbm:s5], s20  }
0x9e: {  	_ =	swait.ge [sflag:s22], s20  }
0x9f: {  	s4 =	ssub.s32 $0x0, s20;
	[sflag:s22] =	ssyncset.done $0x0  }
0xa0: {  	[sflag:s22] =	ssyncadd.s32 s4;
	_ =	sdelay $0x1  }
0xa1: {  	s23 =	simm.s32 $0x1B8B  }
0xa2: {  	_ =	swait.ge [sflag:s23], $0x1  }
0xa3: {  	[sflag:s23] =	ssyncset.done $0x0  }
0xa4: {  	s25 =	simm.s32 $0x1B8E;
	s24 =	sld [smem:$0x3FFE];
	[sflag:s23] =	ssyncadd.s32 $0xFFFFFFFF  }
0xa5: {  	s26 =	simm.s32 $execute0_lowered;
	[smem:$0x3FD2] =	sst s25  }
0xa6: {  	s5 =	sshll.u32 s26, $0x1;
	_ =	strace $0x80000049;
	[dreg:$0x1] =	wrdreg $0xFFFFFFFF  }
0xa7: {  	s28 =	simm.s32 $_size_execute0_lowered;
	s3 =	sadd.s32 s3, s5;
	[dreg:$0x0] =	wrdreg $0x0  }
0xa8: {  	s5 =	sshll.u32 s28, $0x1;
	[dreg:$0x2] =	wrdreg s3  }
0xa9: {  	[dreg:$0x3] =	wrdreg s5  }
0xaa: {  	[dreg:$0x4] =	wrdreg $0xC0  }
0xab: {  	_ =	task [dreg:s7], $0x5FFFF  }
0xac: {  	[dreg:$0x1] =	wrdreg $0xFFFFFFFF  }
0xad: {  	[dreg:$0x0] =	wrdreg $0x60  }
0xae: {  	[dreg:$0x2] =	wrdreg s24  }
0xaf: {  	[dreg:$0x3] =	wrdreg s2  }
0xb0: {  	[dreg:$0x4] =	wrdreg $0x0  }
0xb1: {  	[dreg:$0x5] =	wrdreg $0x9  }
0xb2: {  	_ =	task.clear_ibuf [dreg:s7], $0x6FFFF;
	_ =	strace $0x90000049  }
0xb3: {  	s29 =	simm.s32 $0x9;
	_ =	strace $0x8000004B  }
0xb4: {  	_ =	swait.ge [sflag:s29], $0x1  }
0xb5: {  	[sflag:s29] =	ssyncadd.s32 $0xFFFFFFFF  }
0xb6: {  	_ =	strace $0x9000004B  }
0xb7: {  	_ =	sfence  }
0xb8: {  	s30 =	sld [smem:$0x0];
	_ =	sdelay $0x2  }
0xb9: {  	s31 =	sshll.u32 s1, $0xD;
	s1 =	sshrl.u32 s1, $0x2  }
0xba: {  	s3 =	sand.u32 $0x4000, s31;
	s1 =	sadd.s32 s1, s30  }
0xbb: {  	s0 =	sor.u32 s3, s0;
	s1 =	sshll.u32 s1, $0x11  }
0xbc: {  	s0 =	sor.u32 s1, s0  }
0xbd: {  	s0 =	sadd.s32 $0x8F2B, s0  }
0xbe: {  	[sflag:s0] =	ssyncadd.remote.s32 $0x1  }
0xbf: {  	_ =	sfence.sel $0xFFFF  }
0xc0: {  	[dreg:$0x0] =	wrdreg $0xFFFFFFFF;
	(pc) =	sbr.abs _section_cstart, $3  }
0xc1: {  	[dreg:$0x1] =	wrdreg $0xFFFFFFFF  }
0xc2: {  	_ =	task.clear_ibuf [dreg:s7], $0x2FFFF;
	_ =	strace $0x9FFFFFFF  }
0xc3: {  	(tm) =	ssettm $0x7FFFFFFF  }
tec
execute0_lowered:
.L_overlay_start_1:
0x0: {  	(tag) =	ssettag $0x1  }
0x1: {  	s0 =	rddreg [dreg:$0x0]  }
0x2: {  	s1 =	rddreg [dreg:$0x1]  }
0x3: {  	s2 =	rddreg [dreg:$0x2]  }
0x4: {  	s3 =	simm.s32 $0x0;
	s4 =	srdreg.scid;
	s11 =	stileid.u32  }
0x5: {  	[smem:$0x7FF] =	sst s3;
	s5 =	sadd.s32 $0x1CE00, s0;
	s4 =	sand.u32 $0x1, s4  }
0x6: {  	s6 =	sadd.s32 $0x44E00, s0;
	s10 =	smul.u32 $0x14000, s11;
	s7 =	ssub.s32 $0x2, s4  }
0x7: {  	s9 =	sshll.u32 s11, $0x1;
	_ =	strace $0x8000004A;
	s8 =	sshrl.u32 s7, $0x1  }
0x8: {  	s12 =	sadd.s32 $0x5000, s10;
	s13 =	sadd.s32 $0x7800, s10;
	s22 =	sadd.s32 $0xA000, s10  }
0x9: {  	s7 =	ssub.s32 s7, s8;
	s8 =	sor.u32 s4, s9;
	s4 =	smul.u32 $0x140000, s4  }
0xa: {  	s23 =	sadd.s32 $0xC800, s10;
	s9 =	smul.u32 $0x50000, s11;
	s11 =	sor.u32 $0x2800, s10  }
0xb: {  	s24 =	sadd.s32 $0xF000, s10;
	s14 =	sadd.s32 s10, s4;
	s15 =	sadd.s32 s4, s11  }
0xc: {  	s10 =	sadd.s32 $0x11800, s10;
	s18 =	sadd.s32 s4, s12;
	s19 =	sadd.s32 s4, s13  }
0xd: {  	s16 =	sadd.s32 s4, s22;
	s26 =	sadd.s32 s4, s23;
	s29 =	sadd.s32 s4, s24  }
0xe: {  	s9 =	sshrl.u32 s9, $0x2;
	s22 =	sadd.s32 s22, s2;
	s23 =	sadd.s32 s23, s2  }
0xf: {  	s24 =	sadd.s32 s24, s2;
	s14 =	sshrl.u32 s14, $0x3;
	s15 =	sshrl.u32 s15, $0x3  }
0x10: {  	s20 =	sshrl.u32 s19, $0x3;
	s21 =	sshrl.u32 s16, $0x3;
	s4 =	sadd.s32 s4, s10  }
0x11: {  	s30 =	sshrl.u32 s29, $0x3;
	s16 =	sadd.s32 $0x11000, s0;
	s28 =	sadd.s32 s9, s2  }
0x12: {  	s19 =	smul.u32 $0x2710, s8;
	s9 =	simm.s32 $0x50;
	s14 =	sadd.s32 s6, s14  }
0x13: {  	s17 =	sadd.s32 s6, s15;
	s25 =	sadd.s32 s6, s21;
	s4 =	sshrl.u32 s4, $0x3  }
0x14: {  	s15 =	sadd.s32 $0x7200, s0;
	s21 =	sadd.s32 s13, s2;
	[dreg:$0x4] =	wrdreg s14  }
0x15: {  	s13 =	simm.s32 $0x14200;
	[dreg:$0x5] =	wrdreg s17;
	s14 =	sshrl.u32 s18, $0x3  }
0x16: {  	[dreg:$0x8] =	wrdreg s25;
	s4 =	sadd.s32 s6, s4;
	s17 =	sadd.s32 s11, s2  }
0x17: {  	s18 =	sadd.s32 s12, s2;
	s25 =	sadd.s32 s10, s2;
	[dreg:$0xb] =	wrdreg s4  }
0x18: {  	s31 =	sadd.s32 $0xA0, s19;
	s10 =	simm.s32 $0x1;
	[dreg:$0xc] =	wrdreg s17  }
0x19: {  	s11 =	simm.s32 $0x4;
	s14 =	sadd.s32 s6, s14;
	[dreg:$0xd] =	wrdreg s18  }
0x1a: {  	[dreg:$0x6] =	wrdreg s14;
	s14 =	sadd.s32 s6, s20;
	s20 =	sshrl.u32 s19, $0x3  }
0x1b: {  	[dreg:$0x7] =	wrdreg s14;
	s14 =	sshrl.u32 s26, $0x3;
	s26 =	sadd.s32 s15, s20  }
0x1c: {  	s12 =	simm.s32 $0x2;
	s29 =	sadd.s32 s1, s20;
	[dreg:$0xe] =	wrdreg s26  }
.Ltmp0:
0x1d: {  	s14 =	sadd.s32 s6, s14;
	[dreg:$0xf] =	wrdreg s29;
	(pc) =	sbr.rel .LBB2_1-.Ltmp0, $4  }
0x1e: {  	s4 =	simm.s32 $0x3;
	[dreg:$0x9] =	wrdreg s14;
	s14 =	sadd.s32 s6, s30  }
0x1f: {  	s30 =	smax.u32 s7, $0x1;
	s7 =	simm.s32 $0x14080;
	[dreg:$0xa] =	wrdreg s14  }
0x20: {  	s14 =	sadd.s32 $0x1AE00, s0;
	s0 =	sadd.s32 s16, s20;
	[dreg:$0x11] =	wrdreg s30  }
0x21: {  	v0 =	vimm.f32 $0.0e+00;
	s6 =	simm.s32 $0x19300;
	[dreg:$0x10] =	wrdreg s0;
	s0 =	simm.s32 $0x14300  }
.LBB2_11:
0x22: {  	s8 =	stileid.u32  }
0x23: {  	[bflag:$0x0] =	sbarrier.arrive $0xFFFF;
	s8 =	sshll.u32 s8, $0x6  }
0x24: {  	s17 =	sshrl.u32 s20, $0x3;
	s18 =	rddreg [dreg:$0x4];
	s8 =	sor.u32 $0x1C03, s8  }
0x25: {  	[hbm:s18], [sflag:s8] =	dma.local [spmem:s17], $0x500  }
0x26: {  	_ =	swait.ge [sflag:s4], $0x500  }
0x27: {  	[sflag:s4] =	ssyncset.done $0x0;
	s29 =	rddreg [dreg:$0xc]  }
0x28: {  	s30 =	rddreg [dreg:$0x5];
	[sflag:s4] =	ssyncadd.s32 $0xFFFFFB00;
	s17 =	sshrl.u32 s29, $0x3  }
0x29: {  	[hbm:s30], [sflag:s8] =	dma.local [spmem:s17], $0x500  }
0x2a: {  	_ =	swait.ge [sflag:s4], $0x500  }
0x2b: {  	s28 =	smov.u32 s20;
	[sflag:s4] =	ssyncset.done $0x0;
	s20 =	rddreg [dreg:$0xd]  }
0x2c: {  	s26 =	rddreg [dreg:$0x6];
	[sflag:s4] =	ssyncadd.s32 $0xFFFFFB00;
	s17 =	sshrl.u32 s20, $0x3  }
0x2d: {  	[hbm:s26], [sflag:s8] =	dma.local [spmem:s17], $0x500  }
0x2e: {  	_ =	swait.ge [sflag:s4], $0x500  }
0x2f: {  	[sflag:s4] =	ssyncset.done $0x0  }
0x30: {  	s29 =	sshrl.u32 s21, $0x3;
	s30 =	rddreg [dreg:$0x7];
	[sflag:s4] =	ssyncadd.s32 $0xFFFFFB00  }
0x31: {  	[hbm:s30], [sflag:s8] =	dma.local [spmem:s29], $0x500  }
0x32: {  	_ =	swait.ge [sflag:s4], $0x500  }
0x33: {  	[sflag:s4] =	ssyncset.done $0x0  }
0x34: {  	s20 =	sshrl.u32 s22, $0x3;
	s26 =	rddreg [dreg:$0x8];
	[sflag:s4] =	ssyncadd.s32 $0xFFFFFB00  }
0x35: {  	[hbm:s26], [sflag:s8] =	dma.local [spmem:s20], $0x500  }
0x36: {  	_ =	swait.ge [sflag:s4], $0x500  }
0x37: {  	[sflag:s4] =	ssyncset.done $0x0  }
0x38: {  	s29 =	sshrl.u32 s23, $0x3;
	s30 =	rddreg [dreg:$0x9];
	[sflag:s4] =	ssyncadd.s32 $0xFFFFFB00  }
0x39: {  	[hbm:s30], [sflag:s8] =	dma.local [spmem:s29], $0x500  }
0x3a: {  	_ =	swait.ge [sflag:s4], $0x500  }
0x3b: {  	[sflag:s4] =	ssyncset.done $0x0  }
0x3c: {  	s18 =	sshrl.u32 s24, $0x3;
	s20 =	rddreg [dreg:$0xa];
	[sflag:s4] =	ssyncadd.s32 $0xFFFFFB00  }
0x3d: {  	[hbm:s20], [sflag:s8] =	dma.local [spmem:s18], $0x500  }
0x3e: {  	_ =	swait.ge [sflag:s4], $0x500  }
0x3f: {  	[sflag:s4] =	ssyncset.done $0x0  }
0x40: {  	s26 =	sshrl.u32 s25, $0x3;
	s29 =	rddreg [dreg:$0xb];
	[sflag:s4] =	ssyncadd.s32 $0xFFFFFB00  }
0x41: {  	[hbm:s29], [sflag:s8] =	dma.local [spmem:s26], $0x500  }
0x42: {  	_ =	swait.ge [sflag:s4], $0x500  }
0x43: {  	s3 =	sadd.s32 $0x1, s3;
	s30 =	rddreg [dreg:$0x11]  }
0x44: {  	p0 =	sne.s32 s3, s30  }
.Ltmp1:
0x45: {  	_ = 	snop;
	(pc) =	sbr.rel @!p0 .LBB2_12-.Ltmp1, $3  }
0x46: {  	_ =	sdelay $0x1  }
0x47: {  	[sflag:s4] =	ssyncset.done $0x0  }
0x48: {  	[sflag:s4] =	ssyncadd.s32 $0xFFFFFB00  }
.LBB2_1:
0x49: {  	s8 =	simm.s32 $0x0;
	s26 =	simm.s32 $0x200  }
.LBB2_2:
0x4a: {  	p0 =	sne.s32 s26, $0x9E00;
	[tilespmem:s8+$0x14370] =	vst v0  }
0x4b: {  	[tilespmem:s8+$0x14300] =	vst v0  }
0x4c: {  	[tilespmem:s8+$0x14310] =	vst v0  }
.Ltmp2:
0x4d: {  	[tilespmem:s8+$0x14320] =	vst v0;
	(pc) =	sbr.rel @p0 .LBB2_2-.Ltmp2, $4  }
0x4e: {  	[tilespmem:s8+$0x14330] =	vst v0  }
0x4f: {  	[tilespmem:s8+$0x14340] =	vst v0  }
0x50: {  	[tilespmem:s8+$0x14350] =	vst v0  }
0x51: {  	[tilespmem:s8+$0x14360] =	vst v0;
	s8 =	sshra.s32 s26, $0x2;
	s26 =	sadd.s32 $0x200, s26  }
0x52: {  	[tilespmem:s8+$0x14370] =	vst v0  }
0x53: {  	[tilespmem:s8+$0x14300] =	vst v0  }
0x54: {  	[tilespmem:s8+$0x14310] =	vst v0  }
0x55: {  	[tilespmem:s8+$0x14320] =	vst v0  }
0x56: {  	[tilespmem:s8+$0x14330] =	vst v0  }
0x57: {  	[tilespmem:s8+$0x14340] =	vst v0  }
0x58: {  	[tilespmem:s8+$0x14350] =	vst v0  }
0x59: {  	[tilespmem:s8+$0x14360] =	vst v0  }
0x5a: {  	[spmem:s28] =	stream.linear.scatter [tilespmem:s0], [sflag:$0x3], $0x2800, $0x38;
	[tilespmem:$0x1E300] =	vst v63  }
0x5b: {  	_ =	swait.ge [sflag:s4], $0x2800  }
0x5c: {  	[sflag:s4] =	ssyncset.done $0x0  }
0x5d: {  	s30 =	rddreg [dreg:$0xc];
	[sflag:s4] =	ssyncadd.s32 $0xFFFFD800  }
0x5e: {  	[spmem:s30] =	stream.linear.scatter [tilespmem:s0], [sflag:$0x3], $0x2800, $0x38;
	[tilespmem:$0x1E300] =	vst v63  }
0x5f: {  	_ =	swait.ge [sflag:s4], $0x2800  }
0x60: {  	[sflag:s4] =	ssyncset.done $0x0  }
0x61: {  	s17 =	rddreg [dreg:$0xd];
	[sflag:s4] =	ssyncadd.s32 $0xFFFFD800  }
0x62: {  	[spmem:s17] =	stream.linear.scatter [tilespmem:s0], [sflag:$0x3], $0x2800, $0x38;
	[tilespmem:$0x1E300] =	vst v63  }
0x63: {  	_ =	swait.ge [sflag:s4], $0x2800  }
0x64: {  	[sflag:s4] =	ssyncset.done $0x0  }
0x65: {  	[sflag:s4] =	ssyncadd.s32 $0xFFFFD800  }
0x66: {  	[spmem:s21] =	stream.linear.scatter [tilespmem:s0], [sflag:$0x3], $0x2800, $0x38;
	[tilespmem:$0x1E300] =	vst v63  }
0x67: {  	_ =	swait.ge [sflag:s4], $0x2800  }
0x68: {  	[sflag:s4] =	ssyncset.done $0x0  }
0x69: {  	[sflag:s4] =	ssyncadd.s32 $0xFFFFD800  }
0x6a: {  	[spmem:s22] =	stream.linear.scatter [tilespmem:s0], [sflag:$0x3], $0x2800, $0x38;
	[tilespmem:$0x1E300] =	vst v63  }
0x6b: {  	_ =	swait.ge [sflag:s4], $0x2800  }
0x6c: {  	[sflag:s4] =	ssyncset.done $0x0  }
0x6d: {  	[sflag:s4] =	ssyncadd.s32 $0xFFFFD800  }
0x6e: {  	[spmem:s23] =	stream.linear.scatter [tilespmem:s0], [sflag:$0x3], $0x2800, $0x38;
	[tilespmem:$0x1E300] =	vst v63  }
0x6f: {  	_ =	swait.ge [sflag:s4], $0x2800  }
0x70: {  	[sflag:s4] =	ssyncset.done $0x0  }
0x71: {  	[sflag:s4] =	ssyncadd.s32 $0xFFFFD800  }
0x72: {  	[spmem:s24] =	stream.linear.scatter [tilespmem:s0], [sflag:$0x3], $0x2800, $0x38;
	[tilespmem:$0x1E300] =	vst v63  }
0x73: {  	_ =	swait.ge [sflag:s4], $0x2800  }
0x74: {  	[sflag:s4] =	ssyncset.done $0x0  }
0x75: {  	[sflag:s4] =	ssyncadd.s32 $0xFFFFD800  }
0x76: {  	[spmem:s25] =	stream.linear.scatter [tilespmem:s0], [sflag:$0x3], $0x2800, $0x38;
	[tilespmem:$0x1E300] =	vst v63  }
0x77: {  	_ =	swait.ge [sflag:s4], $0x2800  }
0x78: {  	s26 =	simm.s32 $0x0;
	[sflag:s4] =	ssyncset.done $0x0  }
0x79: {  	s17 =	simm.s32 $0x14000;
	s18 =	rddreg [dreg:$0xe];
	[sflag:s4] =	ssyncadd.s32 $0xFFFFD800  }
0x7a: {  	[tilespmem:s17], [sflag:$0x3] =	stream.linear.gather [hbm4b:s18+s26], $0x50, $0x38;
	[tilespmem:$0x1E300] =	vst v63  }
0x7b: {  	_ =	swait.ge [sflag:s4], $0x50  }
0x7c: {  	[sflag:s4] =	ssyncset.done $0x0  }
0x7d: {  	s20 =	smov.u32 s28;
	s28 =	rddreg [dreg:$0xf];
	[sflag:s4] =	ssyncadd.s32 $0xFFFFFFB0  }
0x7e: {  	[tilespmem:s7], [sflag:$0x3] =	stream.linear.gather [hbm4b:s28+s26], $0x50, $0x38;
	[tilespmem:$0x1E300] =	vst v63  }
0x7f: {  	_ =	swait.ge [sflag:s4], $0x50  }
0x80: {  	[sflag:s4] =	ssyncset.done $0x0  }
0x81: {  	s18 =	simm.s32 $0x14100;
	s29 =	rddreg [dreg:$0x10];
	[sflag:s4] =	ssyncadd.s32 $0xFFFFFFB0  }
0x82: {  	[tilespmem:s18], [sflag:$0x3] =	stream.linear.gather [hbm4b:s29+s26], $0x50, $0x38;
	[tilespmem:$0x1E300] =	vst v63  }
0x83: {  	_ =	swait.ge [sflag:s4], $0x50  }
0x84: {  	[sflag:s4] =	ssyncset.done $0x0  }
0x85: {  	[sflag:s4] =	ssyncadd.s32 $0xFFFFFFB0  }
0x86: {  	[tilespmem:s0], [sflag:$0x1] =	stream.indirect.gather [hbm4b:s5+s9], $0x80, s17, s9, $0xb8;
	[tilespmem:$0x1E300] =	vst v63  }
.Ltmp3:
0x87: {  	_ = 	snop;
	(pc) =	sbr.rel .LBB2_4-.Ltmp3, $3  }
0x88: {  	s30 =	simm.s32 $0x16B00  }
0x89: {  	[tilespmem:s30], [sflag:$0x1] =	stream.indirect.gather [hbm4b:s14+s9], $0x80, s18, s9, $0xb8;
	[tilespmem:$0x1E300] =	vst v63  }
0x8a: {  	[bflag:$0x0] =	sbarrier.arrive $0xFFFF;
	_ =	sdelay $0x1  }
.LBB2_10:
0x8b: {  	s26 =	sadd.s32 $0x1, s26  }
0x8c: {  	p0 =	sne.s32 s26, $0x3F  }
.Ltmp4:
0x8d: {  	_ = 	snop;
	(pc) =	sbr.rel @!p0 .LBB2_11-.Ltmp4, $1  }
0x8e: {  	_ =	sdelay $0x3  }
.LBB2_4:
0x8f: {  	s8 =	sshllo.u32 s26, $0x1  }
0x90: {  	p0 =	sgt.u32 s8, $0x7C  }
0x91: {  	s8 =	smul.u32 @!p0 $0x50, s8;
	_ =	sdelay $0x1  }
0x92: {  	s8 =	sadd.s32 @!p0 s19, s8  }
0x93: {  	s8 =	sshrl.u32 @!p0 s8, $0x3  }
0x94: {  	s29 =	simm.s32 @!p0 $0x0;
	s30 =	simm.s32 @!p0 $0x14180;
	s28 =	sadd.s32 @!p0 s15, s8  }
0x95: {  	[tilespmem:s30], [sflag:$0x4] =	stream.linear.gather @!p0 [hbm4b:s28+s29], $0x50, $0x38;
	[tilespmem:$0x1E300] =	vst v63  }
0x96: {  	s28 =	simm.s32 @!p0 $0x4  }
0x97: {  	_ =	swait.ge @!p0 [sflag:s28], $0x50  }
0x98: {  	[sflag:s28] =	ssyncset.done @!p0 $0x0  }
0x99: {  	s18 =	simm.s32 @!p0 $0x14200;
	s17 =	sadd.s32 @!p0 s1, s8;
	[sflag:s28] =	ssyncadd.s32 @!p0 $0xFFFFFFB0  }
0x9a: {  	[tilespmem:s18], [sflag:$0x4] =	stream.linear.gather @!p0 [hbm4b:s17+s29], $0x50, $0x38;
	[tilespmem:$0x1E300] =	vst v63  }
0x9b: {  	_ =	swait.ge @!p0 [sflag:s28], $0x50  }
0x9c: {  	[sflag:s28] =	ssyncset.done @!p0 $0x0  }
0x9d: {  	s8 =	sadd.s32 @!p0 s16, s8;
	s17 =	simm.s32 @!p0 $0x14280;
	[sflag:s28] =	ssyncadd.s32 @!p0 $0xFFFFFFB0  }
0x9e: {  	[tilespmem:s17], [sflag:$0x4] =	stream.linear.gather @!p0 [hbm4b:s8+s29], $0x50, $0x38;
	[tilespmem:$0x1E300] =	vst v63  }
0x9f: {  	_ =	swait.ge @!p0 [sflag:s28], $0x50  }
0xa0: {  	[sflag:s28] =	ssyncset.done @!p0 $0x0  }
0xa1: {  	s18 =	simm.s32 @!p0 $0x19300;
	s8 =	simm.s32 @!p0 $0x50;
	[sflag:s28] =	ssyncadd.s32 @!p0 $0xFFFFFFB0  }
0xa2: {  	[tilespmem:s18], [sflag:$0x2] =	stream.indirect.gather @!p0 [hbm4b:s5+s8], $0x80, s30, s8, $0xb8;
	[tilespmem:$0x1E300] =	vst v63  }
0xa3: {  	s18 =	simm.s32 @!p0 $0x1BB00  }
0xa4: {  	[tilespmem:s18], [sflag:$0x2] =	stream.indirect.gather @!p0 [hbm4b:s14+s8], $0x80, s17, s8, $0xb8;
	[tilespmem:$0x1E300] =	vst v63  }
0xa5: {  	_ =	swait.ge [sflag:s10], $0x2800  }
0xa6: {  	[sflag:s10] =	ssyncset.done $0x0  }
0xa7: {  	[sflag:s10] =	ssyncadd.s32 $0xFFFFD800  }
0xa8: {  	_ =	swait.ge [sflag:s10], $0x2800  }
0xa9: {  	[sflag:s10] =	ssyncset.done $0x0  }
0xaa: {  	s28 =	simm.s32 $0x0;
	[sflag:s10] =	ssyncadd.s32 $0xFFFFD800  }
0xab: {  	v7 =	vld [tilespmem:s28+$0x16B00]  }
0xac: {  	v12 =	vld [tilespmem:s28+$0x16B10]  }
0xad: {  	v6 =	vld [tilespmem:s28+$0x16B20]  }
0xae: {  	v5 =	vld [tilespmem:s28+$0x16B30]  }
0xaf: {  	v4 =	vld [tilespmem:s28+$0x16B40]  }
0xb0: {  	v3 =	vld [tilespmem:s28+$0x16B50]  }
0xb1: {  	v2 =	vld [tilespmem:s28+$0x16B60]  }
0xb2: {  	v1 =	vld [tilespmem:s28+$0x16B70]  }
0xb3: {  	v13 =	vld [tilespmem:s28+$0x14300]  }
0xb4: {  	v14 =	vld [tilespmem:s28+$0x14310]  }
0xb5: {  	v11 =	vld [tilespmem:s28+$0x14320]  }
0xb6: {  	v10 =	vld [tilespmem:s28+$0x14330]  }
0xb7: {  	v9 =	vld [tilespmem:s28+$0x14340]  }
0xb8: {  	v8 =	vld [tilespmem:s28+$0x14350];
	v13 =	vadd.f32 v7, v13  }
0xb9: {  	s8 =	simm.s32 $0x200;
	v12 =	vadd.f32 v12, v14;
	v7 =	vld [tilespmem:s28+$0x14360]  }
.LBB2_5:
0xba: {  	s17 =	sshra.s32 s8, $0x2;
	p1 =	sne.s32 s8, $0x9E00;
	v13 =	vmax.f32 v13, $0.0e+00;
	v6 =	vadd.f32 v6, v11;
	v11 =	vld [tilespmem:s28+$0x14370]  }
0xbb: {  	v14 =	vld [tilespmem:s17+$0x16B00];
	[tilespmem:s28+$0x14300] =	vst v13;
	v12 =	vmax.f32 v12, $0.0e+00;
	v5 =	vadd.f32 v5, v10  }
0xbc: {  	v15 =	vld [tilespmem:s17+$0x16B10];
	[tilespmem:s28+$0x14310] =	vst v12;
	v10 =	vmax.f32 v6, $0.0e+00;
	v4 =	vadd.f32 v4, v9  }
0xbd: {  	v6 =	vld [tilespmem:s17+$0x16B20];
	[tilespmem:s28+$0x14320] =	vst v10;
	v9 =	vmax.f32 v5, $0.0e+00;
	v3 =	vadd.f32 v3, v8  }
0xbe: {  	v5 =	vld [tilespmem:s17+$0x16B30];
	[tilespmem:s28+$0x14330] =	vst v9;
	v8 =	vmax.f32 v4, $0.0e+00;
	v2 =	vadd.f32 v2, v7  }
0xbf: {  	v4 =	vld [tilespmem:s17+$0x16B40];
	[tilespmem:s28+$0x14340] =	vst v8;
	v7 =	vmax.f32 v3, $0.0e+00;
	v1 =	vadd.f32 v1, v11  }
0xc0: {  	v3 =	vld [tilespmem:s17+$0x16B50];
	[tilespmem:s28+$0x14350] =	vst v7;
	v7 =	vmax.f32 v2, $0.0e+00  }
0xc1: {  	v2 =	vld [tilespmem:s17+$0x16B60];
	[tilespmem:s28+$0x14360] =	vst v7;
	v7 =	vmax.f32 v1, $0.0e+00  }
0xc2: {  	v1 =	vld [tilespmem:s17+$0x16B70];
	[tilespmem:s28+$0x14370] =	vst v7;
	s28 =	smov.u32 s17  }
0xc3: {  	v7 =	vld [tilespmem:s28+$0x14300]  }
0xc4: {  	v12 =	vld [tilespmem:s28+$0x14310]  }
.Ltmp5:
0xc5: {  	v11 =	vld [tilespmem:s28+$0x14320];
	(pc) =	sbr.rel @p1 .LBB2_5-.Ltmp5, $4  }
0xc6: {  	v10 =	vld [tilespmem:s28+$0x14330]  }
0xc7: {  	v9 =	vld [tilespmem:s28+$0x14340]  }
0xc8: {  	v13 =	vadd.f32 v14, v7;
	v8 =	vld [tilespmem:s28+$0x14350]  }
0xc9: {  	s8 =	sadd.s32 $0x200, s8;
	v12 =	vadd.f32 v15, v12;
	v7 =	vld [tilespmem:s28+$0x14360]  }
0xca: {  	v13 =	vmax.f32 v13, $0.0e+00;
	v6 =	vadd.f32 v6, v11;
	v63 =	vld [tilespmem:s28+$0x14370]  }
0xcb: {  	[tilespmem:s28+$0x14300] =	vst v13;
	v12 =	vmax.f32 v12, $0.0e+00;
	v5 =	vadd.f32 v5, v10  }
0xcc: {  	[tilespmem:s28+$0x14310] =	vst v12;
	v6 =	vmax.f32 v6, $0.0e+00;
	v4 =	vadd.f32 v4, v9  }
0xcd: {  	[tilespmem:s28+$0x14320] =	vst v6;
	v5 =	vmax.f32 v5, $0.0e+00;
	v3 =	vadd.f32 v3, v8  }
0xce: {  	[tilespmem:s28+$0x14330] =	vst v5;
	v4 =	vmax.f32 v4, $0.0e+00;
	v2 =	vadd.f32 v2, v7  }
0xcf: {  	[tilespmem:s28+$0x14340] =	vst v4;
	v3 =	vmax.f32 v3, $0.0e+00;
	v1 =	vadd.f32 v1, v63  }
0xd0: {  	[tilespmem:s28+$0x14350] =	vst v3;
	v2 =	vmax.f32 v2, $0.0e+00  }
0xd1: {  	p1 =	seq.s32 s26, $0x3E;
	[tilespmem:s28+$0x14360] =	vst v2;
	v1 =	vmax.f32 v1, $0.0e+00  }
0xd2: {  	s8 =	smul.u32 @!p1 $0xA0, s26;
	[tilespmem:s28+$0x14370] =	vst v1  }
0xd3: {  	[spmem:s2] =	stream.indirect.scatter.add.f32 [tilespmem:s0], [sflag:$0x4], $0x80, s7, s9, $0xb8;
	[tilespmem:$0x1E300] =	vst v63  }
0xd4: {  	s8 =	sadd.s32 @!p1 s8, s31;
	_ =	swait.ge [sflag:s11], $0x2800  }
0xd5: {  	s18 =	simm.s32 @!p1 $0x0;
	s8 =	sshrl.u32 @!p1 s8, $0x3;
	[sflag:s11] =	ssyncset.done $0x0  }
0xd6: {  	s17 =	sadd.s32 @!p1 s15, s8;
	s28 =	simm.s32 @!p1 $0x14000;
	[sflag:s11] =	ssyncadd.s32 $0xFFFFD800  }
0xd7: {  	[tilespmem:s28], [sflag:$0x4] =	stream.linear.gather @!p1 [hbm4b:s17+s18], $0x50, $0x38;
	[tilespmem:$0x1E300] =	vst v63  }
0xd8: {  	s17 =	simm.s32 @!p1 $0x4  }
0xd9: {  	_ =	swait.ge @!p1 [sflag:s17], $0x50  }
0xda: {  	[sflag:s17] =	ssyncset.done @!p1 $0x0  }
0xdb: {  	s30 =	simm.s32 @!p1 $0x14080;
	s29 =	sadd.s32 @!p1 s1, s8;
	[sflag:s17] =	ssyncadd.s32 @!p1 $0xFFFFFFB0  }
0xdc: {  	[tilespmem:s30], [sflag:$0x4] =	stream.linear.gather @!p1 [hbm4b:s29+s18], $0x50, $0x38;
	[tilespmem:$0x1E300] =	vst v63  }
0xdd: {  	_ =	swait.ge @!p1 [sflag:s17], $0x50  }
0xde: {  	[sflag:s17] =	ssyncset.done @!p1 $0x0  }
0xdf: {  	s8 =	sadd.s32 @!p1 s16, s8;
	s29 =	simm.s32 @!p1 $0x14100;
	[sflag:s17] =	ssyncadd.s32 @!p1 $0xFFFFFFB0  }
0xe0: {  	[tilespmem:s29], [sflag:$0x4] =	stream.linear.gather @!p1 [hbm4b:s8+s18], $0x50, $0x38;
	[tilespmem:$0x1E300] =	vst v63  }
0xe1: {  	_ =	swait.ge @!p1 [sflag:s17], $0x50  }
.Ltmp6:
0xe2: {  	[sflag:s17] =	ssyncset.done @!p1 $0x0;
	(pc) =	sbr.rel @p0 .LBB2_10-.Ltmp6, $4  }
0xe3: {  	s8 =	simm.s32 @!p1 $0x50;
	[sflag:s17] =	ssyncadd.s32 @!p1 $0xFFFFFFB0;
	s17 =	simm.s32 @!p1 $0x14300  }
0xe4: {  	[tilespmem:s17], [sflag:$0x1] =	stream.indirect.gather @!p1 [hbm4b:s5+s8], $0x80, s28, s8, $0xb8;
	[tilespmem:$0x1E300] =	vst v63  }
0xe5: {  	s17 =	simm.s32 @!p1 $0x16B00  }
0xe6: {  	[tilespmem:s17], [sflag:$0x1] =	stream.indirect.gather @!p1 [hbm4b:s14+s8], $0x80, s29, s8, $0xb8;
	[tilespmem:$0x1E300] =	vst v63  }
0xe7: {  	_ =	swait.ge [sflag:s12], $0x2800  }
0xe8: {  	[sflag:s12] =	ssyncset.done $0x0  }
0xe9: {  	[sflag:s12] =	ssyncadd.s32 $0xFFFFD800  }
0xea: {  	_ =	swait.ge [sflag:s12], $0x2800  }
0xeb: {  	[sflag:s12] =	ssyncset.done $0x0  }
0xec: {  	s28 =	simm.s32 $0x0;
	[sflag:s12] =	ssyncadd.s32 $0xFFFFD800  }
0xed: {  	v7 =	vld [tilespmem:s28+$0x1BB00]  }
0xee: {  	v12 =	vld [tilespmem:s28+$0x1BB10]  }
0xef: {  	v6 =	vld [tilespmem:s28+$0x1BB20]  }
0xf0: {  	v5 =	vld [tilespmem:s28+$0x1BB30]  }
0xf1: {  	v4 =	vld [tilespmem:s28+$0x1BB40]  }
0xf2: {  	v3 =	vld [tilespmem:s28+$0x1BB50]  }
0xf3: {  	v2 =	vld [tilespmem:s28+$0x1BB60]  }
0xf4: {  	v1 =	vld [tilespmem:s28+$0x1BB70]  }
0xf5: {  	v13 =	vld [tilespmem:s28+$0x19300]  }
0xf6: {  	v14 =	vld [tilespmem:s28+$0x19310]  }
0xf7: {  	v11 =	vld [tilespmem:s28+$0x19320]  }
0xf8: {  	v10 =	vld [tilespmem:s28+$0x19330]  }
0xf9: {  	v9 =	vld [tilespmem:s28+$0x19340]  }
0xfa: {  	v8 =	vld [tilespmem:s28+$0x19350];
	v13 =	vadd.f32 v7, v13  }
0xfb: {  	s8 =	simm.s32 $0x200;
	v12 =	vadd.f32 v12, v14;
	v7 =	vld [tilespmem:s28+$0x19360]  }
.LBB2_8:
0xfc: {  	s17 =	sshra.s32 s8, $0x2;
	p0 =	sne.s32 s8, $0x9E00;
	v13 =	vmax.f32 v13, $0.0e+00;
	v6 =	vadd.f32 v6, v11;
	v11 =	vld [tilespmem:s28+$0x19370]  }
0xfd: {  	v14 =	vld [tilespmem:s17+$0x1BB00];
	[tilespmem:s28+$0x19300] =	vst v13;
	v12 =	vmax.f32 v12, $0.0e+00;
	v5 =	vadd.f32 v5, v10  }
0xfe: {  	v15 =	vld [tilespmem:s17+$0x1BB10];
	[tilespmem:s28+$0x19310] =	vst v12;
	v10 =	vmax.f32 v6, $0.0e+00;
	v4 =	vadd.f32 v4, v9  }
0xff: {  	v6 =	vld [tilespmem:s17+$0x1BB20];
	[tilespmem:s28+$0x19320] =	vst v10;
	v9 =	vmax.f32 v5, $0.0e+00;
	v3 =	vadd.f32 v3, v8  }
0x100: {  	v5 =	vld [tilespmem:s17+$0x1BB30];
	[tilespmem:s28+$0x19330] =	vst v9;
	v8 =	vmax.f32 v4, $0.0e+00;
	v2 =	vadd.f32 v2, v7  }
0x101: {  	v4 =	vld [tilespmem:s17+$0x1BB40];
	[tilespmem:s28+$0x19340] =	vst v8;
	v7 =	vmax.f32 v3, $0.0e+00;
	v1 =	vadd.f32 v1, v11  }
0x102: {  	v3 =	vld [tilespmem:s17+$0x1BB50];
	[tilespmem:s28+$0x19350] =	vst v7;
	v7 =	vmax.f32 v2, $0.0e+00  }
0x103: {  	v2 =	vld [tilespmem:s17+$0x1BB60];
	[tilespmem:s28+$0x19360] =	vst v7;
	v7 =	vmax.f32 v1, $0.0e+00  }
0x104: {  	v1 =	vld [tilespmem:s17+$0x1BB70];
	[tilespmem:s28+$0x19370] =	vst v7;
	s28 =	smov.u32 s17  }
0x105: {  	v7 =	vld [tilespmem:s28+$0x19300]  }
0x106: {  	v12 =	vld [tilespmem:s28+$0x19310]  }
.Ltmp7:
0x107: {  	v11 =	vld [tilespmem:s28+$0x19320];
	(pc) =	sbr.rel @p0 .LBB2_8-.Ltmp7, $4  }
0x108: {  	v10 =	vld [tilespmem:s28+$0x19330]  }
0x109: {  	v9 =	vld [tilespmem:s28+$0x19340]  }
0x10a: {  	v13 =	vadd.f32 v14, v7;
	v8 =	vld [tilespmem:s28+$0x19350]  }
0x10b: {  	s8 =	sadd.s32 $0x200, s8;
	v12 =	vadd.f32 v15, v12;
	v7 =	vld [tilespmem:s28+$0x19360]  }
0x10c: {  	v13 =	vmax.f32 v13, $0.0e+00;
	v6 =	vadd.f32 v6, v11;
	v63 =	vld [tilespmem:s28+$0x19370]  }
0x10d: {  	[tilespmem:s28+$0x19300] =	vst v13;
	v12 =	vmax.f32 v12, $0.0e+00;
	v5 =	vadd.f32 v5, v10  }
0x10e: {  	[tilespmem:s28+$0x19310] =	vst v12;
	v6 =	vmax.f32 v6, $0.0e+00;
	v4 =	vadd.f32 v4, v9  }
0x10f: {  	[tilespmem:s28+$0x19320] =	vst v6;
	v5 =	vmax.f32 v5, $0.0e+00;
	v3 =	vadd.f32 v3, v8  }
0x110: {  	[tilespmem:s28+$0x19330] =	vst v5;
	v4 =	vmax.f32 v4, $0.0e+00;
	v2 =	vadd.f32 v2, v7  }
0x111: {  	[tilespmem:s28+$0x19340] =	vst v4;
	v3 =	vmax.f32 v3, $0.0e+00;
	v1 =	vadd.f32 v1, v63  }
0x112: {  	[tilespmem:s28+$0x19350] =	vst v3;
	v2 =	vmax.f32 v2, $0.0e+00  }
0x113: {  	[tilespmem:s28+$0x19360] =	vst v2;
	v1 =	vmax.f32 v1, $0.0e+00  }
.Ltmp8:
0x114: {  	[tilespmem:s28+$0x19370] =	vst v1;
	(pc) =	sbr.rel .LBB2_10-.Ltmp8, $4  }
0x115: {  	[spmem:s2] =	stream.indirect.scatter.add.f32 [tilespmem:s6], [sflag:$0x3], $0x80, s13, s9, $0xb8;
	[tilespmem:$0x1E300] =	vst v63  }
0x116: {  	_ =	swait.ge [sflag:s4], $0x2800  }
0x117: {  	[sflag:s4] =	ssyncset.done $0x0  }
0x118: {  	[sflag:s4] =	ssyncadd.s32 $0xFFFFD800  }
.LBB2_12:
0x119: {  	_ =	sfence.sel $0x180000  }
0x11a: {  	[bflag:$0x0] =	sbarrier.arrive $0xFFFF  }
0x11b: {  	_ =	strace $0x9000004A  }
0x11c: {  	s0 =	stileid.u32;
	[bflag:$0x2] =	sbarrier.arrive $0xFFFF  }
0x11d: {  	p0 =	sne.s32 s0, $0x0;
	s0 =	rddreg [dreg:$0x3]  }
0x11e: {  	s0 =	sadd.s32 @!p0 $0x100000, s0  }
0x11f: {  	[sflag:s0] =	ssyncadd.tile.s32 @!p0 $0x1;
	_ =	shalt  }
.Lfunc_end2:
_tile_overlayer_lowered:
.L_overlay_start_2:
0x120: {  	(tag) =	ssettag $0x2  }
0x121: {  	s0 =	rddreg [dreg:$0x0];
	s2 =	stileid.u32  }
0x122: {  	s1 =	rddreg [dreg:$0x1];
	p0 =	sne.s32 s2, $0x0  }
0x123: {  	s3 =	rddreg [dreg:$0x2];
	[bflag:$0x3] =	sbarrier.arrive $0xFFFF;
	s2 =	simm.s32 @!p0 $0x1C03  }
0x124: {  	[timem:s3], [sflag:s2] =	dma.local @!p0 [hbm:s0], s1  }
0x125: {  	s0 =	simm.s32 @!p0 $0x3  }
0x126: {  	_ =	swait.ge @!p0 [sflag:s0], s1  }
0x127: {  	s1 =	ssub.s32 @!p0 $0x0, s1;
	[sflag:s0] =	ssyncset.done @!p0 $0x0  }
0x128: {  	[sflag:s0] =	ssyncadd.s32 @!p0 s1  }
0x129: {  	[bflag:$0x3] =	sbarrier.arrive $0xFFFF  }
0x12a: {  	_ =	shalt  }

// kernel: kernel.25.cloned.1.call-start
scs
__scs_entry_jumppad:
0x0: {  	(pc) =	sbr.rel $0x88, $3  }
0x1: {  	(tag) =	ssettag $0x0;
	lr =	simm.s32 $0x1  }
0x2: {  	[smem:$0x3F89] =	sst lr;
	_ =	strace $0xD0000000  }
0x3: {  	_ = 	snop  }
0x4: {  	_ = 	snop  }
0x5: {  	_ = 	snop  }
0x6: {  	_ = 	snop  }
0x7: {  	_ = 	snop  }
__scs_overlays_trampoline_lowered:
0x8: {  	[smem:$0x3F98] =	sst s0  }
0x9: {  	[smem:$0x3F99] =	sst s1  }
0xa: {  	[smem:$0x3F9A] =	sst s2  }
0xb: {  	[smem:$0x3F9B] =	sst s3  }
0xc: {  	[smem:$0x3F9C] =	sst s4  }
0xd: {  	[smem:$0x3F9D] =	sst s5  }
0xe: {  	[smem:$0x3F9E] =	sst s6  }
0xf: {  	[smem:$0x3F9F] =	sst s7  }
0x10: {  	[smem:$0x3FA0] =	sst s8  }
0x11: {  	[smem:$0x3FA1] =	sst s9;
	s0 =	simm.s32 @!p0 $0x0  }
0x12: {  	s1 =	sld [smem:$0x3F87];
	s0 =	simm.s32 @p0 $0x1  }
0x13: {  	[smem:$0x3FA2] =	sst s0;
	s0 =	simm.s32 @!p1 $0x0  }
0x14: {  	s2 =	sld [smem:$0x3F86];
	s0 =	simm.s32 @p1 $0x1  }
0x15: {  	[smem:$0x3FA3] =	sst s0;
	s0 =	simm.s32 @!p2 $0x0  }
0x16: {  	s3 =	sld [smem:$0x3FDB];
	s0 =	simm.s32 @p2 $0x1  }
0x17: {  	s4 =	simm.s32 $0x1BF5;
	[smem:$0x3FA5] =	sst s0  }
0x18: {  	s0 =	sld [smem:$0x3F88];
	_ =	swait.ge [sflag:s4], $0x0  }
0x19: {  	s7 =	sld [smem:$0x3F89]  }
0x1a: {  	s8 =	sadd.s32 $0xFFFFE003, lr  }
0x1b: {  	s9 =	sadd.s32 $0xFFFFFEF7, lr;
	s5 =	simm.s32 $0xFFFFFFFF;
	p2 =	slt.u32 s8, $0xFFFFF086  }
0x1c: {  	p1 =	slt.u32 s9, $0xF7A;
	s5 =	simm.s32 @!p2 $0x0  }
0x1d: {  	s5 =	simm.s32 @p1 $0x1;
	p0 =	seq.s32 s7, s2  }
0x1e: {  	s7 =	smul.u32 @!p0 $0xF7A, s2;
	p2 =	seq.s32 @!p0 s5, $0x0  }
0x1f: {  	s9 =	smul.u32 $0xF7A, s1;
	s8 =	simm.s32 @!p0 $0x1BF5;
	p2 =	por !p2, p0  }
0x20: {  	[sflag:s8] =	ssyncset.s32 @!p0 $0xFFFFF086;
	s6 =	sadd.s32 @!p0 s3, s7;
	s7 =	simm.s32 @!p0 $0x108  }
0x21: {  	s3 =	sadd.s32 s3, s9;
	s6 =	sadd.s32 @!p0 $0x88, s6;
	s7 =	simm.s32 @p2 $0x1082  }
0x22: {  	[simem:s7], [sflag:s8] =	dma.local @!p0 [hbm:s6], $0xF7A  }
0x23: {  	s9 =	sor.u32 $0xD0000000, s2;
	s6 =	simm.s32 $0x108;
	_ =	swait.ge @!p0 [sflag:s8], $0x0  }
0x24: {  	s3 =	sadd.s32 $0x88, s3;
	s6 =	simm.s32 @!p1 $0x1082;
	[sflag:s4] =	ssyncset.s32 $0xFFFFF086  }
0x25: {  	[simem:s6], [sflag:s4] =	dma.local [hbm:s3], $0xF7A  }
0x26: {  	[smem:$0x3F89] =	sst s1;
	(tag) =	ssettag s2;
	_ =	strace s9  }
0x27: {  	s1 =	sld [smem:$0x3F99]  }
0x28: {  	s2 =	sld [smem:$0x3F9A]  }
0x29: {  	s4 =	sld [smem:$0x3F9C]  }
0x2a: {  	p0 =	seq.s32 s5, $0x0;
	s5 =	sld [smem:$0x3F9D]  }
0x2b: {  	s6 =	sld [smem:$0x3F9E]  }
0x2c: {  	s7 =	sld [smem:$0x3F9F]  }
0x2d: {  	s3 =	simm.s32 $0x108;
	s8 =	sld [smem:$0x3FA0]  }
0x2e: {  	s3 =	simm.s32 @!p0 $0x1082;
	s9 =	sld [smem:$0x3FA1]  }
0x2f: {  	lr =	sadd.s32 s0, s3;
	s0 =	sld [smem:$0x3F98]  }
0x30: {  	s3 =	sld [smem:$0x3F9B]  }
0x31: {  	[smem:$0x3FA4] =	sst s10  }
0x32: {  	s10 =	sld [smem:$0x3FA2];
	_ =	sdelay $0x3  }
0x33: {  	p0 =	seq.s32 s10, $0x1;
	s10 =	sld [smem:$0x3FA4];
	_ =	sdelay $0x3  }
0x34: {  	[smem:$0x3FA4] =	sst s10  }
0x35: {  	s10 =	sld [smem:$0x3FA3];
	_ =	sdelay $0x3  }
0x36: {  	p1 =	seq.s32 s10, $0x1;
	s10 =	sld [smem:$0x3FA4];
	_ =	sdelay $0x3  }
0x37: {  	[smem:$0x3FA4] =	sst s10  }
0x38: {  	s10 =	sld [smem:$0x3FA5]  }
0x39: {  	_ = 	snop;
	(pc) =	sbr.ind lr, $3  }
0x3a: {  	_ = 	snop  }
0x3b: {  	_ = 	snop  }
0x3c: {  	p2 =	seq.s32 s10, $0x1;
	s10 =	sld [smem:$0x3FA4]  }
0x3d: {  	_ =	shalt  }
0x3e: {  	_ =	shalt  }
0x3f: {  	_ =	shalt  }
0x40: {  	_ =	shalt  }
0x41: {  	_ =	shalt  }
0x42: {  	_ =	shalt  }
0x43: {  	_ =	shalt  }
0x44: {  	_ =	shalt  }
0x45: {  	_ =	shalt  }
0x46: {  	_ =	shalt  }
0x47: {  	_ =	shalt  }
0x48: {  	_ =	shalt  }
0x49: {  	_ =	shalt  }
0x4a: {  	_ =	shalt  }
0x4b: {  	_ =	shalt  }
0x4c: {  	_ =	shalt  }
0x4d: {  	_ =	shalt  }
0x4e: {  	_ =	shalt  }
0x4f: {  	_ =	shalt  }
0x50: {  	_ =	shalt  }
0x51: {  	_ =	shalt  }
0x52: {  	_ =	shalt  }
0x53: {  	_ =	shalt  }
0x54: {  	_ =	shalt  }
0x55: {  	_ =	shalt  }
0x56: {  	_ =	shalt  }
0x57: {  	_ =	shalt  }
0x58: {  	_ =	shalt  }
0x59: {  	_ =	shalt  }
0x5a: {  	_ =	shalt  }
0x5b: {  	_ =	shalt  }
0x5c: {  	_ =	shalt  }
0x5d: {  	_ =	shalt  }
0x5e: {  	_ =	shalt  }
0x5f: {  	_ =	shalt  }
0x60: {  	_ =	shalt  }
0x61: {  	_ =	shalt  }
0x62: {  	_ =	shalt  }
0x63: {  	_ =	shalt  }
0x64: {  	_ =	shalt  }
0x65: {  	_ =	shalt  }
0x66: {  	_ =	shalt  }
0x67: {  	_ =	shalt  }
0x68: {  	_ =	shalt  }
0x69: {  	_ =	shalt  }
0x6a: {  	_ =	shalt  }
0x6b: {  	_ =	shalt  }
0x6c: {  	_ =	shalt  }
0x6d: {  	_ =	shalt  }
0x6e: {  	_ =	shalt  }
0x6f: {  	_ =	shalt  }
0x70: {  	_ =	shalt  }
0x71: {  	_ =	shalt  }
0x72: {  	_ =	shalt  }
0x73: {  	_ =	shalt  }
0x74: {  	_ =	shalt  }
0x75: {  	_ =	shalt  }
0x76: {  	_ =	shalt  }
0x77: {  	_ =	shalt  }
0x78: {  	_ =	shalt  }
0x79: {  	_ =	shalt  }
0x7a: {  	_ =	shalt  }
0x7b: {  	_ =	shalt  }
0x7c: {  	_ =	shalt  }
0x7d: {  	_ =	shalt  }
0x7e: {  	_ =	shalt  }
0x7f: {  	_ =	shalt  }
0x80: {  	_ =	shalt  }
0x81: {  	_ =	shalt  }
0x82: {  	_ =	shalt  }
0x83: {  	_ =	shalt  }
0x84: {  	_ =	shalt  }
0x85: {  	_ =	shalt  }
0x86: {  	_ =	shalt  }
0x87: {  	_ =	shalt  }
.Lfunc_end0:
.L_simem_size_0:
called_computation.2_lowered:
.L_overlay_start_0:
0x88: {  	s2 =	sld [smem:$0x3FD9]  }
0x89: {  	s3 =	sld [smem:$0x3FFE];
	_ =	sdelay $0x1  }
0x8a: {  	s1 =	srdreg.scid  }
0x8b: {  	s0 =	sand.u32 $0x1, s1  }
0x8c: {  	s17 =	sshll.u32 s0, $0xA;
	s2 =	sadd.s32 s3, s2  }
0x8d: {  	s2 =	sadd.s32 s2, s17  }
0x8e: {  	[smem:$0x3FB0] =	sst s2  }
0x8f: {  	_ = 	snop  }
0x90: {  	s2 =	sld [smem:$0x3FD0];
	(tm) =	ssettm $0x1  }
0x91: {  	s18 =	sld [smem:$0x3FFB];
	_ =	sdelay $0x3  }
0x92: {  	_ =	strace s18  }
0x93: {  	s3 =	sld [smem:$0x3FFC];
	_ =	sdelay $0x3  }
0x94: {  	_ =	strace s3  }
0x95: {  	s3 =	sld [smem:$0x3FFD];
	_ =	sdelay $0x3  }
0x96: {  	_ =	strace s3  }
0x97: {  	_ =	strace $0x8FFFFFFF  }
0x98: {  	s19 =	sld [smem:$0x3FDB];
	_ =	sdelay $0x1  }
0x99: {  	s4 =	simm.s32 $_scs_section_size  }
0x9a: {  	s5 =	simm.s32 $_size__tile_overlayer_lowered;
	s6 =	simm.s32 $_tile_overlayer_lowered  }
0x9b: {  	s22 =	simm.s32 $0x1BFF;
	s21 =	sshll.u32 s6, $0x1;
	s3 =	sadd.s32 s4, s19  }
0x9c: {  	s7 =	simm.s32 $0x0;
	s20 =	sshll.u32 s5, $0x1;
	s5 =	sadd.s32 s21, s3  }
0x9d: {  	[timem:s7], [sflag:s22] =	dma.local [hbm:s5], s20  }
0x9e: {  	_ =	swait.ge [sflag:s22], s20  }
0x9f: {  	s4 =	ssub.s32 $0x0, s20;
	[sflag:s22] =	ssyncset.done $0x0  }
0xa0: {  	[sflag:s22] =	ssyncadd.s32 s4;
	_ =	sdelay $0x1  }
0xa1: {  	s23 =	simm.s32 $0x1B8B  }
0xa2: {  	_ =	swait.ge [sflag:s23], $0x1  }
0xa3: {  	[sflag:s23] =	ssyncset.done $0x0  }
0xa4: {  	s25 =	simm.s32 $0x1B8E;
	s24 =	sld [smem:$0x3FFE];
	[sflag:s23] =	ssyncadd.s32 $0xFFFFFFFF  }
0xa5: {  	s26 =	simm.s32 $execute0_lowered;
	[smem:$0x3FD2] =	sst s25  }
0xa6: {  	s5 =	sshll.u32 s26, $0x1;
	_ =	strace $0x8000004C;
	[dreg:$0x1] =	wrdreg $0xFFFFFFFF  }
0xa7: {  	s28 =	simm.s32 $_size_execute0_lowered;
	s3 =	sadd.s32 s3, s5;
	[dreg:$0x0] =	wrdreg $0x0  }
0xa8: {  	s5 =	sshll.u32 s28, $0x1;
	[dreg:$0x2] =	wrdreg s3  }
0xa9: {  	[dreg:$0x3] =	wrdreg s5  }
0xaa: {  	[dreg:$0x4] =	wrdreg $0xC0  }
0xab: {  	_ =	task [dreg:s7], $0x5FFFF  }
0xac: {  	[dreg:$0x1] =	wrdreg $0xFFFFFFFF  }
0xad: {  	[dreg:$0x0] =	wrdreg $0x60  }
0xae: {  	[dreg:$0x2] =	wrdreg s24  }
0xaf: {  	[dreg:$0x3] =	wrdreg s2  }
0xb0: {  	[dreg:$0x4] =	wrdreg $0x0  }
0xb1: {  	[dreg:$0x5] =	wrdreg $0x9  }
0xb2: {  	_ =	task.clear_ibuf [dreg:s7], $0x6FFFF;
	_ =	strace $0x9000004C  }
0xb3: {  	s29 =	simm.s32 $0x9;
	_ =	strace $0x8000004E  }
0xb4: {  	_ =	swait.ge [sflag:s29], $0x1  }
0xb5: {  	[sflag:s29] =	ssyncadd.s32 $0xFFFFFFFF  }
0xb6: {  	_ =	strace $0x9000004E  }
0xb7: {  	_ =	sfence  }
0xb8: {  	s30 =	sld [smem:$0x0];
	_ =	sdelay $0x2  }
0xb9: {  	s31 =	sshll.u32 s1, $0xD;
	s1 =	sshrl.u32 s1, $0x2  }
0xba: {  	s3 =	sand.u32 $0x4000, s31;
	s1 =	sadd.s32 s1, s30  }
0xbb: {  	s0 =	sor.u32 s3, s0;
	s1 =	sshll.u32 s1, $0x11  }
0xbc: {  	s0 =	sor.u32 s1, s0  }
0xbd: {  	s0 =	sadd.s32 $0x8F2B, s0  }
0xbe: {  	[sflag:s0] =	ssyncadd.remote.s32 $0x1  }
0xbf: {  	_ =	sfence.sel $0xFFFF  }
0xc0: {  	[dreg:$0x0] =	wrdreg $0xFFFFFFFF;
	(pc) =	sbr.abs _section_cstart, $3  }
0xc1: {  	[dreg:$0x1] =	wrdreg $0xFFFFFFFF  }
0xc2: {  	_ =	task.clear_ibuf [dreg:s7], $0x2FFFF;
	_ =	strace $0x9FFFFFFF  }
0xc3: {  	(tm) =	ssettm $0x7FFFFFFF  }
tec
execute0_lowered:
.L_overlay_start_1:
0x0: {  	(tag) =	ssettag $0x1  }
0x1: {  	s0 =	rddreg [dreg:$0x0]  }
0x2: {  	s1 =	rddreg [dreg:$0x1]  }
0x3: {  	s2 =	rddreg [dreg:$0x2]  }
0x4: {  	s3 =	simm.s32 $0x0;
	s4 =	srdreg.scid;
	s11 =	stileid.u32  }
0x5: {  	[smem:$0x7FF] =	sst s3;
	s5 =	sadd.s32 $0x1CE00, s0;
	s4 =	sand.u32 $0x1, s4  }
0x6: {  	s6 =	sadd.s32 $0x44E00, s0;
	s10 =	smul.u32 $0x14000, s11;
	s7 =	ssub.s32 $0x2, s4  }
0x7: {  	s9 =	sshll.u32 s11, $0x1;
	_ =	strace $0x8000004D;
	s8 =	sshrl.u32 s7, $0x1  }
0x8: {  	s12 =	sadd.s32 $0x5000, s10;
	s13 =	sadd.s32 $0x7800, s10;
	s22 =	sadd.s32 $0xA000, s10  }
0x9: {  	s7 =	ssub.s32 s7, s8;
	s8 =	sor.u32 s4, s9;
	s4 =	smul.u32 $0x140000, s4  }
0xa: {  	s23 =	sadd.s32 $0xC800, s10;
	s9 =	smul.u32 $0x50000, s11;
	s11 =	sor.u32 $0x2800, s10  }
0xb: {  	s24 =	sadd.s32 $0xF000, s10;
	s14 =	sadd.s32 s10, s4;
	s15 =	sadd.s32 s4, s11  }
0xc: {  	s10 =	sadd.s32 $0x11800, s10;
	s18 =	sadd.s32 s4, s12;
	s19 =	sadd.s32 s4, s13  }
0xd: {  	s16 =	sadd.s32 s4, s22;
	s26 =	sadd.s32 s4, s23;
	s29 =	sadd.s32 s4, s24  }
0xe: {  	s9 =	sshrl.u32 s9, $0x2;
	s22 =	sadd.s32 s22, s2;
	s23 =	sadd.s32 s23, s2  }
0xf: {  	s24 =	sadd.s32 s24, s2;
	s14 =	sshrl.u32 s14, $0x3;
	s15 =	sshrl.u32 s15, $0x3  }
0x10: {  	s20 =	sshrl.u32 s19, $0x3;
	s21 =	sshrl.u32 s16, $0x3;
	s4 =	sadd.s32 s4, s10  }
0x11: {  	s30 =	sshrl.u32 s29, $0x3;
	s16 =	sadd.s32 $0x11000, s0;
	s28 =	sadd.s32 s9, s2  }
0x12: {  	s19 =	smul.u32 $0x2710, s8;
	s9 =	simm.s32 $0x50;
	s14 =	sadd.s32 s6, s14  }
0x13: {  	s17 =	sadd.s32 s6, s15;
	s25 =	sadd.s32 s6, s21;
	s4 =	sshrl.u32 s4, $0x3  }
0x14: {  	s15 =	sadd.s32 $0x7200, s0;
	s21 =	sadd.s32 s13, s2;
	[dreg:$0x4] =	wrdreg s14  }
0x15: {  	s13 =	simm.s32 $0x14200;
	[dreg:$0x5] =	wrdreg s17;
	s14 =	sshrl.u32 s18, $0x3  }
0x16: {  	[dreg:$0x8] =	wrdreg s25;
	s4 =	sadd.s32 s6, s4;
	s17 =	sadd.s32 s11, s2  }
0x17: {  	s18 =	sadd.s32 s12, s2;
	s25 =	sadd.s32 s10, s2;
	[dreg:$0xb] =	wrdreg s4  }
0x18: {  	s31 =	sadd.s32 $0xA0, s19;
	s10 =	simm.s32 $0x1;
	[dreg:$0xc] =	wrdreg s17  }
0x19: {  	s11 =	simm.s32 $0x4;
	s14 =	sadd.s32 s6, s14;
	[dreg:$0xd] =	wrdreg s18  }
0x1a: {  	[dreg:$0x6] =	wrdreg s14;
	s14 =	sadd.s32 s6, s20;
	s20 =	sshrl.u32 s19, $0x3  }
0x1b: {  	[dreg:$0x7] =	wrdreg s14;
	s14 =	sshrl.u32 s26, $0x3;
	s26 =	sadd.s32 s15, s20  }
0x1c: {  	s12 =	simm.s32 $0x2;
	s29 =	sadd.s32 s1, s20;
	[dreg:$0xe] =	wrdreg s26  }
.Ltmp0:
0x1d: {  	s14 =	sadd.s32 s6, s14;
	[dreg:$0xf] =	wrdreg s29;
	(pc) =	sbr.rel .LBB2_1-.Ltmp0, $4  }
0x1e: {  	s4 =	simm.s32 $0x3;
	[dreg:$0x9] =	wrdreg s14;
	s14 =	sadd.s32 s6, s30  }
0x1f: {  	s30 =	smax.u32 s7, $0x1;
	s7 =	simm.s32 $0x14080;
	[dreg:$0xa] =	wrdreg s14  }
0x20: {  	s14 =	sadd.s32 $0x1AE00, s0;
	s0 =	sadd.s32 s16, s20;
	[dreg:$0x11] =	wrdreg s30  }
0x21: {  	v0 =	vimm.f32 $0.0e+00;
	s6 =	simm.s32 $0x19300;
	[dreg:$0x10] =	wrdreg s0;
	s0 =	simm.s32 $0x14300  }
.LBB2_11:
0x22: {  	s8 =	stileid.u32  }
0x23: {  	[bflag:$0x0] =	sbarrier.arrive $0xFFFF;
	s8 =	sshll.u32 s8, $0x6  }
0x24: {  	s17 =	sshrl.u32 s20, $0x3;
	s18 =	rddreg [dreg:$0x4];
	s8 =	sor.u32 $0x1C03, s8  }
0x25: {  	[hbm:s18], [sflag:s8] =	dma.local [spmem:s17], $0x500  }
0x26: {  	_ =	swait.ge [sflag:s4], $0x500  }
0x27: {  	[sflag:s4] =	ssyncset.done $0x0;
	s29 =	rddreg [dreg:$0xc]  }
0x28: {  	s30 =	rddreg [dreg:$0x5];
	[sflag:s4] =	ssyncadd.s32 $0xFFFFFB00;
	s17 =	sshrl.u32 s29, $0x3  }
0x29: {  	[hbm:s30], [sflag:s8] =	dma.local [spmem:s17], $0x500  }
0x2a: {  	_ =	swait.ge [sflag:s4], $0x500  }
0x2b: {  	s28 =	smov.u32 s20;
	[sflag:s4] =	ssyncset.done $0x0;
	s20 =	rddreg [dreg:$0xd]  }
0x2c: {  	s26 =	rddreg [dreg:$0x6];
	[sflag:s4] =	ssyncadd.s32 $0xFFFFFB00;
	s17 =	sshrl.u32 s20, $0x3  }
0x2d: {  	[hbm:s26], [sflag:s8] =	dma.local [spmem:s17], $0x500  }
0x2e: {  	_ =	swait.ge [sflag:s4], $0x500  }
0x2f: {  	[sflag:s4] =	ssyncset.done $0x0  }
0x30: {  	s29 =	sshrl.u32 s21, $0x3;
	s30 =	rddreg [dreg:$0x7];
	[sflag:s4] =	ssyncadd.s32 $0xFFFFFB00  }
0x31: {  	[hbm:s30], [sflag:s8] =	dma.local [spmem:s29], $0x500  }
0x32: {  	_ =	swait.ge [sflag:s4], $0x500  }
0x33: {  	[sflag:s4] =	ssyncset.done $0x0  }
0x34: {  	s20 =	sshrl.u32 s22, $0x3;
	s26 =	rddreg [dreg:$0x8];
	[sflag:s4] =	ssyncadd.s32 $0xFFFFFB00  }
0x35: {  	[hbm:s26], [sflag:s8] =	dma.local [spmem:s20], $0x500  }
0x36: {  	_ =	swait.ge [sflag:s4], $0x500  }
0x37: {  	[sflag:s4] =	ssyncset.done $0x0  }
0x38: {  	s29 =	sshrl.u32 s23, $0x3;
	s30 =	rddreg [dreg:$0x9];
	[sflag:s4] =	ssyncadd.s32 $0xFFFFFB00  }
0x39: {  	[hbm:s30], [sflag:s8] =	dma.local [spmem:s29], $0x500  }
0x3a: {  	_ =	swait.ge [sflag:s4], $0x500  }
0x3b: {  	[sflag:s4] =	ssyncset.done $0x0  }
0x3c: {  	s18 =	sshrl.u32 s24, $0x3;
	s20 =	rddreg [dreg:$0xa];
	[sflag:s4] =	ssyncadd.s32 $0xFFFFFB00  }
0x3d: {  	[hbm:s20], [sflag:s8] =	dma.local [spmem:s18], $0x500  }
0x3e: {  	_ =	swait.ge [sflag:s4], $0x500  }
0x3f: {  	[sflag:s4] =	ssyncset.done $0x0  }
0x40: {  	s26 =	sshrl.u32 s25, $0x3;
	s29 =	rddreg [dreg:$0xb];
	[sflag:s4] =	ssyncadd.s32 $0xFFFFFB00  }
0x41: {  	[hbm:s29], [sflag:s8] =	dma.local [spmem:s26], $0x500  }
0x42: {  	_ =	swait.ge [sflag:s4], $0x500  }
0x43: {  	s3 =	sadd.s32 $0x1, s3;
	s30 =	rddreg [dreg:$0x11]  }
0x44: {  	p0 =	sne.s32 s3, s30  }
.Ltmp1:
0x45: {  	_ = 	snop;
	(pc) =	sbr.rel @!p0 .LBB2_12-.Ltmp1, $3  }
0x46: {  	_ =	sdelay $0x1  }
0x47: {  	[sflag:s4] =	ssyncset.done $0x0  }
0x48: {  	[sflag:s4] =	ssyncadd.s32 $0xFFFFFB00  }
.LBB2_1:
0x49: {  	s8 =	simm.s32 $0x0;
	s26 =	simm.s32 $0x200  }
.LBB2_2:
0x4a: {  	p0 =	sne.s32 s26, $0x9E00;
	[tilespmem:s8+$0x14370] =	vst v0  }
0x4b: {  	[tilespmem:s8+$0x14300] =	vst v0  }
0x4c: {  	[tilespmem:s8+$0x14310] =	vst v0  }
.Ltmp2:
0x4d: {  	[tilespmem:s8+$0x14320] =	vst v0;
	(pc) =	sbr.rel @p0 .LBB2_2-.Ltmp2, $4  }
0x4e: {  	[tilespmem:s8+$0x14330] =	vst v0  }
0x4f: {  	[tilespmem:s8+$0x14340] =	vst v0  }
0x50: {  	[tilespmem:s8+$0x14350] =	vst v0  }
0x51: {  	[tilespmem:s8+$0x14360] =	vst v0;
	s8 =	sshra.s32 s26, $0x2;
	s26 =	sadd.s32 $0x200, s26  }
0x52: {  	[tilespmem:s8+$0x14370] =	vst v0  }
0x53: {  	[tilespmem:s8+$0x14300] =	vst v0  }
0x54: {  	[tilespmem:s8+$0x14310] =	vst v0  }
0x55: {  	[tilespmem:s8+$0x14320] =	vst v0  }
0x56: {  	[tilespmem:s8+$0x14330] =	vst v0  }
0x57: {  	[tilespmem:s8+$0x14340] =	vst v0  }
0x58: {  	[tilespmem:s8+$0x14350] =	vst v0  }
0x59: {  	[tilespmem:s8+$0x14360] =	vst v0  }
0x5a: {  	[spmem:s28] =	stream.linear.scatter [tilespmem:s0], [sflag:$0x3], $0x2800, $0x38;
	[tilespmem:$0x1E300] =	vst v63  }
0x5b: {  	_ =	swait.ge [sflag:s4], $0x2800  }
0x5c: {  	[sflag:s4] =	ssyncset.done $0x0  }
0x5d: {  	s30 =	rddreg [dreg:$0xc];
	[sflag:s4] =	ssyncadd.s32 $0xFFFFD800  }
0x5e: {  	[spmem:s30] =	stream.linear.scatter [tilespmem:s0], [sflag:$0x3], $0x2800, $0x38;
	[tilespmem:$0x1E300] =	vst v63  }
0x5f: {  	_ =	swait.ge [sflag:s4], $0x2800  }
0x60: {  	[sflag:s4] =	ssyncset.done $0x0  }
0x61: {  	s17 =	rddreg [dreg:$0xd];
	[sflag:s4] =	ssyncadd.s32 $0xFFFFD800  }
0x62: {  	[spmem:s17] =	stream.linear.scatter [tilespmem:s0], [sflag:$0x3], $0x2800, $0x38;
	[tilespmem:$0x1E300] =	vst v63  }
0x63: {  	_ =	swait.ge [sflag:s4], $0x2800  }
0x64: {  	[sflag:s4] =	ssyncset.done $0x0  }
0x65: {  	[sflag:s4] =	ssyncadd.s32 $0xFFFFD800  }
0x66: {  	[spmem:s21] =	stream.linear.scatter [tilespmem:s0], [sflag:$0x3], $0x2800, $0x38;
	[tilespmem:$0x1E300] =	vst v63  }
0x67: {  	_ =	swait.ge [sflag:s4], $0x2800  }
0x68: {  	[sflag:s4] =	ssyncset.done $0x0  }
0x69: {  	[sflag:s4] =	ssyncadd.s32 $0xFFFFD800  }
0x6a: {  	[spmem:s22] =	stream.linear.scatter [tilespmem:s0], [sflag:$0x3], $0x2800, $0x38;
	[tilespmem:$0x1E300] =	vst v63  }
0x6b: {  	_ =	swait.ge [sflag:s4], $0x2800  }
0x6c: {  	[sflag:s4] =	ssyncset.done $0x0  }
0x6d: {  	[sflag:s4] =	ssyncadd.s32 $0xFFFFD800  }
0x6e: {  	[spmem:s23] =	stream.linear.scatter [tilespmem:s0], [sflag:$0x3], $0x2800, $0x38;
	[tilespmem:$0x1E300] =	vst v63  }
0x6f: {  	_ =	swait.ge [sflag:s4], $0x2800  }
0x70: {  	[sflag:s4] =	ssyncset.done $0x0  }
0x71: {  	[sflag:s4] =	ssyncadd.s32 $0xFFFFD800  }
0x72: {  	[spmem:s24] =	stream.linear.scatter [tilespmem:s0], [sflag:$0x3], $0x2800, $0x38;
	[tilespmem:$0x1E300] =	vst v63  }
0x73: {  	_ =	swait.ge [sflag:s4], $0x2800  }
0x74: {  	[sflag:s4] =	ssyncset.done $0x0  }
0x75: {  	[sflag:s4] =	ssyncadd.s32 $0xFFFFD800  }
0x76: {  	[spmem:s25] =	stream.linear.scatter [tilespmem:s0], [sflag:$0x3], $0x2800, $0x38;
	[tilespmem:$0x1E300] =	vst v63  }
0x77: {  	_ =	swait.ge [sflag:s4], $0x2800  }
0x78: {  	s26 =	simm.s32 $0x0;
	[sflag:s4] =	ssyncset.done $0x0  }
0x79: {  	s17 =	simm.s32 $0x14000;
	s18 =	rddreg [dreg:$0xe];
	[sflag:s4] =	ssyncadd.s32 $0xFFFFD800  }
0x7a: {  	[tilespmem:s17], [sflag:$0x3] =	stream.linear.gather [hbm4b:s18+s26], $0x50, $0x38;
	[tilespmem:$0x1E300] =	vst v63  }
0x7b: {  	_ =	swait.ge [sflag:s4], $0x50  }
0x7c: {  	[sflag:s4] =	ssyncset.done $0x0  }
0x7d: {  	s20 =	smov.u32 s28;
	s28 =	rddreg [dreg:$0xf];
	[sflag:s4] =	ssyncadd.s32 $0xFFFFFFB0  }
0x7e: {  	[tilespmem:s7], [sflag:$0x3] =	stream.linear.gather [hbm4b:s28+s26], $0x50, $0x38;
	[tilespmem:$0x1E300] =	vst v63  }
0x7f: {  	_ =	swait.ge [sflag:s4], $0x50  }
0x80: {  	[sflag:s4] =	ssyncset.done $0x0  }
0x81: {  	s18 =	simm.s32 $0x14100;
	s29 =	rddreg [dreg:$0x10];
	[sflag:s4] =	ssyncadd.s32 $0xFFFFFFB0  }
0x82: {  	[tilespmem:s18], [sflag:$0x3] =	stream.linear.gather [hbm4b:s29+s26], $0x50, $0x38;
	[tilespmem:$0x1E300] =	vst v63  }
0x83: {  	_ =	swait.ge [sflag:s4], $0x50  }
0x84: {  	[sflag:s4] =	ssyncset.done $0x0  }
0x85: {  	[sflag:s4] =	ssyncadd.s32 $0xFFFFFFB0  }
0x86: {  	[tilespmem:s0], [sflag:$0x1] =	stream.indirect.gather [hbm4b:s5+s9], $0x80, s17, s9, $0xb8;
	[tilespmem:$0x1E300] =	vst v63  }
.Ltmp3:
0x87: {  	_ = 	snop;
	(pc) =	sbr.rel .LBB2_4-.Ltmp3, $3  }
0x88: {  	s30 =	simm.s32 $0x16B00  }
0x89: {  	[tilespmem:s30], [sflag:$0x1] =	stream.indirect.gather [hbm4b:s14+s9], $0x80, s18, s9, $0xb8;
	[tilespmem:$0x1E300] =	vst v63  }
0x8a: {  	[bflag:$0x0] =	sbarrier.arrive $0xFFFF;
	_ =	sdelay $0x1  }
.LBB2_10:
0x8b: {  	s26 =	sadd.s32 $0x1, s26  }
0x8c: {  	p0 =	sne.s32 s26, $0x3F  }
.Ltmp4:
0x8d: {  	_ = 	snop;
	(pc) =	sbr.rel @!p0 .LBB2_11-.Ltmp4, $1  }
0x8e: {  	_ =	sdelay $0x3  }
.LBB2_4:
0x8f: {  	s8 =	sshllo.u32 s26, $0x1  }
0x90: {  	p0 =	sgt.u32 s8, $0x7C  }
0x91: {  	s8 =	smul.u32 @!p0 $0x50, s8;
	_ =	sdelay $0x1  }
0x92: {  	s8 =	sadd.s32 @!p0 s19, s8  }
0x93: {  	s8 =	sshrl.u32 @!p0 s8, $0x3  }
0x94: {  	s29 =	simm.s32 @!p0 $0x0;
	s30 =	simm.s32 @!p0 $0x14180;
	s28 =	sadd.s32 @!p0 s15, s8  }
0x95: {  	[tilespmem:s30], [sflag:$0x4] =	stream.linear.gather @!p0 [hbm4b:s28+s29], $0x50, $0x38;
	[tilespmem:$0x1E300] =	vst v63  }
0x96: {  	s28 =	simm.s32 @!p0 $0x4  }
0x97: {  	_ =	swait.ge @!p0 [sflag:s28], $0x50  }
0x98: {  	[sflag:s28] =	ssyncset.done @!p0 $0x0  }
0x99: {  	s18 =	simm.s32 @!p0 $0x14200;
	s17 =	sadd.s32 @!p0 s1, s8;
	[sflag:s28] =	ssyncadd.s32 @!p0 $0xFFFFFFB0  }
0x9a: {  	[tilespmem:s18], [sflag:$0x4] =	stream.linear.gather @!p0 [hbm4b:s17+s29], $0x50, $0x38;
	[tilespmem:$0x1E300] =	vst v63  }
0x9b: {  	_ =	swait.ge @!p0 [sflag:s28], $0x50  }
0x9c: {  	[sflag:s28] =	ssyncset.done @!p0 $0x0  }
0x9d: {  	s8 =	sadd.s32 @!p0 s16, s8;
	s17 =	simm.s32 @!p0 $0x14280;
	[sflag:s28] =	ssyncadd.s32 @!p0 $0xFFFFFFB0  }
0x9e: {  	[tilespmem:s17], [sflag:$0x4] =	stream.linear.gather @!p0 [hbm4b:s8+s29], $0x50, $0x38;
	[tilespmem:$0x1E300] =	vst v63  }
0x9f: {  	_ =	swait.ge @!p0 [sflag:s28], $0x50  }
0xa0: {  	[sflag:s28] =	ssyncset.done @!p0 $0x0  }
0xa1: {  	s18 =	simm.s32 @!p0 $0x19300;
	s8 =	simm.s32 @!p0 $0x50;
	[sflag:s28] =	ssyncadd.s32 @!p0 $0xFFFFFFB0  }
0xa2: {  	[tilespmem:s18], [sflag:$0x2] =	stream.indirect.gather @!p0 [hbm4b:s5+s8], $0x80, s30, s8, $0xb8;
	[tilespmem:$0x1E300] =	vst v63  }
0xa3: {  	s18 =	simm.s32 @!p0 $0x1BB00  }
0xa4: {  	[tilespmem:s18], [sflag:$0x2] =	stream.indirect.gather @!p0 [hbm4b:s14+s8], $0x80, s17, s8, $0xb8;
	[tilespmem:$0x1E300] =	vst v63  }
0xa5: {  	_ =	swait.ge [sflag:s10], $0x2800  }
0xa6: {  	[sflag:s10] =	ssyncset.done $0x0  }
0xa7: {  	[sflag:s10] =	ssyncadd.s32 $0xFFFFD800  }
0xa8: {  	_ =	swait.ge [sflag:s10], $0x2800  }
0xa9: {  	[sflag:s10] =	ssyncset.done $0x0  }
0xaa: {  	s28 =	simm.s32 $0x0;
	[sflag:s10] =	ssyncadd.s32 $0xFFFFD800  }
0xab: {  	v7 =	vld [tilespmem:s28+$0x16B00]  }
0xac: {  	v12 =	vld [tilespmem:s28+$0x16B10]  }
0xad: {  	v6 =	vld [tilespmem:s28+$0x16B20]  }
0xae: {  	v5 =	vld [tilespmem:s28+$0x16B30]  }
0xaf: {  	v4 =	vld [tilespmem:s28+$0x16B40]  }
0xb0: {  	v3 =	vld [tilespmem:s28+$0x16B50]  }
0xb1: {  	v2 =	vld [tilespmem:s28+$0x16B60]  }
0xb2: {  	v1 =	vld [tilespmem:s28+$0x16B70]  }
0xb3: {  	v13 =	vld [tilespmem:s28+$0x14300]  }
0xb4: {  	v14 =	vld [tilespmem:s28+$0x14310]  }
0xb5: {  	v11 =	vld [tilespmem:s28+$0x14320]  }
0xb6: {  	v10 =	vld [tilespmem:s28+$0x14330]  }
0xb7: {  	v9 =	vld [tilespmem:s28+$0x14340]  }
0xb8: {  	v8 =	vld [tilespmem:s28+$0x14350];
	v13 =	vadd.f32 v7, v13  }
0xb9: {  	s8 =	simm.s32 $0x200;
	v12 =	vadd.f32 v12, v14;
	v7 =	vld [tilespmem:s28+$0x14360]  }
.LBB2_5:
0xba: {  	s17 =	sshra.s32 s8, $0x2;
	p1 =	sne.s32 s8, $0x9E00;
	v13 =	vmax.f32 v13, $0.0e+00;
	v6 =	vadd.f32 v6, v11;
	v11 =	vld [tilespmem:s28+$0x14370]  }
0xbb: {  	v14 =	vld [tilespmem:s17+$0x16B00];
	[tilespmem:s28+$0x14300] =	vst v13;
	v12 =	vmax.f32 v12, $0.0e+00;
	v5 =	vadd.f32 v5, v10  }
0xbc: {  	v15 =	vld [tilespmem:s17+$0x16B10];
	[tilespmem:s28+$0x14310] =	vst v12;
	v10 =	vmax.f32 v6, $0.0e+00;
	v4 =	vadd.f32 v4, v9  }
0xbd: {  	v6 =	vld [tilespmem:s17+$0x16B20];
	[tilespmem:s28+$0x14320] =	vst v10;
	v9 =	vmax.f32 v5, $0.0e+00;
	v3 =	vadd.f32 v3, v8  }
0xbe: {  	v5 =	vld [tilespmem:s17+$0x16B30];
	[tilespmem:s28+$0x14330] =	vst v9;
	v8 =	vmax.f32 v4, $0.0e+00;
	v2 =	vadd.f32 v2, v7  }
0xbf: {  	v4 =	vld [tilespmem:s17+$0x16B40];
	[tilespmem:s28+$0x14340] =	vst v8;
	v7 =	vmax.f32 v3, $0.0e+00;
	v1 =	vadd.f32 v1, v11  }
0xc0: {  	v3 =	vld [tilespmem:s17+$0x16B50];
	[tilespmem:s28+$0x14350] =	vst v7;
	v7 =	vmax.f32 v2, $0.0e+00  }
0xc1: {  	v2 =	vld [tilespmem:s17+$0x16B60];
	[tilespmem:s28+$0x14360] =	vst v7;
	v7 =	vmax.f32 v1, $0.0e+00  }
0xc2: {  	v1 =	vld [tilespmem:s17+$0x16B70];
	[tilespmem:s28+$0x14370] =	vst v7;
	s28 =	smov.u32 s17  }
0xc3: {  	v7 =	vld [tilespmem:s28+$0x14300]  }
0xc4: {  	v12 =	vld [tilespmem:s28+$0x14310]  }
.Ltmp5:
0xc5: {  	v11 =	vld [tilespmem:s28+$0x14320];
	(pc) =	sbr.rel @p1 .LBB2_5-.Ltmp5, $4  }
0xc6: {  	v10 =	vld [tilespmem:s28+$0x14330]  }
0xc7: {  	v9 =	vld [tilespmem:s28+$0x14340]  }
0xc8: {  	v13 =	vadd.f32 v14, v7;
	v8 =	vld [tilespmem:s28+$0x14350]  }
0xc9: {  	s8 =	sadd.s32 $0x200, s8;
	v12 =	vadd.f32 v15, v12;
	v7 =	vld [tilespmem:s28+$0x14360]  }
0xca: {  	v13 =	vmax.f32 v13, $0.0e+00;
	v6 =	vadd.f32 v6, v11;
	v63 =	vld [tilespmem:s28+$0x14370]  }
0xcb: {  	[tilespmem:s28+$0x14300] =	vst v13;
	v12 =	vmax.f32 v12, $0.0e+00;
	v5 =	vadd.f32 v5, v10  }
0xcc: {  	[tilespmem:s28+$0x14310] =	vst v12;
	v6 =	vmax.f32 v6, $0.0e+00;
	v4 =	vadd.f32 v4, v9  }
0xcd: {  	[tilespmem:s28+$0x14320] =	vst v6;
	v5 =	vmax.f32 v5, $0.0e+00;
	v3 =	vadd.f32 v3, v8  }
0xce: {  	[tilespmem:s28+$0x14330] =	vst v5;
	v4 =	vmax.f32 v4, $0.0e+00;
	v2 =	vadd.f32 v2, v7  }
0xcf: {  	[tilespmem:s28+$0x14340] =	vst v4;
	v3 =	vmax.f32 v3, $0.0e+00;
	v1 =	vadd.f32 v1, v63  }
0xd0: {  	[tilespmem:s28+$0x14350] =	vst v3;
	v2 =	vmax.f32 v2, $0.0e+00  }
0xd1: {  	p1 =	seq.s32 s26, $0x3E;
	[tilespmem:s28+$0x14360] =	vst v2;
	v1 =	vmax.f32 v1, $0.0e+00  }
0xd2: {  	s8 =	smul.u32 @!p1 $0xA0, s26;
	[tilespmem:s28+$0x14370] =	vst v1  }
0xd3: {  	[spmem:s2] =	stream.indirect.scatter.add.f32 [tilespmem:s0], [sflag:$0x4], $0x80, s7, s9, $0xb8;
	[tilespmem:$0x1E300] =	vst v63  }
0xd4: {  	s8 =	sadd.s32 @!p1 s8, s31;
	_ =	swait.ge [sflag:s11], $0x2800  }
0xd5: {  	s18 =	simm.s32 @!p1 $0x0;
	s8 =	sshrl.u32 @!p1 s8, $0x3;
	[sflag:s11] =	ssyncset.done $0x0  }
0xd6: {  	s17 =	sadd.s32 @!p1 s15, s8;
	s28 =	simm.s32 @!p1 $0x14000;
	[sflag:s11] =	ssyncadd.s32 $0xFFFFD800  }
0xd7: {  	[tilespmem:s28], [sflag:$0x4] =	stream.linear.gather @!p1 [hbm4b:s17+s18], $0x50, $0x38;
	[tilespmem:$0x1E300] =	vst v63  }
0xd8: {  	s17 =	simm.s32 @!p1 $0x4  }
0xd9: {  	_ =	swait.ge @!p1 [sflag:s17], $0x50  }
0xda: {  	[sflag:s17] =	ssyncset.done @!p1 $0x0  }
0xdb: {  	s30 =	simm.s32 @!p1 $0x14080;
	s29 =	sadd.s32 @!p1 s1, s8;
	[sflag:s17] =	ssyncadd.s32 @!p1 $0xFFFFFFB0  }
0xdc: {  	[tilespmem:s30], [sflag:$0x4] =	stream.linear.gather @!p1 [hbm4b:s29+s18], $0x50, $0x38;
	[tilespmem:$0x1E300] =	vst v63  }
0xdd: {  	_ =	swait.ge @!p1 [sflag:s17], $0x50  }
0xde: {  	[sflag:s17] =	ssyncset.done @!p1 $0x0  }
0xdf: {  	s8 =	sadd.s32 @!p1 s16, s8;
	s29 =	simm.s32 @!p1 $0x14100;
	[sflag:s17] =	ssyncadd.s32 @!p1 $0xFFFFFFB0  }
0xe0: {  	[tilespmem:s29], [sflag:$0x4] =	stream.linear.gather @!p1 [hbm4b:s8+s18], $0x50, $0x38;
	[tilespmem:$0x1E300] =	vst v63  }
0xe1: {  	_ =	swait.ge @!p1 [sflag:s17], $0x50  }
.Ltmp6:
0xe2: {  	[sflag:s17] =	ssyncset.done @!p1 $0x0;
	(pc) =	sbr.rel @p0 .LBB2_10-.Ltmp6, $4  }
0xe3: {  	s8 =	simm.s32 @!p1 $0x50;
	[sflag:s17] =	ssyncadd.s32 @!p1 $0xFFFFFFB0;
	s17 =	simm.s32 @!p1 $0x14300  }
0xe4: {  	[tilespmem:s17], [sflag:$0x1] =	stream.indirect.gather @!p1 [hbm4b:s5+s8], $0x80, s28, s8, $0xb8;
	[tilespmem:$0x1E300] =	vst v63  }
0xe5: {  	s17 =	simm.s32 @!p1 $0x16B00  }
0xe6: {  	[tilespmem:s17], [sflag:$0x1] =	stream.indirect.gather @!p1 [hbm4b:s14+s8], $0x80, s29, s8, $0xb8;
	[tilespmem:$0x1E300] =	vst v63  }
0xe7: {  	_ =	swait.ge [sflag:s12], $0x2800  }
0xe8: {  	[sflag:s12] =	ssyncset.done $0x0  }
0xe9: {  	[sflag:s12] =	ssyncadd.s32 $0xFFFFD800  }
0xea: {  	_ =	swait.ge [sflag:s12], $0x2800  }
0xeb: {  	[sflag:s12] =	ssyncset.done $0x0  }
0xec: {  	s28 =	simm.s32 $0x0;
	[sflag:s12] =	ssyncadd.s32 $0xFFFFD800  }
0xed: {  	v7 =	vld [tilespmem:s28+$0x1BB00]  }
0xee: {  	v12 =	vld [tilespmem:s28+$0x1BB10]  }
0xef: {  	v6 =	vld [tilespmem:s28+$0x1BB20]  }
0xf0: {  	v5 =	vld [tilespmem:s28+$0x1BB30]  }
0xf1: {  	v4 =	vld [tilespmem:s28+$0x1BB40]  }
0xf2: {  	v3 =	vld [tilespmem:s28+$0x1BB50]  }
0xf3: {  	v2 =	vld [tilespmem:s28+$0x1BB60]  }
0xf4: {  	v1 =	vld [tilespmem:s28+$0x1BB70]  }
0xf5: {  	v13 =	vld [tilespmem:s28+$0x19300]  }
0xf6: {  	v14 =	vld [tilespmem:s28+$0x19310]  }
0xf7: {  	v11 =	vld [tilespmem:s28+$0x19320]  }
0xf8: {  	v10 =	vld [tilespmem:s28+$0x19330]  }
0xf9: {  	v9 =	vld [tilespmem:s28+$0x19340]  }
0xfa: {  	v8 =	vld [tilespmem:s28+$0x19350];
	v13 =	vadd.f32 v7, v13  }
0xfb: {  	s8 =	simm.s32 $0x200;
	v12 =	vadd.f32 v12, v14;
	v7 =	vld [tilespmem:s28+$0x19360]  }
.LBB2_8:
0xfc: {  	s17 =	sshra.s32 s8, $0x2;
	p0 =	sne.s32 s8, $0x9E00;
	v13 =	vmax.f32 v13, $0.0e+00;
	v6 =	vadd.f32 v6, v11;
	v11 =	vld [tilespmem:s28+$0x19370]  }
0xfd: {  	v14 =	vld [tilespmem:s17+$0x1BB00];
	[tilespmem:s28+$0x19300] =	vst v13;
	v12 =	vmax.f32 v12, $0.0e+00;
	v5 =	vadd.f32 v5, v10  }
0xfe: {  	v15 =	vld [tilespmem:s17+$0x1BB10];
	[tilespmem:s28+$0x19310] =	vst v12;
	v10 =	vmax.f32 v6, $0.0e+00;
	v4 =	vadd.f32 v4, v9  }
0xff: {  	v6 =	vld [tilespmem:s17+$0x1BB20];
	[tilespmem:s28+$0x19320] =	vst v10;
	v9 =	vmax.f32 v5, $0.0e+00;
	v3 =	vadd.f32 v3, v8  }
0x100: {  	v5 =	vld [tilespmem:s17+$0x1BB30];
	[tilespmem:s28+$0x19330] =	vst v9;
	v8 =	vmax.f32 v4, $0.0e+00;
	v2 =	vadd.f32 v2, v7  }
0x101: {  	v4 =	vld [tilespmem:s17+$0x1BB40];
	[tilespmem:s28+$0x19340] =	vst v8;
	v7 =	vmax.f32 v3, $0.0e+00;
	v1 =	vadd.f32 v1, v11  }
0x102: {  	v3 =	vld [tilespmem:s17+$0x1BB50];
	[tilespmem:s28+$0x19350] =	vst v7;
	v7 =	vmax.f32 v2, $0.0e+00  }
0x103: {  	v2 =	vld [tilespmem:s17+$0x1BB60];
	[tilespmem:s28+$0x19360] =	vst v7;
	v7 =	vmax.f32 v1, $0.0e+00  }
0x104: {  	v1 =	vld [tilespmem:s17+$0x1BB70];
	[tilespmem:s28+$0x19370] =	vst v7;
	s28 =	smov.u32 s17  }
0x105: {  	v7 =	vld [tilespmem:s28+$0x19300]  }
0x106: {  	v12 =	vld [tilespmem:s28+$0x19310]  }
.Ltmp7:
0x107: {  	v11 =	vld [tilespmem:s28+$0x19320];
	(pc) =	sbr.rel @p0 .LBB2_8-.Ltmp7, $4  }
0x108: {  	v10 =	vld [tilespmem:s28+$0x19330]  }
0x109: {  	v9 =	vld [tilespmem:s28+$0x19340]  }
0x10a: {  	v13 =	vadd.f32 v14, v7;
	v8 =	vld [tilespmem:s28+$0x19350]  }
0x10b: {  	s8 =	sadd.s32 $0x200, s8;
	v12 =	vadd.f32 v15, v12;
	v7 =	vld [tilespmem:s28+$0x19360]  }
0x10c: {  	v13 =	vmax.f32 v13, $0.0e+00;
	v6 =	vadd.f32 v6, v11;
	v63 =	vld [tilespmem:s28+$0x19370]  }
0x10d: {  	[tilespmem:s28+$0x19300] =	vst v13;
	v12 =	vmax.f32 v12, $0.0e+00;
	v5 =	vadd.f32 v5, v10  }
0x10e: {  	[tilespmem:s28+$0x19310] =	vst v12;
	v6 =	vmax.f32 v6, $0.0e+00;
	v4 =	vadd.f32 v4, v9  }
0x10f: {  	[tilespmem:s28+$0x19320] =	vst v6;
	v5 =	vmax.f32 v5, $0.0e+00;
	v3 =	vadd.f32 v3, v8  }
0x110: {  	[tilespmem:s28+$0x19330] =	vst v5;
	v4 =	vmax.f32 v4, $0.0e+00;
	v2 =	vadd.f32 v2, v7  }
0x111: {  	[tilespmem:s28+$0x19340] =	vst v4;
	v3 =	vmax.f32 v3, $0.0e+00;
	v1 =	vadd.f32 v1, v63  }
0x112: {  	[tilespmem:s28+$0x19350] =	vst v3;
	v2 =	vmax.f32 v2, $0.0e+00  }
0x113: {  	[tilespmem:s28+$0x19360] =	vst v2;
	v1 =	vmax.f32 v1, $0.0e+00  }
.Ltmp8:
0x114: {  	[tilespmem:s28+$0x19370] =	vst v1;
	(pc) =	sbr.rel .LBB2_10-.Ltmp8, $4  }
0x115: {  	[spmem:s2] =	stream.indirect.scatter.add.f32 [tilespmem:s6], [sflag:$0x3], $0x80, s13, s9, $0xb8;
	[tilespmem:$0x1E300] =	vst v63  }
0x116: {  	_ =	swait.ge [sflag:s4], $0x2800  }
0x117: {  	[sflag:s4] =	ssyncset.done $0x0  }
0x118: {  	[sflag:s4] =	ssyncadd.s32 $0xFFFFD800  }
.LBB2_12:
0x119: {  	_ =	sfence.sel $0x180000  }
0x11a: {  	[bflag:$0x0] =	sbarrier.arrive $0xFFFF  }
0x11b: {  	_ =	strace $0x9000004D  }
0x11c: {  	s0 =	stileid.u32;
	[bflag:$0x2] =	sbarrier.arrive $0xFFFF  }
0x11d: {  	p0 =	sne.s32 s0, $0x0;
	s0 =	rddreg [dreg:$0x3]  }
0x11e: {  	s0 =	sadd.s32 @!p0 $0x100000, s0  }
0x11f: {  	[sflag:s0] =	ssyncadd.tile.s32 @!p0 $0x1;
	_ =	shalt  }
.Lfunc_end2:
_tile_overlayer_lowered:
.L_overlay_start_2:
0x120: {  	(tag) =	ssettag $0x2  }
0x121: {  	s0 =	rddreg [dreg:$0x0];
	s2 =	stileid.u32  }
0x122: {  	s1 =	rddreg [dreg:$0x1];
	p0 =	sne.s32 s2, $0x0  }
0x123: {  	s3 =	rddreg [dreg:$0x2];
	[bflag:$0x3] =	sbarrier.arrive $0xFFFF;
	s2 =	simm.s32 @!p0 $0x1C03  }
0x124: {  	[timem:s3], [sflag:s2] =	dma.local @!p0 [hbm:s0], s1  }
0x125: {  	s0 =	simm.s32 @!p0 $0x3  }
0x126: {  	_ =	swait.ge @!p0 [sflag:s0], s1  }
0x127: {  	s1 =	ssub.s32 @!p0 $0x0, s1;
	[sflag:s0] =	ssyncset.done @!p0 $0x0  }
0x128: {  	[sflag:s0] =	ssyncadd.s32 @!p0 s1  }
0x129: {  	[bflag:$0x3] =	sbarrier.arrive $0xFFFF  }
0x12a: {  	_ =	shalt  }

</sc_bundles>
